<compile_context>
chip_gen: v7x
topology: tpu7x:2x2x1
jax: 0.10.2.dev20260603
libtpu: 0.0.44.dev20260713+nightly
codegen_flags: <defaults>
</compile_context>

<pallas_src>
import functools

import jax
import jax.numpy as jnp
from jax import lax
from jax.experimental import pallas as pl
from jax.experimental.pallas import tpu as pltpu
from jax.experimental.pallas import tpu_sc as plsc

N = 10000
E = 320000
D = 128

NC = 2
NS = 16
NP = 10240
RPT = NP // NS
C = 64
E_PAD = 321536
NCHUNK = E_PAD // C
NCH_PAIR = NCHUNK // NS
NCH_M0 = NCH_PAIR // 2
NCH_M1 = NCH_PAIR - NCH_M0
NCH_D = NCHUNK // NS
NSLOT = 4


def _matmul_body(x_ref, w_ref, o_ref):
    o_ref[...] = jnp.dot(x_ref[...], w_ref[...],
                         preferred_element_type=jnp.float32)


def _matmul(x, W):
    return pl.pallas_call(
        _matmul_body,
        out_shape=jax.ShapeDtypeStruct((N, D), jnp.float32),
    )(x, W)


def _combine_body(a0_ref, a1_ref, d_ref, h_ref, b_ref, o_ref):
    d = d_ref[...]
    o_ref[...] = jnp.maximum(
        a0_ref[0] + a1_ref[0] + (2.0 * d * d) * h_ref[...] + b_ref[...],
        0.0)


def _combine(acc, dis, h, b):
    blk = 2000
    return pl.pallas_call(
        _combine_body,
        grid=(N // blk,),
        in_specs=[
            pl.BlockSpec((1, blk, D), lambda i: (0, i, 0)),
            pl.BlockSpec((1, blk, D), lambda i: (1, i, 0)),
            pl.BlockSpec((blk, 1), lambda i: (i, 0)),
            pl.BlockSpec((blk, D), lambda i: (i, 0)),
            pl.BlockSpec((1, D), lambda i: (0, 0)),
        ],
        out_specs=pl.BlockSpec((blk, D), lambda i: (i, 0)),
        out_shape=jax.ShapeDtypeStruct((N, D), jnp.float32),
    )(acc, acc, dis[:N].reshape(N, 1), h, b.reshape(1, D))


def _sc_body(pk_hbm, ew_hbm, h_hbm, out_hbm, dis_hbm,
             pk_v, ew_v, norm_v, rows_v, dis_full_v, deg_loc_v,
             acc_s, deg_s, dis_s, sem_ld, sem_g, sem_st):
    cid = lax.axis_index("c")
    sid = lax.axis_index("s")

    zero16 = jnp.zeros((16,), jnp.float32)
    two16 = jnp.full((16,), 2.0, jnp.float32)

    def issue_ld(ch, s):
        pltpu.async_copy(pk_hbm.at[ch], pk_v.at[s], sem_ld.at[s])
        pltpu.async_copy(ew_hbm.at[pl.ds(ch * C, C)], ew_v.at[s],
                         sem_ld.at[s])

    def wait_ld(ch, s):
        pltpu.make_async_copy(pk_hbm.at[ch], pk_v.at[s], sem_ld.at[s]).wait()
        pltpu.make_async_copy(ew_hbm.at[pl.ds(ch * C, C)], ew_v.at[s],
                              sem_ld.at[s]).wait()

    @pl.loop(0, C)
    def _(i):
        for j in range(D // 16):
            rows_v[0, i, pl.ds(j * 16, 16)] = zero16

    @pl.loop(0, RPT // 16)
    def _(k):
        deg_loc_v[pl.ds(k * 16, 16)] = two16

    pltpu.sync_copy(deg_loc_v, deg_s.at[pl.ds(sid * RPT, RPT)])

    for k in range(RPT // C):
        pltpu.async_copy(rows_v.at[0], acc_s.at[pl.ds(sid * RPT + k * C, C)],
                         sem_g.at[0])
    for k in range(RPT // C):
        pltpu.make_async_copy(rows_v.at[0],
                              acc_s.at[pl.ds(sid * RPT, C)],
                              sem_g.at[0]).wait()

    plsc.subcore_barrier()

    dbase = sid * NCH_D
    for s in range(NSLOT):
        issue_ld(dbase + s, s)

    @pl.loop(0, (NCH_D + 3) // NSLOT + 1)
    def _(o):
        for s in range(NSLOT):
            k = o * NSLOT + s

            @pl.when(k < NCH_D)
            def _():
                wait_ld(dbase + k, s)
                pltpu.async_copy(ew_v.at[s], deg_s.at[pk_v.at[s, 1]],
                                 sem_st.at[s], add=True)

            @pl.when(jnp.logical_and(k >= 2, k + 2 < NCH_D))
            def _():
                s2 = (s + 2) % NSLOT
                pltpu.make_async_copy(ew_v.at[s2],
                                      deg_s.at[pk_v.at[s2, 1]],
                                      sem_st.at[s2]).wait()
                issue_ld(dbase + k + 2, s2)

    for s in range(NSLOT):
        pltpu.make_async_copy(ew_v.at[s], deg_s.at[pk_v.at[s, 1]],
                              sem_st.at[s]).wait()

    plsc.subcore_barrier()

    base = sid * RPT
    pltpu.sync_copy(deg_s.at[pl.ds(base, RPT)], deg_loc_v)

    @pl.loop(0, RPT // 16)
    def _(k):
        xv = deg_loc_v[pl.ds(k * 16, 16)]
        ii = lax.bitcast_convert_type(xv, jnp.int32)
        ii = jnp.int32(0x5F3759DF) - lax.shift_right_logical(ii, 1)
        y = lax.bitcast_convert_type(ii, jnp.float32)
        for _ in range(3):
            y = y * (1.5 - 0.5 * xv * y * y)
        deg_loc_v[pl.ds(k * 16, 16)] = y

    pltpu.sync_copy(deg_loc_v, dis_s.at[pl.ds(base, RPT)])

    @pl.when(cid == 0)
    def _():
        pltpu.sync_copy(deg_loc_v, dis_hbm.at[pl.ds(base, RPT)])

    plsc.subcore_barrier()
    pltpu.sync_copy(dis_s, dis_full_v)

    nch_m = jnp.where(cid == 0, NCH_M0, NCH_M1)
    mbase = (cid * NS * NCH_M0
             + sid * nch_m)
    for s in range(NSLOT):
        issue_ld(mbase + s, s)

    @pl.loop(0, (max(NCH_M0, NCH_M1) + 1 + 3) // NSLOT + 1)
    def _(o):
        for s in range(NSLOT):
            k = o * NSLOT + s
            p = (s + 3) % NSLOT
            s2 = (s + 2) % NSLOT

            @pl.when(k < nch_m)
            def _():
                wait_ld(mbase + k, s)
                pltpu.async_copy(h_hbm.at[pk_v.at[s, 0]], rows_v.at[s],
                                 sem_g.at[s])

            @pl.when(jnp.logical_and(k >= 1, k - 1 < nch_m))
            def _():
                pltpu.make_async_copy(h_hbm.at[pk_v.at[p, 0]], rows_v.at[p],
                                      sem_g.at[p]).wait()
                for j in range(C // 16):
                    ir = pk_v[p, 0, pl.ds(j * 16, 16)]
                    ic = pk_v[p, 1, pl.ds(j * 16, 16)]
                    dr = plsc.load_gather(dis_full_v, [ir])
                    dc = plsc.load_gather(dis_full_v, [ic])
                    norm_v[pl.ds(j * 16, 16)] = (
                        dr * ew_v[p, pl.ds(j * 16, 16)] * dc)

                @pl.loop(0, C)
                def _(i):
                    nb = plsc.load_gather(norm_v,
                                          [jnp.full((16,), i, jnp.int32)])
                    for j in range(D // 16):
                        rows_v[p, i, pl.ds(j * 16, 16)] = (
                            rows_v[p, i, pl.ds(j * 16, 16)] * nb)

                pltpu.async_copy(rows_v.at[p], acc_s.at[pk_v.at[p, 1]],
                                 sem_st.at[p], add=True)

            @pl.when(jnp.logical_and(k >= 2, k + 2 < nch_m))
            def _():
                pltpu.make_async_copy(rows_v.at[s2],
                                      acc_s.at[pk_v.at[s2, 1]],
                                      sem_st.at[s2]).wait()
                issue_ld(mbase + k + 2, s2)

    for s in range(NSLOT):
        pltpu.make_async_copy(rows_v.at[s], acc_s.at[pk_v.at[s, 1]],
                              sem_st.at[s]).wait()

    plsc.subcore_barrier()

    wb = sid * RPT
    pltpu.sync_copy(acc_s.at[pl.ds(wb, RPT)], out_hbm.at[cid, pl.ds(wb, RPT)])


_sc_agg = functools.partial(
    pl.kernel,
    out_type=(
        jax.ShapeDtypeStruct((NC, NP, D), jnp.float32),
        jax.ShapeDtypeStruct((NP,), jnp.float32),
    ),
    mesh=plsc.VectorSubcoreMesh(core_axis_name="c", subcore_axis_name="s"),
    compiler_params=pltpu.CompilerParams(needs_layout_passes=False),
    scratch_types=(
        pltpu.VMEM((NSLOT, 2, C), jnp.int32),
        pltpu.VMEM((NSLOT, C), jnp.float32),
        pltpu.VMEM((C,), jnp.float32),
        pltpu.VMEM((NSLOT, C, D), jnp.float32),
        pltpu.VMEM((NP,), jnp.float32),
        pltpu.VMEM((RPT,), jnp.float32),
        pltpu.VMEM_SHARED((NP, D), jnp.float32),
        pltpu.VMEM_SHARED((NP,), jnp.float32),
        pltpu.VMEM_SHARED((NP,), jnp.float32),
        pltpu.SemaphoreType.DMA((NSLOT,)),
        pltpu.SemaphoreType.DMA((NSLOT,)),
        pltpu.SemaphoreType.DMA((NSLOT,)),
    ),
)(_sc_body)


def kernel(x, edge_index, edge_weight, W, b):
    row = edge_index[0].astype(jnp.int32)
    col = edge_index[1].astype(jnp.int32)
    ew = edge_weight.astype(jnp.float32)
    pad = E_PAD - E
    row_p = jnp.concatenate([row, jnp.zeros((pad,), jnp.int32)])
    col_p = jnp.concatenate([col, jnp.zeros((pad,), jnp.int32)])
    ew_p = jnp.concatenate([ew, jnp.zeros((pad,), jnp.float32)])
    pk = jnp.stack([row_p.reshape(NCHUNK, C), col_p.reshape(NCHUNK, C)],
                   axis=1)
    h = _matmul(x, W)
    acc, dis = _sc_agg(pk, ew_p, h)
    return _combine(acc, dis, h, b)

# --- scband reference (transcript-rebuilt; emitter-appended) ---
"""Pipeline reference for scband-gnn-layer-31353261260808 (READ-ONLY COPY).

The authoritative reference and input builder live on the scoring server;
editing this copy changes nothing except your own understanding.
"""

import jax, jax.numpy as jnp
import numpy as np

N = 10000
E = 320000
D_IN = 128
D_OUT = 128  # out_channels(32) * heads(4), concat=True


def setup_inputs(seed: int = 0) -> dict:
    key = jax.random.key(seed)
    k1, k2, k3, k4, k5 = jax.random.split(key, 5)
    x = jax.random.normal(k1, (N, D_IN), dtype=jnp.float32)
    edge_index = jax.random.randint(k2, (2, E), 0, N, dtype=jnp.int64)
    edge_weight = jax.random.uniform(k3, (E,), dtype=jnp.float32)
    # GCNConv linear weight (Glorot) and bias, stored as [in, out] for x @ W
    limit = float(np.sqrt(6.0 / (D_IN + D_OUT)))
    W = jax.random.uniform(k4, (D_IN, D_OUT), dtype=jnp.float32, minval=-limit, maxval=limit)
    b = jnp.zeros((D_OUT,), dtype=jnp.float32)
    return {"x": x, "edge_index": edge_index, "edge_weight": edge_weight, "W": W, "b": b}


def reference(x, edge_index, edge_weight, W, b):
    # GCNConv with improved=True (self-loop fill value 2.0), add_self_loops=True,
    # followed by ReLU; dropout is identity in eval mode.
    row = edge_index[0]
    col = edge_index[1]
    loop = jnp.arange(N, dtype=edge_index.dtype)
    row_f = jnp.concatenate([row, loop])
    col_f = jnp.concatenate([col, loop])
    ew_f = jnp.concatenate([edge_weight, jnp.full((N,), 2.0, dtype=edge_weight.dtype)])
    # symmetric normalization: deg computed on target (col) index
    deg = jnp.zeros((N,), dtype=x.dtype).at[col_f].add(ew_f)
    deg_inv_sqrt = jnp.power(deg, -0.5)
    deg_inv_sqrt = jnp.where(jnp.isinf(deg_inv_sqrt), 0.0, deg_inv_sqrt)
    norm = deg_inv_sqrt[row_f] * ew_f * deg_inv_sqrt[col_f]
    h = x @ W  # linear transform first (dense)
    msg = jnp.take(h, row_f, axis=0) * norm[:, None]  # gather + scale
    out = jnp.zeros((N, D_OUT), dtype=x.dtype).at[col_f].add(msg)  # scatter-add aggregate
    out = out + b
    out = jax.nn.relu(out)
    return out

if __name__ == "__main__":
    import jax
    _d = setup_inputs()
    print(jax.jit(kernel)(*tuple(_d.values())))

</pallas_src>

<mosaic_0001>
#map = affine_map<(d0, d1) -> (0, 0, 0)>
#map1 = affine_map<(d0, d1) -> (0)>
#map2 = affine_map<(d0, d1) -> (0, 0)>
module attributes {stable_mosaic.version = 14 : i64} {
  func.func @_sc_body(%arg0: i32, %arg1: i32, %arg2: memref<5024x2x64xi32, #tpu.memory_space<hbm>>, %arg3: memref<321536xf32, #tpu.memory_space<hbm>>, %arg4: memref<10000x128xf32, #tpu.memory_space<hbm>>, %arg5: memref<2x10240x128xf32, #tpu.memory_space<hbm>>, %arg6: memref<10240xf32, #tpu.memory_space<hbm>>, %arg7: memref<4x2x64xi32, #tpu.memory_space<vmem>>, %arg8: memref<4x64xf32, #tpu.memory_space<vmem>>, %arg9: memref<64xf32, #tpu.memory_space<vmem>>, %arg10: memref<4x64x128xf32, #tpu.memory_space<vmem>>, %arg11: memref<10240xf32, #tpu.memory_space<vmem>>, %arg12: memref<640xf32, #tpu.memory_space<vmem>>, %arg13: memref<10240x128xf32, #tpu.memory_space<vmem_shared>>, %arg14: memref<10240xf32, #tpu.memory_space<vmem_shared>>, %arg15: memref<10240xf32, #tpu.memory_space<vmem_shared>>, %arg16: memref<4x!tpu.dma_semaphore, #tpu.memory_space<semaphore_mem>>, %arg17: memref<4x!tpu.dma_semaphore, #tpu.memory_space<semaphore_mem>>, %arg18: memref<4x!tpu.dma_semaphore, #tpu.memory_space<semaphore_mem>>) attributes {dimension_semantics = [#tpu.dimension_semantics<core_parallel>, #tpu.dimension_semantics<subcore_parallel>], iteration_bounds = array<i64: 2, 16>, scalar_prefetch = 0 : i64, scratch_operands = 12 : i64, tpu.core_type = #tpu.core_type<sc_vector_subcore>, window_params = [{transform_indices = #map}, {transform_indices = #map1}, {transform_indices = #map2}, {transform_indices = #map}, {transform_indices = #map1}]} {
    %broadcast_in_dim3A = arith.constant 0.000000e+00 : f32
    %broadcast_in_dim3A_0 = vector.broadcast %broadcast_in_dim3A : f32 to vector<16xf32>
    %broadcast_in_dim3A_1 = arith.constant 2.000000e+00 : f32
    %broadcast_in_dim3A_2 = vector.broadcast %broadcast_in_dim3A_1 : f32 to vector<16xf32>
    %scan3A = arith.constant 0 : i32
    %scan3A_3 = arith.constant 64 : i32
    %scan3A_4 = arith.addi %scan3A, %scan3A_3 : i32
    %scan3A_5 = arith.constant 1 : i32
    scf.for %scan3A_833 = %scan3A to %scan3A_4 step %scan3A_5  : i32 {
      %mul3A_834 = arith.constant 1 : i32
      %mul3A_835 = arith.muli %scan3A_833, %mul3A_834 : i32
      %add3A_836 = arith.constant 0 : i32
      %add3A_837 = arith.addi %add3A_836, %mul3A_835 : i32
      %swap3A = arith.constant 0 : i32
      %swap3A_838 = arith.index_cast %swap3A : i32 to index
      %swap3A_839 = arith.index_cast %add3A_837 : i32 to index
      %swap3A_840 = arith.constant 0 : index
      %swap3A_841 = tpu.vector_load %arg10[%swap3A_838, %swap3A_839, %swap3A_840] {strides = array<i32>} : memref<4x64x128xf32, #tpu.memory_space<vmem>>, vector<16xf32>,
      tpu.vector_store %arg10[%swap3A_838, %swap3A_839, %swap3A_840], %broadcast_in_dim3A_0 {strides = array<i32>} : memref<4x64x128xf32, #tpu.memory_space<vmem>>, vector<16xf32>,
      %swap3A_842 = arith.constant 0 : i32
      %swap3A_843 = arith.index_cast %swap3A_842 : i32 to index
      %swap3A_844 = arith.index_cast %add3A_837 : i32 to index
      %swap3A_845 = arith.constant 16 : index
      %swap3A_846 = tpu.vector_load %arg10[%swap3A_843, %swap3A_844, %swap3A_845] {strides = array<i32>} : memref<4x64x128xf32, #tpu.memory_space<vmem>>, vector<16xf32>,
      tpu.vector_store %arg10[%swap3A_843, %swap3A_844, %swap3A_845], %broadcast_in_dim3A_0 {strides = array<i32>} : memref<4x64x128xf32, #tpu.memory_space<vmem>>, vector<16xf32>,
      %swap3A_847 = arith.constant 0 : i32
      %swap3A_848 = arith.index_cast %swap3A_847 : i32 to index
      %swap3A_849 = arith.index_cast %add3A_837 : i32 to index
      %swap3A_850 = arith.constant 32 : index
      %swap3A_851 = tpu.vector_load %arg10[%swap3A_848, %swap3A_849, %swap3A_850] {strides = array<i32>} : memref<4x64x128xf32, #tpu.memory_space<vmem>>, vector<16xf32>,
      tpu.vector_store %arg10[%swap3A_848, %swap3A_849, %swap3A_850], %broadcast_in_dim3A_0 {strides = array<i32>} : memref<4x64x128xf32, #tpu.memory_space<vmem>>, vector<16xf32>,
      %swap3A_852 = arith.constant 0 : i32
      %swap3A_853 = arith.index_cast %swap3A_852 : i32 to index
      %swap3A_854 = arith.index_cast %add3A_837 : i32 to index
      %swap3A_855 = arith.constant 48 : index
      %swap3A_856 = tpu.vector_load %arg10[%swap3A_853, %swap3A_854, %swap3A_855] {strides = array<i32>} : memref<4x64x128xf32, #tpu.memory_space<vmem>>, vector<16xf32>,
      tpu.vector_store %arg10[%swap3A_853, %swap3A_854, %swap3A_855], %broadcast_in_dim3A_0 {strides = array<i32>} : memref<4x64x128xf32, #tpu.memory_space<vmem>>, vector<16xf32>,
      %swap3A_857 = arith.constant 0 : i32
      %swap3A_858 = arith.index_cast %swap3A_857 : i32 to index
      %swap3A_859 = arith.index_cast %add3A_837 : i32 to index
      %swap3A_860 = arith.constant 64 : index
      %swap3A_861 = tpu.vector_load %arg10[%swap3A_858, %swap3A_859, %swap3A_860] {strides = array<i32>} : memref<4x64x128xf32, #tpu.memory_space<vmem>>, vector<16xf32>,
      tpu.vector_store %arg10[%swap3A_858, %swap3A_859, %swap3A_860], %broadcast_in_dim3A_0 {strides = array<i32>} : memref<4x64x128xf32, #tpu.memory_space<vmem>>, vector<16xf32>,
      %swap3A_862 = arith.constant 0 : i32
      %swap3A_863 = arith.index_cast %swap3A_862 : i32 to index
      %swap3A_864 = arith.index_cast %add3A_837 : i32 to index
      %swap3A_865 = arith.constant 80 : index
      %swap3A_866 = tpu.vector_load %arg10[%swap3A_863, %swap3A_864, %swap3A_865] {strides = array<i32>} : memref<4x64x128xf32, #tpu.memory_space<vmem>>, vector<16xf32>,
      tpu.vector_store %arg10[%swap3A_863, %swap3A_864, %swap3A_865], %broadcast_in_dim3A_0 {strides = array<i32>} : memref<4x64x128xf32, #tpu.memory_space<vmem>>, vector<16xf32>,
      %swap3A_867 = arith.constant 0 : i32
      %swap3A_868 = arith.index_cast %swap3A_867 : i32 to index
      %swap3A_869 = arith.index_cast %add3A_837 : i32 to index
      %swap3A_870 = arith.constant 96 : index
      %swap3A_871 = tpu.vector_load %arg10[%swap3A_868, %swap3A_869, %swap3A_870] {strides = array<i32>} : memref<4x64x128xf32, #tpu.memory_space<vmem>>, vector<16xf32>,
      tpu.vector_store %arg10[%swap3A_868, %swap3A_869, %swap3A_870], %broadcast_in_dim3A_0 {strides = array<i32>} : memref<4x64x128xf32, #tpu.memory_space<vmem>>, vector<16xf32>,
      %swap3A_872 = arith.constant 0 : i32
      %swap3A_873 = arith.index_cast %swap3A_872 : i32 to index
      %swap3A_874 = arith.index_cast %add3A_837 : i32 to index
      %swap3A_875 = arith.constant 112 : index
      %swap3A_876 = tpu.vector_load %arg10[%swap3A_873, %swap3A_874, %swap3A_875] {strides = array<i32>} : memref<4x64x128xf32, #tpu.memory_space<vmem>>, vector<16xf32>,
      tpu.vector_store %arg10[%swap3A_873, %swap3A_874, %swap3A_875], %broadcast_in_dim3A_0 {strides = array<i32>} : memref<4x64x128xf32, #tpu.memory_space<vmem>>, vector<16xf32>,
    }
    %scan3A_6 = arith.constant 64 : i32
    %scan3A_7 = arith.constant 0 : i32
    %scan3A_8 = arith.constant 40 : i32
    %scan3A_9 = arith.addi %scan3A_7, %scan3A_8 : i32
    %scan3A_10 = arith.constant 1 : i32
    scf.for %scan3A_833 = %scan3A_7 to %scan3A_9 step %scan3A_10  : i32 {
      %mul3A_834 = arith.constant 1 : i32
      %mul3A_835 = arith.muli %scan3A_833, %mul3A_834 : i32
      %add3A_836 = arith.constant 0 : i32
      %add3A_837 = arith.addi %add3A_836, %mul3A_835 : i32
      %mul3A_838 = arith.constant 16 : i32
      %mul3A_839 = arith.muli %add3A_837, %mul3A_838 : i32
      %swap3A = arith.index_cast %mul3A_839 : i32 to index
      %swap3A_840 = tpu.vector_load %arg12[%swap3A] {strides = array<i32>} : memref<640xf32, #tpu.memory_space<vmem>>, vector<16xf32>,
      tpu.vector_store %arg12[%swap3A], %broadcast_in_dim3A_2 {strides = array<i32>} : memref<640xf32, #tpu.memory_space<vmem>>, vector<16xf32>,
    }
    %scan3A_11 = arith.constant 40 : i32
    %mul3A = arith.constant 640 : i32
    %mul3A_12 = arith.muli %arg1, %mul3A : i32
    "tpu.region"() ({
      %run_scoped3A = tpu.sem_alloc : memref<!tpu.dma_semaphore, #tpu.memory_space<semaphore_mem>>
      %dma_start3A_833 = tpu.memref_slice %arg14[%mul3A_12] : memref<10240xf32, #tpu.memory_space<vmem_shared>> -> memref<640xf32, #tpu.memory_space<vmem_shared>>
      %dma_start3A_834 = tpu.memref_slice %arg14[%mul3A_12] : memref<10240xf32, #tpu.memory_space<vmem_shared>> -> memref<640xf32, #tpu.memory_space<vmem_shared>>
      tpu.enqueue_dma source(%arg12 : memref<640xf32, #tpu.memory_space<vmem>>) target(%dma_start3A_834 : memref<640xf32, #tpu.memory_space<vmem_shared>>) target_semaphore(%run_scoped3A : memref<!tpu.dma_semaphore, #tpu.memory_space<semaphore_mem>>)
      %dma_wait3A_835 = tpu.memref_slice %arg14[%mul3A_12] : memref<10240xf32, #tpu.memory_space<vmem_shared>> -> memref<640xf32, #tpu.memory_space<vmem_shared>>
      %dma_wait3A_836 = tpu.memref_slice %arg14[%mul3A_12] : memref<10240xf32, #tpu.memory_space<vmem_shared>> -> memref<640xf32, #tpu.memory_space<vmem_shared>>
      tpu.wait_dma2 semaphore(%run_scoped3A : memref<!tpu.dma_semaphore, #tpu.memory_space<semaphore_mem>>) src(%arg12 : memref<640xf32, #tpu.memory_space<vmem>>) dst(%dma_wait3A_836 : memref<640xf32, #tpu.memory_space<vmem_shared>>)
      tpu.yield
    }) : () -> ()
    %mul3A_13 = arith.constant 640 : i32
    %mul3A_14 = arith.muli %arg1, %mul3A_13 : i32
    %add3A = arith.constant 0 : i32
    %add3A_15 = arith.addi %mul3A_14, %add3A : i32
    %dma_start3A = arith.constant 0 : i32
    %dma_start3A_16 = arith.constant 0 : i32
    %dma_start3A_17 = arith.constant 0 : i32
    %dma_start3A_18 = arith.constant 0 : i32
    %dma_start3A_19 = tpu.memref_slice %arg10[%dma_start3A, %dma_start3A_17, %dma_start3A_18] : memref<4x64x128xf32, #tpu.memory_space<vmem>> -> memref<1x64x128xf32, #tpu.memory_space<vmem>>
    %dma_start3A_20 = tpu.memref_squeeze %dma_start3A_19 : memref<1x64x128xf32, #tpu.memory_space<vmem>> -> memref<64x128xf32, #tpu.memory_space<vmem>>
    %dma_start3A_21 = arith.constant 0 : i32
    %dma_start3A_22 = tpu.memref_slice %arg13[%add3A_15, %dma_start3A_21] : memref<10240x128xf32, #tpu.memory_space<vmem_shared>> -> memref<64x128xf32, #tpu.memory_space<vmem_shared>>
    %dma_start3A_23 = tpu.memref_slice %arg17[%dma_start3A_16] : memref<4x!tpu.dma_semaphore, #tpu.memory_space<semaphore_mem>> -> memref<1x!tpu.dma_semaphore, #tpu.memory_space<semaphore_mem>>
    %dma_start3A_24 = tpu.memref_squeeze %dma_start3A_23 : memref<1x!tpu.dma_semaphore, #tpu.memory_space<semaphore_mem>> -> memref<!tpu.dma_semaphore, #tpu.memory_space<semaphore_mem>>
    %dma_start3A_25 = arith.constant 0 : i32
    %dma_start3A_26 = tpu.memref_slice %arg13[%add3A_15, %dma_start3A_25] : memref<10240x128xf32, #tpu.memory_space<vmem_shared>> -> memref<64x128xf32, #tpu.memory_space<vmem_shared>>
    %dma_start3A_27 = arith.constant 0 : i32
    %dma_start3A_28 = arith.constant 0 : i32
    %dma_start3A_29 = tpu.memref_slice %arg10[%dma_start3A, %dma_start3A_27, %dma_start3A_28] : memref<4x64x128xf32, #tpu.memory_space<vmem>> -> memref<1x64x128xf32, #tpu.memory_space<vmem>>
    %dma_start3A_30 = tpu.memref_squeeze %dma_start3A_29 : memref<1x64x128xf32, #tpu.memory_space<vmem>> -> memref<64x128xf32, #tpu.memory_space<vmem>>
    tpu.enqueue_dma source(%dma_start3A_30 : memref<64x128xf32, #tpu.memory_space<vmem>>) target(%dma_start3A_26 : memref<64x128xf32, #tpu.memory_space<vmem_shared>>) target_semaphore(%dma_start3A_24 : memref<!tpu.dma_semaphore, #tpu.memory_space<semaphore_mem>>)
    %mul3A_31 = arith.constant 640 : i32
    %mul3A_32 = arith.muli %arg1, %mul3A_31 : i32
    %add3A_33 = arith.constant 64 : i32
    %add3A_34 = arith.addi %mul3A_32, %add3A_33 : i32
    %dma_start3A_35 = arith.constant 0 : i32
    %dma_start3A_36 = arith.constant 0 : i32
    %dma_start3A_37 = arith.constant 0 : i32
    %dma_start3A_38 = arith.constant 0 : i32
    %dma_start3A_39 = tpu.memref_slice %arg10[%dma_start3A_35, %dma_start3A_37, %dma_start3A_38] : memref<4x64x128xf32, #tpu.memory_space<vmem>> -> memref<1x64x128xf32, #tpu.memory_space<vmem>>
    %dma_start3A_40 = tpu.memref_squeeze %dma_start3A_39 : memref<1x64x128xf32, #tpu.memory_space<vmem>> -> memref<64x128xf32, #tpu.memory_space<vmem>>
    %dma_start3A_41 = arith.constant 0 : i32
    %dma_start3A_42 = tpu.memref_slice %arg13[%add3A_34, %dma_start3A_41] : memref<10240x128xf32, #tpu.memory_space<vmem_shared>> -> memref<64x128xf32, #tpu.memory_space<vmem_shared>>
    %dma_start3A_43 = tpu.memref_slice %arg17[%dma_start3A_36] : memref<4x!tpu.dma_semaphore, #tpu.memory_space<semaphore_mem>> -> memref<1x!tpu.dma_semaphore, #tpu.memory_space<semaphore_mem>>
    %dma_start3A_44 = tpu.memref_squeeze %dma_start3A_43 : memref<1x!tpu.dma_semaphore, #tpu.memory_space<semaphore_mem>> -> memref<!tpu.dma_semaphore, #tpu.memory_space<semaphore_mem>>
    %dma_start3A_45 = arith.constant 0 : i32
    %dma_start3A_46 = tpu.memref_slice %arg13[%add3A_34, %dma_start3A_45] : memref<10240x128xf32, #tpu.memory_space<vmem_shared>> -> memref<64x128xf32, #tpu.memory_space<vmem_shared>>
    %dma_start3A_47 = arith.constant 0 : i32
    %dma_start3A_48 = arith.constant 0 : i32
    %dma_start3A_49 = tpu.memref_slice %arg10[%dma_start3A_35, %dma_start3A_47, %dma_start3A_48] : memref<4x64x128xf32, #tpu.memory_space<vmem>> -> memref<1x64x128xf32, #tpu.memory_space<vmem>>
    %dma_start3A_50 = tpu.memref_squeeze %dma_start3A_49 : memref<1x64x128xf32, #tpu.memory_space<vmem>> -> memref<64x128xf32, #tpu.memory_space<vmem>>
    tpu.enqueue_dma source(%dma_start3A_50 : memref<64x128xf32, #tpu.memory_space<vmem>>) target(%dma_start3A_46 : memref<64x128xf32, #tpu.memory_space<vmem_shared>>) target_semaphore(%dma_start3A_44 : memref<!tpu.dma_semaphore, #tpu.memory_space<semaphore_mem>>)
    %mul3A_51 = arith.constant 640 : i32
    %mul3A_52 = arith.muli %arg1, %mul3A_51 : i32
    %add3A_53 = arith.constant 128 : i32
    %add3A_54 = arith.addi %mul3A_52, %add3A_53 : i32
    %dma_start3A_55 = arith.constant 0 : i32
    %dma_start3A_56 = arith.constant 0 : i32
    %dma_start3A_57 = arith.constant 0 : i32
    %dma_start3A_58 = arith.constant 0 : i32
    %dma_start3A_59 = tpu.memref_slice %arg10[%dma_start3A_55, %dma_start3A_57, %dma_start3A_58] : memref<4x64x128xf32, #tpu.memory_space<vmem>> -> memref<1x64x128xf32, #tpu.memory_space<vmem>>
    %dma_start3A_60 = tpu.memref_squeeze %dma_start3A_59 : memref<1x64x128xf32, #tpu.memory_space<vmem>> -> memref<64x128xf32, #tpu.memory_space<vmem>>
    %dma_start3A_61 = arith.constant 0 : i32
    %dma_start3A_62 = tpu.memref_slice %arg13[%add3A_54, %dma_start3A_61] : memref<10240x128xf32, #tpu.memory_space<vmem_shared>> -> memref<64x128xf32, #tpu.memory_space<vmem_shared>>
    %dma_start3A_63 = tpu.memref_slice %arg17[%dma_start3A_56] : memref<4x!tpu.dma_semaphore, #tpu.memory_space<semaphore_mem>> -> memref<1x!tpu.dma_semaphore, #tpu.memory_space<semaphore_mem>>
    %dma_start3A_64 = tpu.memref_squeeze %dma_start3A_63 : memref<1x!tpu.dma_semaphore, #tpu.memory_space<semaphore_mem>> -> memref<!tpu.dma_semaphore, #tpu.memory_space<semaphore_mem>>
    %dma_start3A_65 = arith.constant 0 : i32
    %dma_start3A_66 = tpu.memref_slice %arg13[%add3A_54, %dma_start3A_65] : memref<10240x128xf32, #tpu.memory_space<vmem_shared>> -> memref<64x128xf32, #tpu.memory_space<vmem_shared>>
    %dma_start3A_67 = arith.constant 0 : i32
    %dma_start3A_68 = arith.constant 0 : i32
    %dma_start3A_69 = tpu.memref_slice %arg10[%dma_start3A_55, %dma_start3A_67, %dma_start3A_68] : memref<4x64x128xf32, #tpu.memory_space<vmem>> -> memref<1x64x128xf32, #tpu.memory_space<vmem>>
    %dma_start3A_70 = tpu.memref_squeeze %dma_start3A_69 : memref<1x64x128xf32, #tpu.memory_space<vmem>> -> memref<64x128xf32, #tpu.memory_space<vmem>>
    tpu.enqueue_dma source(%dma_start3A_70 : memref<64x128xf32, #tpu.memory_space<vmem>>) target(%dma_start3A_66 : memref<64x128xf32, #tpu.memory_space<vmem_shared>>) target_semaphore(%dma_start3A_64 : memref<!tpu.dma_semaphore, #tpu.memory_space<semaphore_mem>>)
    %mul3A_71 = arith.constant 640 : i32
    %mul3A_72 = arith.muli %arg1, %mul3A_71 : i32
    %add3A_73 = arith.constant 192 : i32
    %add3A_74 = arith.addi %mul3A_72, %add3A_73 : i32
    %dma_start3A_75 = arith.constant 0 : i32
    %dma_start3A_76 = arith.constant 0 : i32
    %dma_start3A_77 = arith.constant 0 : i32
    %dma_start3A_78 = arith.constant 0 : i32
    %dma_start3A_79 = tpu.memref_slice %arg10[%dma_start3A_75, %dma_start3A_77, %dma_start3A_78] : memref<4x64x128xf32, #tpu.memory_space<vmem>> -> memref<1x64x128xf32, #tpu.memory_space<vmem>>
    %dma_start3A_80 = tpu.memref_squeeze %dma_start3A_79 : memref<1x64x128xf32, #tpu.memory_space<vmem>> -> memref<64x128xf32, #tpu.memory_space<vmem>>
    %dma_start3A_81 = arith.constant 0 : i32
    %dma_start3A_82 = tpu.memref_slice %arg13[%add3A_74, %dma_start3A_81] : memref<10240x128xf32, #tpu.memory_space<vmem_shared>> -> memref<64x128xf32, #tpu.memory_space<vmem_shared>>
    %dma_start3A_83 = tpu.memref_slice %arg17[%dma_start3A_76] : memref<4x!tpu.dma_semaphore, #tpu.memory_space<semaphore_mem>> -> memref<1x!tpu.dma_semaphore, #tpu.memory_space<semaphore_mem>>
    %dma_start3A_84 = tpu.memref_squeeze %dma_start3A_83 : memref<1x!tpu.dma_semaphore, #tpu.memory_space<semaphore_mem>> -> memref<!tpu.dma_semaphore, #tpu.memory_space<semaphore_mem>>
    %dma_start3A_85 = arith.constant 0 : i32
    %dma_start3A_86 = tpu.memref_slice %arg13[%add3A_74, %dma_start3A_85] : memref<10240x128xf32, #tpu.memory_space<vmem_shared>> -> memref<64x128xf32, #tpu.memory_space<vmem_shared>>
    %dma_start3A_87 = arith.constant 0 : i32
    %dma_start3A_88 = arith.constant 0 : i32
    %dma_start3A_89 = tpu.memref_slice %arg10[%dma_start3A_75, %dma_start3A_87, %dma_start3A_88] : memref<4x64x128xf32, #tpu.memory_space<vmem>> -> memref<1x64x128xf32, #tpu.memory_space<vmem>>
    %dma_start3A_90 = tpu.memref_squeeze %dma_start3A_89 : memref<1x64x128xf32, #tpu.memory_space<vmem>> -> memref<64x128xf32, #tpu.memory_space<vmem>>
    tpu.enqueue_dma source(%dma_start3A_90 : memref<64x128xf32, #tpu.memory_space<vmem>>) target(%dma_start3A_86 : memref<64x128xf32, #tpu.memory_space<vmem_shared>>) target_semaphore(%dma_start3A_84 : memref<!tpu.dma_semaphore, #tpu.memory_space<semaphore_mem>>)
    %mul3A_91 = arith.constant 640 : i32
    %mul3A_92 = arith.muli %arg1, %mul3A_91 : i32
    %add3A_93 = arith.constant 256 : i32
    %add3A_94 = arith.addi %mul3A_92, %add3A_93 : i32
    %dma_start3A_95 = arith.constant 0 : i32
    %dma_start3A_96 = arith.constant 0 : i32
    %dma_start3A_97 = arith.constant 0 : i32
    %dma_start3A_98 = arith.constant 0 : i32
    %dma_start3A_99 = tpu.memref_slice %arg10[%dma_start3A_95, %dma_start3A_97, %dma_start3A_98] : memref<4x64x128xf32, #tpu.memory_space<vmem>> -> memref<1x64x128xf32, #tpu.memory_space<vmem>>
    %dma_start3A_100 = tpu.memref_squeeze %dma_start3A_99 : memref<1x64x128xf32, #tpu.memory_space<vmem>> -> memref<64x128xf32, #tpu.memory_space<vmem>>
    %dma_start3A_101 = arith.constant 0 : i32
    %dma_start3A_102 = tpu.memref_slice %arg13[%add3A_94, %dma_start3A_101] : memref<10240x128xf32, #tpu.memory_space<vmem_shared>> -> memref<64x128xf32, #tpu.memory_space<vmem_shared>>
    %dma_start3A_103 = tpu.memref_slice %arg17[%dma_start3A_96] : memref<4x!tpu.dma_semaphore, #tpu.memory_space<semaphore_mem>> -> memref<1x!tpu.dma_semaphore, #tpu.memory_space<semaphore_mem>>
    %dma_start3A_104 = tpu.memref_squeeze %dma_start3A_103 : memref<1x!tpu.dma_semaphore, #tpu.memory_space<semaphore_mem>> -> memref<!tpu.dma_semaphore, #tpu.memory_space<semaphore_mem>>
    %dma_start3A_105 = arith.constant 0 : i32
    %dma_start3A_106 = tpu.memref_slice %arg13[%add3A_94, %dma_start3A_105] : memref<10240x128xf32, #tpu.memory_space<vmem_shared>> -> memref<64x128xf32, #tpu.memory_space<vmem_shared>>
    %dma_start3A_107 = arith.constant 0 : i32
    %dma_start3A_108 = arith.constant 0 : i32
    %dma_start3A_109 = tpu.memref_slice %arg10[%dma_start3A_95, %dma_start3A_107, %dma_start3A_108] : memref<4x64x128xf32, #tpu.memory_space<vmem>> -> memref<1x64x128xf32, #tpu.memory_space<vmem>>
    %dma_start3A_110 = tpu.memref_squeeze %dma_start3A_109 : memref<1x64x128xf32, #tpu.memory_space<vmem>> -> memref<64x128xf32, #tpu.memory_space<vmem>>
    tpu.enqueue_dma source(%dma_start3A_110 : memref<64x128xf32, #tpu.memory_space<vmem>>) target(%dma_start3A_106 : memref<64x128xf32, #tpu.memory_space<vmem_shared>>) target_semaphore(%dma_start3A_104 : memref<!tpu.dma_semaphore, #tpu.memory_space<semaphore_mem>>)
    %mul3A_111 = arith.constant 640 : i32
    %mul3A_112 = arith.muli %arg1, %mul3A_111 : i32
    %add3A_113 = arith.constant 320 : i32
    %add3A_114 = arith.addi %mul3A_112, %add3A_113 : i32
    %dma_start3A_115 = arith.constant 0 : i32
    %dma_start3A_116 = arith.constant 0 : i32
    %dma_start3A_117 = arith.constant 0 : i32
    %dma_start3A_118 = arith.constant 0 : i32
    %dma_start3A_119 = tpu.memref_slice %arg10[%dma_start3A_115, %dma_start3A_117, %dma_start3A_118] : memref<4x64x128xf32, #tpu.memory_space<vmem>> -> memref<1x64x128xf32, #tpu.memory_space<vmem>>
    %dma_start3A_120 = tpu.memref_squeeze %dma_start3A_119 : memref<1x64x128xf32, #tpu.memory_space<vmem>> -> memref<64x128xf32, #tpu.memory_space<vmem>>
    %dma_start3A_121 = arith.constant 0 : i32
    %dma_start3A_122 = tpu.memref_slice %arg13[%add3A_114, %dma_start3A_121] : memref<10240x128xf32, #tpu.memory_space<vmem_shared>> -> memref<64x128xf32, #tpu.memory_space<vmem_shared>>
    %dma_start3A_123 = tpu.memref_slice %arg17[%dma_start3A_116] : memref<4x!tpu.dma_semaphore, #tpu.memory_space<semaphore_mem>> -> memref<1x!tpu.dma_semaphore, #tpu.memory_space<semaphore_mem>>
    %dma_start3A_124 = tpu.memref_squeeze %dma_start3A_123 : memref<1x!tpu.dma_semaphore, #tpu.memory_space<semaphore_mem>> -> memref<!tpu.dma_semaphore, #tpu.memory_space<semaphore_mem>>
    %dma_start3A_125 = arith.constant 0 : i32
    %dma_start3A_126 = tpu.memref_slice %arg13[%add3A_114, %dma_start3A_125] : memref<10240x128xf32, #tpu.memory_space<vmem_shared>> -> memref<64x128xf32, #tpu.memory_space<vmem_shared>>
    %dma_start3A_127 = arith.constant 0 : i32
    %dma_start3A_128 = arith.constant 0 : i32
    %dma_start3A_129 = tpu.memref_slice %arg10[%dma_start3A_115, %dma_start3A_127, %dma_start3A_128] : memref<4x64x128xf32, #tpu.memory_space<vmem>> -> memref<1x64x128xf32, #tpu.memory_space<vmem>>
    %dma_start3A_130 = tpu.memref_squeeze %dma_start3A_129 : memref<1x64x128xf32, #tpu.memory_space<vmem>> -> memref<64x128xf32, #tpu.memory_space<vmem>>
    tpu.enqueue_dma source(%dma_start3A_130 : memref<64x128xf32, #tpu.memory_space<vmem>>) target(%dma_start3A_126 : memref<64x128xf32, #tpu.memory_space<vmem_shared>>) target_semaphore(%dma_start3A_124 : memref<!tpu.dma_semaphore, #tpu.memory_space<semaphore_mem>>)
    %mul3A_131 = arith.constant 640 : i32
    %mul3A_132 = arith.muli %arg1, %mul3A_131 : i32
    %add3A_133 = arith.constant 384 : i32
    %add3A_134 = arith.addi %mul3A_132, %add3A_133 : i32
    %dma_start3A_135 = arith.constant 0 : i32
    %dma_start3A_136 = arith.constant 0 : i32
    %dma_start3A_137 = arith.constant 0 : i32
    %dma_start3A_138 = arith.constant 0 : i32
    %dma_start3A_139 = tpu.memref_slice %arg10[%dma_start3A_135, %dma_start3A_137, %dma_start3A_138] : memref<4x64x128xf32, #tpu.memory_space<vmem>> -> memref<1x64x128xf32, #tpu.memory_space<vmem>>
    %dma_start3A_140 = tpu.memref_squeeze %dma_start3A_139 : memref<1x64x128xf32, #tpu.memory_space<vmem>> -> memref<64x128xf32, #tpu.memory_space<vmem>>
    %dma_start3A_141 = arith.constant 0 : i32
    %dma_start3A_142 = tpu.memref_slice %arg13[%add3A_134, %dma_start3A_141] : memref<10240x128xf32, #tpu.memory_space<vmem_shared>> -> memref<64x128xf32, #tpu.memory_space<vmem_shared>>
    %dma_start3A_143 = tpu.memref_slice %arg17[%dma_start3A_136] : memref<4x!tpu.dma_semaphore, #tpu.memory_space<semaphore_mem>> -> memref<1x!tpu.dma_semaphore, #tpu.memory_space<semaphore_mem>>
    %dma_start3A_144 = tpu.memref_squeeze %dma_start3A_143 : memref<1x!tpu.dma_semaphore, #tpu.memory_space<semaphore_mem>> -> memref<!tpu.dma_semaphore, #tpu.memory_space<semaphore_mem>>
    %dma_start3A_145 = arith.constant 0 : i32
    %dma_start3A_146 = tpu.memref_slice %arg13[%add3A_134, %dma_start3A_145] : memref<10240x128xf32, #tpu.memory_space<vmem_shared>> -> memref<64x128xf32, #tpu.memory_space<vmem_shared>>
    %dma_start3A_147 = arith.constant 0 : i32
    %dma_start3A_148 = arith.constant 0 : i32
    %dma_start3A_149 = tpu.memref_slice %arg10[%dma_start3A_135, %dma_start3A_147, %dma_start3A_148] : memref<4x64x128xf32, #tpu.memory_space<vmem>> -> memref<1x64x128xf32, #tpu.memory_space<vmem>>
    %dma_start3A_150 = tpu.memref_squeeze %dma_start3A_149 : memref<1x64x128xf32, #tpu.memory_space<vmem>> -> memref<64x128xf32, #tpu.memory_space<vmem>>
    tpu.enqueue_dma source(%dma_start3A_150 : memref<64x128xf32, #tpu.memory_space<vmem>>) target(%dma_start3A_146 : memref<64x128xf32, #tpu.memory_space<vmem_shared>>) target_semaphore(%dma_start3A_144 : memref<!tpu.dma_semaphore, #tpu.memory_space<semaphore_mem>>)
    %mul3A_151 = arith.constant 640 : i32
    %mul3A_152 = arith.muli %arg1, %mul3A_151 : i32
    %add3A_153 = arith.constant 448 : i32
    %add3A_154 = arith.addi %mul3A_152, %add3A_153 : i32
    %dma_start3A_155 = arith.constant 0 : i32
    %dma_start3A_156 = arith.constant 0 : i32
    %dma_start3A_157 = arith.constant 0 : i32
    %dma_start3A_158 = arith.constant 0 : i32
    %dma_start3A_159 = tpu.memref_slice %arg10[%dma_start3A_155, %dma_start3A_157, %dma_start3A_158] : memref<4x64x128xf32, #tpu.memory_space<vmem>> -> memref<1x64x128xf32, #tpu.memory_space<vmem>>
    %dma_start3A_160 = tpu.memref_squeeze %dma_start3A_159 : memref<1x64x128xf32, #tpu.memory_space<vmem>> -> memref<64x128xf32, #tpu.memory_space<vmem>>
    %dma_start3A_161 = arith.constant 0 : i32
    %dma_start3A_162 = tpu.memref_slice %arg13[%add3A_154, %dma_start3A_161] : memref<10240x128xf32, #tpu.memory_space<vmem_shared>> -> memref<64x128xf32, #tpu.memory_space<vmem_shared>>
    %dma_start3A_163 = tpu.memref_slice %arg17[%dma_start3A_156] : memref<4x!tpu.dma_semaphore, #tpu.memory_space<semaphore_mem>> -> memref<1x!tpu.dma_semaphore, #tpu.memory_space<semaphore_mem>>
    %dma_start3A_164 = tpu.memref_squeeze %dma_start3A_163 : memref<1x!tpu.dma_semaphore, #tpu.memory_space<semaphore_mem>> -> memref<!tpu.dma_semaphore, #tpu.memory_space<semaphore_mem>>
    %dma_start3A_165 = arith.constant 0 : i32
    %dma_start3A_166 = tpu.memref_slice %arg13[%add3A_154, %dma_start3A_165] : memref<10240x128xf32, #tpu.memory_space<vmem_shared>> -> memref<64x128xf32, #tpu.memory_space<vmem_shared>>
    %dma_start3A_167 = arith.constant 0 : i32
    %dma_start3A_168 = arith.constant 0 : i32
    %dma_start3A_169 = tpu.memref_slice %arg10[%dma_start3A_155, %dma_start3A_167, %dma_start3A_168] : memref<4x64x128xf32, #tpu.memory_space<vmem>> -> memref<1x64x128xf32, #tpu.memory_space<vmem>>
    %dma_start3A_170 = tpu.memref_squeeze %dma_start3A_169 : memref<1x64x128xf32, #tpu.memory_space<vmem>> -> memref<64x128xf32, #tpu.memory_space<vmem>>
    tpu.enqueue_dma source(%dma_start3A_170 : memref<64x128xf32, #tpu.memory_space<vmem>>) target(%dma_start3A_166 : memref<64x128xf32, #tpu.memory_space<vmem_shared>>) target_semaphore(%dma_start3A_164 : memref<!tpu.dma_semaphore, #tpu.memory_space<semaphore_mem>>)
    %mul3A_171 = arith.constant 640 : i32
    %mul3A_172 = arith.muli %arg1, %mul3A_171 : i32
    %add3A_173 = arith.constant 512 : i32
    %add3A_174 = arith.addi %mul3A_172, %add3A_173 : i32
    %dma_start3A_175 = arith.constant 0 : i32
    %dma_start3A_176 = arith.constant 0 : i32
    %dma_start3A_177 = arith.constant 0 : i32
    %dma_start3A_178 = arith.constant 0 : i32
    %dma_start3A_179 = tpu.memref_slice %arg10[%dma_start3A_175, %dma_start3A_177, %dma_start3A_178] : memref<4x64x128xf32, #tpu.memory_space<vmem>> -> memref<1x64x128xf32, #tpu.memory_space<vmem>>
    %dma_start3A_180 = tpu.memref_squeeze %dma_start3A_179 : memref<1x64x128xf32, #tpu.memory_space<vmem>> -> memref<64x128xf32, #tpu.memory_space<vmem>>
    %dma_start3A_181 = arith.constant 0 : i32
    %dma_start3A_182 = tpu.memref_slice %arg13[%add3A_174, %dma_start3A_181] : memref<10240x128xf32, #tpu.memory_space<vmem_shared>> -> memref<64x128xf32, #tpu.memory_space<vmem_shared>>
    %dma_start3A_183 = tpu.memref_slice %arg17[%dma_start3A_176] : memref<4x!tpu.dma_semaphore, #tpu.memory_space<semaphore_mem>> -> memref<1x!tpu.dma_semaphore, #tpu.memory_space<semaphore_mem>>
    %dma_start3A_184 = tpu.memref_squeeze %dma_start3A_183 : memref<1x!tpu.dma_semaphore, #tpu.memory_space<semaphore_mem>> -> memref<!tpu.dma_semaphore, #tpu.memory_space<semaphore_mem>>
    %dma_start3A_185 = arith.constant 0 : i32
    %dma_start3A_186 = tpu.memref_slice %arg13[%add3A_174, %dma_start3A_185] : memref<10240x128xf32, #tpu.memory_space<vmem_shared>> -> memref<64x128xf32, #tpu.memory_space<vmem_shared>>
    %dma_start3A_187 = arith.constant 0 : i32
    %dma_start3A_188 = arith.constant 0 : i32
    %dma_start3A_189 = tpu.memref_slice %arg10[%dma_start3A_175, %dma_start3A_187, %dma_start3A_188] : memref<4x64x128xf32, #tpu.memory_space<vmem>> -> memref<1x64x128xf32, #tpu.memory_space<vmem>>
    %dma_start3A_190 = tpu.memref_squeeze %dma_start3A_189 : memref<1x64x128xf32, #tpu.memory_space<vmem>> -> memref<64x128xf32, #tpu.memory_space<vmem>>
    tpu.enqueue_dma source(%dma_start3A_190 : memref<64x128xf32, #tpu.memory_space<vmem>>) target(%dma_start3A_186 : memref<64x128xf32, #tpu.memory_space<vmem_shared>>) target_semaphore(%dma_start3A_184 : memref<!tpu.dma_semaphore, #tpu.memory_space<semaphore_mem>>)
    %mul3A_191 = arith.constant 640 : i32
    %mul3A_192 = arith.muli %arg1, %mul3A_191 : i32
    %add3A_193 = arith.constant 576 : i32
    %add3A_194 = arith.addi %mul3A_192, %add3A_193 : i32
    %dma_start3A_195 = arith.constant 0 : i32
    %dma_start3A_196 = arith.constant 0 : i32
    %dma_start3A_197 = arith.constant 0 : i32
    %dma_start3A_198 = arith.constant 0 : i32
    %dma_start3A_199 = tpu.memref_slice %arg10[%dma_start3A_195, %dma_start3A_197, %dma_start3A_198] : memref<4x64x128xf32, #tpu.memory_space<vmem>> -> memref<1x64x128xf32, #tpu.memory_space<vmem>>
    %dma_start3A_200 = tpu.memref_squeeze %dma_start3A_199 : memref<1x64x128xf32, #tpu.memory_space<vmem>> -> memref<64x128xf32, #tpu.memory_space<vmem>>
    %dma_start3A_201 = arith.constant 0 : i32
    %dma_start3A_202 = tpu.memref_slice %arg13[%add3A_194, %dma_start3A_201] : memref<10240x128xf32, #tpu.memory_space<vmem_shared>> -> memref<64x128xf32, #tpu.memory_space<vmem_shared>>
    %dma_start3A_203 = tpu.memref_slice %arg17[%dma_start3A_196] : memref<4x!tpu.dma_semaphore, #tpu.memory_space<semaphore_mem>> -> memref<1x!tpu.dma_semaphore, #tpu.memory_space<semaphore_mem>>
    %dma_start3A_204 = tpu.memref_squeeze %dma_start3A_203 : memref<1x!tpu.dma_semaphore, #tpu.memory_space<semaphore_mem>> -> memref<!tpu.dma_semaphore, #tpu.memory_space<semaphore_mem>>
    %dma_start3A_205 = arith.constant 0 : i32
    %dma_start3A_206 = tpu.memref_slice %arg13[%add3A_194, %dma_start3A_205] : memref<10240x128xf32, #tpu.memory_space<vmem_shared>> -> memref<64x128xf32, #tpu.memory_space<vmem_shared>>
    %dma_start3A_207 = arith.constant 0 : i32
    %dma_start3A_208 = arith.constant 0 : i32
    %dma_start3A_209 = tpu.memref_slice %arg10[%dma_start3A_195, %dma_start3A_207, %dma_start3A_208] : memref<4x64x128xf32, #tpu.memory_space<vmem>> -> memref<1x64x128xf32, #tpu.memory_space<vmem>>
    %dma_start3A_210 = tpu.memref_squeeze %dma_start3A_209 : memref<1x64x128xf32, #tpu.memory_space<vmem>> -> memref<64x128xf32, #tpu.memory_space<vmem>>
    tpu.enqueue_dma source(%dma_start3A_210 : memref<64x128xf32, #tpu.memory_space<vmem>>) target(%dma_start3A_206 : memref<64x128xf32, #tpu.memory_space<vmem_shared>>) target_semaphore(%dma_start3A_204 : memref<!tpu.dma_semaphore, #tpu.memory_space<semaphore_mem>>)
    %mul3A_211 = arith.constant 640 : i32
    %mul3A_212 = arith.muli %arg1, %mul3A_211 : i32
    %dma_wait3A = arith.constant 0 : i32
    %dma_wait3A_213 = arith.constant 0 : i32
    %dma_wait3A_214 = arith.constant 0 : i32
    %dma_wait3A_215 = arith.constant 0 : i32
    %dma_wait3A_216 = tpu.memref_slice %arg10[%dma_wait3A, %dma_wait3A_214, %dma_wait3A_215] : memref<4x64x128xf32, #tpu.memory_space<vmem>> -> memref<1x64x128xf32, #tpu.memory_space<vmem>>
    %dma_wait3A_217 = tpu.memref_squeeze %dma_wait3A_216 : memref<1x64x128xf32, #tpu.memory_space<vmem>> -> memref<64x128xf32, #tpu.memory_space<vmem>>
    %dma_wait3A_218 = arith.constant 0 : i32
    %dma_wait3A_219 = tpu.memref_slice %arg13[%mul3A_212, %dma_wait3A_218] : memref<10240x128xf32, #tpu.memory_space<vmem_shared>> -> memref<64x128xf32, #tpu.memory_space<vmem_shared>>
    %dma_wait3A_220 = tpu.memref_slice %arg17[%dma_wait3A_213] : memref<4x!tpu.dma_semaphore, #tpu.memory_space<semaphore_mem>> -> memref<1x!tpu.dma_semaphore, #tpu.memory_space<semaphore_mem>>
    %dma_wait3A_221 = tpu.memref_squeeze %dma_wait3A_220 : memref<1x!tpu.dma_semaphore, #tpu.memory_space<semaphore_mem>> -> memref<!tpu.dma_semaphore, #tpu.memory_space<semaphore_mem>>
    %dma_wait3A_222 = arith.constant 0 : i32
    %dma_wait3A_223 = tpu.memref_slice %arg13[%mul3A_212, %dma_wait3A_222] : memref<10240x128xf32, #tpu.memory_space<vmem_shared>> -> memref<64x128xf32, #tpu.memory_space<vmem_shared>>
    %dma_wait3A_224 = arith.constant 0 : i32
    %dma_wait3A_225 = arith.constant 0 : i32
    %dma_wait3A_226 = tpu.memref_slice %arg10[%dma_wait3A, %dma_wait3A_224, %dma_wait3A_225] : memref<4x64x128xf32, #tpu.memory_space<vmem>> -> memref<1x64x128xf32, #tpu.memory_space<vmem>>
    %dma_wait3A_227 = tpu.memref_squeeze %dma_wait3A_226 : memref<1x64x128xf32, #tpu.memory_space<vmem>> -> memref<64x128xf32, #tpu.memory_space<vmem>>
    tpu.wait_dma2 semaphore(%dma_wait3A_221 : memref<!tpu.dma_semaphore, #tpu.memory_space<semaphore_mem>>) src(%dma_wait3A_227 : memref<64x128xf32, #tpu.memory_space<vmem>>) dst(%dma_wait3A_223 : memref<64x128xf32, #tpu.memory_space<vmem_shared>>)
    %mul3A_228 = arith.constant 640 : i32
    %mul3A_229 = arith.muli %arg1, %mul3A_228 : i32
    %dma_wait3A_230 = arith.constant 0 : i32
    %dma_wait3A_231 = arith.constant 0 : i32
    %dma_wait3A_232 = arith.constant 0 : i32
    %dma_wait3A_233 = arith.constant 0 : i32
    %dma_wait3A_234 = tpu.memref_slice %arg10[%dma_wait3A_230, %dma_wait3A_232, %dma_wait3A_233] : memref<4x64x128xf32, #tpu.memory_space<vmem>> -> memref<1x64x128xf32, #tpu.memory_space<vmem>>
    %dma_wait3A_235 = tpu.memref_squeeze %dma_wait3A_234 : memref<1x64x128xf32, #tpu.memory_space<vmem>> -> memref<64x128xf32, #tpu.memory_space<vmem>>
    %dma_wait3A_236 = arith.constant 0 : i32
    %dma_wait3A_237 = tpu.memref_slice %arg13[%mul3A_229, %dma_wait3A_236] : memref<10240x128xf32, #tpu.memory_space<vmem_shared>> -> memref<64x128xf32, #tpu.memory_space<vmem_shared>>
    %dma_wait3A_238 = tpu.memref_slice %arg17[%dma_wait3A_231] : memref<4x!tpu.dma_semaphore, #tpu.memory_space<semaphore_mem>> -> memref<1x!tpu.dma_semaphore, #tpu.memory_space<semaphore_mem>>
    %dma_wait3A_239 = tpu.memref_squeeze %dma_wait3A_238 : memref<1x!tpu.dma_semaphore, #tpu.memory_space<semaphore_mem>> -> memref<!tpu.dma_semaphore, #tpu.memory_space<semaphore_mem>>
    %dma_wait3A_240 = arith.constant 0 : i32
    %dma_wait3A_241 = tpu.memref_slice %arg13[%mul3A_229, %dma_wait3A_240] : memref<10240x128xf32, #tpu.memory_space<vmem_shared>> -> memref<64x128xf32, #tpu.memory_space<vmem_shared>>
    %dma_wait3A_242 = arith.constant 0 : i32
    %dma_wait3A_243 = arith.constant 0 : i32
    %dma_wait3A_244 = tpu.memref_slice %arg10[%dma_wait3A_230, %dma_wait3A_242, %dma_wait3A_243] : memref<4x64x128xf32, #tpu.memory_space<vmem>> -> memref<1x64x128xf32, #tpu.memory_space<vmem>>
    %dma_wait3A_245 = tpu.memref_squeeze %dma_wait3A_244 : memref<1x64x128xf32, #tpu.memory_space<vmem>> -> memref<64x128xf32, #tpu.memory_space<vmem>>
    tpu.wait_dma2 semaphore(%dma_wait3A_239 : memref<!tpu.dma_semaphore, #tpu.memory_space<semaphore_mem>>) src(%dma_wait3A_245 : memref<64x128xf32, #tpu.memory_space<vmem>>) dst(%dma_wait3A_241 : memref<64x128xf32, #tpu.memory_space<vmem_shared>>)
    %mul3A_246 = arith.constant 640 : i32
    %mul3A_247 = arith.muli %arg1, %mul3A_246 : i32
    %dma_wait3A_248 = arith.constant 0 : i32
    %dma_wait3A_249 = arith.constant 0 : i32
    %dma_wait3A_250 = arith.constant 0 : i32
    %dma_wait3A_251 = arith.constant 0 : i32
    %dma_wait3A_252 = tpu.memref_slice %arg10[%dma_wait3A_248, %dma_wait3A_250, %dma_wait3A_251] : memref<4x64x128xf32, #tpu.memory_space<vmem>> -> memref<1x64x128xf32, #tpu.memory_space<vmem>>
    %dma_wait3A_253 = tpu.memref_squeeze %dma_wait3A_252 : memref<1x64x128xf32, #tpu.memory_space<vmem>> -> memref<64x128xf32, #tpu.memory_space<vmem>>
    %dma_wait3A_254 = arith.constant 0 : i32
    %dma_wait3A_255 = tpu.memref_slice %arg13[%mul3A_247, %dma_wait3A_254] : memref<10240x128xf32, #tpu.memory_space<vmem_shared>> -> memref<64x128xf32, #tpu.memory_space<vmem_shared>>
    %dma_wait3A_256 = tpu.memref_slice %arg17[%dma_wait3A_249] : memref<4x!tpu.dma_semaphore, #tpu.memory_space<semaphore_mem>> -> memref<1x!tpu.dma_semaphore, #tpu.memory_space<semaphore_mem>>
    %dma_wait3A_257 = tpu.memref_squeeze %dma_wait3A_256 : memref<1x!tpu.dma_semaphore, #tpu.memory_space<semaphore_mem>> -> memref<!tpu.dma_semaphore, #tpu.memory_space<semaphore_mem>>
    %dma_wait3A_258 = arith.constant 0 : i32
    %dma_wait3A_259 = tpu.memref_slice %arg13[%mul3A_247, %dma_wait3A_258] : memref<10240x128xf32, #tpu.memory_space<vmem_shared>> -> memref<64x128xf32, #tpu.memory_space<vmem_shared>>
    %dma_wait3A_260 = arith.constant 0 : i32
    %dma_wait3A_261 = arith.constant 0 : i32
    %dma_wait3A_262 = tpu.memref_slice %arg10[%dma_wait3A_248, %dma_wait3A_260, %dma_wait3A_261] : memref<4x64x128xf32, #tpu.memory_space<vmem>> -> memref<1x64x128xf32, #tpu.memory_space<vmem>>
    %dma_wait3A_263 = tpu.memref_squeeze %dma_wait3A_262 : memref<1x64x128xf32, #tpu.memory_space<vmem>> -> memref<64x128xf32, #tpu.memory_space<vmem>>
    tpu.wait_dma2 semaphore(%dma_wait3A_257 : memref<!tpu.dma_semaphore, #tpu.memory_space<semaphore_mem>>) src(%dma_wait3A_263 : memref<64x128xf32, #tpu.memory_space<vmem>>) dst(%dma_wait3A_259 : memref<64x128xf32, #tpu.memory_space<vmem_shared>>)
    %mul3A_264 = arith.constant 640 : i32
    %mul3A_265 = arith.muli %arg1, %mul3A_264 : i32
    %dma_wait3A_266 = arith.constant 0 : i32
    %dma_wait3A_267 = arith.constant 0 : i32
    %dma_wait3A_268 = arith.constant 0 : i32
    %dma_wait3A_269 = arith.constant 0 : i32
    %dma_wait3A_270 = tpu.memref_slice %arg10[%dma_wait3A_266, %dma_wait3A_268, %dma_wait3A_269] : memref<4x64x128xf32, #tpu.memory_space<vmem>> -> memref<1x64x128xf32, #tpu.memory_space<vmem>>
    %dma_wait3A_271 = tpu.memref_squeeze %dma_wait3A_270 : memref<1x64x128xf32, #tpu.memory_space<vmem>> -> memref<64x128xf32, #tpu.memory_space<vmem>>
    %dma_wait3A_272 = arith.constant 0 : i32
    %dma_wait3A_273 = tpu.memref_slice %arg13[%mul3A_265, %dma_wait3A_272] : memref<10240x128xf32, #tpu.memory_space<vmem_shared>> -> memref<64x128xf32, #tpu.memory_space<vmem_shared>>
    %dma_wait3A_274 = tpu.memref_slice %arg17[%dma_wait3A_267] : memref<4x!tpu.dma_semaphore, #tpu.memory_space<semaphore_mem>> -> memref<1x!tpu.dma_semaphore, #tpu.memory_space<semaphore_mem>>
    %dma_wait3A_275 = tpu.memref_squeeze %dma_wait3A_274 : memref<1x!tpu.dma_semaphore, #tpu.memory_space<semaphore_mem>> -> memref<!tpu.dma_semaphore, #tpu.memory_space<semaphore_mem>>
    %dma_wait3A_276 = arith.constant 0 : i32
    %dma_wait3A_277 = tpu.memref_slice %arg13[%mul3A_265, %dma_wait3A_276] : memref<10240x128xf32, #tpu.memory_space<vmem_shared>> -> memref<64x128xf32, #tpu.memory_space<vmem_shared>>
    %dma_wait3A_278 = arith.constant 0 : i32
    %dma_wait3A_279 = arith.constant 0 : i32
    %dma_wait3A_280 = tpu.memref_slice %arg10[%dma_wait3A_266, %dma_wait3A_278, %dma_wait3A_279] : memref<4x64x128xf32, #tpu.memory_space<vmem>> -> memref<1x64x128xf32, #tpu.memory_space<vmem>>
    %dma_wait3A_281 = tpu.memref_squeeze %dma_wait3A_280 : memref<1x64x128xf32, #tpu.memory_space<vmem>> -> memref<64x128xf32, #tpu.memory_space<vmem>>
    tpu.wait_dma2 semaphore(%dma_wait3A_275 : memref<!tpu.dma_semaphore, #tpu.memory_space<semaphore_mem>>) src(%dma_wait3A_281 : memref<64x128xf32, #tpu.memory_space<vmem>>) dst(%dma_wait3A_277 : memref<64x128xf32, #tpu.memory_space<vmem_shared>>)
    %mul3A_282 = arith.constant 640 : i32
    %mul3A_283 = arith.muli %arg1, %mul3A_282 : i32
    %dma_wait3A_284 = arith.constant 0 : i32
    %dma_wait3A_285 = arith.constant 0 : i32
    %dma_wait3A_286 = arith.constant 0 : i32
    %dma_wait3A_287 = arith.constant 0 : i32
    %dma_wait3A_288 = tpu.memref_slice %arg10[%dma_wait3A_284, %dma_wait3A_286, %dma_wait3A_287] : memref<4x64x128xf32, #tpu.memory_space<vmem>> -> memref<1x64x128xf32, #tpu.memory_space<vmem>>
    %dma_wait3A_289 = tpu.memref_squeeze %dma_wait3A_288 : memref<1x64x128xf32, #tpu.memory_space<vmem>> -> memref<64x128xf32, #tpu.memory_space<vmem>>
    %dma_wait3A_290 = arith.constant 0 : i32
    %dma_wait3A_291 = tpu.memref_slice %arg13[%mul3A_283, %dma_wait3A_290] : memref<10240x128xf32, #tpu.memory_space<vmem_shared>> -> memref<64x128xf32, #tpu.memory_space<vmem_shared>>
    %dma_wait3A_292 = tpu.memref_slice %arg17[%dma_wait3A_285] : memref<4x!tpu.dma_semaphore, #tpu.memory_space<semaphore_mem>> -> memref<1x!tpu.dma_semaphore, #tpu.memory_space<semaphore_mem>>
    %dma_wait3A_293 = tpu.memref_squeeze %dma_wait3A_292 : memref<1x!tpu.dma_semaphore, #tpu.memory_space<semaphore_mem>> -> memref<!tpu.dma_semaphore, #tpu.memory_space<semaphore_mem>>
    %dma_wait3A_294 = arith.constant 0 : i32
    %dma_wait3A_295 = tpu.memref_slice %arg13[%mul3A_283, %dma_wait3A_294] : memref<10240x128xf32, #tpu.memory_space<vmem_shared>> -> memref<64x128xf32, #tpu.memory_space<vmem_shared>>
    %dma_wait3A_296 = arith.constant 0 : i32
    %dma_wait3A_297 = arith.constant 0 : i32
    %dma_wait3A_298 = tpu.memref_slice %arg10[%dma_wait3A_284, %dma_wait3A_296, %dma_wait3A_297] : memref<4x64x128xf32, #tpu.memory_space<vmem>> -> memref<1x64x128xf32, #tpu.memory_space<vmem>>
    %dma_wait3A_299 = tpu.memref_squeeze %dma_wait3A_298 : memref<1x64x128xf32, #tpu.memory_space<vmem>> -> memref<64x128xf32, #tpu.memory_space<vmem>>
    tpu.wait_dma2 semaphore(%dma_wait3A_293 : memref<!tpu.dma_semaphore, #tpu.memory_space<semaphore_mem>>) src(%dma_wait3A_299 : memref<64x128xf32, #tpu.memory_space<vmem>>) dst(%dma_wait3A_295 : memref<64x128xf32, #tpu.memory_space<vmem_shared>>)
    %mul3A_300 = arith.constant 640 : i32
    %mul3A_301 = arith.muli %arg1, %mul3A_300 : i32
    %dma_wait3A_302 = arith.constant 0 : i32
    %dma_wait3A_303 = arith.constant 0 : i32
    %dma_wait3A_304 = arith.constant 0 : i32
    %dma_wait3A_305 = arith.constant 0 : i32
    %dma_wait3A_306 = tpu.memref_slice %arg10[%dma_wait3A_302, %dma_wait3A_304, %dma_wait3A_305] : memref<4x64x128xf32, #tpu.memory_space<vmem>> -> memref<1x64x128xf32, #tpu.memory_space<vmem>>
    %dma_wait3A_307 = tpu.memref_squeeze %dma_wait3A_306 : memref<1x64x128xf32, #tpu.memory_space<vmem>> -> memref<64x128xf32, #tpu.memory_space<vmem>>
    %dma_wait3A_308 = arith.constant 0 : i32
    %dma_wait3A_309 = tpu.memref_slice %arg13[%mul3A_301, %dma_wait3A_308] : memref<10240x128xf32, #tpu.memory_space<vmem_shared>> -> memref<64x128xf32, #tpu.memory_space<vmem_shared>>
    %dma_wait3A_310 = tpu.memref_slice %arg17[%dma_wait3A_303] : memref<4x!tpu.dma_semaphore, #tpu.memory_space<semaphore_mem>> -> memref<1x!tpu.dma_semaphore, #tpu.memory_space<semaphore_mem>>
    %dma_wait3A_311 = tpu.memref_squeeze %dma_wait3A_310 : memref<1x!tpu.dma_semaphore, #tpu.memory_space<semaphore_mem>> -> memref<!tpu.dma_semaphore, #tpu.memory_space<semaphore_mem>>
    %dma_wait3A_312 = arith.constant 0 : i32
    %dma_wait3A_313 = tpu.memref_slice %arg13[%mul3A_301, %dma_wait3A_312] : memref<10240x128xf32, #tpu.memory_space<vmem_shared>> -> memref<64x128xf32, #tpu.memory_space<vmem_shared>>
    %dma_wait3A_314 = arith.constant 0 : i32
    %dma_wait3A_315 = arith.constant 0 : i32
    %dma_wait3A_316 = tpu.memref_slice %arg10[%dma_wait3A_302, %dma_wait3A_314, %dma_wait3A_315] : memref<4x64x128xf32, #tpu.memory_space<vmem>> -> memref<1x64x128xf32, #tpu.memory_space<vmem>>
    %dma_wait3A_317 = tpu.memref_squeeze %dma_wait3A_316 : memref<1x64x128xf32, #tpu.memory_space<vmem>> -> memref<64x128xf32, #tpu.memory_space<vmem>>
    tpu.wait_dma2 semaphore(%dma_wait3A_311 : memref<!tpu.dma_semaphore, #tpu.memory_space<semaphore_mem>>) src(%dma_wait3A_317 : memref<64x128xf32, #tpu.memory_space<vmem>>) dst(%dma_wait3A_313 : memref<64x128xf32, #tpu.memory_space<vmem_shared>>)
    %mul3A_318 = arith.constant 640 : i32
    %mul3A_319 = arith.muli %arg1, %mul3A_318 : i32
    %dma_wait3A_320 = arith.constant 0 : i32
    %dma_wait3A_321 = arith.constant 0 : i32
    %dma_wait3A_322 = arith.constant 0 : i32
    %dma_wait3A_323 = arith.constant 0 : i32
    %dma_wait3A_324 = tpu.memref_slice %arg10[%dma_wait3A_320, %dma_wait3A_322, %dma_wait3A_323] : memref<4x64x128xf32, #tpu.memory_space<vmem>> -> memref<1x64x128xf32, #tpu.memory_space<vmem>>
    %dma_wait3A_325 = tpu.memref_squeeze %dma_wait3A_324 : memref<1x64x128xf32, #tpu.memory_space<vmem>> -> memref<64x128xf32, #tpu.memory_space<vmem>>
    %dma_wait3A_326 = arith.constant 0 : i32
    %dma_wait3A_327 = tpu.memref_slice %arg13[%mul3A_319, %dma_wait3A_326] : memref<10240x128xf32, #tpu.memory_space<vmem_shared>> -> memref<64x128xf32, #tpu.memory_space<vmem_shared>>
    %dma_wait3A_328 = tpu.memref_slice %arg17[%dma_wait3A_321] : memref<4x!tpu.dma_semaphore, #tpu.memory_space<semaphore_mem>> -> memref<1x!tpu.dma_semaphore, #tpu.memory_space<semaphore_mem>>
    %dma_wait3A_329 = tpu.memref_squeeze %dma_wait3A_328 : memref<1x!tpu.dma_semaphore, #tpu.memory_space<semaphore_mem>> -> memref<!tpu.dma_semaphore, #tpu.memory_space<semaphore_mem>>
    %dma_wait3A_330 = arith.constant 0 : i32
    %dma_wait3A_331 = tpu.memref_slice %arg13[%mul3A_319, %dma_wait3A_330] : memref<10240x128xf32, #tpu.memory_space<vmem_shared>> -> memref<64x128xf32, #tpu.memory_space<vmem_shared>>
    %dma_wait3A_332 = arith.constant 0 : i32
    %dma_wait3A_333 = arith.constant 0 : i32
    %dma_wait3A_334 = tpu.memref_slice %arg10[%dma_wait3A_320, %dma_wait3A_332, %dma_wait3A_333] : memref<4x64x128xf32, #tpu.memory_space<vmem>> -> memref<1x64x128xf32, #tpu.memory_space<vmem>>
    %dma_wait3A_335 = tpu.memref_squeeze %dma_wait3A_334 : memref<1x64x128xf32, #tpu.memory_space<vmem>> -> memref<64x128xf32, #tpu.memory_space<vmem>>
    tpu.wait_dma2 semaphore(%dma_wait3A_329 : memref<!tpu.dma_semaphore, #tpu.memory_space<semaphore_mem>>) src(%dma_wait3A_335 : memref<64x128xf32, #tpu.memory_space<vmem>>) dst(%dma_wait3A_331 : memref<64x128xf32, #tpu.memory_space<vmem_shared>>)
    %mul3A_336 = arith.constant 640 : i32
    %mul3A_337 = arith.muli %arg1, %mul3A_336 : i32
    %dma_wait3A_338 = arith.constant 0 : i32
    %dma_wait3A_339 = arith.constant 0 : i32
    %dma_wait3A_340 = arith.constant 0 : i32
    %dma_wait3A_341 = arith.constant 0 : i32
    %dma_wait3A_342 = tpu.memref_slice %arg10[%dma_wait3A_338, %dma_wait3A_340, %dma_wait3A_341] : memref<4x64x128xf32, #tpu.memory_space<vmem>> -> memref<1x64x128xf32, #tpu.memory_space<vmem>>
    %dma_wait3A_343 = tpu.memref_squeeze %dma_wait3A_342 : memref<1x64x128xf32, #tpu.memory_space<vmem>> -> memref<64x128xf32, #tpu.memory_space<vmem>>
    %dma_wait3A_344 = arith.constant 0 : i32
    %dma_wait3A_345 = tpu.memref_slice %arg13[%mul3A_337, %dma_wait3A_344] : memref<10240x128xf32, #tpu.memory_space<vmem_shared>> -> memref<64x128xf32, #tpu.memory_space<vmem_shared>>
    %dma_wait3A_346 = tpu.memref_slice %arg17[%dma_wait3A_339] : memref<4x!tpu.dma_semaphore, #tpu.memory_space<semaphore_mem>> -> memref<1x!tpu.dma_semaphore, #tpu.memory_space<semaphore_mem>>
    %dma_wait3A_347 = tpu.memref_squeeze %dma_wait3A_346 : memref<1x!tpu.dma_semaphore, #tpu.memory_space<semaphore_mem>> -> memref<!tpu.dma_semaphore, #tpu.memory_space<semaphore_mem>>
    %dma_wait3A_348 = arith.constant 0 : i32
    %dma_wait3A_349 = tpu.memref_slice %arg13[%mul3A_337, %dma_wait3A_348] : memref<10240x128xf32, #tpu.memory_space<vmem_shared>> -> memref<64x128xf32, #tpu.memory_space<vmem_shared>>
    %dma_wait3A_350 = arith.constant 0 : i32
    %dma_wait3A_351 = arith.constant 0 : i32
    %dma_wait3A_352 = tpu.memref_slice %arg10[%dma_wait3A_338, %dma_wait3A_350, %dma_wait3A_351] : memref<4x64x128xf32, #tpu.memory_space<vmem>> -> memref<1x64x128xf32, #tpu.memory_space<vmem>>
    %dma_wait3A_353 = tpu.memref_squeeze %dma_wait3A_352 : memref<1x64x128xf32, #tpu.memory_space<vmem>> -> memref<64x128xf32, #tpu.memory_space<vmem>>
    tpu.wait_dma2 semaphore(%dma_wait3A_347 : memref<!tpu.dma_semaphore, #tpu.memory_space<semaphore_mem>>) src(%dma_wait3A_353 : memref<64x128xf32, #tpu.memory_space<vmem>>) dst(%dma_wait3A_349 : memref<64x128xf32, #tpu.memory_space<vmem_shared>>)
    %mul3A_354 = arith.constant 640 : i32
    %mul3A_355 = arith.muli %arg1, %mul3A_354 : i32
    %dma_wait3A_356 = arith.constant 0 : i32
    %dma_wait3A_357 = arith.constant 0 : i32
    %dma_wait3A_358 = arith.constant 0 : i32
    %dma_wait3A_359 = arith.constant 0 : i32
    %dma_wait3A_360 = tpu.memref_slice %arg10[%dma_wait3A_356, %dma_wait3A_358, %dma_wait3A_359] : memref<4x64x128xf32, #tpu.memory_space<vmem>> -> memref<1x64x128xf32, #tpu.memory_space<vmem>>
    %dma_wait3A_361 = tpu.memref_squeeze %dma_wait3A_360 : memref<1x64x128xf32, #tpu.memory_space<vmem>> -> memref<64x128xf32, #tpu.memory_space<vmem>>
    %dma_wait3A_362 = arith.constant 0 : i32
    %dma_wait3A_363 = tpu.memref_slice %arg13[%mul3A_355, %dma_wait3A_362] : memref<10240x128xf32, #tpu.memory_space<vmem_shared>> -> memref<64x128xf32, #tpu.memory_space<vmem_shared>>
    %dma_wait3A_364 = tpu.memref_slice %arg17[%dma_wait3A_357] : memref<4x!tpu.dma_semaphore, #tpu.memory_space<semaphore_mem>> -> memref<1x!tpu.dma_semaphore, #tpu.memory_space<semaphore_mem>>
    %dma_wait3A_365 = tpu.memref_squeeze %dma_wait3A_364 : memref<1x!tpu.dma_semaphore, #tpu.memory_space<semaphore_mem>> -> memref<!tpu.dma_semaphore, #tpu.memory_space<semaphore_mem>>
    %dma_wait3A_366 = arith.constant 0 : i32
    %dma_wait3A_367 = tpu.memref_slice %arg13[%mul3A_355, %dma_wait3A_366] : memref<10240x128xf32, #tpu.memory_space<vmem_shared>> -> memref<64x128xf32, #tpu.memory_space<vmem_shared>>
    %dma_wait3A_368 = arith.constant 0 : i32
    %dma_wait3A_369 = arith.constant 0 : i32
    %dma_wait3A_370 = tpu.memref_slice %arg10[%dma_wait3A_356, %dma_wait3A_368, %dma_wait3A_369] : memref<4x64x128xf32, #tpu.memory_space<vmem>> -> memref<1x64x128xf32, #tpu.memory_space<vmem>>
    %dma_wait3A_371 = tpu.memref_squeeze %dma_wait3A_370 : memref<1x64x128xf32, #tpu.memory_space<vmem>> -> memref<64x128xf32, #tpu.memory_space<vmem>>
    tpu.wait_dma2 semaphore(%dma_wait3A_365 : memref<!tpu.dma_semaphore, #tpu.memory_space<semaphore_mem>>) src(%dma_wait3A_371 : memref<64x128xf32, #tpu.memory_space<vmem>>) dst(%dma_wait3A_367 : memref<64x128xf32, #tpu.memory_space<vmem_shared>>)
    %mul3A_372 = arith.constant 640 : i32
    %mul3A_373 = arith.muli %arg1, %mul3A_372 : i32
    %dma_wait3A_374 = arith.constant 0 : i32
    %dma_wait3A_375 = arith.constant 0 : i32
    %dma_wait3A_376 = arith.constant 0 : i32
    %dma_wait3A_377 = arith.constant 0 : i32
    %dma_wait3A_378 = tpu.memref_slice %arg10[%dma_wait3A_374, %dma_wait3A_376, %dma_wait3A_377] : memref<4x64x128xf32, #tpu.memory_space<vmem>> -> memref<1x64x128xf32, #tpu.memory_space<vmem>>
    %dma_wait3A_379 = tpu.memref_squeeze %dma_wait3A_378 : memref<1x64x128xf32, #tpu.memory_space<vmem>> -> memref<64x128xf32, #tpu.memory_space<vmem>>
    %dma_wait3A_380 = arith.constant 0 : i32
    %dma_wait3A_381 = tpu.memref_slice %arg13[%mul3A_373, %dma_wait3A_380] : memref<10240x128xf32, #tpu.memory_space<vmem_shared>> -> memref<64x128xf32, #tpu.memory_space<vmem_shared>>
    %dma_wait3A_382 = tpu.memref_slice %arg17[%dma_wait3A_375] : memref<4x!tpu.dma_semaphore, #tpu.memory_space<semaphore_mem>> -> memref<1x!tpu.dma_semaphore, #tpu.memory_space<semaphore_mem>>
    %dma_wait3A_383 = tpu.memref_squeeze %dma_wait3A_382 : memref<1x!tpu.dma_semaphore, #tpu.memory_space<semaphore_mem>> -> memref<!tpu.dma_semaphore, #tpu.memory_space<semaphore_mem>>
    %dma_wait3A_384 = arith.constant 0 : i32
    %dma_wait3A_385 = tpu.memref_slice %arg13[%mul3A_373, %dma_wait3A_384] : memref<10240x128xf32, #tpu.memory_space<vmem_shared>> -> memref<64x128xf32, #tpu.memory_space<vmem_shared>>
    %dma_wait3A_386 = arith.constant 0 : i32
    %dma_wait3A_387 = arith.constant 0 : i32
    %dma_wait3A_388 = tpu.memref_slice %arg10[%dma_wait3A_374, %dma_wait3A_386, %dma_wait3A_387] : memref<4x64x128xf32, #tpu.memory_space<vmem>> -> memref<1x64x128xf32, #tpu.memory_space<vmem>>
    %dma_wait3A_389 = tpu.memref_squeeze %dma_wait3A_388 : memref<1x64x128xf32, #tpu.memory_space<vmem>> -> memref<64x128xf32, #tpu.memory_space<vmem>>
    tpu.wait_dma2 semaphore(%dma_wait3A_383 : memref<!tpu.dma_semaphore, #tpu.memory_space<semaphore_mem>>) src(%dma_wait3A_389 : memref<64x128xf32, #tpu.memory_space<vmem>>) dst(%dma_wait3A_385 : memref<64x128xf32, #tpu.memory_space<vmem_shared>>)
    %barrier3A = arith.constant 0 : index
    tpu.barrier barrier_id(%barrier3A)
    %mul3A_390 = arith.constant 314 : i32
    %mul3A_391 = arith.muli %arg1, %mul3A_390 : i32
    %add3A_392 = arith.constant 0 : i32
    %add3A_393 = arith.addi %mul3A_391, %add3A_392 : i32
    %dma_start3A_394 = arith.constant 0 : i32
    %dma_start3A_395 = arith.constant 0 : i32
    %dma_start3A_396 = arith.constant 0 : i32
    %dma_start3A_397 = arith.constant 0 : i32
    %dma_start3A_398 = tpu.memref_slice %arg7[%dma_start3A_394, %dma_start3A_396, %dma_start3A_397] : memref<4x2x64xi32, #tpu.memory_space<vmem>> -> memref<1x2x64xi32, #tpu.memory_space<vmem>>
    %dma_start3A_399 = tpu.memref_squeeze %dma_start3A_398 : memref<1x2x64xi32, #tpu.memory_space<vmem>> -> memref<2x64xi32, #tpu.memory_space<vmem>>
    %dma_start3A_400 = arith.constant 0 : i32
    %dma_start3A_401 = arith.constant 0 : i32
    %dma_start3A_402 = tpu.memref_slice %arg2[%add3A_393, %dma_start3A_400, %dma_start3A_401] : memref<5024x2x64xi32, #tpu.memory_space<hbm>> -> memref<1x2x64xi32, #tpu.memory_space<hbm>>
    %dma_start3A_403 = tpu.memref_squeeze %dma_start3A_402 : memref<1x2x64xi32, #tpu.memory_space<hbm>> -> memref<2x64xi32, #tpu.memory_space<hbm>>
    %dma_start3A_404 = tpu.memref_slice %arg16[%dma_start3A_395] : memref<4x!tpu.dma_semaphore, #tpu.memory_space<semaphore_mem>> -> memref<1x!tpu.dma_semaphore, #tpu.memory_space<semaphore_mem>>
    %dma_start3A_405 = tpu.memref_squeeze %dma_start3A_404 : memref<1x!tpu.dma_semaphore, #tpu.memory_space<semaphore_mem>> -> memref<!tpu.dma_semaphore, #tpu.memory_space<semaphore_mem>>
    %dma_start3A_406 = arith.constant 0 : i32
    %dma_start3A_407 = arith.constant 0 : i32
    %dma_start3A_408 = tpu.memref_slice %arg7[%dma_start3A_394, %dma_start3A_406, %dma_start3A_407] : memref<4x2x64xi32, #tpu.memory_space<vmem>> -> memref<1x2x64xi32, #tpu.memory_space<vmem>>
    %dma_start3A_409 = tpu.memref_squeeze %dma_start3A_408 : memref<1x2x64xi32, #tpu.memory_space<vmem>> -> memref<2x64xi32, #tpu.memory_space<vmem>>
    %dma_start3A_410 = arith.constant 0 : i32
    %dma_start3A_411 = arith.constant 0 : i32
    %dma_start3A_412 = tpu.memref_slice %arg2[%add3A_393, %dma_start3A_410, %dma_start3A_411] : memref<5024x2x64xi32, #tpu.memory_space<hbm>> -> memref<1x2x64xi32, #tpu.memory_space<hbm>>
    %dma_start3A_413 = tpu.memref_squeeze %dma_start3A_412 : memref<1x2x64xi32, #tpu.memory_space<hbm>> -> memref<2x64xi32, #tpu.memory_space<hbm>>
    tpu.enqueue_dma source(%dma_start3A_413 : memref<2x64xi32, #tpu.memory_space<hbm>>) target(%dma_start3A_409 : memref<2x64xi32, #tpu.memory_space<vmem>>) target_semaphore(%dma_start3A_405 : memref<!tpu.dma_semaphore, #tpu.memory_space<semaphore_mem>>)
    %mul3A_414 = arith.constant 64 : i32
    %mul3A_415 = arith.muli %add3A_393, %mul3A_414 : i32
    %dma_start3A_416 = arith.constant 0 : i32
    %dma_start3A_417 = arith.constant 0 : i32
    %dma_start3A_418 = arith.constant 0 : i32
    %dma_start3A_419 = tpu.memref_slice %arg8[%dma_start3A_416, %dma_start3A_418] : memref<4x64xf32, #tpu.memory_space<vmem>> -> memref<1x64xf32, #tpu.memory_space<vmem>>
    %dma_start3A_420 = tpu.memref_squeeze %dma_start3A_419 : memref<1x64xf32, #tpu.memory_space<vmem>> -> memref<64xf32, #tpu.memory_space<vmem>>
    %dma_start3A_421 = tpu.memref_slice %arg3[%mul3A_415] : memref<321536xf32, #tpu.memory_space<hbm>> -> memref<64xf32, #tpu.memory_space<hbm>>
    %dma_start3A_422 = tpu.memref_slice %arg16[%dma_start3A_417] : memref<4x!tpu.dma_semaphore, #tpu.memory_space<semaphore_mem>> -> memref<1x!tpu.dma_semaphore, #tpu.memory_space<semaphore_mem>>
    %dma_start3A_423 = tpu.memref_squeeze %dma_start3A_422 : memref<1x!tpu.dma_semaphore, #tpu.memory_space<semaphore_mem>> -> memref<!tpu.dma_semaphore, #tpu.memory_space<semaphore_mem>>
    %dma_start3A_424 = arith.constant 0 : i32
    %dma_start3A_425 = tpu.memref_slice %arg8[%dma_start3A_416, %dma_start3A_424] : memref<4x64xf32, #tpu.memory_space<vmem>> -> memref<1x64xf32, #tpu.memory_space<vmem>>
    %dma_start3A_426 = tpu.memref_squeeze %dma_start3A_425 : memref<1x64xf32, #tpu.memory_space<vmem>> -> memref<64xf32, #tpu.memory_space<vmem>>
    %dma_start3A_427 = tpu.memref_slice %arg3[%mul3A_415] : memref<321536xf32, #tpu.memory_space<hbm>> -> memref<64xf32, #tpu.memory_space<hbm>>
    tpu.enqueue_dma source(%dma_start3A_427 : memref<64xf32, #tpu.memory_space<hbm>>) target(%dma_start3A_426 : memref<64xf32, #tpu.memory_space<vmem>>) target_semaphore(%dma_start3A_423 : memref<!tpu.dma_semaphore, #tpu.memory_space<semaphore_mem>>)
    %add3A_428 = arith.constant 1 : i32
    %add3A_429 = arith.addi %mul3A_391, %add3A_428 : i32
    %dma_start3A_430 = arith.constant 1 : i32
    %dma_start3A_431 = arith.constant 1 : i32
    %dma_start3A_432 = arith.constant 0 : i32
    %dma_start3A_433 = arith.constant 0 : i32
    %dma_start3A_434 = tpu.memref_slice %arg7[%dma_start3A_430, %dma_start3A_432, %dma_start3A_433] : memref<4x2x64xi32, #tpu.memory_space<vmem>> -> memref<1x2x64xi32, #tpu.memory_space<vmem>>
    %dma_start3A_435 = tpu.memref_squeeze %dma_start3A_434 : memref<1x2x64xi32, #tpu.memory_space<vmem>> -> memref<2x64xi32, #tpu.memory_space<vmem>>
    %dma_start3A_436 = arith.constant 0 : i32
    %dma_start3A_437 = arith.constant 0 : i32
    %dma_start3A_438 = tpu.memref_slice %arg2[%add3A_429, %dma_start3A_436, %dma_start3A_437] : memref<5024x2x64xi32, #tpu.memory_space<hbm>> -> memref<1x2x64xi32, #tpu.memory_space<hbm>>
    %dma_start3A_439 = tpu.memref_squeeze %dma_start3A_438 : memref<1x2x64xi32, #tpu.memory_space<hbm>> -> memref<2x64xi32, #tpu.memory_space<hbm>>
    %dma_start3A_440 = tpu.memref_slice %arg16[%dma_start3A_431] : memref<4x!tpu.dma_semaphore, #tpu.memory_space<semaphore_mem>> -> memref<1x!tpu.dma_semaphore, #tpu.memory_space<semaphore_mem>>
    %dma_start3A_441 = tpu.memref_squeeze %dma_start3A_440 : memref<1x!tpu.dma_semaphore, #tpu.memory_space<semaphore_mem>> -> memref<!tpu.dma_semaphore, #tpu.memory_space<semaphore_mem>>
    %dma_start3A_442 = arith.constant 0 : i32
    %dma_start3A_443 = arith.constant 0 : i32
    %dma_start3A_444 = tpu.memref_slice %arg7[%dma_start3A_430, %dma_start3A_442, %dma_start3A_443] : memref<4x2x64xi32, #tpu.memory_space<vmem>> -> memref<1x2x64xi32, #tpu.memory_space<vmem>>
    %dma_start3A_445 = tpu.memref_squeeze %dma_start3A_444 : memref<1x2x64xi32, #tpu.memory_space<vmem>> -> memref<2x64xi32, #tpu.memory_space<vmem>>
    %dma_start3A_446 = arith.constant 0 : i32
    %dma_start3A_447 = arith.constant 0 : i32
    %dma_start3A_448 = tpu.memref_slice %arg2[%add3A_429, %dma_start3A_446, %dma_start3A_447] : memref<5024x2x64xi32, #tpu.memory_space<hbm>> -> memref<1x2x64xi32, #tpu.memory_space<hbm>>
    %dma_start3A_449 = tpu.memref_squeeze %dma_start3A_448 : memref<1x2x64xi32, #tpu.memory_space<hbm>> -> memref<2x64xi32, #tpu.memory_space<hbm>>
    tpu.enqueue_dma source(%dma_start3A_449 : memref<2x64xi32, #tpu.memory_space<hbm>>) target(%dma_start3A_445 : memref<2x64xi32, #tpu.memory_space<vmem>>) target_semaphore(%dma_start3A_441 : memref<!tpu.dma_semaphore, #tpu.memory_space<semaphore_mem>>)
    %mul3A_450 = arith.constant 64 : i32
    %mul3A_451 = arith.muli %add3A_429, %mul3A_450 : i32
    %dma_start3A_452 = arith.constant 1 : i32
    %dma_start3A_453 = arith.constant 1 : i32
    %dma_start3A_454 = arith.constant 0 : i32
    %dma_start3A_455 = tpu.memref_slice %arg8[%dma_start3A_452, %dma_start3A_454] : memref<4x64xf32, #tpu.memory_space<vmem>> -> memref<1x64xf32, #tpu.memory_space<vmem>>
    %dma_start3A_456 = tpu.memref_squeeze %dma_start3A_455 : memref<1x64xf32, #tpu.memory_space<vmem>> -> memref<64xf32, #tpu.memory_space<vmem>>
    %dma_start3A_457 = tpu.memref_slice %arg3[%mul3A_451] : memref<321536xf32, #tpu.memory_space<hbm>> -> memref<64xf32, #tpu.memory_space<hbm>>
    %dma_start3A_458 = tpu.memref_slice %arg16[%dma_start3A_453] : memref<4x!tpu.dma_semaphore, #tpu.memory_space<semaphore_mem>> -> memref<1x!tpu.dma_semaphore, #tpu.memory_space<semaphore_mem>>
    %dma_start3A_459 = tpu.memref_squeeze %dma_start3A_458 : memref<1x!tpu.dma_semaphore, #tpu.memory_space<semaphore_mem>> -> memref<!tpu.dma_semaphore, #tpu.memory_space<semaphore_mem>>
    %dma_start3A_460 = arith.constant 0 : i32
    %dma_start3A_461 = tpu.memref_slice %arg8[%dma_start3A_452, %dma_start3A_460] : memref<4x64xf32, #tpu.memory_space<vmem>> -> memref<1x64xf32, #tpu.memory_space<vmem>>
    %dma_start3A_462 = tpu.memref_squeeze %dma_start3A_461 : memref<1x64xf32, #tpu.memory_space<vmem>> -> memref<64xf32, #tpu.memory_space<vmem>>
    %dma_start3A_463 = tpu.memref_slice %arg3[%mul3A_451] : memref<321536xf32, #tpu.memory_space<hbm>> -> memref<64xf32, #tpu.memory_space<hbm>>
    tpu.enqueue_dma source(%dma_start3A_463 : memref<64xf32, #tpu.memory_space<hbm>>) target(%dma_start3A_462 : memref<64xf32, #tpu.memory_space<vmem>>) target_semaphore(%dma_start3A_459 : memref<!tpu.dma_semaphore, #tpu.memory_space<semaphore_mem>>)
    %add3A_464 = arith.constant 2 : i32
    %add3A_465 = arith.addi %mul3A_391, %add3A_464 : i32
    %dma_start3A_466 = arith.constant 2 : i32
    %dma_start3A_467 = arith.constant 2 : i32
    %dma_start3A_468 = arith.constant 0 : i32
    %dma_start3A_469 = arith.constant 0 : i32
    %dma_start3A_470 = tpu.memref_slice %arg7[%dma_start3A_466, %dma_start3A_468, %dma_start3A_469] : memref<4x2x64xi32, #tpu.memory_space<vmem>> -> memref<1x2x64xi32, #tpu.memory_space<vmem>>
    %dma_start3A_471 = tpu.memref_squeeze %dma_start3A_470 : memref<1x2x64xi32, #tpu.memory_space<vmem>> -> memref<2x64xi32, #tpu.memory_space<vmem>>
    %dma_start3A_472 = arith.constant 0 : i32
    %dma_start3A_473 = arith.constant 0 : i32
    %dma_start3A_474 = tpu.memref_slice %arg2[%add3A_465, %dma_start3A_472, %dma_start3A_473] : memref<5024x2x64xi32, #tpu.memory_space<hbm>> -> memref<1x2x64xi32, #tpu.memory_space<hbm>>
    %dma_start3A_475 = tpu.memref_squeeze %dma_start3A_474 : memref<1x2x64xi32, #tpu.memory_space<hbm>> -> memref<2x64xi32, #tpu.memory_space<hbm>>
    %dma_start3A_476 = tpu.memref_slice %arg16[%dma_start3A_467] : memref<4x!tpu.dma_semaphore, #tpu.memory_space<semaphore_mem>> -> memref<1x!tpu.dma_semaphore, #tpu.memory_space<semaphore_mem>>
    %dma_start3A_477 = tpu.memref_squeeze %dma_start3A_476 : memref<1x!tpu.dma_semaphore, #tpu.memory_space<semaphore_mem>> -> memref<!tpu.dma_semaphore, #tpu.memory_space<semaphore_mem>>
    %dma_start3A_478 = arith.constant 0 : i32
    %dma_start3A_479 = arith.constant 0 : i32
    %dma_start3A_480 = tpu.memref_slice %arg7[%dma_start3A_466, %dma_start3A_478, %dma_start3A_479] : memref<4x2x64xi32, #tpu.memory_space<vmem>> -> memref<1x2x64xi32, #tpu.memory_space<vmem>>
    %dma_start3A_481 = tpu.memref_squeeze %dma_start3A_480 : memref<1x2x64xi32, #tpu.memory_space<vmem>> -> memref<2x64xi32, #tpu.memory_space<vmem>>
    %dma_start3A_482 = arith.constant 0 : i32
    %dma_start3A_483 = arith.constant 0 : i32
    %dma_start3A_484 = tpu.memref_slice %arg2[%add3A_465, %dma_start3A_482, %dma_start3A_483] : memref<5024x2x64xi32, #tpu.memory_space<hbm>> -> memref<1x2x64xi32, #tpu.memory_space<hbm>>
    %dma_start3A_485 = tpu.memref_squeeze %dma_start3A_484 : memref<1x2x64xi32, #tpu.memory_space<hbm>> -> memref<2x64xi32, #tpu.memory_space<hbm>>
    tpu.enqueue_dma source(%dma_start3A_485 : memref<2x64xi32, #tpu.memory_space<hbm>>) target(%dma_start3A_481 : memref<2x64xi32, #tpu.memory_space<vmem>>) target_semaphore(%dma_start3A_477 : memref<!tpu.dma_semaphore, #tpu.memory_space<semaphore_mem>>)
    %mul3A_486 = arith.constant 64 : i32
    %mul3A_487 = arith.muli %add3A_465, %mul3A_486 : i32
    %dma_start3A_488 = arith.constant 2 : i32
    %dma_start3A_489 = arith.constant 2 : i32
    %dma_start3A_490 = arith.constant 0 : i32
    %dma_start3A_491 = tpu.memref_slice %arg8[%dma_start3A_488, %dma_start3A_490] : memref<4x64xf32, #tpu.memory_space<vmem>> -> memref<1x64xf32, #tpu.memory_space<vmem>>
    %dma_start3A_492 = tpu.memref_squeeze %dma_start3A_491 : memref<1x64xf32, #tpu.memory_space<vmem>> -> memref<64xf32, #tpu.memory_space<vmem>>
    %dma_start3A_493 = tpu.memref_slice %arg3[%mul3A_487] : memref<321536xf32, #tpu.memory_space<hbm>> -> memref<64xf32, #tpu.memory_space<hbm>>
    %dma_start3A_494 = tpu.memref_slice %arg16[%dma_start3A_489] : memref<4x!tpu.dma_semaphore, #tpu.memory_space<semaphore_mem>> -> memref<1x!tpu.dma_semaphore, #tpu.memory_space<semaphore_mem>>
    %dma_start3A_495 = tpu.memref_squeeze %dma_start3A_494 : memref<1x!tpu.dma_semaphore, #tpu.memory_space<semaphore_mem>> -> memref<!tpu.dma_semaphore, #tpu.memory_space<semaphore_mem>>
    %dma_start3A_496 = arith.constant 0 : i32
    %dma_start3A_497 = tpu.memref_slice %arg8[%dma_start3A_488, %dma_start3A_496] : memref<4x64xf32, #tpu.memory_space<vmem>> -> memref<1x64xf32, #tpu.memory_space<vmem>>
    %dma_start3A_498 = tpu.memref_squeeze %dma_start3A_497 : memref<1x64xf32, #tpu.memory_space<vmem>> -> memref<64xf32, #tpu.memory_space<vmem>>
    %dma_start3A_499 = tpu.memref_slice %arg3[%mul3A_487] : memref<321536xf32, #tpu.memory_space<hbm>> -> memref<64xf32, #tpu.memory_space<hbm>>
    tpu.enqueue_dma source(%dma_start3A_499 : memref<64xf32, #tpu.memory_space<hbm>>) target(%dma_start3A_498 : memref<64xf32, #tpu.memory_space<vmem>>) target_semaphore(%dma_start3A_495 : memref<!tpu.dma_semaphore, #tpu.memory_space<semaphore_mem>>)
    %add3A_500 = arith.constant 3 : i32
    %add3A_501 = arith.addi %mul3A_391, %add3A_500 : i32
    %dma_start3A_502 = arith.constant 3 : i32
    %dma_start3A_503 = arith.constant 3 : i32
    %dma_start3A_504 = arith.constant 0 : i32
    %dma_start3A_505 = arith.constant 0 : i32
    %dma_start3A_506 = tpu.memref_slice %arg7[%dma_start3A_502, %dma_start3A_504, %dma_start3A_505] : memref<4x2x64xi32, #tpu.memory_space<vmem>> -> memref<1x2x64xi32, #tpu.memory_space<vmem>>
    %dma_start3A_507 = tpu.memref_squeeze %dma_start3A_506 : memref<1x2x64xi32, #tpu.memory_space<vmem>> -> memref<2x64xi32, #tpu.memory_space<vmem>>
    %dma_start3A_508 = arith.constant 0 : i32
    %dma_start3A_509 = arith.constant 0 : i32
    %dma_start3A_510 = tpu.memref_slice %arg2[%add3A_501, %dma_start3A_508, %dma_start3A_509] : memref<5024x2x64xi32, #tpu.memory_space<hbm>> -> memref<1x2x64xi32, #tpu.memory_space<hbm>>
    %dma_start3A_511 = tpu.memref_squeeze %dma_start3A_510 : memref<1x2x64xi32, #tpu.memory_space<hbm>> -> memref<2x64xi32, #tpu.memory_space<hbm>>
    %dma_start3A_512 = tpu.memref_slice %arg16[%dma_start3A_503] : memref<4x!tpu.dma_semaphore, #tpu.memory_space<semaphore_mem>> -> memref<1x!tpu.dma_semaphore, #tpu.memory_space<semaphore_mem>>
    %dma_start3A_513 = tpu.memref_squeeze %dma_start3A_512 : memref<1x!tpu.dma_semaphore, #tpu.memory_space<semaphore_mem>> -> memref<!tpu.dma_semaphore, #tpu.memory_space<semaphore_mem>>
    %dma_start3A_514 = arith.constant 0 : i32
    %dma_start3A_515 = arith.constant 0 : i32
    %dma_start3A_516 = tpu.memref_slice %arg7[%dma_start3A_502, %dma_start3A_514, %dma_start3A_515] : memref<4x2x64xi32, #tpu.memory_space<vmem>> -> memref<1x2x64xi32, #tpu.memory_space<vmem>>
    %dma_start3A_517 = tpu.memref_squeeze %dma_start3A_516 : memref<1x2x64xi32, #tpu.memory_space<vmem>> -> memref<2x64xi32, #tpu.memory_space<vmem>>
    %dma_start3A_518 = arith.constant 0 : i32
    %dma_start3A_519 = arith.constant 0 : i32
    %dma_start3A_520 = tpu.memref_slice %arg2[%add3A_501, %dma_start3A_518, %dma_start3A_519] : memref<5024x2x64xi32, #tpu.memory_space<hbm>> -> memref<1x2x64xi32, #tpu.memory_space<hbm>>
    %dma_start3A_521 = tpu.memref_squeeze %dma_start3A_520 : memref<1x2x64xi32, #tpu.memory_space<hbm>> -> memref<2x64xi32, #tpu.memory_space<hbm>>
    tpu.enqueue_dma source(%dma_start3A_521 : memref<2x64xi32, #tpu.memory_space<hbm>>) target(%dma_start3A_517 : memref<2x64xi32, #tpu.memory_space<vmem>>) target_semaphore(%dma_start3A_513 : memref<!tpu.dma_semaphore, #tpu.memory_space<semaphore_mem>>)
    %mul3A_522 = arith.constant 64 : i32
    %mul3A_523 = arith.muli %add3A_501, %mul3A_522 : i32
    %dma_start3A_524 = arith.constant 3 : i32
    %dma_start3A_525 = arith.constant 3 : i32
    %dma_start3A_526 = arith.constant 0 : i32
    %dma_start3A_527 = tpu.memref_slice %arg8[%dma_start3A_524, %dma_start3A_526] : memref<4x64xf32, #tpu.memory_space<vmem>> -> memref<1x64xf32, #tpu.memory_space<vmem>>
    %dma_start3A_528 = tpu.memref_squeeze %dma_start3A_527 : memref<1x64xf32, #tpu.memory_space<vmem>> -> memref<64xf32, #tpu.memory_space<vmem>>
    %dma_start3A_529 = tpu.memref_slice %arg3[%mul3A_523] : memref<321536xf32, #tpu.memory_space<hbm>> -> memref<64xf32, #tpu.memory_space<hbm>>
    %dma_start3A_530 = tpu.memref_slice %arg16[%dma_start3A_525] : memref<4x!tpu.dma_semaphore, #tpu.memory_space<semaphore_mem>> -> memref<1x!tpu.dma_semaphore, #tpu.memory_space<semaphore_mem>>
    %dma_start3A_531 = tpu.memref_squeeze %dma_start3A_530 : memref<1x!tpu.dma_semaphore, #tpu.memory_space<semaphore_mem>> -> memref<!tpu.dma_semaphore, #tpu.memory_space<semaphore_mem>>
    %dma_start3A_532 = arith.constant 0 : i32
    %dma_start3A_533 = tpu.memref_slice %arg8[%dma_start3A_524, %dma_start3A_532] : memref<4x64xf32, #tpu.memory_space<vmem>> -> memref<1x64xf32, #tpu.memory_space<vmem>>
    %dma_start3A_534 = tpu.memref_squeeze %dma_start3A_533 : memref<1x64xf32, #tpu.memory_space<vmem>> -> memref<64xf32, #tpu.memory_space<vmem>>
    %dma_start3A_535 = tpu.memref_slice %arg3[%mul3A_523] : memref<321536xf32, #tpu.memory_space<hbm>> -> memref<64xf32, #tpu.memory_space<hbm>>
    tpu.enqueue_dma source(%dma_start3A_535 : memref<64xf32, #tpu.memory_space<hbm>>) target(%dma_start3A_534 : memref<64xf32, #tpu.memory_space<vmem>>) target_semaphore(%dma_start3A_531 : memref<!tpu.dma_semaphore, #tpu.memory_space<semaphore_mem>>)
    %scan3A_536 = arith.constant 0 : i32
    %scan3A_537 = arith.constant 80 : i32
    %scan3A_538 = arith.addi %scan3A_536, %scan3A_537 : i32
    %scan3A_539 = arith.constant 1 : i32
    scf.for %scan3A_833 = %scan3A_536 to %scan3A_538 step %scan3A_539  : i32 {
      %mul3A_834 = arith.constant 1 : i32
      %mul3A_835 = arith.muli %scan3A_833, %mul3A_834 : i32
      %add3A_836 = arith.constant 0 : i32
      %add3A_837 = arith.addi %add3A_836, %mul3A_835 : i32
      %mul3A_838 = arith.constant 4 : i32
      %mul3A_839 = arith.muli %add3A_837, %mul3A_838 : i32
      %add3A_840 = arith.constant 0 : i32
      %add3A_841 = arith.addi %mul3A_839, %add3A_840 : i32
      %lt3A = arith.constant 314 : i32
      %lt3A_842 = arith.cmpi slt, %add3A_841, %lt3A : i32
      %convert_element_type3A_843 = arith.extui %lt3A_842 : i1 to i32
      %cond3A_844 = arith.constant 0 : i32
      %cond3A_845 = arith.cmpi ne, %convert_element_type3A_843, %cond3A_844 : i32
      scf.if %cond3A_845 {
        %add3A_911 = arith.addi %mul3A_391, %add3A_841 : i32
        %dma_wait3A_912 = arith.constant 0 : i32
        %dma_wait3A_913 = arith.constant 0 : i32
        %dma_wait3A_914 = arith.constant 0 : i32
        %dma_wait3A_915 = arith.constant 0 : i32
        %dma_wait3A_916 = tpu.memref_slice %arg7[%dma_wait3A_912, %dma_wait3A_914, %dma_wait3A_915] : memref<4x2x64xi32, #tpu.memory_space<vmem>> -> memref<1x2x64xi32, #tpu.memory_space<vmem>>
        %dma_wait3A_917 = tpu.memref_squeeze %dma_wait3A_916 : memref<1x2x64xi32, #tpu.memory_space<vmem>> -> memref<2x64xi32, #tpu.memory_space<vmem>>
        %dma_wait3A_918 = arith.constant 0 : i32
        %dma_wait3A_919 = arith.constant 0 : i32
        %dma_wait3A_920 = tpu.memref_slice %arg2[%add3A_911, %dma_wait3A_918, %dma_wait3A_919] : memref<5024x2x64xi32, #tpu.memory_space<hbm>> -> memref<1x2x64xi32, #tpu.memory_space<hbm>>
        %dma_wait3A_921 = tpu.memref_squeeze %dma_wait3A_920 : memref<1x2x64xi32, #tpu.memory_space<hbm>> -> memref<2x64xi32, #tpu.memory_space<hbm>>
        %dma_wait3A_922 = tpu.memref_slice %arg16[%dma_wait3A_913] : memref<4x!tpu.dma_semaphore, #tpu.memory_space<semaphore_mem>> -> memref<1x!tpu.dma_semaphore, #tpu.memory_space<semaphore_mem>>
        %dma_wait3A_923 = tpu.memref_squeeze %dma_wait3A_922 : memref<1x!tpu.dma_semaphore, #tpu.memory_space<semaphore_mem>> -> memref<!tpu.dma_semaphore, #tpu.memory_space<semaphore_mem>>
        %dma_wait3A_924 = arith.constant 0 : i32
        %dma_wait3A_925 = arith.constant 0 : i32
        %dma_wait3A_926 = tpu.memref_slice %arg7[%dma_wait3A_912, %dma_wait3A_924, %dma_wait3A_925] : memref<4x2x64xi32, #tpu.memory_space<vmem>> -> memref<1x2x64xi32, #tpu.memory_space<vmem>>
        %dma_wait3A_927 = tpu.memref_squeeze %dma_wait3A_926 : memref<1x2x64xi32, #tpu.memory_space<vmem>> -> memref<2x64xi32, #tpu.memory_space<vmem>>
        %dma_wait3A_928 = arith.constant 0 : i32
        %dma_wait3A_929 = arith.constant 0 : i32
        %dma_wait3A_930 = tpu.memref_slice %arg2[%add3A_911, %dma_wait3A_928, %dma_wait3A_929] : memref<5024x2x64xi32, #tpu.memory_space<hbm>> -> memref<1x2x64xi32, #tpu.memory_space<hbm>>
        %dma_wait3A_931 = tpu.memref_squeeze %dma_wait3A_930 : memref<1x2x64xi32, #tpu.memory_space<hbm>> -> memref<2x64xi32, #tpu.memory_space<hbm>>
        tpu.wait_dma2 semaphore(%dma_wait3A_923 : memref<!tpu.dma_semaphore, #tpu.memory_space<semaphore_mem>>) src(%dma_wait3A_931 : memref<2x64xi32, #tpu.memory_space<hbm>>) dst(%dma_wait3A_927 : memref<2x64xi32, #tpu.memory_space<vmem>>)
        %mul3A_932 = arith.constant 64 : i32
        %mul3A_933 = arith.muli %add3A_911, %mul3A_932 : i32
        %dma_wait3A_934 = arith.constant 0 : i32
        %dma_wait3A_935 = arith.constant 0 : i32
        %dma_wait3A_936 = arith.constant 0 : i32
        %dma_wait3A_937 = tpu.memref_slice %arg8[%dma_wait3A_934, %dma_wait3A_936] : memref<4x64xf32, #tpu.memory_space<vmem>> -> memref<1x64xf32, #tpu.memory_space<vmem>>
        %dma_wait3A_938 = tpu.memref_squeeze %dma_wait3A_937 : memref<1x64xf32, #tpu.memory_space<vmem>> -> memref<64xf32, #tpu.memory_space<vmem>>
        %dma_wait3A_939 = tpu.memref_slice %arg3[%mul3A_933] : memref<321536xf32, #tpu.memory_space<hbm>> -> memref<64xf32, #tpu.memory_space<hbm>>
        %dma_wait3A_940 = tpu.memref_slice %arg16[%dma_wait3A_935] : memref<4x!tpu.dma_semaphore, #tpu.memory_space<semaphore_mem>> -> memref<1x!tpu.dma_semaphore, #tpu.memory_space<semaphore_mem>>
        %dma_wait3A_941 = tpu.memref_squeeze %dma_wait3A_940 : memref<1x!tpu.dma_semaphore, #tpu.memory_space<semaphore_mem>> -> memref<!tpu.dma_semaphore, #tpu.memory_space<semaphore_mem>>
        %dma_wait3A_942 = arith.constant 0 : i32
        %dma_wait3A_943 = tpu.memref_slice %arg8[%dma_wait3A_934, %dma_wait3A_942] : memref<4x64xf32, #tpu.memory_space<vmem>> -> memref<1x64xf32, #tpu.memory_space<vmem>>
        %dma_wait3A_944 = tpu.memref_squeeze %dma_wait3A_943 : memref<1x64xf32, #tpu.memory_space<vmem>> -> memref<64xf32, #tpu.memory_space<vmem>>
        %dma_wait3A_945 = tpu.memref_slice %arg3[%mul3A_933] : memref<321536xf32, #tpu.memory_space<hbm>> -> memref<64xf32, #tpu.memory_space<hbm>>
        tpu.wait_dma2 semaphore(%dma_wait3A_941 : memref<!tpu.dma_semaphore, #tpu.memory_space<semaphore_mem>>) src(%dma_wait3A_945 : memref<64xf32, #tpu.memory_space<hbm>>) dst(%dma_wait3A_944 : memref<64xf32, #tpu.memory_space<vmem>>)
        %dma_start3A_946 = arith.constant 0 : i32
        %dma_start3A_947 = arith.constant 0 : i32
        %dma_start3A_948 = arith.constant 1 : i32
        %dma_start3A_949 = arith.constant 0 : i32
        %dma_start3A_950 = arith.constant 0 : i32
        %dma_start3A_951 = tpu.memref_slice %arg8[%dma_start3A_946, %dma_start3A_950] : memref<4x64xf32, #tpu.memory_space<vmem>> -> memref<1x64xf32, #tpu.memory_space<vmem>>
        %dma_start3A_952 = tpu.memref_squeeze %dma_start3A_951 : memref<1x64xf32, #tpu.memory_space<vmem>> -> memref<64xf32, #tpu.memory_space<vmem>>
        %dma_start3A_953 = arith.constant 0 : i32
        %dma_start3A_954 = tpu.memref_slice %arg7[%dma_start3A_947, %dma_start3A_948, %dma_start3A_953] : memref<4x2x64xi32, #tpu.memory_space<vmem>> -> memref<1x1x64xi32, #tpu.memory_space<vmem>>
        %dma_start3A_955 = tpu.memref_squeeze %dma_start3A_954 : memref<1x1x64xi32, #tpu.memory_space<vmem>> -> memref<64xi32, #tpu.memory_space<vmem>>
        %dma_start3A_956 = arith.constant 0 : i32
        %dma_start3A_957 = tpu.memref_slice %arg14[%dma_start3A_956] : memref<10240xf32, #tpu.memory_space<vmem_shared>> -> memref<10240xf32, #tpu.memory_space<vmem_shared>>
        %dma_start3A_958 = tpu.memref_slice %arg18[%dma_start3A_949] : memref<4x!tpu.dma_semaphore, #tpu.memory_space<semaphore_mem>> -> memref<1x!tpu.dma_semaphore, #tpu.memory_space<semaphore_mem>>
        %dma_start3A_959 = tpu.memref_squeeze %dma_start3A_958 : memref<1x!tpu.dma_semaphore, #tpu.memory_space<semaphore_mem>> -> memref<!tpu.dma_semaphore, #tpu.memory_space<semaphore_mem>>
        tpu.enqueue_indirect_dma source(%dma_start3A_952 : memref<64xf32, #tpu.memory_space<vmem>>) target(%dma_start3A_957 : memref<10240xf32, #tpu.memory_space<vmem_shared>>) offsets(%dma_start3A_955 : memref<64xi32, #tpu.memory_space<vmem>>) semaphore(%dma_start3A_959 : memref<!tpu.dma_semaphore, #tpu.memory_space<semaphore_mem>>) {add = true}
      } else {
      }
      %ge3A = arith.constant 2 : i32
      %ge3A_846 = arith.cmpi sge, %add3A_841, %ge3A : i32
      %add3A_847 = arith.constant 2 : i32
      %add3A_848 = arith.addi %add3A_841, %add3A_847 : i32
      %lt3A_849 = arith.constant 314 : i32
      %lt3A_850 = arith.cmpi slt, %add3A_848, %lt3A_849 : i32
      %and3A = arith.andi %ge3A_846, %lt3A_850 : i1
      %convert_element_type3A_851 = arith.extui %and3A : i1 to i32
      %cond3A_852 = arith.constant 0 : i32
      %cond3A_853 = arith.cmpi ne, %convert_element_type3A_851, %cond3A_852 : i32
      scf.if %cond3A_853 {
        %dma_wait3A_911 = arith.constant 2 : i32
        %dma_wait3A_912 = arith.constant 2 : i32
        %dma_wait3A_913 = arith.constant 1 : i32
        %dma_wait3A_914 = arith.constant 2 : i32
        %dma_wait3A_915 = arith.constant 0 : i32
        %dma_wait3A_916 = tpu.memref_slice %arg8[%dma_wait3A_911, %dma_wait3A_915] : memref<4x64xf32, #tpu.memory_space<vmem>> -> memref<1x64xf32, #tpu.memory_space<vmem>>
        %dma_wait3A_917 = tpu.memref_squeeze %dma_wait3A_916 : memref<1x64xf32, #tpu.memory_space<vmem>> -> memref<64xf32, #tpu.memory_space<vmem>>
        %dma_wait3A_918 = arith.constant 0 : i32
        %dma_wait3A_919 = tpu.memref_slice %arg7[%dma_wait3A_912, %dma_wait3A_913, %dma_wait3A_918] : memref<4x2x64xi32, #tpu.memory_space<vmem>> -> memref<1x1x64xi32, #tpu.memory_space<vmem>>
        %dma_wait3A_920 = tpu.memref_squeeze %dma_wait3A_919 : memref<1x1x64xi32, #tpu.memory_space<vmem>> -> memref<64xi32, #tpu.memory_space<vmem>>
        %dma_wait3A_921 = arith.constant 0 : i32
        %dma_wait3A_922 = tpu.memref_slice %arg14[%dma_wait3A_921] : memref<10240xf32, #tpu.memory_space<vmem_shared>> -> memref<10240xf32, #tpu.memory_space<vmem_shared>>
        %dma_wait3A_923 = tpu.memref_slice %arg18[%dma_wait3A_914] : memref<4x!tpu.dma_semaphore, #tpu.memory_space<semaphore_mem>> -> memref<1x!tpu.dma_semaphore, #tpu.memory_space<semaphore_mem>>
        %dma_wait3A_924 = tpu.memref_squeeze %dma_wait3A_923 : memref<1x!tpu.dma_semaphore, #tpu.memory_space<semaphore_mem>> -> memref<!tpu.dma_semaphore, #tpu.memory_space<semaphore_mem>>
        tpu.wait_indirect_dma semaphore(%dma_wait3A_924 : memref<!tpu.dma_semaphore, #tpu.memory_space<semaphore_mem>>) src(%dma_wait3A_917 : memref<64xf32, #tpu.memory_space<vmem>>) dst(%dma_wait3A_922 : memref<10240xf32, #tpu.memory_space<vmem_shared>>)
        %add3A_925 = arith.addi %mul3A_391, %add3A_841 : i32
        %add3A_926 = arith.constant 2 : i32
        %add3A_927 = arith.addi %add3A_925, %add3A_926 : i32
        %dma_start3A_928 = arith.constant 2 : i32
        %dma_start3A_929 = arith.constant 2 : i32
        %dma_start3A_930 = arith.constant 0 : i32
        %dma_start3A_931 = arith.constant 0 : i32
        %dma_start3A_932 = tpu.memref_slice %arg7[%dma_start3A_928, %dma_start3A_930, %dma_start3A_931] : memref<4x2x64xi32, #tpu.memory_space<vmem>> -> memref<1x2x64xi32, #tpu.memory_space<vmem>>
        %dma_start3A_933 = tpu.memref_squeeze %dma_start3A_932 : memref<1x2x64xi32, #tpu.memory_space<vmem>> -> memref<2x64xi32, #tpu.memory_space<vmem>>
        %dma_start3A_934 = arith.constant 0 : i32
        %dma_start3A_935 = arith.constant 0 : i32
        %dma_start3A_936 = tpu.memref_slice %arg2[%add3A_927, %dma_start3A_934, %dma_start3A_935] : memref<5024x2x64xi32, #tpu.memory_space<hbm>> -> memref<1x2x64xi32, #tpu.memory_space<hbm>>
        %dma_start3A_937 = tpu.memref_squeeze %dma_start3A_936 : memref<1x2x64xi32, #tpu.memory_space<hbm>> -> memref<2x64xi32, #tpu.memory_space<hbm>>
        %dma_start3A_938 = tpu.memref_slice %arg16[%dma_start3A_929] : memref<4x!tpu.dma_semaphore, #tpu.memory_space<semaphore_mem>> -> memref<1x!tpu.dma_semaphore, #tpu.memory_space<semaphore_mem>>
        %dma_start3A_939 = tpu.memref_squeeze %dma_start3A_938 : memref<1x!tpu.dma_semaphore, #tpu.memory_space<semaphore_mem>> -> memref<!tpu.dma_semaphore, #tpu.memory_space<semaphore_mem>>
        %dma_start3A_940 = arith.constant 0 : i32
        %dma_start3A_941 = arith.constant 0 : i32
        %dma_start3A_942 = tpu.memref_slice %arg7[%dma_start3A_928, %dma_start3A_940, %dma_start3A_941] : memref<4x2x64xi32, #tpu.memory_space<vmem>> -> memref<1x2x64xi32, #tpu.memory_space<vmem>>
        %dma_start3A_943 = tpu.memref_squeeze %dma_start3A_942 : memref<1x2x64xi32, #tpu.memory_space<vmem>> -> memref<2x64xi32, #tpu.memory_space<vmem>>
        %dma_start3A_944 = arith.constant 0 : i32
        %dma_start3A_945 = arith.constant 0 : i32
        %dma_start3A_946 = tpu.memref_slice %arg2[%add3A_927, %dma_start3A_944, %dma_start3A_945] : memref<5024x2x64xi32, #tpu.memory_space<hbm>> -> memref<1x2x64xi32, #tpu.memory_space<hbm>>
        %dma_start3A_947 = tpu.memref_squeeze %dma_start3A_946 : memref<1x2x64xi32, #tpu.memory_space<hbm>> -> memref<2x64xi32, #tpu.memory_space<hbm>>
        tpu.enqueue_dma source(%dma_start3A_947 : memref<2x64xi32, #tpu.memory_space<hbm>>) target(%dma_start3A_943 : memref<2x64xi32, #tpu.memory_space<vmem>>) target_semaphore(%dma_start3A_939 : memref<!tpu.dma_semaphore, #tpu.memory_space<semaphore_mem>>)
        %mul3A_948 = arith.constant 64 : i32
        %mul3A_949 = arith.muli %add3A_927, %mul3A_948 : i32
        %dma_start3A_950 = arith.constant 2 : i32
        %dma_start3A_951 = arith.constant 2 : i32
        %dma_start3A_952 = arith.constant 0 : i32
        %dma_start3A_953 = tpu.memref_slice %arg8[%dma_start3A_950, %dma_start3A_952] : memref<4x64xf32, #tpu.memory_space<vmem>> -> memref<1x64xf32, #tpu.memory_space<vmem>>
        %dma_start3A_954 = tpu.memref_squeeze %dma_start3A_953 : memref<1x64xf32, #tpu.memory_space<vmem>> -> memref<64xf32, #tpu.memory_space<vmem>>
        %dma_start3A_955 = tpu.memref_slice %arg3[%mul3A_949] : memref<321536xf32, #tpu.memory_space<hbm>> -> memref<64xf32, #tpu.memory_space<hbm>>
        %dma_start3A_956 = tpu.memref_slice %arg16[%dma_start3A_951] : memref<4x!tpu.dma_semaphore, #tpu.memory_space<semaphore_mem>> -> memref<1x!tpu.dma_semaphore, #tpu.memory_space<semaphore_mem>>
        %dma_start3A_957 = tpu.memref_squeeze %dma_start3A_956 : memref<1x!tpu.dma_semaphore, #tpu.memory_space<semaphore_mem>> -> memref<!tpu.dma_semaphore, #tpu.memory_space<semaphore_mem>>
        %dma_start3A_958 = arith.constant 0 : i32
        %dma_start3A_959 = tpu.memref_slice %arg8[%dma_start3A_950, %dma_start3A_958] : memref<4x64xf32, #tpu.memory_space<vmem>> -> memref<1x64xf32, #tpu.memory_space<vmem>>
        %dma_start3A_960 = tpu.memref_squeeze %dma_start3A_959 : memref<1x64xf32, #tpu.memory_space<vmem>> -> memref<64xf32, #tpu.memory_space<vmem>>
        %dma_start3A_961 = tpu.memref_slice %arg3[%mul3A_949] : memref<321536xf32, #tpu.memory_space<hbm>> -> memref<64xf32, #tpu.memory_space<hbm>>
        tpu.enqueue_dma source(%dma_start3A_961 : memref<64xf32, #tpu.memory_space<hbm>>) target(%dma_start3A_960 : memref<64xf32, #tpu.memory_space<vmem>>) target_semaphore(%dma_start3A_957 : memref<!tpu.dma_semaphore, #tpu.memory_space<semaphore_mem>>)
      } else {
      }
      %mul3A_854 = arith.constant 4 : i32
      %mul3A_855 = arith.muli %add3A_837, %mul3A_854 : i32
      %add3A_856 = arith.constant 1 : i32
      %add3A_857 = arith.addi %mul3A_855, %add3A_856 : i32
      %lt3A_858 = arith.constant 314 : i32
      %lt3A_859 = arith.cmpi slt, %add3A_857, %lt3A_858 : i32
      %convert_element_type3A_860 = arith.extui %lt3A_859 : i1 to i32
      %cond3A_861 = arith.constant 0 : i32
      %cond3A_862 = arith.cmpi ne, %convert_element_type3A_860, %cond3A_861 : i32
      scf.if %cond3A_862 {
        %add3A_911 = arith.addi %mul3A_391, %add3A_857 : i32
        %dma_wait3A_912 = arith.constant 1 : i32
        %dma_wait3A_913 = arith.constant 1 : i32
        %dma_wait3A_914 = arith.constant 0 : i32
        %dma_wait3A_915 = arith.constant 0 : i32
        %dma_wait3A_916 = tpu.memref_slice %arg7[%dma_wait3A_912, %dma_wait3A_914, %dma_wait3A_915] : memref<4x2x64xi32, #tpu.memory_space<vmem>> -> memref<1x2x64xi32, #tpu.memory_space<vmem>>
        %dma_wait3A_917 = tpu.memref_squeeze %dma_wait3A_916 : memref<1x2x64xi32, #tpu.memory_space<vmem>> -> memref<2x64xi32, #tpu.memory_space<vmem>>
        %dma_wait3A_918 = arith.constant 0 : i32
        %dma_wait3A_919 = arith.constant 0 : i32
        %dma_wait3A_920 = tpu.memref_slice %arg2[%add3A_911, %dma_wait3A_918, %dma_wait3A_919] : memref<5024x2x64xi32, #tpu.memory_space<hbm>> -> memref<1x2x64xi32, #tpu.memory_space<hbm>>
        %dma_wait3A_921 = tpu.memref_squeeze %dma_wait3A_920 : memref<1x2x64xi32, #tpu.memory_space<hbm>> -> memref<2x64xi32, #tpu.memory_space<hbm>>
        %dma_wait3A_922 = tpu.memref_slice %arg16[%dma_wait3A_913] : memref<4x!tpu.dma_semaphore, #tpu.memory_space<semaphore_mem>> -> memref<1x!tpu.dma_semaphore, #tpu.memory_space<semaphore_mem>>
        %dma_wait3A_923 = tpu.memref_squeeze %dma_wait3A_922 : memref<1x!tpu.dma_semaphore, #tpu.memory_space<semaphore_mem>> -> memref<!tpu.dma_semaphore, #tpu.memory_space<semaphore_mem>>
        %dma_wait3A_924 = arith.constant 0 : i32
        %dma_wait3A_925 = arith.constant 0 : i32
        %dma_wait3A_926 = tpu.memref_slice %arg7[%dma_wait3A_912, %dma_wait3A_924, %dma_wait3A_925] : memref<4x2x64xi32, #tpu.memory_space<vmem>> -> memref<1x2x64xi32, #tpu.memory_space<vmem>>
        %dma_wait3A_927 = tpu.memref_squeeze %dma_wait3A_926 : memref<1x2x64xi32, #tpu.memory_space<vmem>> -> memref<2x64xi32, #tpu.memory_space<vmem>>
        %dma_wait3A_928 = arith.constant 0 : i32
        %dma_wait3A_929 = arith.constant 0 : i32
        %dma_wait3A_930 = tpu.memref_slice %arg2[%add3A_911, %dma_wait3A_928, %dma_wait3A_929] : memref<5024x2x64xi32, #tpu.memory_space<hbm>> -> memref<1x2x64xi32, #tpu.memory_space<hbm>>
        %dma_wait3A_931 = tpu.memref_squeeze %dma_wait3A_930 : memref<1x2x64xi32, #tpu.memory_space<hbm>> -> memref<2x64xi32, #tpu.memory_space<hbm>>
        tpu.wait_dma2 semaphore(%dma_wait3A_923 : memref<!tpu.dma_semaphore, #tpu.memory_space<semaphore_mem>>) src(%dma_wait3A_931 : memref<2x64xi32, #tpu.memory_space<hbm>>) dst(%dma_wait3A_927 : memref<2x64xi32, #tpu.memory_space<vmem>>)
        %mul3A_932 = arith.constant 64 : i32
        %mul3A_933 = arith.muli %add3A_911, %mul3A_932 : i32
        %dma_wait3A_934 = arith.constant 1 : i32
        %dma_wait3A_935 = arith.constant 1 : i32
        %dma_wait3A_936 = arith.constant 0 : i32
        %dma_wait3A_937 = tpu.memref_slice %arg8[%dma_wait3A_934, %dma_wait3A_936] : memref<4x64xf32, #tpu.memory_space<vmem>> -> memref<1x64xf32, #tpu.memory_space<vmem>>
        %dma_wait3A_938 = tpu.memref_squeeze %dma_wait3A_937 : memref<1x64xf32, #tpu.memory_space<vmem>> -> memref<64xf32, #tpu.memory_space<vmem>>
        %dma_wait3A_939 = tpu.memref_slice %arg3[%mul3A_933] : memref<321536xf32, #tpu.memory_space<hbm>> -> memref<64xf32, #tpu.memory_space<hbm>>
        %dma_wait3A_940 = tpu.memref_slice %arg16[%dma_wait3A_935] : memref<4x!tpu.dma_semaphore, #tpu.memory_space<semaphore_mem>> -> memref<1x!tpu.dma_semaphore, #tpu.memory_space<semaphore_mem>>
        %dma_wait3A_941 = tpu.memref_squeeze %dma_wait3A_940 : memref<1x!tpu.dma_semaphore, #tpu.memory_space<semaphore_mem>> -> memref<!tpu.dma_semaphore, #tpu.memory_space<semaphore_mem>>
        %dma_wait3A_942 = arith.constant 0 : i32
        %dma_wait3A_943 = tpu.memref_slice %arg8[%dma_wait3A_934, %dma_wait3A_942] : memref<4x64xf32, #tpu.memory_space<vmem>> -> memref<1x64xf32, #tpu.memory_space<vmem>>
        %dma_wait3A_944 = tpu.memref_squeeze %dma_wait3A_943 : memref<1x64xf32, #tpu.memory_space<vmem>> -> memref<64xf32, #tpu.memory_space<vmem>>
        %dma_wait3A_945 = tpu.memref_slice %arg3[%mul3A_933] : memref<321536xf32, #tpu.memory_space<hbm>> -> memref<64xf32, #tpu.memory_space<hbm>>
        tpu.wait_dma2 semaphore(%dma_wait3A_941 : memref<!tpu.dma_semaphore, #tpu.memory_space<semaphore_mem>>) src(%dma_wait3A_945 : memref<64xf32, #tpu.memory_space<hbm>>) dst(%dma_wait3A_944 : memref<64xf32, #tpu.memory_space<vmem>>)
        %dma_start3A_946 = arith.constant 1 : i32
        %dma_start3A_947 = arith.constant 1 : i32
        %dma_start3A_948 = arith.constant 1 : i32
        %dma_start3A_949 = arith.constant 1 : i32
        %dma_start3A_950 = arith.constant 0 : i32
        %dma_start3A_951 = tpu.memref_slice %arg8[%dma_start3A_946, %dma_start3A_950] : memref<4x64xf32, #tpu.memory_space<vmem>> -> memref<1x64xf32, #tpu.memory_space<vmem>>
        %dma_start3A_952 = tpu.memref_squeeze %dma_start3A_951 : memref<1x64xf32, #tpu.memory_space<vmem>> -> memref<64xf32, #tpu.memory_space<vmem>>
        %dma_start3A_953 = arith.constant 0 : i32
        %dma_start3A_954 = tpu.memref_slice %arg7[%dma_start3A_947, %dma_start3A_948, %dma_start3A_953] : memref<4x2x64xi32, #tpu.memory_space<vmem>> -> memref<1x1x64xi32, #tpu.memory_space<vmem>>
        %dma_start3A_955 = tpu.memref_squeeze %dma_start3A_954 : memref<1x1x64xi32, #tpu.memory_space<vmem>> -> memref<64xi32, #tpu.memory_space<vmem>>
        %dma_start3A_956 = arith.constant 0 : i32
        %dma_start3A_957 = tpu.memref_slice %arg14[%dma_start3A_956] : memref<10240xf32, #tpu.memory_space<vmem_shared>> -> memref<10240xf32, #tpu.memory_space<vmem_shared>>
        %dma_start3A_958 = tpu.memref_slice %arg18[%dma_start3A_949] : memref<4x!tpu.dma_semaphore, #tpu.memory_space<semaphore_mem>> -> memref<1x!tpu.dma_semaphore, #tpu.memory_space<semaphore_mem>>
        %dma_start3A_959 = tpu.memref_squeeze %dma_start3A_958 : memref<1x!tpu.dma_semaphore, #tpu.memory_space<semaphore_mem>> -> memref<!tpu.dma_semaphore, #tpu.memory_space<semaphore_mem>>
        tpu.enqueue_indirect_dma source(%dma_start3A_952 : memref<64xf32, #tpu.memory_space<vmem>>) target(%dma_start3A_957 : memref<10240xf32, #tpu.memory_space<vmem_shared>>) offsets(%dma_start3A_955 : memref<64xi32, #tpu.memory_space<vmem>>) semaphore(%dma_start3A_959 : memref<!tpu.dma_semaphore, #tpu.memory_space<semaphore_mem>>) {add = true}
      } else {
      }
      %ge3A_863 = arith.constant 2 : i32
      %ge3A_864 = arith.cmpi sge, %add3A_857, %ge3A_863 : i32
      %add3A_865 = arith.constant 2 : i32
      %add3A_866 = arith.addi %add3A_857, %add3A_865 : i32
      %lt3A_867 = arith.constant 314 : i32
      %lt3A_868 = arith.cmpi slt, %add3A_866, %lt3A_867 : i32
      %and3A_869 = arith.andi %ge3A_864, %lt3A_868 : i1
      %convert_element_type3A_870 = arith.extui %and3A_869 : i1 to i32
      %cond3A_871 = arith.constant 0 : i32
      %cond3A_872 = arith.cmpi ne, %convert_element_type3A_870, %cond3A_871 : i32
      scf.if %cond3A_872 {
        %dma_wait3A_911 = arith.constant 3 : i32
        %dma_wait3A_912 = arith.constant 3 : i32
        %dma_wait3A_913 = arith.constant 1 : i32
        %dma_wait3A_914 = arith.constant 3 : i32
        %dma_wait3A_915 = arith.constant 0 : i32
        %dma_wait3A_916 = tpu.memref_slice %arg8[%dma_wait3A_911, %dma_wait3A_915] : memref<4x64xf32, #tpu.memory_space<vmem>> -> memref<1x64xf32, #tpu.memory_space<vmem>>
        %dma_wait3A_917 = tpu.memref_squeeze %dma_wait3A_916 : memref<1x64xf32, #tpu.memory_space<vmem>> -> memref<64xf32, #tpu.memory_space<vmem>>
        %dma_wait3A_918 = arith.constant 0 : i32
        %dma_wait3A_919 = tpu.memref_slice %arg7[%dma_wait3A_912, %dma_wait3A_913, %dma_wait3A_918] : memref<4x2x64xi32, #tpu.memory_space<vmem>> -> memref<1x1x64xi32, #tpu.memory_space<vmem>>
        %dma_wait3A_920 = tpu.memref_squeeze %dma_wait3A_919 : memref<1x1x64xi32, #tpu.memory_space<vmem>> -> memref<64xi32, #tpu.memory_space<vmem>>
        %dma_wait3A_921 = arith.constant 0 : i32
        %dma_wait3A_922 = tpu.memref_slice %arg14[%dma_wait3A_921] : memref<10240xf32, #tpu.memory_space<vmem_shared>> -> memref<10240xf32, #tpu.memory_space<vmem_shared>>
        %dma_wait3A_923 = tpu.memref_slice %arg18[%dma_wait3A_914] : memref<4x!tpu.dma_semaphore, #tpu.memory_space<semaphore_mem>> -> memref<1x!tpu.dma_semaphore, #tpu.memory_space<semaphore_mem>>
        %dma_wait3A_924 = tpu.memref_squeeze %dma_wait3A_923 : memref<1x!tpu.dma_semaphore, #tpu.memory_space<semaphore_mem>> -> memref<!tpu.dma_semaphore, #tpu.memory_space<semaphore_mem>>
        tpu.wait_indirect_dma semaphore(%dma_wait3A_924 : memref<!tpu.dma_semaphore, #tpu.memory_space<semaphore_mem>>) src(%dma_wait3A_917 : memref<64xf32, #tpu.memory_space<vmem>>) dst(%dma_wait3A_922 : memref<10240xf32, #tpu.memory_space<vmem_shared>>)
        %add3A_925 = arith.addi %mul3A_391, %add3A_857 : i32
        %add3A_926 = arith.constant 2 : i32
        %add3A_927 = arith.addi %add3A_925, %add3A_926 : i32
        %dma_start3A_928 = arith.constant 3 : i32
        %dma_start3A_929 = arith.constant 3 : i32
        %dma_start3A_930 = arith.constant 0 : i32
        %dma_start3A_931 = arith.constant 0 : i32
        %dma_start3A_932 = tpu.memref_slice %arg7[%dma_start3A_928, %dma_start3A_930, %dma_start3A_931] : memref<4x2x64xi32, #tpu.memory_space<vmem>> -> memref<1x2x64xi32, #tpu.memory_space<vmem>>
        %dma_start3A_933 = tpu.memref_squeeze %dma_start3A_932 : memref<1x2x64xi32, #tpu.memory_space<vmem>> -> memref<2x64xi32, #tpu.memory_space<vmem>>
        %dma_start3A_934 = arith.constant 0 : i32
        %dma_start3A_935 = arith.constant 0 : i32
        %dma_start3A_936 = tpu.memref_slice %arg2[%add3A_927, %dma_start3A_934, %dma_start3A_935] : memref<5024x2x64xi32, #tpu.memory_space<hbm>> -> memref<1x2x64xi32, #tpu.memory_space<hbm>>
        %dma_start3A_937 = tpu.memref_squeeze %dma_start3A_936 : memref<1x2x64xi32, #tpu.memory_space<hbm>> -> memref<2x64xi32, #tpu.memory_space<hbm>>
        %dma_start3A_938 = tpu.memref_slice %arg16[%dma_start3A_929] : memref<4x!tpu.dma_semaphore, #tpu.memory_space<semaphore_mem>> -> memref<1x!tpu.dma_semaphore, #tpu.memory_space<semaphore_mem>>
        %dma_start3A_939 = tpu.memref_squeeze %dma_start3A_938 : memref<1x!tpu.dma_semaphore, #tpu.memory_space<semaphore_mem>> -> memref<!tpu.dma_semaphore, #tpu.memory_space<semaphore_mem>>
        %dma_start3A_940 = arith.constant 0 : i32
        %dma_start3A_941 = arith.constant 0 : i32
        %dma_start3A_942 = tpu.memref_slice %arg7[%dma_start3A_928, %dma_start3A_940, %dma_start3A_941] : memref<4x2x64xi32, #tpu.memory_space<vmem>> -> memref<1x2x64xi32, #tpu.memory_space<vmem>>
        %dma_start3A_943 = tpu.memref_squeeze %dma_start3A_942 : memref<1x2x64xi32, #tpu.memory_space<vmem>> -> memref<2x64xi32, #tpu.memory_space<vmem>>
        %dma_start3A_944 = arith.constant 0 : i32
        %dma_start3A_945 = arith.constant 0 : i32
        %dma_start3A_946 = tpu.memref_slice %arg2[%add3A_927, %dma_start3A_944, %dma_start3A_945] : memref<5024x2x64xi32, #tpu.memory_space<hbm>> -> memref<1x2x64xi32, #tpu.memory_space<hbm>>
        %dma_start3A_947 = tpu.memref_squeeze %dma_start3A_946 : memref<1x2x64xi32, #tpu.memory_space<hbm>> -> memref<2x64xi32, #tpu.memory_space<hbm>>
        tpu.enqueue_dma source(%dma_start3A_947 : memref<2x64xi32, #tpu.memory_space<hbm>>) target(%dma_start3A_943 : memref<2x64xi32, #tpu.memory_space<vmem>>) target_semaphore(%dma_start3A_939 : memref<!tpu.dma_semaphore, #tpu.memory_space<semaphore_mem>>)
        %mul3A_948 = arith.constant 64 : i32
        %mul3A_949 = arith.muli %add3A_927, %mul3A_948 : i32
        %dma_start3A_950 = arith.constant 3 : i32
        %dma_start3A_951 = arith.constant 3 : i32
        %dma_start3A_952 = arith.constant 0 : i32
        %dma_start3A_953 = tpu.memref_slice %arg8[%dma_start3A_950, %dma_start3A_952] : memref<4x64xf32, #tpu.memory_space<vmem>> -> memref<1x64xf32, #tpu.memory_space<vmem>>
        %dma_start3A_954 = tpu.memref_squeeze %dma_start3A_953 : memref<1x64xf32, #tpu.memory_space<vmem>> -> memref<64xf32, #tpu.memory_space<vmem>>
        %dma_start3A_955 = tpu.memref_slice %arg3[%mul3A_949] : memref<321536xf32, #tpu.memory_space<hbm>> -> memref<64xf32, #tpu.memory_space<hbm>>
        %dma_start3A_956 = tpu.memref_slice %arg16[%dma_start3A_951] : memref<4x!tpu.dma_semaphore, #tpu.memory_space<semaphore_mem>> -> memref<1x!tpu.dma_semaphore, #tpu.memory_space<semaphore_mem>>
        %dma_start3A_957 = tpu.memref_squeeze %dma_start3A_956 : memref<1x!tpu.dma_semaphore, #tpu.memory_space<semaphore_mem>> -> memref<!tpu.dma_semaphore, #tpu.memory_space<semaphore_mem>>
        %dma_start3A_958 = arith.constant 0 : i32
        %dma_start3A_959 = tpu.memref_slice %arg8[%dma_start3A_950, %dma_start3A_958] : memref<4x64xf32, #tpu.memory_space<vmem>> -> memref<1x64xf32, #tpu.memory_space<vmem>>
        %dma_start3A_960 = tpu.memref_squeeze %dma_start3A_959 : memref<1x64xf32, #tpu.memory_space<vmem>> -> memref<64xf32, #tpu.memory_space<vmem>>
        %dma_start3A_961 = tpu.memref_slice %arg3[%mul3A_949] : memref<321536xf32, #tpu.memory_space<hbm>> -> memref<64xf32, #tpu.memory_space<hbm>>
        tpu.enqueue_dma source(%dma_start3A_961 : memref<64xf32, #tpu.memory_space<hbm>>) target(%dma_start3A_960 : memref<64xf32, #tpu.memory_space<vmem>>) target_semaphore(%dma_start3A_957 : memref<!tpu.dma_semaphore, #tpu.memory_space<semaphore_mem>>)
      } else {
      }
      %mul3A_873 = arith.constant 4 : i32
      %mul3A_874 = arith.muli %add3A_837, %mul3A_873 : i32
      %add3A_875 = arith.constant 2 : i32
      %add3A_876 = arith.addi %mul3A_874, %add3A_875 : i32
      %lt3A_877 = arith.constant 314 : i32
      %lt3A_878 = arith.cmpi slt, %add3A_876, %lt3A_877 : i32
      %convert_element_type3A_879 = arith.extui %lt3A_878 : i1 to i32
      %cond3A_880 = arith.constant 0 : i32
      %cond3A_881 = arith.cmpi ne, %convert_element_type3A_879, %cond3A_880 : i32
      scf.if %cond3A_881 {
        %add3A_911 = arith.addi %mul3A_391, %add3A_876 : i32
        %dma_wait3A_912 = arith.constant 2 : i32
        %dma_wait3A_913 = arith.constant 2 : i32
        %dma_wait3A_914 = arith.constant 0 : i32
        %dma_wait3A_915 = arith.constant 0 : i32
        %dma_wait3A_916 = tpu.memref_slice %arg7[%dma_wait3A_912, %dma_wait3A_914, %dma_wait3A_915] : memref<4x2x64xi32, #tpu.memory_space<vmem>> -> memref<1x2x64xi32, #tpu.memory_space<vmem>>
        %dma_wait3A_917 = tpu.memref_squeeze %dma_wait3A_916 : memref<1x2x64xi32, #tpu.memory_space<vmem>> -> memref<2x64xi32, #tpu.memory_space<vmem>>
        %dma_wait3A_918 = arith.constant 0 : i32
        %dma_wait3A_919 = arith.constant 0 : i32
        %dma_wait3A_920 = tpu.memref_slice %arg2[%add3A_911, %dma_wait3A_918, %dma_wait3A_919] : memref<5024x2x64xi32, #tpu.memory_space<hbm>> -> memref<1x2x64xi32, #tpu.memory_space<hbm>>
        %dma_wait3A_921 = tpu.memref_squeeze %dma_wait3A_920 : memref<1x2x64xi32, #tpu.memory_space<hbm>> -> memref<2x64xi32, #tpu.memory_space<hbm>>
        %dma_wait3A_922 = tpu.memref_slice %arg16[%dma_wait3A_913] : memref<4x!tpu.dma_semaphore, #tpu.memory_space<semaphore_mem>> -> memref<1x!tpu.dma_semaphore, #tpu.memory_space<semaphore_mem>>
        %dma_wait3A_923 = tpu.memref_squeeze %dma_wait3A_922 : memref<1x!tpu.dma_semaphore, #tpu.memory_space<semaphore_mem>> -> memref<!tpu.dma_semaphore, #tpu.memory_space<semaphore_mem>>
        %dma_wait3A_924 = arith.constant 0 : i32
        %dma_wait3A_925 = arith.constant 0 : i32
        %dma_wait3A_926 = tpu.memref_slice %arg7[%dma_wait3A_912, %dma_wait3A_924, %dma_wait3A_925] : memref<4x2x64xi32, #tpu.memory_space<vmem>> -> memref<1x2x64xi32, #tpu.memory_space<vmem>>
        %dma_wait3A_927 = tpu.memref_squeeze %dma_wait3A_926 : memref<1x2x64xi32, #tpu.memory_space<vmem>> -> memref<2x64xi32, #tpu.memory_space<vmem>>
        %dma_wait3A_928 = arith.constant 0 : i32
        %dma_wait3A_929 = arith.constant 0 : i32
        %dma_wait3A_930 = tpu.memref_slice %arg2[%add3A_911, %dma_wait3A_928, %dma_wait3A_929] : memref<5024x2x64xi32, #tpu.memory_space<hbm>> -> memref<1x2x64xi32, #tpu.memory_space<hbm>>
        %dma_wait3A_931 = tpu.memref_squeeze %dma_wait3A_930 : memref<1x2x64xi32, #tpu.memory_space<hbm>> -> memref<2x64xi32, #tpu.memory_space<hbm>>
        tpu.wait_dma2 semaphore(%dma_wait3A_923 : memref<!tpu.dma_semaphore, #tpu.memory_space<semaphore_mem>>) src(%dma_wait3A_931 : memref<2x64xi32, #tpu.memory_space<hbm>>) dst(%dma_wait3A_927 : memref<2x64xi32, #tpu.memory_space<vmem>>)
        %mul3A_932 = arith.constant 64 : i32
        %mul3A_933 = arith.muli %add3A_911, %mul3A_932 : i32
        %dma_wait3A_934 = arith.constant 2 : i32
        %dma_wait3A_935 = arith.constant 2 : i32
        %dma_wait3A_936 = arith.constant 0 : i32
        %dma_wait3A_937 = tpu.memref_slice %arg8[%dma_wait3A_934, %dma_wait3A_936] : memref<4x64xf32, #tpu.memory_space<vmem>> -> memref<1x64xf32, #tpu.memory_space<vmem>>
        %dma_wait3A_938 = tpu.memref_squeeze %dma_wait3A_937 : memref<1x64xf32, #tpu.memory_space<vmem>> -> memref<64xf32, #tpu.memory_space<vmem>>
        %dma_wait3A_939 = tpu.memref_slice %arg3[%mul3A_933] : memref<321536xf32, #tpu.memory_space<hbm>> -> memref<64xf32, #tpu.memory_space<hbm>>
        %dma_wait3A_940 = tpu.memref_slice %arg16[%dma_wait3A_935] : memref<4x!tpu.dma_semaphore, #tpu.memory_space<semaphore_mem>> -> memref<1x!tpu.dma_semaphore, #tpu.memory_space<semaphore_mem>>
        %dma_wait3A_941 = tpu.memref_squeeze %dma_wait3A_940 : memref<1x!tpu.dma_semaphore, #tpu.memory_space<semaphore_mem>> -> memref<!tpu.dma_semaphore, #tpu.memory_space<semaphore_mem>>
        %dma_wait3A_942 = arith.constant 0 : i32
        %dma_wait3A_943 = tpu.memref_slice %arg8[%dma_wait3A_934, %dma_wait3A_942] : memref<4x64xf32, #tpu.memory_space<vmem>> -> memref<1x64xf32, #tpu.memory_space<vmem>>
        %dma_wait3A_944 = tpu.memref_squeeze %dma_wait3A_943 : memref<1x64xf32, #tpu.memory_space<vmem>> -> memref<64xf32, #tpu.memory_space<vmem>>
        %dma_wait3A_945 = tpu.memref_slice %arg3[%mul3A_933] : memref<321536xf32, #tpu.memory_space<hbm>> -> memref<64xf32, #tpu.memory_space<hbm>>
        tpu.wait_dma2 semaphore(%dma_wait3A_941 : memref<!tpu.dma_semaphore, #tpu.memory_space<semaphore_mem>>) src(%dma_wait3A_945 : memref<64xf32, #tpu.memory_space<hbm>>) dst(%dma_wait3A_944 : memref<64xf32, #tpu.memory_space<vmem>>)
        %dma_start3A_946 = arith.constant 2 : i32
        %dma_start3A_947 = arith.constant 2 : i32
        %dma_start3A_948 = arith.constant 1 : i32
        %dma_start3A_949 = arith.constant 2 : i32
        %dma_start3A_950 = arith.constant 0 : i32
        %dma_start3A_951 = tpu.memref_slice %arg8[%dma_start3A_946, %dma_start3A_950] : memref<4x64xf32, #tpu.memory_space<vmem>> -> memref<1x64xf32, #tpu.memory_space<vmem>>
        %dma_start3A_952 = tpu.memref_squeeze %dma_start3A_951 : memref<1x64xf32, #tpu.memory_space<vmem>> -> memref<64xf32, #tpu.memory_space<vmem>>
        %dma_start3A_953 = arith.constant 0 : i32
        %dma_start3A_954 = tpu.memref_slice %arg7[%dma_start3A_947, %dma_start3A_948, %dma_start3A_953] : memref<4x2x64xi32, #tpu.memory_space<vmem>> -> memref<1x1x64xi32, #tpu.memory_space<vmem>>
        %dma_start3A_955 = tpu.memref_squeeze %dma_start3A_954 : memref<1x1x64xi32, #tpu.memory_space<vmem>> -> memref<64xi32, #tpu.memory_space<vmem>>
        %dma_start3A_956 = arith.constant 0 : i32
        %dma_start3A_957 = tpu.memref_slice %arg14[%dma_start3A_956] : memref<10240xf32, #tpu.memory_space<vmem_shared>> -> memref<10240xf32, #tpu.memory_space<vmem_shared>>
        %dma_start3A_958 = tpu.memref_slice %arg18[%dma_start3A_949] : memref<4x!tpu.dma_semaphore, #tpu.memory_space<semaphore_mem>> -> memref<1x!tpu.dma_semaphore, #tpu.memory_space<semaphore_mem>>
        %dma_start3A_959 = tpu.memref_squeeze %dma_start3A_958 : memref<1x!tpu.dma_semaphore, #tpu.memory_space<semaphore_mem>> -> memref<!tpu.dma_semaphore, #tpu.memory_space<semaphore_mem>>
        tpu.enqueue_indirect_dma source(%dma_start3A_952 : memref<64xf32, #tpu.memory_space<vmem>>) target(%dma_start3A_957 : memref<10240xf32, #tpu.memory_space<vmem_shared>>) offsets(%dma_start3A_955 : memref<64xi32, #tpu.memory_space<vmem>>) semaphore(%dma_start3A_959 : memref<!tpu.dma_semaphore, #tpu.memory_space<semaphore_mem>>) {add = true}
      } else {
      }
      %ge3A_882 = arith.constant 2 : i32
      %ge3A_883 = arith.cmpi sge, %add3A_876, %ge3A_882 : i32
      %add3A_884 = arith.constant 2 : i32
      %add3A_885 = arith.addi %add3A_876, %add3A_884 : i32
      %lt3A_886 = arith.constant 314 : i32
      %lt3A_887 = arith.cmpi slt, %add3A_885, %lt3A_886 : i32
      %and3A_888 = arith.andi %ge3A_883, %lt3A_887 : i1
      %convert_element_type3A_889 = arith.extui %and3A_888 : i1 to i32
      %cond3A_890 = arith.constant 0 : i32
      %cond3A_891 = arith.cmpi ne, %convert_element_type3A_889, %cond3A_890 : i32
      scf.if %cond3A_891 {
        %dma_wait3A_911 = arith.constant 0 : i32
        %dma_wait3A_912 = arith.constant 0 : i32
        %dma_wait3A_913 = arith.constant 1 : i32
        %dma_wait3A_914 = arith.constant 0 : i32
        %dma_wait3A_915 = arith.constant 0 : i32
        %dma_wait3A_916 = tpu.memref_slice %arg8[%dma_wait3A_911, %dma_wait3A_915] : memref<4x64xf32, #tpu.memory_space<vmem>> -> memref<1x64xf32, #tpu.memory_space<vmem>>
        %dma_wait3A_917 = tpu.memref_squeeze %dma_wait3A_916 : memref<1x64xf32, #tpu.memory_space<vmem>> -> memref<64xf32, #tpu.memory_space<vmem>>
        %dma_wait3A_918 = arith.constant 0 : i32
        %dma_wait3A_919 = tpu.memref_slice %arg7[%dma_wait3A_912, %dma_wait3A_913, %dma_wait3A_918] : memref<4x2x64xi32, #tpu.memory_space<vmem>> -> memref<1x1x64xi32, #tpu.memory_space<vmem>>
        %dma_wait3A_920 = tpu.memref_squeeze %dma_wait3A_919 : memref<1x1x64xi32, #tpu.memory_space<vmem>> -> memref<64xi32, #tpu.memory_space<vmem>>
        %dma_wait3A_921 = arith.constant 0 : i32
        %dma_wait3A_922 = tpu.memref_slice %arg14[%dma_wait3A_921] : memref<10240xf32, #tpu.memory_space<vmem_shared>> -> memref<10240xf32, #tpu.memory_space<vmem_shared>>
        %dma_wait3A_923 = tpu.memref_slice %arg18[%dma_wait3A_914] : memref<4x!tpu.dma_semaphore, #tpu.memory_space<semaphore_mem>> -> memref<1x!tpu.dma_semaphore, #tpu.memory_space<semaphore_mem>>
        %dma_wait3A_924 = tpu.memref_squeeze %dma_wait3A_923 : memref<1x!tpu.dma_semaphore, #tpu.memory_space<semaphore_mem>> -> memref<!tpu.dma_semaphore, #tpu.memory_space<semaphore_mem>>
        tpu.wait_indirect_dma semaphore(%dma_wait3A_924 : memref<!tpu.dma_semaphore, #tpu.memory_space<semaphore_mem>>) src(%dma_wait3A_917 : memref<64xf32, #tpu.memory_space<vmem>>) dst(%dma_wait3A_922 : memref<10240xf32, #tpu.memory_space<vmem_shared>>)
        %add3A_925 = arith.addi %mul3A_391, %add3A_876 : i32
        %add3A_926 = arith.constant 2 : i32
        %add3A_927 = arith.addi %add3A_925, %add3A_926 : i32
        %dma_start3A_928 = arith.constant 0 : i32
        %dma_start3A_929 = arith.constant 0 : i32
        %dma_start3A_930 = arith.constant 0 : i32
        %dma_start3A_931 = arith.constant 0 : i32
        %dma_start3A_932 = tpu.memref_slice %arg7[%dma_start3A_928, %dma_start3A_930, %dma_start3A_931] : memref<4x2x64xi32, #tpu.memory_space<vmem>> -> memref<1x2x64xi32, #tpu.memory_space<vmem>>
        %dma_start3A_933 = tpu.memref_squeeze %dma_start3A_932 : memref<1x2x64xi32, #tpu.memory_space<vmem>> -> memref<2x64xi32, #tpu.memory_space<vmem>>
        %dma_start3A_934 = arith.constant 0 : i32
        %dma_start3A_935 = arith.constant 0 : i32
        %dma_start3A_936 = tpu.memref_slice %arg2[%add3A_927, %dma_start3A_934, %dma_start3A_935] : memref<5024x2x64xi32, #tpu.memory_space<hbm>> -> memref<1x2x64xi32, #tpu.memory_space<hbm>>
        %dma_start3A_937 = tpu.memref_squeeze %dma_start3A_936 : memref<1x2x64xi32, #tpu.memory_space<hbm>> -> memref<2x64xi32, #tpu.memory_space<hbm>>
        %dma_start3A_938 = tpu.memref_slice %arg16[%dma_start3A_929] : memref<4x!tpu.dma_semaphore, #tpu.memory_space<semaphore_mem>> -> memref<1x!tpu.dma_semaphore, #tpu.memory_space<semaphore_mem>>
        %dma_start3A_939 = tpu.memref_squeeze %dma_start3A_938 : memref<1x!tpu.dma_semaphore, #tpu.memory_space<semaphore_mem>> -> memref<!tpu.dma_semaphore, #tpu.memory_space<semaphore_mem>>
        %dma_start3A_940 = arith.constant 0 : i32
        %dma_start3A_941 = arith.constant 0 : i32
        %dma_start3A_942 = tpu.memref_slice %arg7[%dma_start3A_928, %dma_start3A_940, %dma_start3A_941] : memref<4x2x64xi32, #tpu.memory_space<vmem>> -> memref<1x2x64xi32, #tpu.memory_space<vmem>>
        %dma_start3A_943 = tpu.memref_squeeze %dma_start3A_942 : memref<1x2x64xi32, #tpu.memory_space<vmem>> -> memref<2x64xi32, #tpu.memory_space<vmem>>
        %dma_start3A_944 = arith.constant 0 : i32
        %dma_start3A_945 = arith.constant 0 : i32
        %dma_start3A_946 = tpu.memref_slice %arg2[%add3A_927, %dma_start3A_944, %dma_start3A_945] : memref<5024x2x64xi32, #tpu.memory_space<hbm>> -> memref<1x2x64xi32, #tpu.memory_space<hbm>>
        %dma_start3A_947 = tpu.memref_squeeze %dma_start3A_946 : memref<1x2x64xi32, #tpu.memory_space<hbm>> -> memref<2x64xi32, #tpu.memory_space<hbm>>
        tpu.enqueue_dma source(%dma_start3A_947 : memref<2x64xi32, #tpu.memory_space<hbm>>) target(%dma_start3A_943 : memref<2x64xi32, #tpu.memory_space<vmem>>) target_semaphore(%dma_start3A_939 : memref<!tpu.dma_semaphore, #tpu.memory_space<semaphore_mem>>)
        %mul3A_948 = arith.constant 64 : i32
        %mul3A_949 = arith.muli %add3A_927, %mul3A_948 : i32
        %dma_start3A_950 = arith.constant 0 : i32
        %dma_start3A_951 = arith.constant 0 : i32
        %dma_start3A_952 = arith.constant 0 : i32
        %dma_start3A_953 = tpu.memref_slice %arg8[%dma_start3A_950, %dma_start3A_952] : memref<4x64xf32, #tpu.memory_space<vmem>> -> memref<1x64xf32, #tpu.memory_space<vmem>>
        %dma_start3A_954 = tpu.memref_squeeze %dma_start3A_953 : memref<1x64xf32, #tpu.memory_space<vmem>> -> memref<64xf32, #tpu.memory_space<vmem>>
        %dma_start3A_955 = tpu.memref_slice %arg3[%mul3A_949] : memref<321536xf32, #tpu.memory_space<hbm>> -> memref<64xf32, #tpu.memory_space<hbm>>
        %dma_start3A_956 = tpu.memref_slice %arg16[%dma_start3A_951] : memref<4x!tpu.dma_semaphore, #tpu.memory_space<semaphore_mem>> -> memref<1x!tpu.dma_semaphore, #tpu.memory_space<semaphore_mem>>
        %dma_start3A_957 = tpu.memref_squeeze %dma_start3A_956 : memref<1x!tpu.dma_semaphore, #tpu.memory_space<semaphore_mem>> -> memref<!tpu.dma_semaphore, #tpu.memory_space<semaphore_mem>>
        %dma_start3A_958 = arith.constant 0 : i32
        %dma_start3A_959 = tpu.memref_slice %arg8[%dma_start3A_950, %dma_start3A_958] : memref<4x64xf32, #tpu.memory_space<vmem>> -> memref<1x64xf32, #tpu.memory_space<vmem>>
        %dma_start3A_960 = tpu.memref_squeeze %dma_start3A_959 : memref<1x64xf32, #tpu.memory_space<vmem>> -> memref<64xf32, #tpu.memory_space<vmem>>
        %dma_start3A_961 = tpu.memref_slice %arg3[%mul3A_949] : memref<321536xf32, #tpu.memory_space<hbm>> -> memref<64xf32, #tpu.memory_space<hbm>>
        tpu.enqueue_dma source(%dma_start3A_961 : memref<64xf32, #tpu.memory_space<hbm>>) target(%dma_start3A_960 : memref<64xf32, #tpu.memory_space<vmem>>) target_semaphore(%dma_start3A_957 : memref<!tpu.dma_semaphore, #tpu.memory_space<semaphore_mem>>)
      } else {
      }
      %mul3A_892 = arith.constant 4 : i32
      %mul3A_893 = arith.muli %add3A_837, %mul3A_892 : i32
      %add3A_894 = arith.constant 3 : i32
      %add3A_895 = arith.addi %mul3A_893, %add3A_894 : i32
      %lt3A_896 = arith.constant 314 : i32
      %lt3A_897 = arith.cmpi slt, %add3A_895, %lt3A_896 : i32
      %convert_element_type3A_898 = arith.extui %lt3A_897 : i1 to i32
      %cond3A_899 = arith.constant 0 : i32
      %cond3A_900 = arith.cmpi ne, %convert_element_type3A_898, %cond3A_899 : i32
      scf.if %cond3A_900 {
        %add3A_911 = arith.addi %mul3A_391, %add3A_895 : i32
        %dma_wait3A_912 = arith.constant 3 : i32
        %dma_wait3A_913 = arith.constant 3 : i32
        %dma_wait3A_914 = arith.constant 0 : i32
        %dma_wait3A_915 = arith.constant 0 : i32
        %dma_wait3A_916 = tpu.memref_slice %arg7[%dma_wait3A_912, %dma_wait3A_914, %dma_wait3A_915] : memref<4x2x64xi32, #tpu.memory_space<vmem>> -> memref<1x2x64xi32, #tpu.memory_space<vmem>>
        %dma_wait3A_917 = tpu.memref_squeeze %dma_wait3A_916 : memref<1x2x64xi32, #tpu.memory_space<vmem>> -> memref<2x64xi32, #tpu.memory_space<vmem>>
        %dma_wait3A_918 = arith.constant 0 : i32
        %dma_wait3A_919 = arith.constant 0 : i32
        %dma_wait3A_920 = tpu.memref_slice %arg2[%add3A_911, %dma_wait3A_918, %dma_wait3A_919] : memref<5024x2x64xi32, #tpu.memory_space<hbm>> -> memref<1x2x64xi32, #tpu.memory_space<hbm>>
        %dma_wait3A_921 = tpu.memref_squeeze %dma_wait3A_920 : memref<1x2x64xi32, #tpu.memory_space<hbm>> -> memref<2x64xi32, #tpu.memory_space<hbm>>
        %dma_wait3A_922 = tpu.memref_slice %arg16[%dma_wait3A_913] : memref<4x!tpu.dma_semaphore, #tpu.memory_space<semaphore_mem>> -> memref<1x!tpu.dma_semaphore, #tpu.memory_space<semaphore_mem>>
        %dma_wait3A_923 = tpu.memref_squeeze %dma_wait3A_922 : memref<1x!tpu.dma_semaphore, #tpu.memory_space<semaphore_mem>> -> memref<!tpu.dma_semaphore, #tpu.memory_space<semaphore_mem>>
        %dma_wait3A_924 = arith.constant 0 : i32
        %dma_wait3A_925 = arith.constant 0 : i32
        %dma_wait3A_926 = tpu.memref_slice %arg7[%dma_wait3A_912, %dma_wait3A_924, %dma_wait3A_925] : memref<4x2x64xi32, #tpu.memory_space<vmem>> -> memref<1x2x64xi32, #tpu.memory_space<vmem>>
        %dma_wait3A_927 = tpu.memref_squeeze %dma_wait3A_926 : memref<1x2x64xi32, #tpu.memory_space<vmem>> -> memref<2x64xi32, #tpu.memory_space<vmem>>
        %dma_wait3A_928 = arith.constant 0 : i32
        %dma_wait3A_929 = arith.constant 0 : i32
        %dma_wait3A_930 = tpu.memref_slice %arg2[%add3A_911, %dma_wait3A_928, %dma_wait3A_929] : memref<5024x2x64xi32, #tpu.memory_space<hbm>> -> memref<1x2x64xi32, #tpu.memory_space<hbm>>
        %dma_wait3A_931 = tpu.memref_squeeze %dma_wait3A_930 : memref<1x2x64xi32, #tpu.memory_space<hbm>> -> memref<2x64xi32, #tpu.memory_space<hbm>>
        tpu.wait_dma2 semaphore(%dma_wait3A_923 : memref<!tpu.dma_semaphore, #tpu.memory_space<semaphore_mem>>) src(%dma_wait3A_931 : memref<2x64xi32, #tpu.memory_space<hbm>>) dst(%dma_wait3A_927 : memref<2x64xi32, #tpu.memory_space<vmem>>)
        %mul3A_932 = arith.constant 64 : i32
        %mul3A_933 = arith.muli %add3A_911, %mul3A_932 : i32
        %dma_wait3A_934 = arith.constant 3 : i32
        %dma_wait3A_935 = arith.constant 3 : i32
        %dma_wait3A_936 = arith.constant 0 : i32
        %dma_wait3A_937 = tpu.memref_slice %arg8[%dma_wait3A_934, %dma_wait3A_936] : memref<4x64xf32, #tpu.memory_space<vmem>> -> memref<1x64xf32, #tpu.memory_space<vmem>>
        %dma_wait3A_938 = tpu.memref_squeeze %dma_wait3A_937 : memref<1x64xf32, #tpu.memory_space<vmem>> -> memref<64xf32, #tpu.memory_space<vmem>>
        %dma_wait3A_939 = tpu.memref_slice %arg3[%mul3A_933] : memref<321536xf32, #tpu.memory_space<hbm>> -> memref<64xf32, #tpu.memory_space<hbm>>
        %dma_wait3A_940 = tpu.memref_slice %arg16[%dma_wait3A_935] : memref<4x!tpu.dma_semaphore, #tpu.memory_space<semaphore_mem>> -> memref<1x!tpu.dma_semaphore, #tpu.memory_space<semaphore_mem>>
        %dma_wait3A_941 = tpu.memref_squeeze %dma_wait3A_940 : memref<1x!tpu.dma_semaphore, #tpu.memory_space<semaphore_mem>> -> memref<!tpu.dma_semaphore, #tpu.memory_space<semaphore_mem>>
        %dma_wait3A_942 = arith.constant 0 : i32
        %dma_wait3A_943 = tpu.memref_slice %arg8[%dma_wait3A_934, %dma_wait3A_942] : memref<4x64xf32, #tpu.memory_space<vmem>> -> memref<1x64xf32, #tpu.memory_space<vmem>>
        %dma_wait3A_944 = tpu.memref_squeeze %dma_wait3A_943 : memref<1x64xf32, #tpu.memory_space<vmem>> -> memref<64xf32, #tpu.memory_space<vmem>>
        %dma_wait3A_945 = tpu.memref_slice %arg3[%mul3A_933] : memref<321536xf32, #tpu.memory_space<hbm>> -> memref<64xf32, #tpu.memory_space<hbm>>
        tpu.wait_dma2 semaphore(%dma_wait3A_941 : memref<!tpu.dma_semaphore, #tpu.memory_space<semaphore_mem>>) src(%dma_wait3A_945 : memref<64xf32, #tpu.memory_space<hbm>>) dst(%dma_wait3A_944 : memref<64xf32, #tpu.memory_space<vmem>>)
        %dma_start3A_946 = arith.constant 3 : i32
        %dma_start3A_947 = arith.constant 3 : i32
        %dma_start3A_948 = arith.constant 1 : i32
        %dma_start3A_949 = arith.constant 3 : i32
        %dma_start3A_950 = arith.constant 0 : i32
        %dma_start3A_951 = tpu.memref_slice %arg8[%dma_start3A_946, %dma_start3A_950] : memref<4x64xf32, #tpu.memory_space<vmem>> -> memref<1x64xf32, #tpu.memory_space<vmem>>
        %dma_start3A_952 = tpu.memref_squeeze %dma_start3A_951 : memref<1x64xf32, #tpu.memory_space<vmem>> -> memref<64xf32, #tpu.memory_space<vmem>>
        %dma_start3A_953 = arith.constant 0 : i32
        %dma_start3A_954 = tpu.memref_slice %arg7[%dma_start3A_947, %dma_start3A_948, %dma_start3A_953] : memref<4x2x64xi32, #tpu.memory_space<vmem>> -> memref<1x1x64xi32, #tpu.memory_space<vmem>>
        %dma_start3A_955 = tpu.memref_squeeze %dma_start3A_954 : memref<1x1x64xi32, #tpu.memory_space<vmem>> -> memref<64xi32, #tpu.memory_space<vmem>>
        %dma_start3A_956 = arith.constant 0 : i32
        %dma_start3A_957 = tpu.memref_slice %arg14[%dma_start3A_956] : memref<10240xf32, #tpu.memory_space<vmem_shared>> -> memref<10240xf32, #tpu.memory_space<vmem_shared>>
        %dma_start3A_958 = tpu.memref_slice %arg18[%dma_start3A_949] : memref<4x!tpu.dma_semaphore, #tpu.memory_space<semaphore_mem>> -> memref<1x!tpu.dma_semaphore, #tpu.memory_space<semaphore_mem>>
        %dma_start3A_959 = tpu.memref_squeeze %dma_start3A_958 : memref<1x!tpu.dma_semaphore, #tpu.memory_space<semaphore_mem>> -> memref<!tpu.dma_semaphore, #tpu.memory_space<semaphore_mem>>
        tpu.enqueue_indirect_dma source(%dma_start3A_952 : memref<64xf32, #tpu.memory_space<vmem>>) target(%dma_start3A_957 : memref<10240xf32, #tpu.memory_space<vmem_shared>>) offsets(%dma_start3A_955 : memref<64xi32, #tpu.memory_space<vmem>>) semaphore(%dma_start3A_959 : memref<!tpu.dma_semaphore, #tpu.memory_space<semaphore_mem>>) {add = true}
      } else {
      }
      %ge3A_901 = arith.constant 2 : i32
      %ge3A_902 = arith.cmpi sge, %add3A_895, %ge3A_901 : i32
      %add3A_903 = arith.constant 2 : i32
      %add3A_904 = arith.addi %add3A_895, %add3A_903 : i32
      %lt3A_905 = arith.constant 314 : i32
      %lt3A_906 = arith.cmpi slt, %add3A_904, %lt3A_905 : i32
      %and3A_907 = arith.andi %ge3A_902, %lt3A_906 : i1
      %convert_element_type3A_908 = arith.extui %and3A_907 : i1 to i32
      %cond3A_909 = arith.constant 0 : i32
      %cond3A_910 = arith.cmpi ne, %convert_element_type3A_908, %cond3A_909 : i32
      scf.if %cond3A_910 {
        %dma_wait3A_911 = arith.constant 1 : i32
        %dma_wait3A_912 = arith.constant 1 : i32
        %dma_wait3A_913 = arith.constant 1 : i32
        %dma_wait3A_914 = arith.constant 1 : i32
        %dma_wait3A_915 = arith.constant 0 : i32
        %dma_wait3A_916 = tpu.memref_slice %arg8[%dma_wait3A_911, %dma_wait3A_915] : memref<4x64xf32, #tpu.memory_space<vmem>> -> memref<1x64xf32, #tpu.memory_space<vmem>>
        %dma_wait3A_917 = tpu.memref_squeeze %dma_wait3A_916 : memref<1x64xf32, #tpu.memory_space<vmem>> -> memref<64xf32, #tpu.memory_space<vmem>>
        %dma_wait3A_918 = arith.constant 0 : i32
        %dma_wait3A_919 = tpu.memref_slice %arg7[%dma_wait3A_912, %dma_wait3A_913, %dma_wait3A_918] : memref<4x2x64xi32, #tpu.memory_space<vmem>> -> memref<1x1x64xi32, #tpu.memory_space<vmem>>
        %dma_wait3A_920 = tpu.memref_squeeze %dma_wait3A_919 : memref<1x1x64xi32, #tpu.memory_space<vmem>> -> memref<64xi32, #tpu.memory_space<vmem>>
        %dma_wait3A_921 = arith.constant 0 : i32
        %dma_wait3A_922 = tpu.memref_slice %arg14[%dma_wait3A_921] : memref<10240xf32, #tpu.memory_space<vmem_shared>> -> memref<10240xf32, #tpu.memory_space<vmem_shared>>
        %dma_wait3A_923 = tpu.memref_slice %arg18[%dma_wait3A_914] : memref<4x!tpu.dma_semaphore, #tpu.memory_space<semaphore_mem>> -> memref<1x!tpu.dma_semaphore, #tpu.memory_space<semaphore_mem>>
        %dma_wait3A_924 = tpu.memref_squeeze %dma_wait3A_923 : memref<1x!tpu.dma_semaphore, #tpu.memory_space<semaphore_mem>> -> memref<!tpu.dma_semaphore, #tpu.memory_space<semaphore_mem>>
        tpu.wait_indirect_dma semaphore(%dma_wait3A_924 : memref<!tpu.dma_semaphore, #tpu.memory_space<semaphore_mem>>) src(%dma_wait3A_917 : memref<64xf32, #tpu.memory_space<vmem>>) dst(%dma_wait3A_922 : memref<10240xf32, #tpu.memory_space<vmem_shared>>)
        %add3A_925 = arith.addi %mul3A_391, %add3A_895 : i32
        %add3A_926 = arith.constant 2 : i32
        %add3A_927 = arith.addi %add3A_925, %add3A_926 : i32
        %dma_start3A_928 = arith.constant 1 : i32
        %dma_start3A_929 = arith.constant 1 : i32
        %dma_start3A_930 = arith.constant 0 : i32
        %dma_start3A_931 = arith.constant 0 : i32
        %dma_start3A_932 = tpu.memref_slice %arg7[%dma_start3A_928, %dma_start3A_930, %dma_start3A_931] : memref<4x2x64xi32, #tpu.memory_space<vmem>> -> memref<1x2x64xi32, #tpu.memory_space<vmem>>
        %dma_start3A_933 = tpu.memref_squeeze %dma_start3A_932 : memref<1x2x64xi32, #tpu.memory_space<vmem>> -> memref<2x64xi32, #tpu.memory_space<vmem>>
        %dma_start3A_934 = arith.constant 0 : i32
        %dma_start3A_935 = arith.constant 0 : i32
        %dma_start3A_936 = tpu.memref_slice %arg2[%add3A_927, %dma_start3A_934, %dma_start3A_935] : memref<5024x2x64xi32, #tpu.memory_space<hbm>> -> memref<1x2x64xi32, #tpu.memory_space<hbm>>
        %dma_start3A_937 = tpu.memref_squeeze %dma_start3A_936 : memref<1x2x64xi32, #tpu.memory_space<hbm>> -> memref<2x64xi32, #tpu.memory_space<hbm>>
        %dma_start3A_938 = tpu.memref_slice %arg16[%dma_start3A_929] : memref<4x!tpu.dma_semaphore, #tpu.memory_space<semaphore_mem>> -> memref<1x!tpu.dma_semaphore, #tpu.memory_space<semaphore_mem>>
        %dma_start3A_939 = tpu.memref_squeeze %dma_start3A_938 : memref<1x!tpu.dma_semaphore, #tpu.memory_space<semaphore_mem>> -> memref<!tpu.dma_semaphore, #tpu.memory_space<semaphore_mem>>
        %dma_start3A_940 = arith.constant 0 : i32
        %dma_start3A_941 = arith.constant 0 : i32
        %dma_start3A_942 = tpu.memref_slice %arg7[%dma_start3A_928, %dma_start3A_940, %dma_start3A_941] : memref<4x2x64xi32, #tpu.memory_space<vmem>> -> memref<1x2x64xi32, #tpu.memory_space<vmem>>
        %dma_start3A_943 = tpu.memref_squeeze %dma_start3A_942 : memref<1x2x64xi32, #tpu.memory_space<vmem>> -> memref<2x64xi32, #tpu.memory_space<vmem>>
        %dma_start3A_944 = arith.constant 0 : i32
        %dma_start3A_945 = arith.constant 0 : i32
        %dma_start3A_946 = tpu.memref_slice %arg2[%add3A_927, %dma_start3A_944, %dma_start3A_945] : memref<5024x2x64xi32, #tpu.memory_space<hbm>> -> memref<1x2x64xi32, #tpu.memory_space<hbm>>
        %dma_start3A_947 = tpu.memref_squeeze %dma_start3A_946 : memref<1x2x64xi32, #tpu.memory_space<hbm>> -> memref<2x64xi32, #tpu.memory_space<hbm>>
        tpu.enqueue_dma source(%dma_start3A_947 : memref<2x64xi32, #tpu.memory_space<hbm>>) target(%dma_start3A_943 : memref<2x64xi32, #tpu.memory_space<vmem>>) target_semaphore(%dma_start3A_939 : memref<!tpu.dma_semaphore, #tpu.memory_space<semaphore_mem>>)
        %mul3A_948 = arith.constant 64 : i32
        %mul3A_949 = arith.muli %add3A_927, %mul3A_948 : i32
        %dma_start3A_950 = arith.constant 1 : i32
        %dma_start3A_951 = arith.constant 1 : i32
        %dma_start3A_952 = arith.constant 0 : i32
        %dma_start3A_953 = tpu.memref_slice %arg8[%dma_start3A_950, %dma_start3A_952] : memref<4x64xf32, #tpu.memory_space<vmem>> -> memref<1x64xf32, #tpu.memory_space<vmem>>
        %dma_start3A_954 = tpu.memref_squeeze %dma_start3A_953 : memref<1x64xf32, #tpu.memory_space<vmem>> -> memref<64xf32, #tpu.memory_space<vmem>>
        %dma_start3A_955 = tpu.memref_slice %arg3[%mul3A_949] : memref<321536xf32, #tpu.memory_space<hbm>> -> memref<64xf32, #tpu.memory_space<hbm>>
        %dma_start3A_956 = tpu.memref_slice %arg16[%dma_start3A_951] : memref<4x!tpu.dma_semaphore, #tpu.memory_space<semaphore_mem>> -> memref<1x!tpu.dma_semaphore, #tpu.memory_space<semaphore_mem>>
        %dma_start3A_957 = tpu.memref_squeeze %dma_start3A_956 : memref<1x!tpu.dma_semaphore, #tpu.memory_space<semaphore_mem>> -> memref<!tpu.dma_semaphore, #tpu.memory_space<semaphore_mem>>
        %dma_start3A_958 = arith.constant 0 : i32
        %dma_start3A_959 = tpu.memref_slice %arg8[%dma_start3A_950, %dma_start3A_958] : memref<4x64xf32, #tpu.memory_space<vmem>> -> memref<1x64xf32, #tpu.memory_space<vmem>>
        %dma_start3A_960 = tpu.memref_squeeze %dma_start3A_959 : memref<1x64xf32, #tpu.memory_space<vmem>> -> memref<64xf32, #tpu.memory_space<vmem>>
        %dma_start3A_961 = tpu.memref_slice %arg3[%mul3A_949] : memref<321536xf32, #tpu.memory_space<hbm>> -> memref<64xf32, #tpu.memory_space<hbm>>
        tpu.enqueue_dma source(%dma_start3A_961 : memref<64xf32, #tpu.memory_space<hbm>>) target(%dma_start3A_960 : memref<64xf32, #tpu.memory_space<vmem>>) target_semaphore(%dma_start3A_957 : memref<!tpu.dma_semaphore, #tpu.memory_space<semaphore_mem>>)
      } else {
      }
    }
    %scan3A_540 = arith.constant 80 : i32
    %dma_wait3A_541 = arith.constant 0 : i32
    %dma_wait3A_542 = arith.constant 0 : i32
    %dma_wait3A_543 = arith.constant 1 : i32
    %dma_wait3A_544 = arith.constant 0 : i32
    %dma_wait3A_545 = arith.constant 0 : i32
    %dma_wait3A_546 = tpu.memref_slice %arg8[%dma_wait3A_541, %dma_wait3A_545] : memref<4x64xf32, #tpu.memory_space<vmem>> -> memref<1x64xf32, #tpu.memory_space<vmem>>
    %dma_wait3A_547 = tpu.memref_squeeze %dma_wait3A_546 : memref<1x64xf32, #tpu.memory_space<vmem>> -> memref<64xf32, #tpu.memory_space<vmem>>
    %dma_wait3A_548 = arith.constant 0 : i32
    %dma_wait3A_549 = tpu.memref_slice %arg7[%dma_wait3A_542, %dma_wait3A_543, %dma_wait3A_548] : memref<4x2x64xi32, #tpu.memory_space<vmem>> -> memref<1x1x64xi32, #tpu.memory_space<vmem>>
    %dma_wait3A_550 = tpu.memref_squeeze %dma_wait3A_549 : memref<1x1x64xi32, #tpu.memory_space<vmem>> -> memref<64xi32, #tpu.memory_space<vmem>>
    %dma_wait3A_551 = arith.constant 0 : i32
    %dma_wait3A_552 = tpu.memref_slice %arg14[%dma_wait3A_551] : memref<10240xf32, #tpu.memory_space<vmem_shared>> -> memref<10240xf32, #tpu.memory_space<vmem_shared>>
    %dma_wait3A_553 = tpu.memref_slice %arg18[%dma_wait3A_544] : memref<4x!tpu.dma_semaphore, #tpu.memory_space<semaphore_mem>> -> memref<1x!tpu.dma_semaphore, #tpu.memory_space<semaphore_mem>>
    %dma_wait3A_554 = tpu.memref_squeeze %dma_wait3A_553 : memref<1x!tpu.dma_semaphore, #tpu.memory_space<semaphore_mem>> -> memref<!tpu.dma_semaphore, #tpu.memory_space<semaphore_mem>>
    tpu.wait_indirect_dma semaphore(%dma_wait3A_554 : memref<!tpu.dma_semaphore, #tpu.memory_space<semaphore_mem>>) src(%dma_wait3A_547 : memref<64xf32, #tpu.memory_space<vmem>>) dst(%dma_wait3A_552 : memref<10240xf32, #tpu.memory_space<vmem_shared>>)
    %dma_wait3A_555 = arith.constant 1 : i32
    %dma_wait3A_556 = arith.constant 1 : i32
    %dma_wait3A_557 = arith.constant 1 : i32
    %dma_wait3A_558 = arith.constant 1 : i32
    %dma_wait3A_559 = arith.constant 0 : i32
    %dma_wait3A_560 = tpu.memref_slice %arg8[%dma_wait3A_555, %dma_wait3A_559] : memref<4x64xf32, #tpu.memory_space<vmem>> -> memref<1x64xf32, #tpu.memory_space<vmem>>
    %dma_wait3A_561 = tpu.memref_squeeze %dma_wait3A_560 : memref<1x64xf32, #tpu.memory_space<vmem>> -> memref<64xf32, #tpu.memory_space<vmem>>
    %dma_wait3A_562 = arith.constant 0 : i32
    %dma_wait3A_563 = tpu.memref_slice %arg7[%dma_wait3A_556, %dma_wait3A_557, %dma_wait3A_562] : memref<4x2x64xi32, #tpu.memory_space<vmem>> -> memref<1x1x64xi32, #tpu.memory_space<vmem>>
    %dma_wait3A_564 = tpu.memref_squeeze %dma_wait3A_563 : memref<1x1x64xi32, #tpu.memory_space<vmem>> -> memref<64xi32, #tpu.memory_space<vmem>>
    %dma_wait3A_565 = arith.constant 0 : i32
    %dma_wait3A_566 = tpu.memref_slice %arg14[%dma_wait3A_565] : memref<10240xf32, #tpu.memory_space<vmem_shared>> -> memref<10240xf32, #tpu.memory_space<vmem_shared>>
    %dma_wait3A_567 = tpu.memref_slice %arg18[%dma_wait3A_558] : memref<4x!tpu.dma_semaphore, #tpu.memory_space<semaphore_mem>> -> memref<1x!tpu.dma_semaphore, #tpu.memory_space<semaphore_mem>>
    %dma_wait3A_568 = tpu.memref_squeeze %dma_wait3A_567 : memref<1x!tpu.dma_semaphore, #tpu.memory_space<semaphore_mem>> -> memref<!tpu.dma_semaphore, #tpu.memory_space<semaphore_mem>>
    tpu.wait_indirect_dma semaphore(%dma_wait3A_568 : memref<!tpu.dma_semaphore, #tpu.memory_space<semaphore_mem>>) src(%dma_wait3A_561 : memref<64xf32, #tpu.memory_space<vmem>>) dst(%dma_wait3A_566 : memref<10240xf32, #tpu.memory_space<vmem_shared>>)
    %dma_wait3A_569 = arith.constant 2 : i32
    %dma_wait3A_570 = arith.constant 2 : i32
    %dma_wait3A_571 = arith.constant 1 : i32
    %dma_wait3A_572 = arith.constant 2 : i32
    %dma_wait3A_573 = arith.constant 0 : i32
    %dma_wait3A_574 = tpu.memref_slice %arg8[%dma_wait3A_569, %dma_wait3A_573] : memref<4x64xf32, #tpu.memory_space<vmem>> -> memref<1x64xf32, #tpu.memory_space<vmem>>
    %dma_wait3A_575 = tpu.memref_squeeze %dma_wait3A_574 : memref<1x64xf32, #tpu.memory_space<vmem>> -> memref<64xf32, #tpu.memory_space<vmem>>
    %dma_wait3A_576 = arith.constant 0 : i32
    %dma_wait3A_577 = tpu.memref_slice %arg7[%dma_wait3A_570, %dma_wait3A_571, %dma_wait3A_576] : memref<4x2x64xi32, #tpu.memory_space<vmem>> -> memref<1x1x64xi32, #tpu.memory_space<vmem>>
    %dma_wait3A_578 = tpu.memref_squeeze %dma_wait3A_577 : memref<1x1x64xi32, #tpu.memory_space<vmem>> -> memref<64xi32, #tpu.memory_space<vmem>>
    %dma_wait3A_579 = arith.constant 0 : i32
    %dma_wait3A_580 = tpu.memref_slice %arg14[%dma_wait3A_579] : memref<10240xf32, #tpu.memory_space<vmem_shared>> -> memref<10240xf32, #tpu.memory_space<vmem_shared>>
    %dma_wait3A_581 = tpu.memref_slice %arg18[%dma_wait3A_572] : memref<4x!tpu.dma_semaphore, #tpu.memory_space<semaphore_mem>> -> memref<1x!tpu.dma_semaphore, #tpu.memory_space<semaphore_mem>>
    %dma_wait3A_582 = tpu.memref_squeeze %dma_wait3A_581 : memref<1x!tpu.dma_semaphore, #tpu.memory_space<semaphore_mem>> -> memref<!tpu.dma_semaphore, #tpu.memory_space<semaphore_mem>>
    tpu.wait_indirect_dma semaphore(%dma_wait3A_582 : memref<!tpu.dma_semaphore, #tpu.memory_space<semaphore_mem>>) src(%dma_wait3A_575 : memref<64xf32, #tpu.memory_space<vmem>>) dst(%dma_wait3A_580 : memref<10240xf32, #tpu.memory_space<vmem_shared>>)
    %dma_wait3A_583 = arith.constant 3 : i32
    %dma_wait3A_584 = arith.constant 3 : i32
    %dma_wait3A_585 = arith.constant 1 : i32
    %dma_wait3A_586 = arith.constant 3 : i32
    %dma_wait3A_587 = arith.constant 0 : i32
    %dma_wait3A_588 = tpu.memref_slice %arg8[%dma_wait3A_583, %dma_wait3A_587] : memref<4x64xf32, #tpu.memory_space<vmem>> -> memref<1x64xf32, #tpu.memory_space<vmem>>
    %dma_wait3A_589 = tpu.memref_squeeze %dma_wait3A_588 : memref<1x64xf32, #tpu.memory_space<vmem>> -> memref<64xf32, #tpu.memory_space<vmem>>
    %dma_wait3A_590 = arith.constant 0 : i32
    %dma_wait3A_591 = tpu.memref_slice %arg7[%dma_wait3A_584, %dma_wait3A_585, %dma_wait3A_590] : memref<4x2x64xi32, #tpu.memory_space<vmem>> -> memref<1x1x64xi32, #tpu.memory_space<vmem>>
    %dma_wait3A_592 = tpu.memref_squeeze %dma_wait3A_591 : memref<1x1x64xi32, #tpu.memory_space<vmem>> -> memref<64xi32, #tpu.memory_space<vmem>>
    %dma_wait3A_593 = arith.constant 0 : i32
    %dma_wait3A_594 = tpu.memref_slice %arg14[%dma_wait3A_593] : memref<10240xf32, #tpu.memory_space<vmem_shared>> -> memref<10240xf32, #tpu.memory_space<vmem_shared>>
    %dma_wait3A_595 = tpu.memref_slice %arg18[%dma_wait3A_586] : memref<4x!tpu.dma_semaphore, #tpu.memory_space<semaphore_mem>> -> memref<1x!tpu.dma_semaphore, #tpu.memory_space<semaphore_mem>>
    %dma_wait3A_596 = tpu.memref_squeeze %dma_wait3A_595 : memref<1x!tpu.dma_semaphore, #tpu.memory_space<semaphore_mem>> -> memref<!tpu.dma_semaphore, #tpu.memory_space<semaphore_mem>>
    tpu.wait_indirect_dma semaphore(%dma_wait3A_596 : memref<!tpu.dma_semaphore, #tpu.memory_space<semaphore_mem>>) src(%dma_wait3A_589 : memref<64xf32, #tpu.memory_space<vmem>>) dst(%dma_wait3A_594 : memref<10240xf32, #tpu.memory_space<vmem_shared>>)
    %barrier3A_597 = arith.constant 0 : index
    tpu.barrier barrier_id(%barrier3A_597)
    %mul3A_598 = arith.constant 640 : i32
    %mul3A_599 = arith.muli %arg1, %mul3A_598 : i32
    "tpu.region"() ({
      %run_scoped3A = tpu.sem_alloc : memref<!tpu.dma_semaphore, #tpu.memory_space<semaphore_mem>>
      %dma_start3A_833 = tpu.memref_slice %arg14[%mul3A_599] : memref<10240xf32, #tpu.memory_space<vmem_shared>> -> memref<640xf32, #tpu.memory_space<vmem_shared>>
      %dma_start3A_834 = tpu.memref_slice %arg14[%mul3A_599] : memref<10240xf32, #tpu.memory_space<vmem_shared>> -> memref<640xf32, #tpu.memory_space<vmem_shared>>
      tpu.enqueue_dma source(%dma_start3A_834 : memref<640xf32, #tpu.memory_space<vmem_shared>>) target(%arg12 : memref<640xf32, #tpu.memory_space<vmem>>) target_semaphore(%run_scoped3A : memref<!tpu.dma_semaphore, #tpu.memory_space<semaphore_mem>>)
      %dma_wait3A_835 = tpu.memref_slice %arg14[%mul3A_599] : memref<10240xf32, #tpu.memory_space<vmem_shared>> -> memref<640xf32, #tpu.memory_space<vmem_shared>>
      %dma_wait3A_836 = tpu.memref_slice %arg14[%mul3A_599] : memref<10240xf32, #tpu.memory_space<vmem_shared>> -> memref<640xf32, #tpu.memory_space<vmem_shared>>
      tpu.wait_dma2 semaphore(%run_scoped3A : memref<!tpu.dma_semaphore, #tpu.memory_space<semaphore_mem>>) src(%dma_wait3A_836 : memref<640xf32, #tpu.memory_space<vmem_shared>>) dst(%arg12 : memref<640xf32, #tpu.memory_space<vmem>>)
      tpu.yield
    }) : () -> ()
    %scan3A_600 = arith.constant 0 : i32
    %scan3A_601 = arith.constant 40 : i32
    %scan3A_602 = arith.addi %scan3A_600, %scan3A_601 : i32
    %scan3A_603 = arith.constant 1 : i32
    scf.for %scan3A_833 = %scan3A_600 to %scan3A_602 step %scan3A_603  : i32 {
      %mul3A_834 = arith.constant 1 : i32
      %mul3A_835 = arith.muli %scan3A_833, %mul3A_834 : i32
      %add3A_836 = arith.constant 0 : i32
      %add3A_837 = arith.addi %add3A_836, %mul3A_835 : i32
      %mul3A_838 = arith.constant 16 : i32
      %mul3A_839 = arith.muli %add3A_837, %mul3A_838 : i32
      %get3A = arith.index_cast %mul3A_839 : i32 to index
      %get3A_840 = tpu.vector_load %arg12[%get3A] {strides = array<i32>} : memref<640xf32, #tpu.memory_space<vmem>>, vector<16xf32>,
      %bitcast_convert_type3A = tpu.bitcast %get3A_840 : vector<16xf32> -> vector<16xi32>
      %shift_right_logical3A = arith.constant 1 : i32
      %shift_right_logical3A_841 = vector.broadcast %shift_right_logical3A : i32 to vector<16xi32>
      %shift_right_logical3A_842 = arith.shrui %bitcast_convert_type3A, %shift_right_logical3A_841 : vector<16xi32>
      %sub3A = arith.constant 1597463007 : i32
      %sub3A_843 = vector.broadcast %sub3A : i32 to vector<16xi32>
      %sub3A_844 = arith.subi %sub3A_843, %shift_right_logical3A_842 : vector<16xi32>
      %bitcast_convert_type3A_845 = tpu.bitcast %sub3A_844 : vector<16xi32> -> vector<16xf32>
      %mul3A_846 = arith.constant 5.000000e-01 : f32
      %mul3A_847 = vector.broadcast %mul3A_846 : f32 to vector<16xf32>
      %mul3A_848 = arith.mulf %mul3A_847, %get3A_840 : vector<16xf32>
      %mul3A_849 = arith.mulf %mul3A_848, %bitcast_convert_type3A_845 : vector<16xf32>
      %mul3A_850 = arith.mulf %mul3A_849, %bitcast_convert_type3A_845 : vector<16xf32>
      %sub3A_851 = arith.constant 1.500000e+00 : f32
      %sub3A_852 = vector.broadcast %sub3A_851 : f32 to vector<16xf32>
      %sub3A_853 = arith.subf %sub3A_852, %mul3A_850 : vector<16xf32>
      %mul3A_854 = arith.mulf %bitcast_convert_type3A_845, %sub3A_853 : vector<16xf32>
      %mul3A_855 = arith.constant 5.000000e-01 : f32
      %mul3A_856 = vector.broadcast %mul3A_855 : f32 to vector<16xf32>
      %mul3A_857 = arith.mulf %mul3A_856, %get3A_840 : vector<16xf32>
      %mul3A_858 = arith.mulf %mul3A_857, %mul3A_854 : vector<16xf32>
      %mul3A_859 = arith.mulf %mul3A_858, %mul3A_854 : vector<16xf32>
      %sub3A_860 = arith.constant 1.500000e+00 : f32
      %sub3A_861 = vector.broadcast %sub3A_860 : f32 to vector<16xf32>
      %sub3A_862 = arith.subf %sub3A_861, %mul3A_859 : vector<16xf32>
      %mul3A_863 = arith.mulf %mul3A_854, %sub3A_862 : vector<16xf32>
      %mul3A_864 = arith.constant 5.000000e-01 : f32
      %mul3A_865 = vector.broadcast %mul3A_864 : f32 to vector<16xf32>
      %mul3A_866 = arith.mulf %mul3A_865, %get3A_840 : vector<16xf32>
      %mul3A_867 = arith.mulf %mul3A_866, %mul3A_863 : vector<16xf32>
      %mul3A_868 = arith.mulf %mul3A_867, %mul3A_863 : vector<16xf32>
      %sub3A_869 = arith.constant 1.500000e+00 : f32
      %sub3A_870 = vector.broadcast %sub3A_869 : f32 to vector<16xf32>
      %sub3A_871 = arith.subf %sub3A_870, %mul3A_868 : vector<16xf32>
      %mul3A_872 = arith.mulf %mul3A_863, %sub3A_871 : vector<16xf32>
      %mul3A_873 = arith.constant 16 : i32
      %mul3A_874 = arith.muli %add3A_837, %mul3A_873 : i32
      %swap3A = arith.index_cast %mul3A_874 : i32 to index
      %swap3A_875 = tpu.vector_load %arg12[%swap3A] {strides = array<i32>} : memref<640xf32, #tpu.memory_space<vmem>>, vector<16xf32>,
      tpu.vector_store %arg12[%swap3A], %mul3A_872 {strides = array<i32>} : memref<640xf32, #tpu.memory_space<vmem>>, vector<16xf32>,
    }
    %scan3A_604 = arith.constant 40 : i32
    "tpu.region"() ({
      %run_scoped3A = tpu.sem_alloc : memref<!tpu.dma_semaphore, #tpu.memory_space<semaphore_mem>>
      %dma_start3A_833 = tpu.memref_slice %arg15[%mul3A_599] : memref<10240xf32, #tpu.memory_space<vmem_shared>> -> memref<640xf32, #tpu.memory_space<vmem_shared>>
      %dma_start3A_834 = tpu.memref_slice %arg15[%mul3A_599] : memref<10240xf32, #tpu.memory_space<vmem_shared>> -> memref<640xf32, #tpu.memory_space<vmem_shared>>
      tpu.enqueue_dma source(%arg12 : memref<640xf32, #tpu.memory_space<vmem>>) target(%dma_start3A_834 : memref<640xf32, #tpu.memory_space<vmem_shared>>) target_semaphore(%run_scoped3A : memref<!tpu.dma_semaphore, #tpu.memory_space<semaphore_mem>>)
      %dma_wait3A_835 = tpu.memref_slice %arg15[%mul3A_599] : memref<10240xf32, #tpu.memory_space<vmem_shared>> -> memref<640xf32, #tpu.memory_space<vmem_shared>>
      %dma_wait3A_836 = tpu.memref_slice %arg15[%mul3A_599] : memref<10240xf32, #tpu.memory_space<vmem_shared>> -> memref<640xf32, #tpu.memory_space<vmem_shared>>
      tpu.wait_dma2 semaphore(%run_scoped3A : memref<!tpu.dma_semaphore, #tpu.memory_space<semaphore_mem>>) src(%arg12 : memref<640xf32, #tpu.memory_space<vmem>>) dst(%dma_wait3A_836 : memref<640xf32, #tpu.memory_space<vmem_shared>>)
      tpu.yield
    }) : () -> ()
    %eq3A = arith.constant 0 : i32
    %eq3A_605 = arith.cmpi eq, %arg0, %eq3A : i32
    %convert_element_type3A = arith.extui %eq3A_605 : i1 to i32
    %cond3A = arith.constant 0 : i32
    %cond3A_606 = arith.cmpi ne, %convert_element_type3A, %cond3A : i32
    scf.if %cond3A_606 {
      "tpu.region"() ({
        %run_scoped3A = tpu.sem_alloc : memref<!tpu.dma_semaphore, #tpu.memory_space<semaphore_mem>>
        %dma_start3A_833 = tpu.memref_slice %arg6[%mul3A_599] : memref<10240xf32, #tpu.memory_space<hbm>> -> memref<640xf32, #tpu.memory_space<hbm>>
        %dma_start3A_834 = tpu.memref_slice %arg6[%mul3A_599] : memref<10240xf32, #tpu.memory_space<hbm>> -> memref<640xf32, #tpu.memory_space<hbm>>
        tpu.enqueue_dma source(%arg12 : memref<640xf32, #tpu.memory_space<vmem>>) target(%dma_start3A_834 : memref<640xf32, #tpu.memory_space<hbm>>) target_semaphore(%run_scoped3A : memref<!tpu.dma_semaphore, #tpu.memory_space<semaphore_mem>>)
        %dma_wait3A_835 = tpu.memref_slice %arg6[%mul3A_599] : memref<10240xf32, #tpu.memory_space<hbm>> -> memref<640xf32, #tpu.memory_space<hbm>>
        %dma_wait3A_836 = tpu.memref_slice %arg6[%mul3A_599] : memref<10240xf32, #tpu.memory_space<hbm>> -> memref<640xf32, #tpu.memory_space<hbm>>
        tpu.wait_dma2 semaphore(%run_scoped3A : memref<!tpu.dma_semaphore, #tpu.memory_space<semaphore_mem>>) src(%arg12 : memref<640xf32, #tpu.memory_space<vmem>>) dst(%dma_wait3A_836 : memref<640xf32, #tpu.memory_space<hbm>>)
        tpu.yield
      }) : () -> ()
    } else {
    }
    %barrier3A_607 = arith.constant 0 : index
    tpu.barrier barrier_id(%barrier3A_607)
    "tpu.region"() ({
      %run_scoped3A = tpu.sem_alloc : memref<!tpu.dma_semaphore, #tpu.memory_space<semaphore_mem>>
      tpu.enqueue_dma source(%arg15 : memref<10240xf32, #tpu.memory_space<vmem_shared>>) target(%arg11 : memref<10240xf32, #tpu.memory_space<vmem>>) target_semaphore(%run_scoped3A : memref<!tpu.dma_semaphore, #tpu.memory_space<semaphore_mem>>)
      tpu.wait_dma2 semaphore(%run_scoped3A : memref<!tpu.dma_semaphore, #tpu.memory_space<semaphore_mem>>) src(%arg15 : memref<10240xf32, #tpu.memory_space<vmem_shared>>) dst(%arg11 : memref<10240xf32, #tpu.memory_space<vmem>>)
      tpu.yield
    }) : () -> ()
    %eq3A_608 = arith.constant 0 : i32
    %eq3A_609 = arith.cmpi eq, %arg0, %eq3A_608 : i32
    %jit3A = arith.constant 157 : i32
    %jit3A_610 = arith.constant 157 : i32
    %select_n3A = arith.select %eq3A_609, %jit3A, %jit3A_610 : i32
    %mul3A_611 = arith.constant 16 : i32
    %mul3A_612 = arith.muli %arg0, %mul3A_611 : i32
    %mul3A_613 = arith.constant 157 : i32
    %mul3A_614 = arith.muli %mul3A_612, %mul3A_613 : i32
    %mul3A_615 = arith.muli %arg1, %select_n3A : i32
    %add3A_616 = arith.addi %mul3A_614, %mul3A_615 : i32
    %add3A_617 = arith.constant 0 : i32
    %add3A_618 = arith.addi %add3A_616, %add3A_617 : i32
    %dma_start3A_619 = arith.constant 0 : i32
    %dma_start3A_620 = arith.constant 0 : i32
    %dma_start3A_621 = arith.constant 0 : i32
    %dma_start3A_622 = arith.constant 0 : i32
    %dma_start3A_623 = tpu.memref_slice %arg7[%dma_start3A_619, %dma_start3A_621, %dma_start3A_622] : memref<4x2x64xi32, #tpu.memory_space<vmem>> -> memref<1x2x64xi32, #tpu.memory_space<vmem>>
    %dma_start3A_624 = tpu.memref_squeeze %dma_start3A_623 : memref<1x2x64xi32, #tpu.memory_space<vmem>> -> memref<2x64xi32, #tpu.memory_space<vmem>>
    %dma_start3A_625 = arith.constant 0 : i32
    %dma_start3A_626 = arith.constant 0 : i32
    %dma_start3A_627 = tpu.memref_slice %arg2[%add3A_618, %dma_start3A_625, %dma_start3A_626] : memref<5024x2x64xi32, #tpu.memory_space<hbm>> -> memref<1x2x64xi32, #tpu.memory_space<hbm>>
    %dma_start3A_628 = tpu.memref_squeeze %dma_start3A_627 : memref<1x2x64xi32, #tpu.memory_space<hbm>> -> memref<2x64xi32, #tpu.memory_space<hbm>>
    %dma_start3A_629 = tpu.memref_slice %arg16[%dma_start3A_620] : memref<4x!tpu.dma_semaphore, #tpu.memory_space<semaphore_mem>> -> memref<1x!tpu.dma_semaphore, #tpu.memory_space<semaphore_mem>>
    %dma_start3A_630 = tpu.memref_squeeze %dma_start3A_629 : memref<1x!tpu.dma_semaphore, #tpu.memory_space<semaphore_mem>> -> memref<!tpu.dma_semaphore, #tpu.memory_space<semaphore_mem>>
    %dma_start3A_631 = arith.constant 0 : i32
    %dma_start3A_632 = arith.constant 0 : i32
    %dma_start3A_633 = tpu.memref_slice %arg7[%dma_start3A_619, %dma_start3A_631, %dma_start3A_632] : memref<4x2x64xi32, #tpu.memory_space<vmem>> -> memref<1x2x64xi32, #tpu.memory_space<vmem>>
    %dma_start3A_634 = tpu.memref_squeeze %dma_start3A_633 : memref<1x2x64xi32, #tpu.memory_space<vmem>> -> memref<2x64xi32, #tpu.memory_space<vmem>>
    %dma_start3A_635 = arith.constant 0 : i32
    %dma_start3A_636 = arith.constant 0 : i32
    %dma_start3A_637 = tpu.memref_slice %arg2[%add3A_618, %dma_start3A_635, %dma_start3A_636] : memref<5024x2x64xi32, #tpu.memory_space<hbm>> -> memref<1x2x64xi32, #tpu.memory_space<hbm>>
    %dma_start3A_638 = tpu.memref_squeeze %dma_start3A_637 : memref<1x2x64xi32, #tpu.memory_space<hbm>> -> memref<2x64xi32, #tpu.memory_space<hbm>>
    tpu.enqueue_dma source(%dma_start3A_638 : memref<2x64xi32, #tpu.memory_space<hbm>>) target(%dma_start3A_634 : memref<2x64xi32, #tpu.memory_space<vmem>>) target_semaphore(%dma_start3A_630 : memref<!tpu.dma_semaphore, #tpu.memory_space<semaphore_mem>>)
    %mul3A_639 = arith.constant 64 : i32
    %mul3A_640 = arith.muli %add3A_618, %mul3A_639 : i32
    %dma_start3A_641 = arith.constant 0 : i32
    %dma_start3A_642 = arith.constant 0 : i32
    %dma_start3A_643 = arith.constant 0 : i32
    %dma_start3A_644 = tpu.memref_slice %arg8[%dma_start3A_641, %dma_start3A_643] : memref<4x64xf32, #tpu.memory_space<vmem>> -> memref<1x64xf32, #tpu.memory_space<vmem>>
    %dma_start3A_645 = tpu.memref_squeeze %dma_start3A_644 : memref<1x64xf32, #tpu.memory_space<vmem>> -> memref<64xf32, #tpu.memory_space<vmem>>
    %dma_start3A_646 = tpu.memref_slice %arg3[%mul3A_640] : memref<321536xf32, #tpu.memory_space<hbm>> -> memref<64xf32, #tpu.memory_space<hbm>>
    %dma_start3A_647 = tpu.memref_slice %arg16[%dma_start3A_642] : memref<4x!tpu.dma_semaphore, #tpu.memory_space<semaphore_mem>> -> memref<1x!tpu.dma_semaphore, #tpu.memory_space<semaphore_mem>>
    %dma_start3A_648 = tpu.memref_squeeze %dma_start3A_647 : memref<1x!tpu.dma_semaphore, #tpu.memory_space<semaphore_mem>> -> memref<!tpu.dma_semaphore, #tpu.memory_space<semaphore_mem>>
    %dma_start3A_649 = arith.constant 0 : i32
    %dma_start3A_650 = tpu.memref_slice %arg8[%dma_start3A_641, %dma_start3A_649] : memref<4x64xf32, #tpu.memory_space<vmem>> -> memref<1x64xf32, #tpu.memory_space<vmem>>
    %dma_start3A_651 = tpu.memref_squeeze %dma_start3A_650 : memref<1x64xf32, #tpu.memory_space<vmem>> -> memref<64xf32, #tpu.memory_space<vmem>>
    %dma_start3A_652 = tpu.memref_slice %arg3[%mul3A_640] : memref<321536xf32, #tpu.memory_space<hbm>> -> memref<64xf32, #tpu.memory_space<hbm>>
    tpu.enqueue_dma source(%dma_start3A_652 : memref<64xf32, #tpu.memory_space<hbm>>) target(%dma_start3A_651 : memref<64xf32, #tpu.memory_space<vmem>>) target_semaphore(%dma_start3A_648 : memref<!tpu.dma_semaphore, #tpu.memory_space<semaphore_mem>>)
    %add3A_653 = arith.constant 1 : i32
    %add3A_654 = arith.addi %add3A_616, %add3A_653 : i32
    %dma_start3A_655 = arith.constant 1 : i32
    %dma_start3A_656 = arith.constant 1 : i32
    %dma_start3A_657 = arith.constant 0 : i32
    %dma_start3A_658 = arith.constant 0 : i32
    %dma_start3A_659 = tpu.memref_slice %arg7[%dma_start3A_655, %dma_start3A_657, %dma_start3A_658] : memref<4x2x64xi32, #tpu.memory_space<vmem>> -> memref<1x2x64xi32, #tpu.memory_space<vmem>>
    %dma_start3A_660 = tpu.memref_squeeze %dma_start3A_659 : memref<1x2x64xi32, #tpu.memory_space<vmem>> -> memref<2x64xi32, #tpu.memory_space<vmem>>
    %dma_start3A_661 = arith.constant 0 : i32
    %dma_start3A_662 = arith.constant 0 : i32
    %dma_start3A_663 = tpu.memref_slice %arg2[%add3A_654, %dma_start3A_661, %dma_start3A_662] : memref<5024x2x64xi32, #tpu.memory_space<hbm>> -> memref<1x2x64xi32, #tpu.memory_space<hbm>>
    %dma_start3A_664 = tpu.memref_squeeze %dma_start3A_663 : memref<1x2x64xi32, #tpu.memory_space<hbm>> -> memref<2x64xi32, #tpu.memory_space<hbm>>
    %dma_start3A_665 = tpu.memref_slice %arg16[%dma_start3A_656] : memref<4x!tpu.dma_semaphore, #tpu.memory_space<semaphore_mem>> -> memref<1x!tpu.dma_semaphore, #tpu.memory_space<semaphore_mem>>
    %dma_start3A_666 = tpu.memref_squeeze %dma_start3A_665 : memref<1x!tpu.dma_semaphore, #tpu.memory_space<semaphore_mem>> -> memref<!tpu.dma_semaphore, #tpu.memory_space<semaphore_mem>>
    %dma_start3A_667 = arith.constant 0 : i32
    %dma_start3A_668 = arith.constant 0 : i32
    %dma_start3A_669 = tpu.memref_slice %arg7[%dma_start3A_655, %dma_start3A_667, %dma_start3A_668] : memref<4x2x64xi32, #tpu.memory_space<vmem>> -> memref<1x2x64xi32, #tpu.memory_space<vmem>>
    %dma_start3A_670 = tpu.memref_squeeze %dma_start3A_669 : memref<1x2x64xi32, #tpu.memory_space<vmem>> -> memref<2x64xi32, #tpu.memory_space<vmem>>
    %dma_start3A_671 = arith.constant 0 : i32
    %dma_start3A_672 = arith.constant 0 : i32
    %dma_start3A_673 = tpu.memref_slice %arg2[%add3A_654, %dma_start3A_671, %dma_start3A_672] : memref<5024x2x64xi32, #tpu.memory_space<hbm>> -> memref<1x2x64xi32, #tpu.memory_space<hbm>>
    %dma_start3A_674 = tpu.memref_squeeze %dma_start3A_673 : memref<1x2x64xi32, #tpu.memory_space<hbm>> -> memref<2x64xi32, #tpu.memory_space<hbm>>
    tpu.enqueue_dma source(%dma_start3A_674 : memref<2x64xi32, #tpu.memory_space<hbm>>) target(%dma_start3A_670 : memref<2x64xi32, #tpu.memory_space<vmem>>) target_semaphore(%dma_start3A_666 : memref<!tpu.dma_semaphore, #tpu.memory_space<semaphore_mem>>)
    %mul3A_675 = arith.constant 64 : i32
    %mul3A_676 = arith.muli %add3A_654, %mul3A_675 : i32
    %dma_start3A_677 = arith.constant 1 : i32
    %dma_start3A_678 = arith.constant 1 : i32
    %dma_start3A_679 = arith.constant 0 : i32
    %dma_start3A_680 = tpu.memref_slice %arg8[%dma_start3A_677, %dma_start3A_679] : memref<4x64xf32, #tpu.memory_space<vmem>> -> memref<1x64xf32, #tpu.memory_space<vmem>>
    %dma_start3A_681 = tpu.memref_squeeze %dma_start3A_680 : memref<1x64xf32, #tpu.memory_space<vmem>> -> memref<64xf32, #tpu.memory_space<vmem>>
    %dma_start3A_682 = tpu.memref_slice %arg3[%mul3A_676] : memref<321536xf32, #tpu.memory_space<hbm>> -> memref<64xf32, #tpu.memory_space<hbm>>
    %dma_start3A_683 = tpu.memref_slice %arg16[%dma_start3A_678] : memref<4x!tpu.dma_semaphore, #tpu.memory_space<semaphore_mem>> -> memref<1x!tpu.dma_semaphore, #tpu.memory_space<semaphore_mem>>
    %dma_start3A_684 = tpu.memref_squeeze %dma_start3A_683 : memref<1x!tpu.dma_semaphore, #tpu.memory_space<semaphore_mem>> -> memref<!tpu.dma_semaphore, #tpu.memory_space<semaphore_mem>>
    %dma_start3A_685 = arith.constant 0 : i32
    %dma_start3A_686 = tpu.memref_slice %arg8[%dma_start3A_677, %dma_start3A_685] : memref<4x64xf32, #tpu.memory_space<vmem>> -> memref<1x64xf32, #tpu.memory_space<vmem>>
    %dma_start3A_687 = tpu.memref_squeeze %dma_start3A_686 : memref<1x64xf32, #tpu.memory_space<vmem>> -> memref<64xf32, #tpu.memory_space<vmem>>
    %dma_start3A_688 = tpu.memref_slice %arg3[%mul3A_676] : memref<321536xf32, #tpu.memory_space<hbm>> -> memref<64xf32, #tpu.memory_space<hbm>>
    tpu.enqueue_dma source(%dma_start3A_688 : memref<64xf32, #tpu.memory_space<hbm>>) target(%dma_start3A_687 : memref<64xf32, #tpu.memory_space<vmem>>) target_semaphore(%dma_start3A_684 : memref<!tpu.dma_semaphore, #tpu.memory_space<semaphore_mem>>)
    %add3A_689 = arith.constant 2 : i32
    %add3A_690 = arith.addi %add3A_616, %add3A_689 : i32
    %dma_start3A_691 = arith.constant 2 : i32
    %dma_start3A_692 = arith.constant 2 : i32
    %dma_start3A_693 = arith.constant 0 : i32
    %dma_start3A_694 = arith.constant 0 : i32
    %dma_start3A_695 = tpu.memref_slice %arg7[%dma_start3A_691, %dma_start3A_693, %dma_start3A_694] : memref<4x2x64xi32, #tpu.memory_space<vmem>> -> memref<1x2x64xi32, #tpu.memory_space<vmem>>
    %dma_start3A_696 = tpu.memref_squeeze %dma_start3A_695 : memref<1x2x64xi32, #tpu.memory_space<vmem>> -> memref<2x64xi32, #tpu.memory_space<vmem>>
    %dma_start3A_697 = arith.constant 0 : i32
    %dma_start3A_698 = arith.constant 0 : i32
    %dma_start3A_699 = tpu.memref_slice %arg2[%add3A_690, %dma_start3A_697, %dma_start3A_698] : memref<5024x2x64xi32, #tpu.memory_space<hbm>> -> memref<1x2x64xi32, #tpu.memory_space<hbm>>
    %dma_start3A_700 = tpu.memref_squeeze %dma_start3A_699 : memref<1x2x64xi32, #tpu.memory_space<hbm>> -> memref<2x64xi32, #tpu.memory_space<hbm>>
    %dma_start3A_701 = tpu.memref_slice %arg16[%dma_start3A_692] : memref<4x!tpu.dma_semaphore, #tpu.memory_space<semaphore_mem>> -> memref<1x!tpu.dma_semaphore, #tpu.memory_space<semaphore_mem>>
    %dma_start3A_702 = tpu.memref_squeeze %dma_start3A_701 : memref<1x!tpu.dma_semaphore, #tpu.memory_space<semaphore_mem>> -> memref<!tpu.dma_semaphore, #tpu.memory_space<semaphore_mem>>
    %dma_start3A_703 = arith.constant 0 : i32
    %dma_start3A_704 = arith.constant 0 : i32
    %dma_start3A_705 = tpu.memref_slice %arg7[%dma_start3A_691, %dma_start3A_703, %dma_start3A_704] : memref<4x2x64xi32, #tpu.memory_space<vmem>> -> memref<1x2x64xi32, #tpu.memory_space<vmem>>
    %dma_start3A_706 = tpu.memref_squeeze %dma_start3A_705 : memref<1x2x64xi32, #tpu.memory_space<vmem>> -> memref<2x64xi32, #tpu.memory_space<vmem>>
    %dma_start3A_707 = arith.constant 0 : i32
    %dma_start3A_708 = arith.constant 0 : i32
    %dma_start3A_709 = tpu.memref_slice %arg2[%add3A_690, %dma_start3A_707, %dma_start3A_708] : memref<5024x2x64xi32, #tpu.memory_space<hbm>> -> memref<1x2x64xi32, #tpu.memory_space<hbm>>
    %dma_start3A_710 = tpu.memref_squeeze %dma_start3A_709 : memref<1x2x64xi32, #tpu.memory_space<hbm>> -> memref<2x64xi32, #tpu.memory_space<hbm>>
    tpu.enqueue_dma source(%dma_start3A_710 : memref<2x64xi32, #tpu.memory_space<hbm>>) target(%dma_start3A_706 : memref<2x64xi32, #tpu.memory_space<vmem>>) target_semaphore(%dma_start3A_702 : memref<!tpu.dma_semaphore, #tpu.memory_space<semaphore_mem>>)
    %mul3A_711 = arith.constant 64 : i32
    %mul3A_712 = arith.muli %add3A_690, %mul3A_711 : i32
    %dma_start3A_713 = arith.constant 2 : i32
    %dma_start3A_714 = arith.constant 2 : i32
    %dma_start3A_715 = arith.constant 0 : i32
    %dma_start3A_716 = tpu.memref_slice %arg8[%dma_start3A_713, %dma_start3A_715] : memref<4x64xf32, #tpu.memory_space<vmem>> -> memref<1x64xf32, #tpu.memory_space<vmem>>
    %dma_start3A_717 = tpu.memref_squeeze %dma_start3A_716 : memref<1x64xf32, #tpu.memory_space<vmem>> -> memref<64xf32, #tpu.memory_space<vmem>>
    %dma_start3A_718 = tpu.memref_slice %arg3[%mul3A_712] : memref<321536xf32, #tpu.memory_space<hbm>> -> memref<64xf32, #tpu.memory_space<hbm>>
    %dma_start3A_719 = tpu.memref_slice %arg16[%dma_start3A_714] : memref<4x!tpu.dma_semaphore, #tpu.memory_space<semaphore_mem>> -> memref<1x!tpu.dma_semaphore, #tpu.memory_space<semaphore_mem>>
    %dma_start3A_720 = tpu.memref_squeeze %dma_start3A_719 : memref<1x!tpu.dma_semaphore, #tpu.memory_space<semaphore_mem>> -> memref<!tpu.dma_semaphore, #tpu.memory_space<semaphore_mem>>
    %dma_start3A_721 = arith.constant 0 : i32
    %dma_start3A_722 = tpu.memref_slice %arg8[%dma_start3A_713, %dma_start3A_721] : memref<4x64xf32, #tpu.memory_space<vmem>> -> memref<1x64xf32, #tpu.memory_space<vmem>>
    %dma_start3A_723 = tpu.memref_squeeze %dma_start3A_722 : memref<1x64xf32, #tpu.memory_space<vmem>> -> memref<64xf32, #tpu.memory_space<vmem>>
    %dma_start3A_724 = tpu.memref_slice %arg3[%mul3A_712] : memref<321536xf32, #tpu.memory_space<hbm>> -> memref<64xf32, #tpu.memory_space<hbm>>
    tpu.enqueue_dma source(%dma_start3A_724 : memref<64xf32, #tpu.memory_space<hbm>>) target(%dma_start3A_723 : memref<64xf32, #tpu.memory_space<vmem>>) target_semaphore(%dma_start3A_720 : memref<!tpu.dma_semaphore, #tpu.memory_space<semaphore_mem>>)
    %add3A_725 = arith.constant 3 : i32
    %add3A_726 = arith.addi %add3A_616, %add3A_725 : i32
    %dma_start3A_727 = arith.constant 3 : i32
    %dma_start3A_728 = arith.constant 3 : i32
    %dma_start3A_729 = arith.constant 0 : i32
    %dma_start3A_730 = arith.constant 0 : i32
    %dma_start3A_731 = tpu.memref_slice %arg7[%dma_start3A_727, %dma_start3A_729, %dma_start3A_730] : memref<4x2x64xi32, #tpu.memory_space<vmem>> -> memref<1x2x64xi32, #tpu.memory_space<vmem>>
    %dma_start3A_732 = tpu.memref_squeeze %dma_start3A_731 : memref<1x2x64xi32, #tpu.memory_space<vmem>> -> memref<2x64xi32, #tpu.memory_space<vmem>>
    %dma_start3A_733 = arith.constant 0 : i32
    %dma_start3A_734 = arith.constant 0 : i32
    %dma_start3A_735 = tpu.memref_slice %arg2[%add3A_726, %dma_start3A_733, %dma_start3A_734] : memref<5024x2x64xi32, #tpu.memory_space<hbm>> -> memref<1x2x64xi32, #tpu.memory_space<hbm>>
    %dma_start3A_736 = tpu.memref_squeeze %dma_start3A_735 : memref<1x2x64xi32, #tpu.memory_space<hbm>> -> memref<2x64xi32, #tpu.memory_space<hbm>>
    %dma_start3A_737 = tpu.memref_slice %arg16[%dma_start3A_728] : memref<4x!tpu.dma_semaphore, #tpu.memory_space<semaphore_mem>> -> memref<1x!tpu.dma_semaphore, #tpu.memory_space<semaphore_mem>>
    %dma_start3A_738 = tpu.memref_squeeze %dma_start3A_737 : memref<1x!tpu.dma_semaphore, #tpu.memory_space<semaphore_mem>> -> memref<!tpu.dma_semaphore, #tpu.memory_space<semaphore_mem>>
    %dma_start3A_739 = arith.constant 0 : i32
    %dma_start3A_740 = arith.constant 0 : i32
    %dma_start3A_741 = tpu.memref_slice %arg7[%dma_start3A_727, %dma_start3A_739, %dma_start3A_740] : memref<4x2x64xi32, #tpu.memory_space<vmem>> -> memref<1x2x64xi32, #tpu.memory_space<vmem>>
    %dma_start3A_742 = tpu.memref_squeeze %dma_start3A_741 : memref<1x2x64xi32, #tpu.memory_space<vmem>> -> memref<2x64xi32, #tpu.memory_space<vmem>>
    %dma_start3A_743 = arith.constant 0 : i32
    %dma_start3A_744 = arith.constant 0 : i32
    %dma_start3A_745 = tpu.memref_slice %arg2[%add3A_726, %dma_start3A_743, %dma_start3A_744] : memref<5024x2x64xi32, #tpu.memory_space<hbm>> -> memref<1x2x64xi32, #tpu.memory_space<hbm>>
    %dma_start3A_746 = tpu.memref_squeeze %dma_start3A_745 : memref<1x2x64xi32, #tpu.memory_space<hbm>> -> memref<2x64xi32, #tpu.memory_space<hbm>>
    tpu.enqueue_dma source(%dma_start3A_746 : memref<2x64xi32, #tpu.memory_space<hbm>>) target(%dma_start3A_742 : memref<2x64xi32, #tpu.memory_space<vmem>>) target_semaphore(%dma_start3A_738 : memref<!tpu.dma_semaphore, #tpu.memory_space<semaphore_mem>>)
    %mul3A_747 = arith.constant 64 : i32
    %mul3A_748 = arith.muli %add3A_726, %mul3A_747 : i32
    %dma_start3A_749 = arith.constant 3 : i32
    %dma_start3A_750 = arith.constant 3 : i32
    %dma_start3A_751 = arith.constant 0 : i32
    %dma_start3A_752 = tpu.memref_slice %arg8[%dma_start3A_749, %dma_start3A_751] : memref<4x64xf32, #tpu.memory_space<vmem>> -> memref<1x64xf32, #tpu.memory_space<vmem>>
    %dma_start3A_753 = tpu.memref_squeeze %dma_start3A_752 : memref<1x64xf32, #tpu.memory_space<vmem>> -> memref<64xf32, #tpu.memory_space<vmem>>
    %dma_start3A_754 = tpu.memref_slice %arg3[%mul3A_748] : memref<321536xf32, #tpu.memory_space<hbm>> -> memref<64xf32, #tpu.memory_space<hbm>>
    %dma_start3A_755 = tpu.memref_slice %arg16[%dma_start3A_750] : memref<4x!tpu.dma_semaphore, #tpu.memory_space<semaphore_mem>> -> memref<1x!tpu.dma_semaphore, #tpu.memory_space<semaphore_mem>>
    %dma_start3A_756 = tpu.memref_squeeze %dma_start3A_755 : memref<1x!tpu.dma_semaphore, #tpu.memory_space<semaphore_mem>> -> memref<!tpu.dma_semaphore, #tpu.memory_space<semaphore_mem>>
    %dma_start3A_757 = arith.constant 0 : i32
    %dma_start3A_758 = tpu.memref_slice %arg8[%dma_start3A_749, %dma_start3A_757] : memref<4x64xf32, #tpu.memory_space<vmem>> -> memref<1x64xf32, #tpu.memory_space<vmem>>
    %dma_start3A_759 = tpu.memref_squeeze %dma_start3A_758 : memref<1x64xf32, #tpu.memory_space<vmem>> -> memref<64xf32, #tpu.memory_space<vmem>>
    %dma_start3A_760 = tpu.memref_slice %arg3[%mul3A_748] : memref<321536xf32, #tpu.memory_space<hbm>> -> memref<64xf32, #tpu.memory_space<hbm>>
    tpu.enqueue_dma source(%dma_start3A_760 : memref<64xf32, #tpu.memory_space<hbm>>) target(%dma_start3A_759 : memref<64xf32, #tpu.memory_space<vmem>>) target_semaphore(%dma_start3A_756 : memref<!tpu.dma_semaphore, #tpu.memory_space<semaphore_mem>>)
    %scan3A_761 = arith.constant 0 : i32
    %scan3A_762 = arith.constant 41 : i32
    %scan3A_763 = arith.addi %scan3A_761, %scan3A_762 : i32
    %scan3A_764 = arith.constant 1 : i32
    scf.for %scan3A_833 = %scan3A_761 to %scan3A_763 step %scan3A_764  : i32 {
      %mul3A_834 = arith.constant 1 : i32
      %mul3A_835 = arith.muli %scan3A_833, %mul3A_834 : i32
      %add3A_836 = arith.constant 0 : i32
      %add3A_837 = arith.addi %add3A_836, %mul3A_835 : i32
      %mul3A_838 = arith.constant 4 : i32
      %mul3A_839 = arith.muli %add3A_837, %mul3A_838 : i32
      %add3A_840 = arith.constant 0 : i32
      %add3A_841 = arith.addi %mul3A_839, %add3A_840 : i32
      %lt3A = arith.cmpi slt, %add3A_841, %select_n3A : i32
      %convert_element_type3A_842 = arith.extui %lt3A : i1 to i32
      %cond3A_843 = arith.constant 0 : i32
      %cond3A_844 = arith.cmpi ne, %convert_element_type3A_842, %cond3A_843 : i32
      scf.if %cond3A_844 {
        %add3A_938 = arith.addi %add3A_616, %add3A_841 : i32
        %dma_wait3A_939 = arith.constant 0 : i32
        %dma_wait3A_940 = arith.constant 0 : i32
        %dma_wait3A_941 = arith.constant 0 : i32
        %dma_wait3A_942 = arith.constant 0 : i32
        %dma_wait3A_943 = tpu.memref_slice %arg7[%dma_wait3A_939, %dma_wait3A_941, %dma_wait3A_942] : memref<4x2x64xi32, #tpu.memory_space<vmem>> -> memref<1x2x64xi32, #tpu.memory_space<vmem>>
        %dma_wait3A_944 = tpu.memref_squeeze %dma_wait3A_943 : memref<1x2x64xi32, #tpu.memory_space<vmem>> -> memref<2x64xi32, #tpu.memory_space<vmem>>
        %dma_wait3A_945 = arith.constant 0 : i32
        %dma_wait3A_946 = arith.constant 0 : i32
        %dma_wait3A_947 = tpu.memref_slice %arg2[%add3A_938, %dma_wait3A_945, %dma_wait3A_946] : memref<5024x2x64xi32, #tpu.memory_space<hbm>> -> memref<1x2x64xi32, #tpu.memory_space<hbm>>
        %dma_wait3A_948 = tpu.memref_squeeze %dma_wait3A_947 : memref<1x2x64xi32, #tpu.memory_space<hbm>> -> memref<2x64xi32, #tpu.memory_space<hbm>>
        %dma_wait3A_949 = tpu.memref_slice %arg16[%dma_wait3A_940] : memref<4x!tpu.dma_semaphore, #tpu.memory_space<semaphore_mem>> -> memref<1x!tpu.dma_semaphore, #tpu.memory_space<semaphore_mem>>
        %dma_wait3A_950 = tpu.memref_squeeze %dma_wait3A_949 : memref<1x!tpu.dma_semaphore, #tpu.memory_space<semaphore_mem>> -> memref<!tpu.dma_semaphore, #tpu.memory_space<semaphore_mem>>
        %dma_wait3A_951 = arith.constant 0 : i32
        %dma_wait3A_952 = arith.constant 0 : i32
        %dma_wait3A_953 = tpu.memref_slice %arg7[%dma_wait3A_939, %dma_wait3A_951, %dma_wait3A_952] : memref<4x2x64xi32, #tpu.memory_space<vmem>> -> memref<1x2x64xi32, #tpu.memory_space<vmem>>
        %dma_wait3A_954 = tpu.memref_squeeze %dma_wait3A_953 : memref<1x2x64xi32, #tpu.memory_space<vmem>> -> memref<2x64xi32, #tpu.memory_space<vmem>>
        %dma_wait3A_955 = arith.constant 0 : i32
        %dma_wait3A_956 = arith.constant 0 : i32
        %dma_wait3A_957 = tpu.memref_slice %arg2[%add3A_938, %dma_wait3A_955, %dma_wait3A_956] : memref<5024x2x64xi32, #tpu.memory_space<hbm>> -> memref<1x2x64xi32, #tpu.memory_space<hbm>>
        %dma_wait3A_958 = tpu.memref_squeeze %dma_wait3A_957 : memref<1x2x64xi32, #tpu.memory_space<hbm>> -> memref<2x64xi32, #tpu.memory_space<hbm>>
        tpu.wait_dma2 semaphore(%dma_wait3A_950 : memref<!tpu.dma_semaphore, #tpu.memory_space<semaphore_mem>>) src(%dma_wait3A_958 : memref<2x64xi32, #tpu.memory_space<hbm>>) dst(%dma_wait3A_954 : memref<2x64xi32, #tpu.memory_space<vmem>>)
        %mul3A_959 = arith.constant 64 : i32
        %mul3A_960 = arith.muli %add3A_938, %mul3A_959 : i32
        %dma_wait3A_961 = arith.constant 0 : i32
        %dma_wait3A_962 = arith.constant 0 : i32
        %dma_wait3A_963 = arith.constant 0 : i32
        %dma_wait3A_964 = tpu.memref_slice %arg8[%dma_wait3A_961, %dma_wait3A_963] : memref<4x64xf32, #tpu.memory_space<vmem>> -> memref<1x64xf32, #tpu.memory_space<vmem>>
        %dma_wait3A_965 = tpu.memref_squeeze %dma_wait3A_964 : memref<1x64xf32, #tpu.memory_space<vmem>> -> memref<64xf32, #tpu.memory_space<vmem>>
        %dma_wait3A_966 = tpu.memref_slice %arg3[%mul3A_960] : memref<321536xf32, #tpu.memory_space<hbm>> -> memref<64xf32, #tpu.memory_space<hbm>>
        %dma_wait3A_967 = tpu.memref_slice %arg16[%dma_wait3A_962] : memref<4x!tpu.dma_semaphore, #tpu.memory_space<semaphore_mem>> -> memref<1x!tpu.dma_semaphore, #tpu.memory_space<semaphore_mem>>
        %dma_wait3A_968 = tpu.memref_squeeze %dma_wait3A_967 : memref<1x!tpu.dma_semaphore, #tpu.memory_space<semaphore_mem>> -> memref<!tpu.dma_semaphore, #tpu.memory_space<semaphore_mem>>
        %dma_wait3A_969 = arith.constant 0 : i32
        %dma_wait3A_970 = tpu.memref_slice %arg8[%dma_wait3A_961, %dma_wait3A_969] : memref<4x64xf32, #tpu.memory_space<vmem>> -> memref<1x64xf32, #tpu.memory_space<vmem>>
        %dma_wait3A_971 = tpu.memref_squeeze %dma_wait3A_970 : memref<1x64xf32, #tpu.memory_space<vmem>> -> memref<64xf32, #tpu.memory_space<vmem>>
        %dma_wait3A_972 = tpu.memref_slice %arg3[%mul3A_960] : memref<321536xf32, #tpu.memory_space<hbm>> -> memref<64xf32, #tpu.memory_space<hbm>>
        tpu.wait_dma2 semaphore(%dma_wait3A_968 : memref<!tpu.dma_semaphore, #tpu.memory_space<semaphore_mem>>) src(%dma_wait3A_972 : memref<64xf32, #tpu.memory_space<hbm>>) dst(%dma_wait3A_971 : memref<64xf32, #tpu.memory_space<vmem>>)
        %dma_start3A_973 = arith.constant 0 : i32
        %dma_start3A_974 = arith.constant 0 : i32
        %dma_start3A_975 = arith.constant 0 : i32
        %dma_start3A_976 = arith.constant 0 : i32
        %dma_start3A_977 = arith.constant 0 : i32
        %dma_start3A_978 = arith.constant 0 : i32
        %dma_start3A_979 = tpu.memref_slice %arg10[%dma_start3A_975, %dma_start3A_977, %dma_start3A_978] : memref<4x64x128xf32, #tpu.memory_space<vmem>> -> memref<1x64x128xf32, #tpu.memory_space<vmem>>
        %dma_start3A_980 = tpu.memref_squeeze %dma_start3A_979 : memref<1x64x128xf32, #tpu.memory_space<vmem>> -> memref<64x128xf32, #tpu.memory_space<vmem>>
        %dma_start3A_981 = arith.constant 0 : i32
        %dma_start3A_982 = tpu.memref_slice %arg7[%dma_start3A_973, %dma_start3A_974, %dma_start3A_981] : memref<4x2x64xi32, #tpu.memory_space<vmem>> -> memref<1x1x64xi32, #tpu.memory_space<vmem>>
        %dma_start3A_983 = tpu.memref_squeeze %dma_start3A_982 : memref<1x1x64xi32, #tpu.memory_space<vmem>> -> memref<64xi32, #tpu.memory_space<vmem>>
        %dma_start3A_984 = arith.constant 0 : i32
        %dma_start3A_985 = arith.constant 0 : i32
        %dma_start3A_986 = tpu.memref_slice %arg4[%dma_start3A_984, %dma_start3A_985] : memref<10000x128xf32, #tpu.memory_space<hbm>> -> memref<10000x128xf32, #tpu.memory_space<hbm>>
        %dma_start3A_987 = tpu.memref_slice %arg17[%dma_start3A_976] : memref<4x!tpu.dma_semaphore, #tpu.memory_space<semaphore_mem>> -> memref<1x!tpu.dma_semaphore, #tpu.memory_space<semaphore_mem>>
        %dma_start3A_988 = tpu.memref_squeeze %dma_start3A_987 : memref<1x!tpu.dma_semaphore, #tpu.memory_space<semaphore_mem>> -> memref<!tpu.dma_semaphore, #tpu.memory_space<semaphore_mem>>
        tpu.enqueue_indirect_dma source(%dma_start3A_986 : memref<10000x128xf32, #tpu.memory_space<hbm>>) target(%dma_start3A_980 : memref<64x128xf32, #tpu.memory_space<vmem>>) offsets(%dma_start3A_983 : memref<64xi32, #tpu.memory_space<vmem>>) semaphore(%dma_start3A_988 : memref<!tpu.dma_semaphore, #tpu.memory_space<semaphore_mem>>)
      } else {
      }
      %ge3A = arith.constant 1 : i32
      %ge3A_845 = arith.cmpi sge, %add3A_841, %ge3A : i32
      %sub3A = arith.constant 1 : i32
      %sub3A_846 = arith.subi %add3A_841, %sub3A : i32
      %lt3A_847 = arith.cmpi slt, %sub3A_846, %select_n3A : i32
      %and3A = arith.andi %ge3A_845, %lt3A_847 : i1
      %convert_element_type3A_848 = arith.extui %and3A : i1 to i32
      %cond3A_849 = arith.constant 0 : i32
      %cond3A_850 = arith.cmpi ne, %convert_element_type3A_848, %cond3A_849 : i32
      scf.if %cond3A_850 {
        %dma_wait3A_938 = arith.constant 3 : i32
        %dma_wait3A_939 = arith.constant 0 : i32
        %dma_wait3A_940 = arith.constant 3 : i32
        %dma_wait3A_941 = arith.constant 3 : i32
        %dma_wait3A_942 = arith.constant 0 : i32
        %dma_wait3A_943 = arith.constant 0 : i32
        %dma_wait3A_944 = tpu.memref_slice %arg10[%dma_wait3A_940, %dma_wait3A_942, %dma_wait3A_943] : memref<4x64x128xf32, #tpu.memory_space<vmem>> -> memref<1x64x128xf32, #tpu.memory_space<vmem>>
        %dma_wait3A_945 = tpu.memref_squeeze %dma_wait3A_944 : memref<1x64x128xf32, #tpu.memory_space<vmem>> -> memref<64x128xf32, #tpu.memory_space<vmem>>
        %dma_wait3A_946 = arith.constant 0 : i32
        %dma_wait3A_947 = tpu.memref_slice %arg7[%dma_wait3A_938, %dma_wait3A_939, %dma_wait3A_946] : memref<4x2x64xi32, #tpu.memory_space<vmem>> -> memref<1x1x64xi32, #tpu.memory_space<vmem>>
        %dma_wait3A_948 = tpu.memref_squeeze %dma_wait3A_947 : memref<1x1x64xi32, #tpu.memory_space<vmem>> -> memref<64xi32, #tpu.memory_space<vmem>>
        %dma_wait3A_949 = arith.constant 0 : i32
        %dma_wait3A_950 = arith.constant 0 : i32
        %dma_wait3A_951 = tpu.memref_slice %arg4[%dma_wait3A_949, %dma_wait3A_950] : memref<10000x128xf32, #tpu.memory_space<hbm>> -> memref<10000x128xf32, #tpu.memory_space<hbm>>
        %dma_wait3A_952 = tpu.memref_slice %arg17[%dma_wait3A_941] : memref<4x!tpu.dma_semaphore, #tpu.memory_space<semaphore_mem>> -> memref<1x!tpu.dma_semaphore, #tpu.memory_space<semaphore_mem>>
        %dma_wait3A_953 = tpu.memref_squeeze %dma_wait3A_952 : memref<1x!tpu.dma_semaphore, #tpu.memory_space<semaphore_mem>> -> memref<!tpu.dma_semaphore, #tpu.memory_space<semaphore_mem>>
        tpu.wait_indirect_dma semaphore(%dma_wait3A_953 : memref<!tpu.dma_semaphore, #tpu.memory_space<semaphore_mem>>) src(%dma_wait3A_951 : memref<10000x128xf32, #tpu.memory_space<hbm>>) dst(%dma_wait3A_945 : memref<64x128xf32, #tpu.memory_space<vmem>>)
        %get3A = arith.constant 3 : i32
        %get3A_954 = arith.constant 0 : i32
        %get3A_955 = arith.index_cast %get3A : i32 to index
        %get3A_956 = arith.index_cast %get3A_954 : i32 to index
        %get3A_957 = arith.constant 0 : index
        %get3A_958 = tpu.vector_load %arg7[%get3A_955, %get3A_956, %get3A_957] {strides = array<i32>} : memref<4x2x64xi32, #tpu.memory_space<vmem>>, vector<16xi32>,
        %get3A_959 = arith.constant 3 : i32
        %get3A_960 = arith.constant 1 : i32
        %get3A_961 = arith.index_cast %get3A_959 : i32 to index
        %get3A_962 = arith.index_cast %get3A_960 : i32 to index
        %get3A_963 = arith.constant 0 : index
        %get3A_964 = tpu.vector_load %arg7[%get3A_961, %get3A_962, %get3A_963] {strides = array<i32>} : memref<4x2x64xi32, #tpu.memory_space<vmem>>, vector<16xi32>,
        %gather3A = tpu.vector_load_idx %arg11[%get3A_958] : memref<10240xf32, #tpu.memory_space<vmem>>[vector<16xi32>], vector<16xf32>,
        %gather3A_965 = tpu.vector_load_idx %arg11[%get3A_964] : memref<10240xf32, #tpu.memory_space<vmem>>[vector<16xi32>], vector<16xf32>,
        %get3A_966 = arith.constant 3 : i32
        %get3A_967 = arith.index_cast %get3A_966 : i32 to index
        %get3A_968 = arith.constant 0 : index
        %get3A_969 = tpu.vector_load %arg8[%get3A_967, %get3A_968] {strides = array<i32>} : memref<4x64xf32, #tpu.memory_space<vmem>>, vector<16xf32>,
        %mul3A_970 = arith.mulf %gather3A, %get3A_969 : vector<16xf32>
        %mul3A_971 = arith.mulf %mul3A_970, %gather3A_965 : vector<16xf32>
        %swap3A = arith.constant 0 : index
        %swap3A_972 = tpu.vector_load %arg9[%swap3A] {strides = array<i32>} : memref<64xf32, #tpu.memory_space<vmem>>, vector<16xf32>,
        tpu.vector_store %arg9[%swap3A], %mul3A_971 {strides = array<i32>} : memref<64xf32, #tpu.memory_space<vmem>>, vector<16xf32>,
        %get3A_973 = arith.constant 3 : i32
        %get3A_974 = arith.constant 0 : i32
        %get3A_975 = arith.index_cast %get3A_973 : i32 to index
        %get3A_976 = arith.index_cast %get3A_974 : i32 to index
        %get3A_977 = arith.constant 16 : index
        %get3A_978 = tpu.vector_load %arg7[%get3A_975, %get3A_976, %get3A_977] {strides = array<i32>} : memref<4x2x64xi32, #tpu.memory_space<vmem>>, vector<16xi32>,
        %get3A_979 = arith.constant 3 : i32
        %get3A_980 = arith.constant 1 : i32
        %get3A_981 = arith.index_cast %get3A_979 : i32 to index
        %get3A_982 = arith.index_cast %get3A_980 : i32 to index
        %get3A_983 = arith.constant 16 : index
        %get3A_984 = tpu.vector_load %arg7[%get3A_981, %get3A_982, %get3A_983] {strides = array<i32>} : memref<4x2x64xi32, #tpu.memory_space<vmem>>, vector<16xi32>,
        %gather3A_985 = tpu.vector_load_idx %arg11[%get3A_978] : memref<10240xf32, #tpu.memory_space<vmem>>[vector<16xi32>], vector<16xf32>,
        %gather3A_986 = tpu.vector_load_idx %arg11[%get3A_984] : memref<10240xf32, #tpu.memory_space<vmem>>[vector<16xi32>], vector<16xf32>,
        %get3A_987 = arith.constant 3 : i32
        %get3A_988 = arith.index_cast %get3A_987 : i32 to index
        %get3A_989 = arith.constant 16 : index
        %get3A_990 = tpu.vector_load %arg8[%get3A_988, %get3A_989] {strides = array<i32>} : memref<4x64xf32, #tpu.memory_space<vmem>>, vector<16xf32>,
        %mul3A_991 = arith.mulf %gather3A_985, %get3A_990 : vector<16xf32>
        %mul3A_992 = arith.mulf %mul3A_991, %gather3A_986 : vector<16xf32>
        %swap3A_993 = arith.constant 16 : index
        %swap3A_994 = tpu.vector_load %arg9[%swap3A_993] {strides = array<i32>} : memref<64xf32, #tpu.memory_space<vmem>>, vector<16xf32>,
        tpu.vector_store %arg9[%swap3A_993], %mul3A_992 {strides = array<i32>} : memref<64xf32, #tpu.memory_space<vmem>>, vector<16xf32>,
        %get3A_995 = arith.constant 3 : i32
        %get3A_996 = arith.constant 0 : i32
        %get3A_997 = arith.index_cast %get3A_995 : i32 to index
        %get3A_998 = arith.index_cast %get3A_996 : i32 to index
        %get3A_999 = arith.constant 32 : index
        %get3A_1000 = tpu.vector_load %arg7[%get3A_997, %get3A_998, %get3A_999] {strides = array<i32>} : memref<4x2x64xi32, #tpu.memory_space<vmem>>, vector<16xi32>,
        %get3A_1001 = arith.constant 3 : i32
        %get3A_1002 = arith.constant 1 : i32
        %get3A_1003 = arith.index_cast %get3A_1001 : i32 to index
        %get3A_1004 = arith.index_cast %get3A_1002 : i32 to index
        %get3A_1005 = arith.constant 32 : index
        %get3A_1006 = tpu.vector_load %arg7[%get3A_1003, %get3A_1004, %get3A_1005] {strides = array<i32>} : memref<4x2x64xi32, #tpu.memory_space<vmem>>, vector<16xi32>,
        %gather3A_1007 = tpu.vector_load_idx %arg11[%get3A_1000] : memref<10240xf32, #tpu.memory_space<vmem>>[vector<16xi32>], vector<16xf32>,
        %gather3A_1008 = tpu.vector_load_idx %arg11[%get3A_1006] : memref<10240xf32, #tpu.memory_space<vmem>>[vector<16xi32>], vector<16xf32>,
        %get3A_1009 = arith.constant 3 : i32
        %get3A_1010 = arith.index_cast %get3A_1009 : i32 to index
        %get3A_1011 = arith.constant 32 : index
        %get3A_1012 = tpu.vector_load %arg8[%get3A_1010, %get3A_1011] {strides = array<i32>} : memref<4x64xf32, #tpu.memory_space<vmem>>, vector<16xf32>,
        %mul3A_1013 = arith.mulf %gather3A_1007, %get3A_1012 : vector<16xf32>
        %mul3A_1014 = arith.mulf %mul3A_1013, %gather3A_1008 : vector<16xf32>
        %swap3A_1015 = arith.constant 32 : index
        %swap3A_1016 = tpu.vector_load %arg9[%swap3A_1015] {strides = array<i32>} : memref<64xf32, #tpu.memory_space<vmem>>, vector<16xf32>,
        tpu.vector_store %arg9[%swap3A_1015], %mul3A_1014 {strides = array<i32>} : memref<64xf32, #tpu.memory_space<vmem>>, vector<16xf32>,
        %get3A_1017 = arith.constant 3 : i32
        %get3A_1018 = arith.constant 0 : i32
        %get3A_1019 = arith.index_cast %get3A_1017 : i32 to index
        %get3A_1020 = arith.index_cast %get3A_1018 : i32 to index
        %get3A_1021 = arith.constant 48 : index
        %get3A_1022 = tpu.vector_load %arg7[%get3A_1019, %get3A_1020, %get3A_1021] {strides = array<i32>} : memref<4x2x64xi32, #tpu.memory_space<vmem>>, vector<16xi32>,
        %get3A_1023 = arith.constant 3 : i32
        %get3A_1024 = arith.constant 1 : i32
        %get3A_1025 = arith.index_cast %get3A_1023 : i32 to index
        %get3A_1026 = arith.index_cast %get3A_1024 : i32 to index
        %get3A_1027 = arith.constant 48 : index
        %get3A_1028 = tpu.vector_load %arg7[%get3A_1025, %get3A_1026, %get3A_1027] {strides = array<i32>} : memref<4x2x64xi32, #tpu.memory_space<vmem>>, vector<16xi32>,
        %gather3A_1029 = tpu.vector_load_idx %arg11[%get3A_1022] : memref<10240xf32, #tpu.memory_space<vmem>>[vector<16xi32>], vector<16xf32>,
        %gather3A_1030 = tpu.vector_load_idx %arg11[%get3A_1028] : memref<10240xf32, #tpu.memory_space<vmem>>[vector<16xi32>], vector<16xf32>,
        %get3A_1031 = arith.constant 3 : i32
        %get3A_1032 = arith.index_cast %get3A_1031 : i32 to index
        %get3A_1033 = arith.constant 48 : index
        %get3A_1034 = tpu.vector_load %arg8[%get3A_1032, %get3A_1033] {strides = array<i32>} : memref<4x64xf32, #tpu.memory_space<vmem>>, vector<16xf32>,
        %mul3A_1035 = arith.mulf %gather3A_1029, %get3A_1034 : vector<16xf32>
        %mul3A_1036 = arith.mulf %mul3A_1035, %gather3A_1030 : vector<16xf32>
        %swap3A_1037 = arith.constant 48 : index
        %swap3A_1038 = tpu.vector_load %arg9[%swap3A_1037] {strides = array<i32>} : memref<64xf32, #tpu.memory_space<vmem>>, vector<16xf32>,
        tpu.vector_store %arg9[%swap3A_1037], %mul3A_1036 {strides = array<i32>} : memref<64xf32, #tpu.memory_space<vmem>>, vector<16xf32>,
        %scan3A_1039 = arith.constant 0 : i32
        %scan3A_1040 = arith.constant 64 : i32
        %scan3A_1041 = arith.addi %scan3A_1039, %scan3A_1040 : i32
        %scan3A_1042 = arith.constant 1 : i32
        scf.for %scan3A_1060 = %scan3A_1039 to %scan3A_1041 step %scan3A_1042  : i32 {
          %mul3A_1061 = arith.constant 1 : i32
          %mul3A_1062 = arith.muli %scan3A_1060, %mul3A_1061 : i32
          %add3A_1063 = arith.constant 0 : i32
          %add3A_1064 = arith.addi %add3A_1063, %mul3A_1062 : i32
          %broadcast_in_dim3A_1065 = vector.broadcast %add3A_1064 : i32 to vector<16xi32>
          %gather3A_1066 = tpu.vector_load_idx %arg9[%broadcast_in_dim3A_1065] : memref<64xf32, #tpu.memory_space<vmem>>[vector<16xi32>], vector<16xf32>,
          %get3A_1067 = arith.constant 3 : i32
          %get3A_1068 = arith.index_cast %get3A_1067 : i32 to index
          %get3A_1069 = arith.index_cast %add3A_1064 : i32 to index
          %get3A_1070 = arith.constant 0 : index
          %get3A_1071 = tpu.vector_load %arg10[%get3A_1068, %get3A_1069, %get3A_1070] {strides = array<i32>} : memref<4x64x128xf32, #tpu.memory_space<vmem>>, vector<16xf32>,
          %mul3A_1072 = arith.mulf %get3A_1071, %gather3A_1066 : vector<16xf32>
          %swap3A_1073 = arith.constant 3 : i32
          %swap3A_1074 = arith.index_cast %swap3A_1073 : i32 to index
          %swap3A_1075 = arith.index_cast %add3A_1064 : i32 to index
          %swap3A_1076 = arith.constant 0 : index
          %swap3A_1077 = tpu.vector_load %arg10[%swap3A_1074, %swap3A_1075, %swap3A_1076] {strides = array<i32>} : memref<4x64x128xf32, #tpu.memory_space<vmem>>, vector<16xf32>,
          tpu.vector_store %arg10[%swap3A_1074, %swap3A_1075, %swap3A_1076], %mul3A_1072 {strides = array<i32>} : memref<4x64x128xf32, #tpu.memory_space<vmem>>, vector<16xf32>,
          %get3A_1078 = arith.constant 3 : i32
          %get3A_1079 = arith.index_cast %get3A_1078 : i32 to index
          %get3A_1080 = arith.index_cast %add3A_1064 : i32 to index
          %get3A_1081 = arith.constant 16 : index
          %get3A_1082 = tpu.vector_load %arg10[%get3A_1079, %get3A_1080, %get3A_1081] {strides = array<i32>} : memref<4x64x128xf32, #tpu.memory_space<vmem>>, vector<16xf32>,
          %mul3A_1083 = arith.mulf %get3A_1082, %gather3A_1066 : vector<16xf32>
          %swap3A_1084 = arith.constant 3 : i32
          %swap3A_1085 = arith.index_cast %swap3A_1084 : i32 to index
          %swap3A_1086 = arith.index_cast %add3A_1064 : i32 to index
          %swap3A_1087 = arith.constant 16 : index
          %swap3A_1088 = tpu.vector_load %arg10[%swap3A_1085, %swap3A_1086, %swap3A_1087] {strides = array<i32>} : memref<4x64x128xf32, #tpu.memory_space<vmem>>, vector<16xf32>,
          tpu.vector_store %arg10[%swap3A_1085, %swap3A_1086, %swap3A_1087], %mul3A_1083 {strides = array<i32>} : memref<4x64x128xf32, #tpu.memory_space<vmem>>, vector<16xf32>,
          %get3A_1089 = arith.constant 3 : i32
          %get3A_1090 = arith.index_cast %get3A_1089 : i32 to index
          %get3A_1091 = arith.index_cast %add3A_1064 : i32 to index
          %get3A_1092 = arith.constant 32 : index
          %get3A_1093 = tpu.vector_load %arg10[%get3A_1090, %get3A_1091, %get3A_1092] {strides = array<i32>} : memref<4x64x128xf32, #tpu.memory_space<vmem>>, vector<16xf32>,
          %mul3A_1094 = arith.mulf %get3A_1093, %gather3A_1066 : vector<16xf32>
          %swap3A_1095 = arith.constant 3 : i32
          %swap3A_1096 = arith.index_cast %swap3A_1095 : i32 to index
          %swap3A_1097 = arith.index_cast %add3A_1064 : i32 to index
          %swap3A_1098 = arith.constant 32 : index
          %swap3A_1099 = tpu.vector_load %arg10[%swap3A_1096, %swap3A_1097, %swap3A_1098] {strides = array<i32>} : memref<4x64x128xf32, #tpu.memory_space<vmem>>, vector<16xf32>,
          tpu.vector_store %arg10[%swap3A_1096, %swap3A_1097, %swap3A_1098], %mul3A_1094 {strides = array<i32>} : memref<4x64x128xf32, #tpu.memory_space<vmem>>, vector<16xf32>,
          %get3A_1100 = arith.constant 3 : i32
          %get3A_1101 = arith.index_cast %get3A_1100 : i32 to index
          %get3A_1102 = arith.index_cast %add3A_1064 : i32 to index
          %get3A_1103 = arith.constant 48 : index
          %get3A_1104 = tpu.vector_load %arg10[%get3A_1101, %get3A_1102, %get3A_1103] {strides = array<i32>} : memref<4x64x128xf32, #tpu.memory_space<vmem>>, vector<16xf32>,
          %mul3A_1105 = arith.mulf %get3A_1104, %gather3A_1066 : vector<16xf32>
          %swap3A_1106 = arith.constant 3 : i32
          %swap3A_1107 = arith.index_cast %swap3A_1106 : i32 to index
          %swap3A_1108 = arith.index_cast %add3A_1064 : i32 to index
          %swap3A_1109 = arith.constant 48 : index
          %swap3A_1110 = tpu.vector_load %arg10[%swap3A_1107, %swap3A_1108, %swap3A_1109] {strides = array<i32>} : memref<4x64x128xf32, #tpu.memory_space<vmem>>, vector<16xf32>,
          tpu.vector_store %arg10[%swap3A_1107, %swap3A_1108, %swap3A_1109], %mul3A_1105 {strides = array<i32>} : memref<4x64x128xf32, #tpu.memory_space<vmem>>, vector<16xf32>,
          %get3A_1111 = arith.constant 3 : i32
          %get3A_1112 = arith.index_cast %get3A_1111 : i32 to index
          %get3A_1113 = arith.index_cast %add3A_1064 : i32 to index
          %get3A_1114 = arith.constant 64 : index
          %get3A_1115 = tpu.vector_load %arg10[%get3A_1112, %get3A_1113, %get3A_1114] {strides = array<i32>} : memref<4x64x128xf32, #tpu.memory_space<vmem>>, vector<16xf32>,
          %mul3A_1116 = arith.mulf %get3A_1115, %gather3A_1066 : vector<16xf32>
          %swap3A_1117 = arith.constant 3 : i32
          %swap3A_1118 = arith.index_cast %swap3A_1117 : i32 to index
          %swap3A_1119 = arith.index_cast %add3A_1064 : i32 to index
          %swap3A_1120 = arith.constant 64 : index
          %swap3A_1121 = tpu.vector_load %arg10[%swap3A_1118, %swap3A_1119, %swap3A_1120] {strides = array<i32>} : memref<4x64x128xf32, #tpu.memory_space<vmem>>, vector<16xf32>,
          tpu.vector_store %arg10[%swap3A_1118, %swap3A_1119, %swap3A_1120], %mul3A_1116 {strides = array<i32>} : memref<4x64x128xf32, #tpu.memory_space<vmem>>, vector<16xf32>,
          %get3A_1122 = arith.constant 3 : i32
          %get3A_1123 = arith.index_cast %get3A_1122 : i32 to index
          %get3A_1124 = arith.index_cast %add3A_1064 : i32 to index
          %get3A_1125 = arith.constant 80 : index
          %get3A_1126 = tpu.vector_load %arg10[%get3A_1123, %get3A_1124, %get3A_1125] {strides = array<i32>} : memref<4x64x128xf32, #tpu.memory_space<vmem>>, vector<16xf32>,
          %mul3A_1127 = arith.mulf %get3A_1126, %gather3A_1066 : vector<16xf32>
          %swap3A_1128 = arith.constant 3 : i32
          %swap3A_1129 = arith.index_cast %swap3A_1128 : i32 to index
          %swap3A_1130 = arith.index_cast %add3A_1064 : i32 to index
          %swap3A_1131 = arith.constant 80 : index
          %swap3A_1132 = tpu.vector_load %arg10[%swap3A_1129, %swap3A_1130, %swap3A_1131] {strides = array<i32>} : memref<4x64x128xf32, #tpu.memory_space<vmem>>, vector<16xf32>,
          tpu.vector_store %arg10[%swap3A_1129, %swap3A_1130, %swap3A_1131], %mul3A_1127 {strides = array<i32>} : memref<4x64x128xf32, #tpu.memory_space<vmem>>, vector<16xf32>,
          %get3A_1133 = arith.constant 3 : i32
          %get3A_1134 = arith.index_cast %get3A_1133 : i32 to index
          %get3A_1135 = arith.index_cast %add3A_1064 : i32 to index
          %get3A_1136 = arith.constant 96 : index
          %get3A_1137 = tpu.vector_load %arg10[%get3A_1134, %get3A_1135, %get3A_1136] {strides = array<i32>} : memref<4x64x128xf32, #tpu.memory_space<vmem>>, vector<16xf32>,
          %mul3A_1138 = arith.mulf %get3A_1137, %gather3A_1066 : vector<16xf32>
          %swap3A_1139 = arith.constant 3 : i32
          %swap3A_1140 = arith.index_cast %swap3A_1139 : i32 to index
          %swap3A_1141 = arith.index_cast %add3A_1064 : i32 to index
          %swap3A_1142 = arith.constant 96 : index
          %swap3A_1143 = tpu.vector_load %arg10[%swap3A_1140, %swap3A_1141, %swap3A_1142] {strides = array<i32>} : memref<4x64x128xf32, #tpu.memory_space<vmem>>, vector<16xf32>,
          tpu.vector_store %arg10[%swap3A_1140, %swap3A_1141, %swap3A_1142], %mul3A_1138 {strides = array<i32>} : memref<4x64x128xf32, #tpu.memory_space<vmem>>, vector<16xf32>,
          %get3A_1144 = arith.constant 3 : i32
          %get3A_1145 = arith.index_cast %get3A_1144 : i32 to index
          %get3A_1146 = arith.index_cast %add3A_1064 : i32 to index
          %get3A_1147 = arith.constant 112 : index
          %get3A_1148 = tpu.vector_load %arg10[%get3A_1145, %get3A_1146, %get3A_1147] {strides = array<i32>} : memref<4x64x128xf32, #tpu.memory_space<vmem>>, vector<16xf32>,
          %mul3A_1149 = arith.mulf %get3A_1148, %gather3A_1066 : vector<16xf32>
          %swap3A_1150 = arith.constant 3 : i32
          %swap3A_1151 = arith.index_cast %swap3A_1150 : i32 to index
          %swap3A_1152 = arith.index_cast %add3A_1064 : i32 to index
          %swap3A_1153 = arith.constant 112 : index
          %swap3A_1154 = tpu.vector_load %arg10[%swap3A_1151, %swap3A_1152, %swap3A_1153] {strides = array<i32>} : memref<4x64x128xf32, #tpu.memory_space<vmem>>, vector<16xf32>,
          tpu.vector_store %arg10[%swap3A_1151, %swap3A_1152, %swap3A_1153], %mul3A_1149 {strides = array<i32>} : memref<4x64x128xf32, #tpu.memory_space<vmem>>, vector<16xf32>,
        }
        %scan3A_1043 = arith.constant 64 : i32
        %dma_start3A_1044 = arith.constant 3 : i32
        %dma_start3A_1045 = arith.constant 3 : i32
        %dma_start3A_1046 = arith.constant 1 : i32
        %dma_start3A_1047 = arith.constant 3 : i32
        %dma_start3A_1048 = arith.constant 0 : i32
        %dma_start3A_1049 = arith.constant 0 : i32
        %dma_start3A_1050 = tpu.memref_slice %arg10[%dma_start3A_1044, %dma_start3A_1048, %dma_start3A_1049] : memref<4x64x128xf32, #tpu.memory_space<vmem>> -> memref<1x64x128xf32, #tpu.memory_space<vmem>>
        %dma_start3A_1051 = tpu.memref_squeeze %dma_start3A_1050 : memref<1x64x128xf32, #tpu.memory_space<vmem>> -> memref<64x128xf32, #tpu.memory_space<vmem>>
        %dma_start3A_1052 = arith.constant 0 : i32
        %dma_start3A_1053 = tpu.memref_slice %arg7[%dma_start3A_1045, %dma_start3A_1046, %dma_start3A_1052] : memref<4x2x64xi32, #tpu.memory_space<vmem>> -> memref<1x1x64xi32, #tpu.memory_space<vmem>>
        %dma_start3A_1054 = tpu.memref_squeeze %dma_start3A_1053 : memref<1x1x64xi32, #tpu.memory_space<vmem>> -> memref<64xi32, #tpu.memory_space<vmem>>
        %dma_start3A_1055 = arith.constant 0 : i32
        %dma_start3A_1056 = arith.constant 0 : i32
        %dma_start3A_1057 = tpu.memref_slice %arg13[%dma_start3A_1055, %dma_start3A_1056] : memref<10240x128xf32, #tpu.memory_space<vmem_shared>> -> memref<10240x128xf32, #tpu.memory_space<vmem_shared>>
        %dma_start3A_1058 = tpu.memref_slice %arg18[%dma_start3A_1047] : memref<4x!tpu.dma_semaphore, #tpu.memory_space<semaphore_mem>> -> memref<1x!tpu.dma_semaphore, #tpu.memory_space<semaphore_mem>>
        %dma_start3A_1059 = tpu.memref_squeeze %dma_start3A_1058 : memref<1x!tpu.dma_semaphore, #tpu.memory_space<semaphore_mem>> -> memref<!tpu.dma_semaphore, #tpu.memory_space<semaphore_mem>>
        tpu.enqueue_indirect_dma source(%dma_start3A_1051 : memref<64x128xf32, #tpu.memory_space<vmem>>) target(%dma_start3A_1057 : memref<10240x128xf32, #tpu.memory_space<vmem_shared>>) offsets(%dma_start3A_1054 : memref<64xi32, #tpu.memory_space<vmem>>) semaphore(%dma_start3A_1059 : memref<!tpu.dma_semaphore, #tpu.memory_space<semaphore_mem>>) {add = true}
      } else {
      }
      %ge3A_851 = arith.constant 2 : i32
      %ge3A_852 = arith.cmpi sge, %add3A_841, %ge3A_851 : i32
      %add3A_853 = arith.constant 2 : i32
      %add3A_854 = arith.addi %add3A_841, %add3A_853 : i32
      %lt3A_855 = arith.cmpi slt, %add3A_854, %select_n3A : i32
      %and3A_856 = arith.andi %ge3A_852, %lt3A_855 : i1
      %convert_element_type3A_857 = arith.extui %and3A_856 : i1 to i32
      %cond3A_858 = arith.constant 0 : i32
      %cond3A_859 = arith.cmpi ne, %convert_element_type3A_857, %cond3A_858 : i32
      scf.if %cond3A_859 {
        %dma_wait3A_938 = arith.constant 2 : i32
        %dma_wait3A_939 = arith.constant 2 : i32
        %dma_wait3A_940 = arith.constant 1 : i32
        %dma_wait3A_941 = arith.constant 2 : i32
        %dma_wait3A_942 = arith.constant 0 : i32
        %dma_wait3A_943 = arith.constant 0 : i32
        %dma_wait3A_944 = tpu.memref_slice %arg10[%dma_wait3A_938, %dma_wait3A_942, %dma_wait3A_943] : memref<4x64x128xf32, #tpu.memory_space<vmem>> -> memref<1x64x128xf32, #tpu.memory_space<vmem>>
        %dma_wait3A_945 = tpu.memref_squeeze %dma_wait3A_944 : memref<1x64x128xf32, #tpu.memory_space<vmem>> -> memref<64x128xf32, #tpu.memory_space<vmem>>
        %dma_wait3A_946 = arith.constant 0 : i32
        %dma_wait3A_947 = tpu.memref_slice %arg7[%dma_wait3A_939, %dma_wait3A_940, %dma_wait3A_946] : memref<4x2x64xi32, #tpu.memory_space<vmem>> -> memref<1x1x64xi32, #tpu.memory_space<vmem>>
        %dma_wait3A_948 = tpu.memref_squeeze %dma_wait3A_947 : memref<1x1x64xi32, #tpu.memory_space<vmem>> -> memref<64xi32, #tpu.memory_space<vmem>>
        %dma_wait3A_949 = arith.constant 0 : i32
        %dma_wait3A_950 = arith.constant 0 : i32
        %dma_wait3A_951 = tpu.memref_slice %arg13[%dma_wait3A_949, %dma_wait3A_950] : memref<10240x128xf32, #tpu.memory_space<vmem_shared>> -> memref<10240x128xf32, #tpu.memory_space<vmem_shared>>
        %dma_wait3A_952 = tpu.memref_slice %arg18[%dma_wait3A_941] : memref<4x!tpu.dma_semaphore, #tpu.memory_space<semaphore_mem>> -> memref<1x!tpu.dma_semaphore, #tpu.memory_space<semaphore_mem>>
        %dma_wait3A_953 = tpu.memref_squeeze %dma_wait3A_952 : memref<1x!tpu.dma_semaphore, #tpu.memory_space<semaphore_mem>> -> memref<!tpu.dma_semaphore, #tpu.memory_space<semaphore_mem>>
        tpu.wait_indirect_dma semaphore(%dma_wait3A_953 : memref<!tpu.dma_semaphore, #tpu.memory_space<semaphore_mem>>) src(%dma_wait3A_945 : memref<64x128xf32, #tpu.memory_space<vmem>>) dst(%dma_wait3A_951 : memref<10240x128xf32, #tpu.memory_space<vmem_shared>>)
        %add3A_954 = arith.addi %add3A_616, %add3A_841 : i32
        %add3A_955 = arith.constant 2 : i32
        %add3A_956 = arith.addi %add3A_954, %add3A_955 : i32
        %dma_start3A_957 = arith.constant 2 : i32
        %dma_start3A_958 = arith.constant 2 : i32
        %dma_start3A_959 = arith.constant 0 : i32
        %dma_start3A_960 = arith.constant 0 : i32
        %dma_start3A_961 = tpu.memref_slice %arg7[%dma_start3A_957, %dma_start3A_959, %dma_start3A_960] : memref<4x2x64xi32, #tpu.memory_space<vmem>> -> memref<1x2x64xi32, #tpu.memory_space<vmem>>
        %dma_start3A_962 = tpu.memref_squeeze %dma_start3A_961 : memref<1x2x64xi32, #tpu.memory_space<vmem>> -> memref<2x64xi32, #tpu.memory_space<vmem>>
        %dma_start3A_963 = arith.constant 0 : i32
        %dma_start3A_964 = arith.constant 0 : i32
        %dma_start3A_965 = tpu.memref_slice %arg2[%add3A_956, %dma_start3A_963, %dma_start3A_964] : memref<5024x2x64xi32, #tpu.memory_space<hbm>> -> memref<1x2x64xi32, #tpu.memory_space<hbm>>
        %dma_start3A_966 = tpu.memref_squeeze %dma_start3A_965 : memref<1x2x64xi32, #tpu.memory_space<hbm>> -> memref<2x64xi32, #tpu.memory_space<hbm>>
        %dma_start3A_967 = tpu.memref_slice %arg16[%dma_start3A_958] : memref<4x!tpu.dma_semaphore, #tpu.memory_space<semaphore_mem>> -> memref<1x!tpu.dma_semaphore, #tpu.memory_space<semaphore_mem>>
        %dma_start3A_968 = tpu.memref_squeeze %dma_start3A_967 : memref<1x!tpu.dma_semaphore, #tpu.memory_space<semaphore_mem>> -> memref<!tpu.dma_semaphore, #tpu.memory_space<semaphore_mem>>
        %dma_start3A_969 = arith.constant 0 : i32
        %dma_start3A_970 = arith.constant 0 : i32
        %dma_start3A_971 = tpu.memref_slice %arg7[%dma_start3A_957, %dma_start3A_969, %dma_start3A_970] : memref<4x2x64xi32, #tpu.memory_space<vmem>> -> memref<1x2x64xi32, #tpu.memory_space<vmem>>
        %dma_start3A_972 = tpu.memref_squeeze %dma_start3A_971 : memref<1x2x64xi32, #tpu.memory_space<vmem>> -> memref<2x64xi32, #tpu.memory_space<vmem>>
        %dma_start3A_973 = arith.constant 0 : i32
        %dma_start3A_974 = arith.constant 0 : i32
        %dma_start3A_975 = tpu.memref_slice %arg2[%add3A_956, %dma_start3A_973, %dma_start3A_974] : memref<5024x2x64xi32, #tpu.memory_space<hbm>> -> memref<1x2x64xi32, #tpu.memory_space<hbm>>
        %dma_start3A_976 = tpu.memref_squeeze %dma_start3A_975 : memref<1x2x64xi32, #tpu.memory_space<hbm>> -> memref<2x64xi32, #tpu.memory_space<hbm>>
        tpu.enqueue_dma source(%dma_start3A_976 : memref<2x64xi32, #tpu.memory_space<hbm>>) target(%dma_start3A_972 : memref<2x64xi32, #tpu.memory_space<vmem>>) target_semaphore(%dma_start3A_968 : memref<!tpu.dma_semaphore, #tpu.memory_space<semaphore_mem>>)
        %mul3A_977 = arith.constant 64 : i32
        %mul3A_978 = arith.muli %add3A_956, %mul3A_977 : i32
        %dma_start3A_979 = arith.constant 2 : i32
        %dma_start3A_980 = arith.constant 2 : i32
        %dma_start3A_981 = arith.constant 0 : i32
        %dma_start3A_982 = tpu.memref_slice %arg8[%dma_start3A_979, %dma_start3A_981] : memref<4x64xf32, #tpu.memory_space<vmem>> -> memref<1x64xf32, #tpu.memory_space<vmem>>
        %dma_start3A_983 = tpu.memref_squeeze %dma_start3A_982 : memref<1x64xf32, #tpu.memory_space<vmem>> -> memref<64xf32, #tpu.memory_space<vmem>>
        %dma_start3A_984 = tpu.memref_slice %arg3[%mul3A_978] : memref<321536xf32, #tpu.memory_space<hbm>> -> memref<64xf32, #tpu.memory_space<hbm>>
        %dma_start3A_985 = tpu.memref_slice %arg16[%dma_start3A_980] : memref<4x!tpu.dma_semaphore, #tpu.memory_space<semaphore_mem>> -> memref<1x!tpu.dma_semaphore, #tpu.memory_space<semaphore_mem>>
        %dma_start3A_986 = tpu.memref_squeeze %dma_start3A_985 : memref<1x!tpu.dma_semaphore, #tpu.memory_space<semaphore_mem>> -> memref<!tpu.dma_semaphore, #tpu.memory_space<semaphore_mem>>
        %dma_start3A_987 = arith.constant 0 : i32
        %dma_start3A_988 = tpu.memref_slice %arg8[%dma_start3A_979, %dma_start3A_987] : memref<4x64xf32, #tpu.memory_space<vmem>> -> memref<1x64xf32, #tpu.memory_space<vmem>>
        %dma_start3A_989 = tpu.memref_squeeze %dma_start3A_988 : memref<1x64xf32, #tpu.memory_space<vmem>> -> memref<64xf32, #tpu.memory_space<vmem>>
        %dma_start3A_990 = tpu.memref_slice %arg3[%mul3A_978] : memref<321536xf32, #tpu.memory_space<hbm>> -> memref<64xf32, #tpu.memory_space<hbm>>
        tpu.enqueue_dma source(%dma_start3A_990 : memref<64xf32, #tpu.memory_space<hbm>>) target(%dma_start3A_989 : memref<64xf32, #tpu.memory_space<vmem>>) target_semaphore(%dma_start3A_986 : memref<!tpu.dma_semaphore, #tpu.memory_space<semaphore_mem>>)
      } else {
      }
      %mul3A_860 = arith.constant 4 : i32
      %mul3A_861 = arith.muli %add3A_837, %mul3A_860 : i32
      %add3A_862 = arith.constant 1 : i32
      %add3A_863 = arith.addi %mul3A_861, %add3A_862 : i32
      %lt3A_864 = arith.cmpi slt, %add3A_863, %select_n3A : i32
      %convert_element_type3A_865 = arith.extui %lt3A_864 : i1 to i32
      %cond3A_866 = arith.constant 0 : i32
      %cond3A_867 = arith.cmpi ne, %convert_element_type3A_865, %cond3A_866 : i32
      scf.if %cond3A_867 {
        %add3A_938 = arith.addi %add3A_616, %add3A_863 : i32
        %dma_wait3A_939 = arith.constant 1 : i32
        %dma_wait3A_940 = arith.constant 1 : i32
        %dma_wait3A_941 = arith.constant 0 : i32
        %dma_wait3A_942 = arith.constant 0 : i32
        %dma_wait3A_943 = tpu.memref_slice %arg7[%dma_wait3A_939, %dma_wait3A_941, %dma_wait3A_942] : memref<4x2x64xi32, #tpu.memory_space<vmem>> -> memref<1x2x64xi32, #tpu.memory_space<vmem>>
        %dma_wait3A_944 = tpu.memref_squeeze %dma_wait3A_943 : memref<1x2x64xi32, #tpu.memory_space<vmem>> -> memref<2x64xi32, #tpu.memory_space<vmem>>
        %dma_wait3A_945 = arith.constant 0 : i32
        %dma_wait3A_946 = arith.constant 0 : i32
        %dma_wait3A_947 = tpu.memref_slice %arg2[%add3A_938, %dma_wait3A_945, %dma_wait3A_946] : memref<5024x2x64xi32, #tpu.memory_space<hbm>> -> memref<1x2x64xi32, #tpu.memory_space<hbm>>
        %dma_wait3A_948 = tpu.memref_squeeze %dma_wait3A_947 : memref<1x2x64xi32, #tpu.memory_space<hbm>> -> memref<2x64xi32, #tpu.memory_space<hbm>>
        %dma_wait3A_949 = tpu.memref_slice %arg16[%dma_wait3A_940] : memref<4x!tpu.dma_semaphore, #tpu.memory_space<semaphore_mem>> -> memref<1x!tpu.dma_semaphore, #tpu.memory_space<semaphore_mem>>
        %dma_wait3A_950 = tpu.memref_squeeze %dma_wait3A_949 : memref<1x!tpu.dma_semaphore, #tpu.memory_space<semaphore_mem>> -> memref<!tpu.dma_semaphore, #tpu.memory_space<semaphore_mem>>
        %dma_wait3A_951 = arith.constant 0 : i32
        %dma_wait3A_952 = arith.constant 0 : i32
        %dma_wait3A_953 = tpu.memref_slice %arg7[%dma_wait3A_939, %dma_wait3A_951, %dma_wait3A_952] : memref<4x2x64xi32, #tpu.memory_space<vmem>> -> memref<1x2x64xi32, #tpu.memory_space<vmem>>
        %dma_wait3A_954 = tpu.memref_squeeze %dma_wait3A_953 : memref<1x2x64xi32, #tpu.memory_space<vmem>> -> memref<2x64xi32, #tpu.memory_space<vmem>>
        %dma_wait3A_955 = arith.constant 0 : i32
        %dma_wait3A_956 = arith.constant 0 : i32
        %dma_wait3A_957 = tpu.memref_slice %arg2[%add3A_938, %dma_wait3A_955, %dma_wait3A_956] : memref<5024x2x64xi32, #tpu.memory_space<hbm>> -> memref<1x2x64xi32, #tpu.memory_space<hbm>>
        %dma_wait3A_958 = tpu.memref_squeeze %dma_wait3A_957 : memref<1x2x64xi32, #tpu.memory_space<hbm>> -> memref<2x64xi32, #tpu.memory_space<hbm>>
        tpu.wait_dma2 semaphore(%dma_wait3A_950 : memref<!tpu.dma_semaphore, #tpu.memory_space<semaphore_mem>>) src(%dma_wait3A_958 : memref<2x64xi32, #tpu.memory_space<hbm>>) dst(%dma_wait3A_954 : memref<2x64xi32, #tpu.memory_space<vmem>>)
        %mul3A_959 = arith.constant 64 : i32
        %mul3A_960 = arith.muli %add3A_938, %mul3A_959 : i32
        %dma_wait3A_961 = arith.constant 1 : i32
        %dma_wait3A_962 = arith.constant 1 : i32
        %dma_wait3A_963 = arith.constant 0 : i32
        %dma_wait3A_964 = tpu.memref_slice %arg8[%dma_wait3A_961, %dma_wait3A_963] : memref<4x64xf32, #tpu.memory_space<vmem>> -> memref<1x64xf32, #tpu.memory_space<vmem>>
        %dma_wait3A_965 = tpu.memref_squeeze %dma_wait3A_964 : memref<1x64xf32, #tpu.memory_space<vmem>> -> memref<64xf32, #tpu.memory_space<vmem>>
        %dma_wait3A_966 = tpu.memref_slice %arg3[%mul3A_960] : memref<321536xf32, #tpu.memory_space<hbm>> -> memref<64xf32, #tpu.memory_space<hbm>>
        %dma_wait3A_967 = tpu.memref_slice %arg16[%dma_wait3A_962] : memref<4x!tpu.dma_semaphore, #tpu.memory_space<semaphore_mem>> -> memref<1x!tpu.dma_semaphore, #tpu.memory_space<semaphore_mem>>
        %dma_wait3A_968 = tpu.memref_squeeze %dma_wait3A_967 : memref<1x!tpu.dma_semaphore, #tpu.memory_space<semaphore_mem>> -> memref<!tpu.dma_semaphore, #tpu.memory_space<semaphore_mem>>
        %dma_wait3A_969 = arith.constant 0 : i32
        %dma_wait3A_970 = tpu.memref_slice %arg8[%dma_wait3A_961, %dma_wait3A_969] : memref<4x64xf32, #tpu.memory_space<vmem>> -> memref<1x64xf32, #tpu.memory_space<vmem>>
        %dma_wait3A_971 = tpu.memref_squeeze %dma_wait3A_970 : memref<1x64xf32, #tpu.memory_space<vmem>> -> memref<64xf32, #tpu.memory_space<vmem>>
        %dma_wait3A_972 = tpu.memref_slice %arg3[%mul3A_960] : memref<321536xf32, #tpu.memory_space<hbm>> -> memref<64xf32, #tpu.memory_space<hbm>>
        tpu.wait_dma2 semaphore(%dma_wait3A_968 : memref<!tpu.dma_semaphore, #tpu.memory_space<semaphore_mem>>) src(%dma_wait3A_972 : memref<64xf32, #tpu.memory_space<hbm>>) dst(%dma_wait3A_971 : memref<64xf32, #tpu.memory_space<vmem>>)
        %dma_start3A_973 = arith.constant 1 : i32
        %dma_start3A_974 = arith.constant 0 : i32
        %dma_start3A_975 = arith.constant 1 : i32
        %dma_start3A_976 = arith.constant 1 : i32
        %dma_start3A_977 = arith.constant 0 : i32
        %dma_start3A_978 = arith.constant 0 : i32
        %dma_start3A_979 = tpu.memref_slice %arg10[%dma_start3A_975, %dma_start3A_977, %dma_start3A_978] : memref<4x64x128xf32, #tpu.memory_space<vmem>> -> memref<1x64x128xf32, #tpu.memory_space<vmem>>
        %dma_start3A_980 = tpu.memref_squeeze %dma_start3A_979 : memref<1x64x128xf32, #tpu.memory_space<vmem>> -> memref<64x128xf32, #tpu.memory_space<vmem>>
        %dma_start3A_981 = arith.constant 0 : i32
        %dma_start3A_982 = tpu.memref_slice %arg7[%dma_start3A_973, %dma_start3A_974, %dma_start3A_981] : memref<4x2x64xi32, #tpu.memory_space<vmem>> -> memref<1x1x64xi32, #tpu.memory_space<vmem>>
        %dma_start3A_983 = tpu.memref_squeeze %dma_start3A_982 : memref<1x1x64xi32, #tpu.memory_space<vmem>> -> memref<64xi32, #tpu.memory_space<vmem>>
        %dma_start3A_984 = arith.constant 0 : i32
        %dma_start3A_985 = arith.constant 0 : i32
        %dma_start3A_986 = tpu.memref_slice %arg4[%dma_start3A_984, %dma_start3A_985] : memref<10000x128xf32, #tpu.memory_space<hbm>> -> memref<10000x128xf32, #tpu.memory_space<hbm>>
        %dma_start3A_987 = tpu.memref_slice %arg17[%dma_start3A_976] : memref<4x!tpu.dma_semaphore, #tpu.memory_space<semaphore_mem>> -> memref<1x!tpu.dma_semaphore, #tpu.memory_space<semaphore_mem>>
        %dma_start3A_988 = tpu.memref_squeeze %dma_start3A_987 : memref<1x!tpu.dma_semaphore, #tpu.memory_space<semaphore_mem>> -> memref<!tpu.dma_semaphore, #tpu.memory_space<semaphore_mem>>
        tpu.enqueue_indirect_dma source(%dma_start3A_986 : memref<10000x128xf32, #tpu.memory_space<hbm>>) target(%dma_start3A_980 : memref<64x128xf32, #tpu.memory_space<vmem>>) offsets(%dma_start3A_983 : memref<64xi32, #tpu.memory_space<vmem>>) semaphore(%dma_start3A_988 : memref<!tpu.dma_semaphore, #tpu.memory_space<semaphore_mem>>)
      } else {
      }
      %ge3A_868 = arith.constant 1 : i32
      %ge3A_869 = arith.cmpi sge, %add3A_863, %ge3A_868 : i32
      %sub3A_870 = arith.constant 1 : i32
      %sub3A_871 = arith.subi %add3A_863, %sub3A_870 : i32
      %lt3A_872 = arith.cmpi slt, %sub3A_871, %select_n3A : i32
      %and3A_873 = arith.andi %ge3A_869, %lt3A_872 : i1
      %convert_element_type3A_874 = arith.extui %and3A_873 : i1 to i32
      %cond3A_875 = arith.constant 0 : i32
      %cond3A_876 = arith.cmpi ne, %convert_element_type3A_874, %cond3A_875 : i32
      scf.if %cond3A_876 {
        %dma_wait3A_938 = arith.constant 0 : i32
        %dma_wait3A_939 = arith.constant 0 : i32
        %dma_wait3A_940 = arith.constant 0 : i32
        %dma_wait3A_941 = arith.constant 0 : i32
        %dma_wait3A_942 = arith.constant 0 : i32
        %dma_wait3A_943 = arith.constant 0 : i32
        %dma_wait3A_944 = tpu.memref_slice %arg10[%dma_wait3A_940, %dma_wait3A_942, %dma_wait3A_943] : memref<4x64x128xf32, #tpu.memory_space<vmem>> -> memref<1x64x128xf32, #tpu.memory_space<vmem>>
        %dma_wait3A_945 = tpu.memref_squeeze %dma_wait3A_944 : memref<1x64x128xf32, #tpu.memory_space<vmem>> -> memref<64x128xf32, #tpu.memory_space<vmem>>
        %dma_wait3A_946 = arith.constant 0 : i32
        %dma_wait3A_947 = tpu.memref_slice %arg7[%dma_wait3A_938, %dma_wait3A_939, %dma_wait3A_946] : memref<4x2x64xi32, #tpu.memory_space<vmem>> -> memref<1x1x64xi32, #tpu.memory_space<vmem>>
        %dma_wait3A_948 = tpu.memref_squeeze %dma_wait3A_947 : memref<1x1x64xi32, #tpu.memory_space<vmem>> -> memref<64xi32, #tpu.memory_space<vmem>>
        %dma_wait3A_949 = arith.constant 0 : i32
        %dma_wait3A_950 = arith.constant 0 : i32
        %dma_wait3A_951 = tpu.memref_slice %arg4[%dma_wait3A_949, %dma_wait3A_950] : memref<10000x128xf32, #tpu.memory_space<hbm>> -> memref<10000x128xf32, #tpu.memory_space<hbm>>
        %dma_wait3A_952 = tpu.memref_slice %arg17[%dma_wait3A_941] : memref<4x!tpu.dma_semaphore, #tpu.memory_space<semaphore_mem>> -> memref<1x!tpu.dma_semaphore, #tpu.memory_space<semaphore_mem>>
        %dma_wait3A_953 = tpu.memref_squeeze %dma_wait3A_952 : memref<1x!tpu.dma_semaphore, #tpu.memory_space<semaphore_mem>> -> memref<!tpu.dma_semaphore, #tpu.memory_space<semaphore_mem>>
        tpu.wait_indirect_dma semaphore(%dma_wait3A_953 : memref<!tpu.dma_semaphore, #tpu.memory_space<semaphore_mem>>) src(%dma_wait3A_951 : memref<10000x128xf32, #tpu.memory_space<hbm>>) dst(%dma_wait3A_945 : memref<64x128xf32, #tpu.memory_space<vmem>>)
        %get3A = arith.constant 0 : i32
        %get3A_954 = arith.constant 0 : i32
        %get3A_955 = arith.index_cast %get3A : i32 to index
        %get3A_956 = arith.index_cast %get3A_954 : i32 to index
        %get3A_957 = arith.constant 0 : index
        %get3A_958 = tpu.vector_load %arg7[%get3A_955, %get3A_956, %get3A_957] {strides = array<i32>} : memref<4x2x64xi32, #tpu.memory_space<vmem>>, vector<16xi32>,
        %get3A_959 = arith.constant 0 : i32
        %get3A_960 = arith.constant 1 : i32
        %get3A_961 = arith.index_cast %get3A_959 : i32 to index
        %get3A_962 = arith.index_cast %get3A_960 : i32 to index
        %get3A_963 = arith.constant 0 : index
        %get3A_964 = tpu.vector_load %arg7[%get3A_961, %get3A_962, %get3A_963] {strides = array<i32>} : memref<4x2x64xi32, #tpu.memory_space<vmem>>, vector<16xi32>,
        %gather3A = tpu.vector_load_idx %arg11[%get3A_958] : memref<10240xf32, #tpu.memory_space<vmem>>[vector<16xi32>], vector<16xf32>,
        %gather3A_965 = tpu.vector_load_idx %arg11[%get3A_964] : memref<10240xf32, #tpu.memory_space<vmem>>[vector<16xi32>], vector<16xf32>,
        %get3A_966 = arith.constant 0 : i32
        %get3A_967 = arith.index_cast %get3A_966 : i32 to index
        %get3A_968 = arith.constant 0 : index
        %get3A_969 = tpu.vector_load %arg8[%get3A_967, %get3A_968] {strides = array<i32>} : memref<4x64xf32, #tpu.memory_space<vmem>>, vector<16xf32>,
        %mul3A_970 = arith.mulf %gather3A, %get3A_969 : vector<16xf32>
        %mul3A_971 = arith.mulf %mul3A_970, %gather3A_965 : vector<16xf32>
        %swap3A = arith.constant 0 : index
        %swap3A_972 = tpu.vector_load %arg9[%swap3A] {strides = array<i32>} : memref<64xf32, #tpu.memory_space<vmem>>, vector<16xf32>,
        tpu.vector_store %arg9[%swap3A], %mul3A_971 {strides = array<i32>} : memref<64xf32, #tpu.memory_space<vmem>>, vector<16xf32>,
        %get3A_973 = arith.constant 0 : i32
        %get3A_974 = arith.constant 0 : i32
        %get3A_975 = arith.index_cast %get3A_973 : i32 to index
        %get3A_976 = arith.index_cast %get3A_974 : i32 to index
        %get3A_977 = arith.constant 16 : index
        %get3A_978 = tpu.vector_load %arg7[%get3A_975, %get3A_976, %get3A_977] {strides = array<i32>} : memref<4x2x64xi32, #tpu.memory_space<vmem>>, vector<16xi32>,
        %get3A_979 = arith.constant 0 : i32
        %get3A_980 = arith.constant 1 : i32
        %get3A_981 = arith.index_cast %get3A_979 : i32 to index
        %get3A_982 = arith.index_cast %get3A_980 : i32 to index
        %get3A_983 = arith.constant 16 : index
        %get3A_984 = tpu.vector_load %arg7[%get3A_981, %get3A_982, %get3A_983] {strides = array<i32>} : memref<4x2x64xi32, #tpu.memory_space<vmem>>, vector<16xi32>,
        %gather3A_985 = tpu.vector_load_idx %arg11[%get3A_978] : memref<10240xf32, #tpu.memory_space<vmem>>[vector<16xi32>], vector<16xf32>,
        %gather3A_986 = tpu.vector_load_idx %arg11[%get3A_984] : memref<10240xf32, #tpu.memory_space<vmem>>[vector<16xi32>], vector<16xf32>,
        %get3A_987 = arith.constant 0 : i32
        %get3A_988 = arith.index_cast %get3A_987 : i32 to index
        %get3A_989 = arith.constant 16 : index
        %get3A_990 = tpu.vector_load %arg8[%get3A_988, %get3A_989] {strides = array<i32>} : memref<4x64xf32, #tpu.memory_space<vmem>>, vector<16xf32>,
        %mul3A_991 = arith.mulf %gather3A_985, %get3A_990 : vector<16xf32>
        %mul3A_992 = arith.mulf %mul3A_991, %gather3A_986 : vector<16xf32>
        %swap3A_993 = arith.constant 16 : index
        %swap3A_994 = tpu.vector_load %arg9[%swap3A_993] {strides = array<i32>} : memref<64xf32, #tpu.memory_space<vmem>>, vector<16xf32>,
        tpu.vector_store %arg9[%swap3A_993], %mul3A_992 {strides = array<i32>} : memref<64xf32, #tpu.memory_space<vmem>>, vector<16xf32>,
        %get3A_995 = arith.constant 0 : i32
        %get3A_996 = arith.constant 0 : i32
        %get3A_997 = arith.index_cast %get3A_995 : i32 to index
        %get3A_998 = arith.index_cast %get3A_996 : i32 to index
        %get3A_999 = arith.constant 32 : index
        %get3A_1000 = tpu.vector_load %arg7[%get3A_997, %get3A_998, %get3A_999] {strides = array<i32>} : memref<4x2x64xi32, #tpu.memory_space<vmem>>, vector<16xi32>,
        %get3A_1001 = arith.constant 0 : i32
        %get3A_1002 = arith.constant 1 : i32
        %get3A_1003 = arith.index_cast %get3A_1001 : i32 to index
        %get3A_1004 = arith.index_cast %get3A_1002 : i32 to index
        %get3A_1005 = arith.constant 32 : index
        %get3A_1006 = tpu.vector_load %arg7[%get3A_1003, %get3A_1004, %get3A_1005] {strides = array<i32>} : memref<4x2x64xi32, #tpu.memory_space<vmem>>, vector<16xi32>,
        %gather3A_1007 = tpu.vector_load_idx %arg11[%get3A_1000] : memref<10240xf32, #tpu.memory_space<vmem>>[vector<16xi32>], vector<16xf32>,
        %gather3A_1008 = tpu.vector_load_idx %arg11[%get3A_1006] : memref<10240xf32, #tpu.memory_space<vmem>>[vector<16xi32>], vector<16xf32>,
        %get3A_1009 = arith.constant 0 : i32
        %get3A_1010 = arith.index_cast %get3A_1009 : i32 to index
        %get3A_1011 = arith.constant 32 : index
        %get3A_1012 = tpu.vector_load %arg8[%get3A_1010, %get3A_1011] {strides = array<i32>} : memref<4x64xf32, #tpu.memory_space<vmem>>, vector<16xf32>,
        %mul3A_1013 = arith.mulf %gather3A_1007, %get3A_1012 : vector<16xf32>
        %mul3A_1014 = arith.mulf %mul3A_1013, %gather3A_1008 : vector<16xf32>
        %swap3A_1015 = arith.constant 32 : index
        %swap3A_1016 = tpu.vector_load %arg9[%swap3A_1015] {strides = array<i32>} : memref<64xf32, #tpu.memory_space<vmem>>, vector<16xf32>,
        tpu.vector_store %arg9[%swap3A_1015], %mul3A_1014 {strides = array<i32>} : memref<64xf32, #tpu.memory_space<vmem>>, vector<16xf32>,
        %get3A_1017 = arith.constant 0 : i32
        %get3A_1018 = arith.constant 0 : i32
        %get3A_1019 = arith.index_cast %get3A_1017 : i32 to index
        %get3A_1020 = arith.index_cast %get3A_1018 : i32 to index
        %get3A_1021 = arith.constant 48 : index
        %get3A_1022 = tpu.vector_load %arg7[%get3A_1019, %get3A_1020, %get3A_1021] {strides = array<i32>} : memref<4x2x64xi32, #tpu.memory_space<vmem>>, vector<16xi32>,
        %get3A_1023 = arith.constant 0 : i32
        %get3A_1024 = arith.constant 1 : i32
        %get3A_1025 = arith.index_cast %get3A_1023 : i32 to index
        %get3A_1026 = arith.index_cast %get3A_1024 : i32 to index
        %get3A_1027 = arith.constant 48 : index
        %get3A_1028 = tpu.vector_load %arg7[%get3A_1025, %get3A_1026, %get3A_1027] {strides = array<i32>} : memref<4x2x64xi32, #tpu.memory_space<vmem>>, vector<16xi32>,
        %gather3A_1029 = tpu.vector_load_idx %arg11[%get3A_1022] : memref<10240xf32, #tpu.memory_space<vmem>>[vector<16xi32>], vector<16xf32>,
        %gather3A_1030 = tpu.vector_load_idx %arg11[%get3A_1028] : memref<10240xf32, #tpu.memory_space<vmem>>[vector<16xi32>], vector<16xf32>,
        %get3A_1031 = arith.constant 0 : i32
        %get3A_1032 = arith.index_cast %get3A_1031 : i32 to index
        %get3A_1033 = arith.constant 48 : index
        %get3A_1034 = tpu.vector_load %arg8[%get3A_1032, %get3A_1033] {strides = array<i32>} : memref<4x64xf32, #tpu.memory_space<vmem>>, vector<16xf32>,
        %mul3A_1035 = arith.mulf %gather3A_1029, %get3A_1034 : vector<16xf32>
        %mul3A_1036 = arith.mulf %mul3A_1035, %gather3A_1030 : vector<16xf32>
        %swap3A_1037 = arith.constant 48 : index
        %swap3A_1038 = tpu.vector_load %arg9[%swap3A_1037] {strides = array<i32>} : memref<64xf32, #tpu.memory_space<vmem>>, vector<16xf32>,
        tpu.vector_store %arg9[%swap3A_1037], %mul3A_1036 {strides = array<i32>} : memref<64xf32, #tpu.memory_space<vmem>>, vector<16xf32>,
        %scan3A_1039 = arith.constant 0 : i32
        %scan3A_1040 = arith.constant 64 : i32
        %scan3A_1041 = arith.addi %scan3A_1039, %scan3A_1040 : i32
        %scan3A_1042 = arith.constant 1 : i32
        scf.for %scan3A_1060 = %scan3A_1039 to %scan3A_1041 step %scan3A_1042  : i32 {
          %mul3A_1061 = arith.constant 1 : i32
          %mul3A_1062 = arith.muli %scan3A_1060, %mul3A_1061 : i32
          %add3A_1063 = arith.constant 0 : i32
          %add3A_1064 = arith.addi %add3A_1063, %mul3A_1062 : i32
          %broadcast_in_dim3A_1065 = vector.broadcast %add3A_1064 : i32 to vector<16xi32>
          %gather3A_1066 = tpu.vector_load_idx %arg9[%broadcast_in_dim3A_1065] : memref<64xf32, #tpu.memory_space<vmem>>[vector<16xi32>], vector<16xf32>,
          %get3A_1067 = arith.constant 0 : i32
          %get3A_1068 = arith.index_cast %get3A_1067 : i32 to index
          %get3A_1069 = arith.index_cast %add3A_1064 : i32 to index
          %get3A_1070 = arith.constant 0 : index
          %get3A_1071 = tpu.vector_load %arg10[%get3A_1068, %get3A_1069, %get3A_1070] {strides = array<i32>} : memref<4x64x128xf32, #tpu.memory_space<vmem>>, vector<16xf32>,
          %mul3A_1072 = arith.mulf %get3A_1071, %gather3A_1066 : vector<16xf32>
          %swap3A_1073 = arith.constant 0 : i32
          %swap3A_1074 = arith.index_cast %swap3A_1073 : i32 to index
          %swap3A_1075 = arith.index_cast %add3A_1064 : i32 to index
          %swap3A_1076 = arith.constant 0 : index
          %swap3A_1077 = tpu.vector_load %arg10[%swap3A_1074, %swap3A_1075, %swap3A_1076] {strides = array<i32>} : memref<4x64x128xf32, #tpu.memory_space<vmem>>, vector<16xf32>,
          tpu.vector_store %arg10[%swap3A_1074, %swap3A_1075, %swap3A_1076], %mul3A_1072 {strides = array<i32>} : memref<4x64x128xf32, #tpu.memory_space<vmem>>, vector<16xf32>,
          %get3A_1078 = arith.constant 0 : i32
          %get3A_1079 = arith.index_cast %get3A_1078 : i32 to index
          %get3A_1080 = arith.index_cast %add3A_1064 : i32 to index
          %get3A_1081 = arith.constant 16 : index
          %get3A_1082 = tpu.vector_load %arg10[%get3A_1079, %get3A_1080, %get3A_1081] {strides = array<i32>} : memref<4x64x128xf32, #tpu.memory_space<vmem>>, vector<16xf32>,
          %mul3A_1083 = arith.mulf %get3A_1082, %gather3A_1066 : vector<16xf32>
          %swap3A_1084 = arith.constant 0 : i32
          %swap3A_1085 = arith.index_cast %swap3A_1084 : i32 to index
          %swap3A_1086 = arith.index_cast %add3A_1064 : i32 to index
          %swap3A_1087 = arith.constant 16 : index
          %swap3A_1088 = tpu.vector_load %arg10[%swap3A_1085, %swap3A_1086, %swap3A_1087] {strides = array<i32>} : memref<4x64x128xf32, #tpu.memory_space<vmem>>, vector<16xf32>,
          tpu.vector_store %arg10[%swap3A_1085, %swap3A_1086, %swap3A_1087], %mul3A_1083 {strides = array<i32>} : memref<4x64x128xf32, #tpu.memory_space<vmem>>, vector<16xf32>,
          %get3A_1089 = arith.constant 0 : i32
          %get3A_1090 = arith.index_cast %get3A_1089 : i32 to index
          %get3A_1091 = arith.index_cast %add3A_1064 : i32 to index
          %get3A_1092 = arith.constant 32 : index
          %get3A_1093 = tpu.vector_load %arg10[%get3A_1090, %get3A_1091, %get3A_1092] {strides = array<i32>} : memref<4x64x128xf32, #tpu.memory_space<vmem>>, vector<16xf32>,
          %mul3A_1094 = arith.mulf %get3A_1093, %gather3A_1066 : vector<16xf32>
          %swap3A_1095 = arith.constant 0 : i32
          %swap3A_1096 = arith.index_cast %swap3A_1095 : i32 to index
          %swap3A_1097 = arith.index_cast %add3A_1064 : i32 to index
          %swap3A_1098 = arith.constant 32 : index
          %swap3A_1099 = tpu.vector_load %arg10[%swap3A_1096, %swap3A_1097, %swap3A_1098] {strides = array<i32>} : memref<4x64x128xf32, #tpu.memory_space<vmem>>, vector<16xf32>,
          tpu.vector_store %arg10[%swap3A_1096, %swap3A_1097, %swap3A_1098], %mul3A_1094 {strides = array<i32>} : memref<4x64x128xf32, #tpu.memory_space<vmem>>, vector<16xf32>,
          %get3A_1100 = arith.constant 0 : i32
          %get3A_1101 = arith.index_cast %get3A_1100 : i32 to index
          %get3A_1102 = arith.index_cast %add3A_1064 : i32 to index
          %get3A_1103 = arith.constant 48 : index
          %get3A_1104 = tpu.vector_load %arg10[%get3A_1101, %get3A_1102, %get3A_1103] {strides = array<i32>} : memref<4x64x128xf32, #tpu.memory_space<vmem>>, vector<16xf32>,
          %mul3A_1105 = arith.mulf %get3A_1104, %gather3A_1066 : vector<16xf32>
          %swap3A_1106 = arith.constant 0 : i32
          %swap3A_1107 = arith.index_cast %swap3A_1106 : i32 to index
          %swap3A_1108 = arith.index_cast %add3A_1064 : i32 to index
          %swap3A_1109 = arith.constant 48 : index
          %swap3A_1110 = tpu.vector_load %arg10[%swap3A_1107, %swap3A_1108, %swap3A_1109] {strides = array<i32>} : memref<4x64x128xf32, #tpu.memory_space<vmem>>, vector<16xf32>,
          tpu.vector_store %arg10[%swap3A_1107, %swap3A_1108, %swap3A_1109], %mul3A_1105 {strides = array<i32>} : memref<4x64x128xf32, #tpu.memory_space<vmem>>, vector<16xf32>,
          %get3A_1111 = arith.constant 0 : i32
          %get3A_1112 = arith.index_cast %get3A_1111 : i32 to index
          %get3A_1113 = arith.index_cast %add3A_1064 : i32 to index
          %get3A_1114 = arith.constant 64 : index
          %get3A_1115 = tpu.vector_load %arg10[%get3A_1112, %get3A_1113, %get3A_1114] {strides = array<i32>} : memref<4x64x128xf32, #tpu.memory_space<vmem>>, vector<16xf32>,
          %mul3A_1116 = arith.mulf %get3A_1115, %gather3A_1066 : vector<16xf32>
          %swap3A_1117 = arith.constant 0 : i32
          %swap3A_1118 = arith.index_cast %swap3A_1117 : i32 to index
          %swap3A_1119 = arith.index_cast %add3A_1064 : i32 to index
          %swap3A_1120 = arith.constant 64 : index
          %swap3A_1121 = tpu.vector_load %arg10[%swap3A_1118, %swap3A_1119, %swap3A_1120] {strides = array<i32>} : memref<4x64x128xf32, #tpu.memory_space<vmem>>, vector<16xf32>,
          tpu.vector_store %arg10[%swap3A_1118, %swap3A_1119, %swap3A_1120], %mul3A_1116 {strides = array<i32>} : memref<4x64x128xf32, #tpu.memory_space<vmem>>, vector<16xf32>,
          %get3A_1122 = arith.constant 0 : i32
          %get3A_1123 = arith.index_cast %get3A_1122 : i32 to index
          %get3A_1124 = arith.index_cast %add3A_1064 : i32 to index
          %get3A_1125 = arith.constant 80 : index
          %get3A_1126 = tpu.vector_load %arg10[%get3A_1123, %get3A_1124, %get3A_1125] {strides = array<i32>} : memref<4x64x128xf32, #tpu.memory_space<vmem>>, vector<16xf32>,
          %mul3A_1127 = arith.mulf %get3A_1126, %gather3A_1066 : vector<16xf32>
          %swap3A_1128 = arith.constant 0 : i32
          %swap3A_1129 = arith.index_cast %swap3A_1128 : i32 to index
          %swap3A_1130 = arith.index_cast %add3A_1064 : i32 to index
          %swap3A_1131 = arith.constant 80 : index
          %swap3A_1132 = tpu.vector_load %arg10[%swap3A_1129, %swap3A_1130, %swap3A_1131] {strides = array<i32>} : memref<4x64x128xf32, #tpu.memory_space<vmem>>, vector<16xf32>,
          tpu.vector_store %arg10[%swap3A_1129, %swap3A_1130, %swap3A_1131], %mul3A_1127 {strides = array<i32>} : memref<4x64x128xf32, #tpu.memory_space<vmem>>, vector<16xf32>,
          %get3A_1133 = arith.constant 0 : i32
          %get3A_1134 = arith.index_cast %get3A_1133 : i32 to index
          %get3A_1135 = arith.index_cast %add3A_1064 : i32 to index
          %get3A_1136 = arith.constant 96 : index
          %get3A_1137 = tpu.vector_load %arg10[%get3A_1134, %get3A_1135, %get3A_1136] {strides = array<i32>} : memref<4x64x128xf32, #tpu.memory_space<vmem>>, vector<16xf32>,
          %mul3A_1138 = arith.mulf %get3A_1137, %gather3A_1066 : vector<16xf32>
          %swap3A_1139 = arith.constant 0 : i32
          %swap3A_1140 = arith.index_cast %swap3A_1139 : i32 to index
          %swap3A_1141 = arith.index_cast %add3A_1064 : i32 to index
          %swap3A_1142 = arith.constant 96 : index
          %swap3A_1143 = tpu.vector_load %arg10[%swap3A_1140, %swap3A_1141, %swap3A_1142] {strides = array<i32>} : memref<4x64x128xf32, #tpu.memory_space<vmem>>, vector<16xf32>,
          tpu.vector_store %arg10[%swap3A_1140, %swap3A_1141, %swap3A_1142], %mul3A_1138 {strides = array<i32>} : memref<4x64x128xf32, #tpu.memory_space<vmem>>, vector<16xf32>,
          %get3A_1144 = arith.constant 0 : i32
          %get3A_1145 = arith.index_cast %get3A_1144 : i32 to index
          %get3A_1146 = arith.index_cast %add3A_1064 : i32 to index
          %get3A_1147 = arith.constant 112 : index
          %get3A_1148 = tpu.vector_load %arg10[%get3A_1145, %get3A_1146, %get3A_1147] {strides = array<i32>} : memref<4x64x128xf32, #tpu.memory_space<vmem>>, vector<16xf32>,
          %mul3A_1149 = arith.mulf %get3A_1148, %gather3A_1066 : vector<16xf32>
          %swap3A_1150 = arith.constant 0 : i32
          %swap3A_1151 = arith.index_cast %swap3A_1150 : i32 to index
          %swap3A_1152 = arith.index_cast %add3A_1064 : i32 to index
          %swap3A_1153 = arith.constant 112 : index
          %swap3A_1154 = tpu.vector_load %arg10[%swap3A_1151, %swap3A_1152, %swap3A_1153] {strides = array<i32>} : memref<4x64x128xf32, #tpu.memory_space<vmem>>, vector<16xf32>,
          tpu.vector_store %arg10[%swap3A_1151, %swap3A_1152, %swap3A_1153], %mul3A_1149 {strides = array<i32>} : memref<4x64x128xf32, #tpu.memory_space<vmem>>, vector<16xf32>,
        }
        %scan3A_1043 = arith.constant 64 : i32
        %dma_start3A_1044 = arith.constant 0 : i32
        %dma_start3A_1045 = arith.constant 0 : i32
        %dma_start3A_1046 = arith.constant 1 : i32
        %dma_start3A_1047 = arith.constant 0 : i32
        %dma_start3A_1048 = arith.constant 0 : i32
        %dma_start3A_1049 = arith.constant 0 : i32
        %dma_start3A_1050 = tpu.memref_slice %arg10[%dma_start3A_1044, %dma_start3A_1048, %dma_start3A_1049] : memref<4x64x128xf32, #tpu.memory_space<vmem>> -> memref<1x64x128xf32, #tpu.memory_space<vmem>>
        %dma_start3A_1051 = tpu.memref_squeeze %dma_start3A_1050 : memref<1x64x128xf32, #tpu.memory_space<vmem>> -> memref<64x128xf32, #tpu.memory_space<vmem>>
        %dma_start3A_1052 = arith.constant 0 : i32
        %dma_start3A_1053 = tpu.memref_slice %arg7[%dma_start3A_1045, %dma_start3A_1046, %dma_start3A_1052] : memref<4x2x64xi32, #tpu.memory_space<vmem>> -> memref<1x1x64xi32, #tpu.memory_space<vmem>>
        %dma_start3A_1054 = tpu.memref_squeeze %dma_start3A_1053 : memref<1x1x64xi32, #tpu.memory_space<vmem>> -> memref<64xi32, #tpu.memory_space<vmem>>
        %dma_start3A_1055 = arith.constant 0 : i32
        %dma_start3A_1056 = arith.constant 0 : i32
        %dma_start3A_1057 = tpu.memref_slice %arg13[%dma_start3A_1055, %dma_start3A_1056] : memref<10240x128xf32, #tpu.memory_space<vmem_shared>> -> memref<10240x128xf32, #tpu.memory_space<vmem_shared>>
        %dma_start3A_1058 = tpu.memref_slice %arg18[%dma_start3A_1047] : memref<4x!tpu.dma_semaphore, #tpu.memory_space<semaphore_mem>> -> memref<1x!tpu.dma_semaphore, #tpu.memory_space<semaphore_mem>>
        %dma_start3A_1059 = tpu.memref_squeeze %dma_start3A_1058 : memref<1x!tpu.dma_semaphore, #tpu.memory_space<semaphore_mem>> -> memref<!tpu.dma_semaphore, #tpu.memory_space<semaphore_mem>>
        tpu.enqueue_indirect_dma source(%dma_start3A_1051 : memref<64x128xf32, #tpu.memory_space<vmem>>) target(%dma_start3A_1057 : memref<10240x128xf32, #tpu.memory_space<vmem_shared>>) offsets(%dma_start3A_1054 : memref<64xi32, #tpu.memory_space<vmem>>) semaphore(%dma_start3A_1059 : memref<!tpu.dma_semaphore, #tpu.memory_space<semaphore_mem>>) {add = true}
      } else {
      }
      %ge3A_877 = arith.constant 2 : i32
      %ge3A_878 = arith.cmpi sge, %add3A_863, %ge3A_877 : i32
      %add3A_879 = arith.constant 2 : i32
      %add3A_880 = arith.addi %add3A_863, %add3A_879 : i32
      %lt3A_881 = arith.cmpi slt, %add3A_880, %select_n3A : i32
      %and3A_882 = arith.andi %ge3A_878, %lt3A_881 : i1
      %convert_element_type3A_883 = arith.extui %and3A_882 : i1 to i32
      %cond3A_884 = arith.constant 0 : i32
      %cond3A_885 = arith.cmpi ne, %convert_element_type3A_883, %cond3A_884 : i32
      scf.if %cond3A_885 {
        %dma_wait3A_938 = arith.constant 3 : i32
        %dma_wait3A_939 = arith.constant 3 : i32
        %dma_wait3A_940 = arith.constant 1 : i32
        %dma_wait3A_941 = arith.constant 3 : i32
        %dma_wait3A_942 = arith.constant 0 : i32
        %dma_wait3A_943 = arith.constant 0 : i32
        %dma_wait3A_944 = tpu.memref_slice %arg10[%dma_wait3A_938, %dma_wait3A_942, %dma_wait3A_943] : memref<4x64x128xf32, #tpu.memory_space<vmem>> -> memref<1x64x128xf32, #tpu.memory_space<vmem>>
        %dma_wait3A_945 = tpu.memref_squeeze %dma_wait3A_944 : memref<1x64x128xf32, #tpu.memory_space<vmem>> -> memref<64x128xf32, #tpu.memory_space<vmem>>
        %dma_wait3A_946 = arith.constant 0 : i32
        %dma_wait3A_947 = tpu.memref_slice %arg7[%dma_wait3A_939, %dma_wait3A_940, %dma_wait3A_946] : memref<4x2x64xi32, #tpu.memory_space<vmem>> -> memref<1x1x64xi32, #tpu.memory_space<vmem>>
        %dma_wait3A_948 = tpu.memref_squeeze %dma_wait3A_947 : memref<1x1x64xi32, #tpu.memory_space<vmem>> -> memref<64xi32, #tpu.memory_space<vmem>>
        %dma_wait3A_949 = arith.constant 0 : i32
        %dma_wait3A_950 = arith.constant 0 : i32
        %dma_wait3A_951 = tpu.memref_slice %arg13[%dma_wait3A_949, %dma_wait3A_950] : memref<10240x128xf32, #tpu.memory_space<vmem_shared>> -> memref<10240x128xf32, #tpu.memory_space<vmem_shared>>
        %dma_wait3A_952 = tpu.memref_slice %arg18[%dma_wait3A_941] : memref<4x!tpu.dma_semaphore, #tpu.memory_space<semaphore_mem>> -> memref<1x!tpu.dma_semaphore, #tpu.memory_space<semaphore_mem>>
        %dma_wait3A_953 = tpu.memref_squeeze %dma_wait3A_952 : memref<1x!tpu.dma_semaphore, #tpu.memory_space<semaphore_mem>> -> memref<!tpu.dma_semaphore, #tpu.memory_space<semaphore_mem>>
        tpu.wait_indirect_dma semaphore(%dma_wait3A_953 : memref<!tpu.dma_semaphore, #tpu.memory_space<semaphore_mem>>) src(%dma_wait3A_945 : memref<64x128xf32, #tpu.memory_space<vmem>>) dst(%dma_wait3A_951 : memref<10240x128xf32, #tpu.memory_space<vmem_shared>>)
        %add3A_954 = arith.addi %add3A_616, %add3A_863 : i32
        %add3A_955 = arith.constant 2 : i32
        %add3A_956 = arith.addi %add3A_954, %add3A_955 : i32
        %dma_start3A_957 = arith.constant 3 : i32
        %dma_start3A_958 = arith.constant 3 : i32
        %dma_start3A_959 = arith.constant 0 : i32
        %dma_start3A_960 = arith.constant 0 : i32
        %dma_start3A_961 = tpu.memref_slice %arg7[%dma_start3A_957, %dma_start3A_959, %dma_start3A_960] : memref<4x2x64xi32, #tpu.memory_space<vmem>> -> memref<1x2x64xi32, #tpu.memory_space<vmem>>
        %dma_start3A_962 = tpu.memref_squeeze %dma_start3A_961 : memref<1x2x64xi32, #tpu.memory_space<vmem>> -> memref<2x64xi32, #tpu.memory_space<vmem>>
        %dma_start3A_963 = arith.constant 0 : i32
        %dma_start3A_964 = arith.constant 0 : i32
        %dma_start3A_965 = tpu.memref_slice %arg2[%add3A_956, %dma_start3A_963, %dma_start3A_964] : memref<5024x2x64xi32, #tpu.memory_space<hbm>> -> memref<1x2x64xi32, #tpu.memory_space<hbm>>
        %dma_start3A_966 = tpu.memref_squeeze %dma_start3A_965 : memref<1x2x64xi32, #tpu.memory_space<hbm>> -> memref<2x64xi32, #tpu.memory_space<hbm>>
        %dma_start3A_967 = tpu.memref_slice %arg16[%dma_start3A_958] : memref<4x!tpu.dma_semaphore, #tpu.memory_space<semaphore_mem>> -> memref<1x!tpu.dma_semaphore, #tpu.memory_space<semaphore_mem>>
        %dma_start3A_968 = tpu.memref_squeeze %dma_start3A_967 : memref<1x!tpu.dma_semaphore, #tpu.memory_space<semaphore_mem>> -> memref<!tpu.dma_semaphore, #tpu.memory_space<semaphore_mem>>
        %dma_start3A_969 = arith.constant 0 : i32
        %dma_start3A_970 = arith.constant 0 : i32
        %dma_start3A_971 = tpu.memref_slice %arg7[%dma_start3A_957, %dma_start3A_969, %dma_start3A_970] : memref<4x2x64xi32, #tpu.memory_space<vmem>> -> memref<1x2x64xi32, #tpu.memory_space<vmem>>
        %dma_start3A_972 = tpu.memref_squeeze %dma_start3A_971 : memref<1x2x64xi32, #tpu.memory_space<vmem>> -> memref<2x64xi32, #tpu.memory_space<vmem>>
        %dma_start3A_973 = arith.constant 0 : i32
        %dma_start3A_974 = arith.constant 0 : i32
        %dma_start3A_975 = tpu.memref_slice %arg2[%add3A_956, %dma_start3A_973, %dma_start3A_974] : memref<5024x2x64xi32, #tpu.memory_space<hbm>> -> memref<1x2x64xi32, #tpu.memory_space<hbm>>
        %dma_start3A_976 = tpu.memref_squeeze %dma_start3A_975 : memref<1x2x64xi32, #tpu.memory_space<hbm>> -> memref<2x64xi32, #tpu.memory_space<hbm>>
        tpu.enqueue_dma source(%dma_start3A_976 : memref<2x64xi32, #tpu.memory_space<hbm>>) target(%dma_start3A_972 : memref<2x64xi32, #tpu.memory_space<vmem>>) target_semaphore(%dma_start3A_968 : memref<!tpu.dma_semaphore, #tpu.memory_space<semaphore_mem>>)
        %mul3A_977 = arith.constant 64 : i32
        %mul3A_978 = arith.muli %add3A_956, %mul3A_977 : i32
        %dma_start3A_979 = arith.constant 3 : i32
        %dma_start3A_980 = arith.constant 3 : i32
        %dma_start3A_981 = arith.constant 0 : i32
        %dma_start3A_982 = tpu.memref_slice %arg8[%dma_start3A_979, %dma_start3A_981] : memref<4x64xf32, #tpu.memory_space<vmem>> -> memref<1x64xf32, #tpu.memory_space<vmem>>
        %dma_start3A_983 = tpu.memref_squeeze %dma_start3A_982 : memref<1x64xf32, #tpu.memory_space<vmem>> -> memref<64xf32, #tpu.memory_space<vmem>>
        %dma_start3A_984 = tpu.memref_slice %arg3[%mul3A_978] : memref<321536xf32, #tpu.memory_space<hbm>> -> memref<64xf32, #tpu.memory_space<hbm>>
        %dma_start3A_985 = tpu.memref_slice %arg16[%dma_start3A_980] : memref<4x!tpu.dma_semaphore, #tpu.memory_space<semaphore_mem>> -> memref<1x!tpu.dma_semaphore, #tpu.memory_space<semaphore_mem>>
        %dma_start3A_986 = tpu.memref_squeeze %dma_start3A_985 : memref<1x!tpu.dma_semaphore, #tpu.memory_space<semaphore_mem>> -> memref<!tpu.dma_semaphore, #tpu.memory_space<semaphore_mem>>
        %dma_start3A_987 = arith.constant 0 : i32
        %dma_start3A_988 = tpu.memref_slice %arg8[%dma_start3A_979, %dma_start3A_987] : memref<4x64xf32, #tpu.memory_space<vmem>> -> memref<1x64xf32, #tpu.memory_space<vmem>>
        %dma_start3A_989 = tpu.memref_squeeze %dma_start3A_988 : memref<1x64xf32, #tpu.memory_space<vmem>> -> memref<64xf32, #tpu.memory_space<vmem>>
        %dma_start3A_990 = tpu.memref_slice %arg3[%mul3A_978] : memref<321536xf32, #tpu.memory_space<hbm>> -> memref<64xf32, #tpu.memory_space<hbm>>
        tpu.enqueue_dma source(%dma_start3A_990 : memref<64xf32, #tpu.memory_space<hbm>>) target(%dma_start3A_989 : memref<64xf32, #tpu.memory_space<vmem>>) target_semaphore(%dma_start3A_986 : memref<!tpu.dma_semaphore, #tpu.memory_space<semaphore_mem>>)
      } else {
      }
      %mul3A_886 = arith.constant 4 : i32
      %mul3A_887 = arith.muli %add3A_837, %mul3A_886 : i32
      %add3A_888 = arith.constant 2 : i32
      %add3A_889 = arith.addi %mul3A_887, %add3A_888 : i32
      %lt3A_890 = arith.cmpi slt, %add3A_889, %select_n3A : i32
      %convert_element_type3A_891 = arith.extui %lt3A_890 : i1 to i32
      %cond3A_892 = arith.constant 0 : i32
      %cond3A_893 = arith.cmpi ne, %convert_element_type3A_891, %cond3A_892 : i32
      scf.if %cond3A_893 {
        %add3A_938 = arith.addi %add3A_616, %add3A_889 : i32
        %dma_wait3A_939 = arith.constant 2 : i32
        %dma_wait3A_940 = arith.constant 2 : i32
        %dma_wait3A_941 = arith.constant 0 : i32
        %dma_wait3A_942 = arith.constant 0 : i32
        %dma_wait3A_943 = tpu.memref_slice %arg7[%dma_wait3A_939, %dma_wait3A_941, %dma_wait3A_942] : memref<4x2x64xi32, #tpu.memory_space<vmem>> -> memref<1x2x64xi32, #tpu.memory_space<vmem>>
        %dma_wait3A_944 = tpu.memref_squeeze %dma_wait3A_943 : memref<1x2x64xi32, #tpu.memory_space<vmem>> -> memref<2x64xi32, #tpu.memory_space<vmem>>
        %dma_wait3A_945 = arith.constant 0 : i32
        %dma_wait3A_946 = arith.constant 0 : i32
        %dma_wait3A_947 = tpu.memref_slice %arg2[%add3A_938, %dma_wait3A_945, %dma_wait3A_946] : memref<5024x2x64xi32, #tpu.memory_space<hbm>> -> memref<1x2x64xi32, #tpu.memory_space<hbm>>
        %dma_wait3A_948 = tpu.memref_squeeze %dma_wait3A_947 : memref<1x2x64xi32, #tpu.memory_space<hbm>> -> memref<2x64xi32, #tpu.memory_space<hbm>>
        %dma_wait3A_949 = tpu.memref_slice %arg16[%dma_wait3A_940] : memref<4x!tpu.dma_semaphore, #tpu.memory_space<semaphore_mem>> -> memref<1x!tpu.dma_semaphore, #tpu.memory_space<semaphore_mem>>
        %dma_wait3A_950 = tpu.memref_squeeze %dma_wait3A_949 : memref<1x!tpu.dma_semaphore, #tpu.memory_space<semaphore_mem>> -> memref<!tpu.dma_semaphore, #tpu.memory_space<semaphore_mem>>
        %dma_wait3A_951 = arith.constant 0 : i32
        %dma_wait3A_952 = arith.constant 0 : i32
        %dma_wait3A_953 = tpu.memref_slice %arg7[%dma_wait3A_939, %dma_wait3A_951, %dma_wait3A_952] : memref<4x2x64xi32, #tpu.memory_space<vmem>> -> memref<1x2x64xi32, #tpu.memory_space<vmem>>
        %dma_wait3A_954 = tpu.memref_squeeze %dma_wait3A_953 : memref<1x2x64xi32, #tpu.memory_space<vmem>> -> memref<2x64xi32, #tpu.memory_space<vmem>>
        %dma_wait3A_955 = arith.constant 0 : i32
        %dma_wait3A_956 = arith.constant 0 : i32
        %dma_wait3A_957 = tpu.memref_slice %arg2[%add3A_938, %dma_wait3A_955, %dma_wait3A_956] : memref<5024x2x64xi32, #tpu.memory_space<hbm>> -> memref<1x2x64xi32, #tpu.memory_space<hbm>>
        %dma_wait3A_958 = tpu.memref_squeeze %dma_wait3A_957 : memref<1x2x64xi32, #tpu.memory_space<hbm>> -> memref<2x64xi32, #tpu.memory_space<hbm>>
        tpu.wait_dma2 semaphore(%dma_wait3A_950 : memref<!tpu.dma_semaphore, #tpu.memory_space<semaphore_mem>>) src(%dma_wait3A_958 : memref<2x64xi32, #tpu.memory_space<hbm>>) dst(%dma_wait3A_954 : memref<2x64xi32, #tpu.memory_space<vmem>>)
        %mul3A_959 = arith.constant 64 : i32
        %mul3A_960 = arith.muli %add3A_938, %mul3A_959 : i32
        %dma_wait3A_961 = arith.constant 2 : i32
        %dma_wait3A_962 = arith.constant 2 : i32
        %dma_wait3A_963 = arith.constant 0 : i32
        %dma_wait3A_964 = tpu.memref_slice %arg8[%dma_wait3A_961, %dma_wait3A_963] : memref<4x64xf32, #tpu.memory_space<vmem>> -> memref<1x64xf32, #tpu.memory_space<vmem>>
        %dma_wait3A_965 = tpu.memref_squeeze %dma_wait3A_964 : memref<1x64xf32, #tpu.memory_space<vmem>> -> memref<64xf32, #tpu.memory_space<vmem>>
        %dma_wait3A_966 = tpu.memref_slice %arg3[%mul3A_960] : memref<321536xf32, #tpu.memory_space<hbm>> -> memref<64xf32, #tpu.memory_space<hbm>>
        %dma_wait3A_967 = tpu.memref_slice %arg16[%dma_wait3A_962] : memref<4x!tpu.dma_semaphore, #tpu.memory_space<semaphore_mem>> -> memref<1x!tpu.dma_semaphore, #tpu.memory_space<semaphore_mem>>
        %dma_wait3A_968 = tpu.memref_squeeze %dma_wait3A_967 : memref<1x!tpu.dma_semaphore, #tpu.memory_space<semaphore_mem>> -> memref<!tpu.dma_semaphore, #tpu.memory_space<semaphore_mem>>
        %dma_wait3A_969 = arith.constant 0 : i32
        %dma_wait3A_970 = tpu.memref_slice %arg8[%dma_wait3A_961, %dma_wait3A_969] : memref<4x64xf32, #tpu.memory_space<vmem>> -> memref<1x64xf32, #tpu.memory_space<vmem>>
        %dma_wait3A_971 = tpu.memref_squeeze %dma_wait3A_970 : memref<1x64xf32, #tpu.memory_space<vmem>> -> memref<64xf32, #tpu.memory_space<vmem>>
        %dma_wait3A_972 = tpu.memref_slice %arg3[%mul3A_960] : memref<321536xf32, #tpu.memory_space<hbm>> -> memref<64xf32, #tpu.memory_space<hbm>>
        tpu.wait_dma2 semaphore(%dma_wait3A_968 : memref<!tpu.dma_semaphore, #tpu.memory_space<semaphore_mem>>) src(%dma_wait3A_972 : memref<64xf32, #tpu.memory_space<hbm>>) dst(%dma_wait3A_971 : memref<64xf32, #tpu.memory_space<vmem>>)
        %dma_start3A_973 = arith.constant 2 : i32
        %dma_start3A_974 = arith.constant 0 : i32
        %dma_start3A_975 = arith.constant 2 : i32
        %dma_start3A_976 = arith.constant 2 : i32
        %dma_start3A_977 = arith.constant 0 : i32
        %dma_start3A_978 = arith.constant 0 : i32
        %dma_start3A_979 = tpu.memref_slice %arg10[%dma_start3A_975, %dma_start3A_977, %dma_start3A_978] : memref<4x64x128xf32, #tpu.memory_space<vmem>> -> memref<1x64x128xf32, #tpu.memory_space<vmem>>
        %dma_start3A_980 = tpu.memref_squeeze %dma_start3A_979 : memref<1x64x128xf32, #tpu.memory_space<vmem>> -> memref<64x128xf32, #tpu.memory_space<vmem>>
        %dma_start3A_981 = arith.constant 0 : i32
        %dma_start3A_982 = tpu.memref_slice %arg7[%dma_start3A_973, %dma_start3A_974, %dma_start3A_981] : memref<4x2x64xi32, #tpu.memory_space<vmem>> -> memref<1x1x64xi32, #tpu.memory_space<vmem>>
        %dma_start3A_983 = tpu.memref_squeeze %dma_start3A_982 : memref<1x1x64xi32, #tpu.memory_space<vmem>> -> memref<64xi32, #tpu.memory_space<vmem>>
        %dma_start3A_984 = arith.constant 0 : i32
        %dma_start3A_985 = arith.constant 0 : i32
        %dma_start3A_986 = tpu.memref_slice %arg4[%dma_start3A_984, %dma_start3A_985] : memref<10000x128xf32, #tpu.memory_space<hbm>> -> memref<10000x128xf32, #tpu.memory_space<hbm>>
        %dma_start3A_987 = tpu.memref_slice %arg17[%dma_start3A_976] : memref<4x!tpu.dma_semaphore, #tpu.memory_space<semaphore_mem>> -> memref<1x!tpu.dma_semaphore, #tpu.memory_space<semaphore_mem>>
        %dma_start3A_988 = tpu.memref_squeeze %dma_start3A_987 : memref<1x!tpu.dma_semaphore, #tpu.memory_space<semaphore_mem>> -> memref<!tpu.dma_semaphore, #tpu.memory_space<semaphore_mem>>
        tpu.enqueue_indirect_dma source(%dma_start3A_986 : memref<10000x128xf32, #tpu.memory_space<hbm>>) target(%dma_start3A_980 : memref<64x128xf32, #tpu.memory_space<vmem>>) offsets(%dma_start3A_983 : memref<64xi32, #tpu.memory_space<vmem>>) semaphore(%dma_start3A_988 : memref<!tpu.dma_semaphore, #tpu.memory_space<semaphore_mem>>)
      } else {
      }
      %ge3A_894 = arith.constant 1 : i32
      %ge3A_895 = arith.cmpi sge, %add3A_889, %ge3A_894 : i32
      %sub3A_896 = arith.constant 1 : i32
      %sub3A_897 = arith.subi %add3A_889, %sub3A_896 : i32
      %lt3A_898 = arith.cmpi slt, %sub3A_897, %select_n3A : i32
      %and3A_899 = arith.andi %ge3A_895, %lt3A_898 : i1
      %convert_element_type3A_900 = arith.extui %and3A_899 : i1 to i32
      %cond3A_901 = arith.constant 0 : i32
      %cond3A_902 = arith.cmpi ne, %convert_element_type3A_900, %cond3A_901 : i32
      scf.if %cond3A_902 {
        %dma_wait3A_938 = arith.constant 1 : i32
        %dma_wait3A_939 = arith.constant 0 : i32
        %dma_wait3A_940 = arith.constant 1 : i32
        %dma_wait3A_941 = arith.constant 1 : i32
        %dma_wait3A_942 = arith.constant 0 : i32
        %dma_wait3A_943 = arith.constant 0 : i32
        %dma_wait3A_944 = tpu.memref_slice %arg10[%dma_wait3A_940, %dma_wait3A_942, %dma_wait3A_943] : memref<4x64x128xf32, #tpu.memory_space<vmem>> -> memref<1x64x128xf32, #tpu.memory_space<vmem>>
        %dma_wait3A_945 = tpu.memref_squeeze %dma_wait3A_944 : memref<1x64x128xf32, #tpu.memory_space<vmem>> -> memref<64x128xf32, #tpu.memory_space<vmem>>
        %dma_wait3A_946 = arith.constant 0 : i32
        %dma_wait3A_947 = tpu.memref_slice %arg7[%dma_wait3A_938, %dma_wait3A_939, %dma_wait3A_946] : memref<4x2x64xi32, #tpu.memory_space<vmem>> -> memref<1x1x64xi32, #tpu.memory_space<vmem>>
        %dma_wait3A_948 = tpu.memref_squeeze %dma_wait3A_947 : memref<1x1x64xi32, #tpu.memory_space<vmem>> -> memref<64xi32, #tpu.memory_space<vmem>>
        %dma_wait3A_949 = arith.constant 0 : i32
        %dma_wait3A_950 = arith.constant 0 : i32
        %dma_wait3A_951 = tpu.memref_slice %arg4[%dma_wait3A_949, %dma_wait3A_950] : memref<10000x128xf32, #tpu.memory_space<hbm>> -> memref<10000x128xf32, #tpu.memory_space<hbm>>
        %dma_wait3A_952 = tpu.memref_slice %arg17[%dma_wait3A_941] : memref<4x!tpu.dma_semaphore, #tpu.memory_space<semaphore_mem>> -> memref<1x!tpu.dma_semaphore, #tpu.memory_space<semaphore_mem>>
        %dma_wait3A_953 = tpu.memref_squeeze %dma_wait3A_952 : memref<1x!tpu.dma_semaphore, #tpu.memory_space<semaphore_mem>> -> memref<!tpu.dma_semaphore, #tpu.memory_space<semaphore_mem>>
        tpu.wait_indirect_dma semaphore(%dma_wait3A_953 : memref<!tpu.dma_semaphore, #tpu.memory_space<semaphore_mem>>) src(%dma_wait3A_951 : memref<10000x128xf32, #tpu.memory_space<hbm>>) dst(%dma_wait3A_945 : memref<64x128xf32, #tpu.memory_space<vmem>>)
        %get3A = arith.constant 1 : i32
        %get3A_954 = arith.constant 0 : i32
        %get3A_955 = arith.index_cast %get3A : i32 to index
        %get3A_956 = arith.index_cast %get3A_954 : i32 to index
        %get3A_957 = arith.constant 0 : index
        %get3A_958 = tpu.vector_load %arg7[%get3A_955, %get3A_956, %get3A_957] {strides = array<i32>} : memref<4x2x64xi32, #tpu.memory_space<vmem>>, vector<16xi32>,
        %get3A_959 = arith.constant 1 : i32
        %get3A_960 = arith.constant 1 : i32
        %get3A_961 = arith.index_cast %get3A_959 : i32 to index
        %get3A_962 = arith.index_cast %get3A_960 : i32 to index
        %get3A_963 = arith.constant 0 : index
        %get3A_964 = tpu.vector_load %arg7[%get3A_961, %get3A_962, %get3A_963] {strides = array<i32>} : memref<4x2x64xi32, #tpu.memory_space<vmem>>, vector<16xi32>,
        %gather3A = tpu.vector_load_idx %arg11[%get3A_958] : memref<10240xf32, #tpu.memory_space<vmem>>[vector<16xi32>], vector<16xf32>,
        %gather3A_965 = tpu.vector_load_idx %arg11[%get3A_964] : memref<10240xf32, #tpu.memory_space<vmem>>[vector<16xi32>], vector<16xf32>,
        %get3A_966 = arith.constant 1 : i32
        %get3A_967 = arith.index_cast %get3A_966 : i32 to index
        %get3A_968 = arith.constant 0 : index
        %get3A_969 = tpu.vector_load %arg8[%get3A_967, %get3A_968] {strides = array<i32>} : memref<4x64xf32, #tpu.memory_space<vmem>>, vector<16xf32>,
        %mul3A_970 = arith.mulf %gather3A, %get3A_969 : vector<16xf32>
        %mul3A_971 = arith.mulf %mul3A_970, %gather3A_965 : vector<16xf32>
        %swap3A = arith.constant 0 : index
        %swap3A_972 = tpu.vector_load %arg9[%swap3A] {strides = array<i32>} : memref<64xf32, #tpu.memory_space<vmem>>, vector<16xf32>,
        tpu.vector_store %arg9[%swap3A], %mul3A_971 {strides = array<i32>} : memref<64xf32, #tpu.memory_space<vmem>>, vector<16xf32>,
        %get3A_973 = arith.constant 1 : i32
        %get3A_974 = arith.constant 0 : i32
        %get3A_975 = arith.index_cast %get3A_973 : i32 to index
        %get3A_976 = arith.index_cast %get3A_974 : i32 to index
        %get3A_977 = arith.constant 16 : index
        %get3A_978 = tpu.vector_load %arg7[%get3A_975, %get3A_976, %get3A_977] {strides = array<i32>} : memref<4x2x64xi32, #tpu.memory_space<vmem>>, vector<16xi32>,
        %get3A_979 = arith.constant 1 : i32
        %get3A_980 = arith.constant 1 : i32
        %get3A_981 = arith.index_cast %get3A_979 : i32 to index
        %get3A_982 = arith.index_cast %get3A_980 : i32 to index
        %get3A_983 = arith.constant 16 : index
        %get3A_984 = tpu.vector_load %arg7[%get3A_981, %get3A_982, %get3A_983] {strides = array<i32>} : memref<4x2x64xi32, #tpu.memory_space<vmem>>, vector<16xi32>,
        %gather3A_985 = tpu.vector_load_idx %arg11[%get3A_978] : memref<10240xf32, #tpu.memory_space<vmem>>[vector<16xi32>], vector<16xf32>,
        %gather3A_986 = tpu.vector_load_idx %arg11[%get3A_984] : memref<10240xf32, #tpu.memory_space<vmem>>[vector<16xi32>], vector<16xf32>,
        %get3A_987 = arith.constant 1 : i32
        %get3A_988 = arith.index_cast %get3A_987 : i32 to index
        %get3A_989 = arith.constant 16 : index
        %get3A_990 = tpu.vector_load %arg8[%get3A_988, %get3A_989] {strides = array<i32>} : memref<4x64xf32, #tpu.memory_space<vmem>>, vector<16xf32>,
        %mul3A_991 = arith.mulf %gather3A_985, %get3A_990 : vector<16xf32>
        %mul3A_992 = arith.mulf %mul3A_991, %gather3A_986 : vector<16xf32>
        %swap3A_993 = arith.constant 16 : index
        %swap3A_994 = tpu.vector_load %arg9[%swap3A_993] {strides = array<i32>} : memref<64xf32, #tpu.memory_space<vmem>>, vector<16xf32>,
        tpu.vector_store %arg9[%swap3A_993], %mul3A_992 {strides = array<i32>} : memref<64xf32, #tpu.memory_space<vmem>>, vector<16xf32>,
        %get3A_995 = arith.constant 1 : i32
        %get3A_996 = arith.constant 0 : i32
        %get3A_997 = arith.index_cast %get3A_995 : i32 to index
        %get3A_998 = arith.index_cast %get3A_996 : i32 to index
        %get3A_999 = arith.constant 32 : index
        %get3A_1000 = tpu.vector_load %arg7[%get3A_997, %get3A_998, %get3A_999] {strides = array<i32>} : memref<4x2x64xi32, #tpu.memory_space<vmem>>, vector<16xi32>,
        %get3A_1001 = arith.constant 1 : i32
        %get3A_1002 = arith.constant 1 : i32
        %get3A_1003 = arith.index_cast %get3A_1001 : i32 to index
        %get3A_1004 = arith.index_cast %get3A_1002 : i32 to index
        %get3A_1005 = arith.constant 32 : index
        %get3A_1006 = tpu.vector_load %arg7[%get3A_1003, %get3A_1004, %get3A_1005] {strides = array<i32>} : memref<4x2x64xi32, #tpu.memory_space<vmem>>, vector<16xi32>,
        %gather3A_1007 = tpu.vector_load_idx %arg11[%get3A_1000] : memref<10240xf32, #tpu.memory_space<vmem>>[vector<16xi32>], vector<16xf32>,
        %gather3A_1008 = tpu.vector_load_idx %arg11[%get3A_1006] : memref<10240xf32, #tpu.memory_space<vmem>>[vector<16xi32>], vector<16xf32>,
        %get3A_1009 = arith.constant 1 : i32
        %get3A_1010 = arith.index_cast %get3A_1009 : i32 to index
        %get3A_1011 = arith.constant 32 : index
        %get3A_1012 = tpu.vector_load %arg8[%get3A_1010, %get3A_1011] {strides = array<i32>} : memref<4x64xf32, #tpu.memory_space<vmem>>, vector<16xf32>,
        %mul3A_1013 = arith.mulf %gather3A_1007, %get3A_1012 : vector<16xf32>
        %mul3A_1014 = arith.mulf %mul3A_1013, %gather3A_1008 : vector<16xf32>
        %swap3A_1015 = arith.constant 32 : index
        %swap3A_1016 = tpu.vector_load %arg9[%swap3A_1015] {strides = array<i32>} : memref<64xf32, #tpu.memory_space<vmem>>, vector<16xf32>,
        tpu.vector_store %arg9[%swap3A_1015], %mul3A_1014 {strides = array<i32>} : memref<64xf32, #tpu.memory_space<vmem>>, vector<16xf32>,
        %get3A_1017 = arith.constant 1 : i32
        %get3A_1018 = arith.constant 0 : i32
        %get3A_1019 = arith.index_cast %get3A_1017 : i32 to index
        %get3A_1020 = arith.index_cast %get3A_1018 : i32 to index
        %get3A_1021 = arith.constant 48 : index
        %get3A_1022 = tpu.vector_load %arg7[%get3A_1019, %get3A_1020, %get3A_1021] {strides = array<i32>} : memref<4x2x64xi32, #tpu.memory_space<vmem>>, vector<16xi32>,
        %get3A_1023 = arith.constant 1 : i32
        %get3A_1024 = arith.constant 1 : i32
        %get3A_1025 = arith.index_cast %get3A_1023 : i32 to index
        %get3A_1026 = arith.index_cast %get3A_1024 : i32 to index
        %get3A_1027 = arith.constant 48 : index
        %get3A_1028 = tpu.vector_load %arg7[%get3A_1025, %get3A_1026, %get3A_1027] {strides = array<i32>} : memref<4x2x64xi32, #tpu.memory_space<vmem>>, vector<16xi32>,
        %gather3A_1029 = tpu.vector_load_idx %arg11[%get3A_1022] : memref<10240xf32, #tpu.memory_space<vmem>>[vector<16xi32>], vector<16xf32>,
        %gather3A_1030 = tpu.vector_load_idx %arg11[%get3A_1028] : memref<10240xf32, #tpu.memory_space<vmem>>[vector<16xi32>], vector<16xf32>,
        %get3A_1031 = arith.constant 1 : i32
        %get3A_1032 = arith.index_cast %get3A_1031 : i32 to index
        %get3A_1033 = arith.constant 48 : index
        %get3A_1034 = tpu.vector_load %arg8[%get3A_1032, %get3A_1033] {strides = array<i32>} : memref<4x64xf32, #tpu.memory_space<vmem>>, vector<16xf32>,
        %mul3A_1035 = arith.mulf %gather3A_1029, %get3A_1034 : vector<16xf32>
        %mul3A_1036 = arith.mulf %mul3A_1035, %gather3A_1030 : vector<16xf32>
        %swap3A_1037 = arith.constant 48 : index
        %swap3A_1038 = tpu.vector_load %arg9[%swap3A_1037] {strides = array<i32>} : memref<64xf32, #tpu.memory_space<vmem>>, vector<16xf32>,
        tpu.vector_store %arg9[%swap3A_1037], %mul3A_1036 {strides = array<i32>} : memref<64xf32, #tpu.memory_space<vmem>>, vector<16xf32>,
        %scan3A_1039 = arith.constant 0 : i32
        %scan3A_1040 = arith.constant 64 : i32
        %scan3A_1041 = arith.addi %scan3A_1039, %scan3A_1040 : i32
        %scan3A_1042 = arith.constant 1 : i32
        scf.for %scan3A_1060 = %scan3A_1039 to %scan3A_1041 step %scan3A_1042  : i32 {
          %mul3A_1061 = arith.constant 1 : i32
          %mul3A_1062 = arith.muli %scan3A_1060, %mul3A_1061 : i32
          %add3A_1063 = arith.constant 0 : i32
          %add3A_1064 = arith.addi %add3A_1063, %mul3A_1062 : i32
          %broadcast_in_dim3A_1065 = vector.broadcast %add3A_1064 : i32 to vector<16xi32>
          %gather3A_1066 = tpu.vector_load_idx %arg9[%broadcast_in_dim3A_1065] : memref<64xf32, #tpu.memory_space<vmem>>[vector<16xi32>], vector<16xf32>,
          %get3A_1067 = arith.constant 1 : i32
          %get3A_1068 = arith.index_cast %get3A_1067 : i32 to index
          %get3A_1069 = arith.index_cast %add3A_1064 : i32 to index
          %get3A_1070 = arith.constant 0 : index
          %get3A_1071 = tpu.vector_load %arg10[%get3A_1068, %get3A_1069, %get3A_1070] {strides = array<i32>} : memref<4x64x128xf32, #tpu.memory_space<vmem>>, vector<16xf32>,
          %mul3A_1072 = arith.mulf %get3A_1071, %gather3A_1066 : vector<16xf32>
          %swap3A_1073 = arith.constant 1 : i32
          %swap3A_1074 = arith.index_cast %swap3A_1073 : i32 to index
          %swap3A_1075 = arith.index_cast %add3A_1064 : i32 to index
          %swap3A_1076 = arith.constant 0 : index
          %swap3A_1077 = tpu.vector_load %arg10[%swap3A_1074, %swap3A_1075, %swap3A_1076] {strides = array<i32>} : memref<4x64x128xf32, #tpu.memory_space<vmem>>, vector<16xf32>,
          tpu.vector_store %arg10[%swap3A_1074, %swap3A_1075, %swap3A_1076], %mul3A_1072 {strides = array<i32>} : memref<4x64x128xf32, #tpu.memory_space<vmem>>, vector<16xf32>,
          %get3A_1078 = arith.constant 1 : i32
          %get3A_1079 = arith.index_cast %get3A_1078 : i32 to index
          %get3A_1080 = arith.index_cast %add3A_1064 : i32 to index
          %get3A_1081 = arith.constant 16 : index
          %get3A_1082 = tpu.vector_load %arg10[%get3A_1079, %get3A_1080, %get3A_1081] {strides = array<i32>} : memref<4x64x128xf32, #tpu.memory_space<vmem>>, vector<16xf32>,
          %mul3A_1083 = arith.mulf %get3A_1082, %gather3A_1066 : vector<16xf32>
          %swap3A_1084 = arith.constant 1 : i32
          %swap3A_1085 = arith.index_cast %swap3A_1084 : i32 to index
          %swap3A_1086 = arith.index_cast %add3A_1064 : i32 to index
          %swap3A_1087 = arith.constant 16 : index
          %swap3A_1088 = tpu.vector_load %arg10[%swap3A_1085, %swap3A_1086, %swap3A_1087] {strides = array<i32>} : memref<4x64x128xf32, #tpu.memory_space<vmem>>, vector<16xf32>,
          tpu.vector_store %arg10[%swap3A_1085, %swap3A_1086, %swap3A_1087], %mul3A_1083 {strides = array<i32>} : memref<4x64x128xf32, #tpu.memory_space<vmem>>, vector<16xf32>,
          %get3A_1089 = arith.constant 1 : i32
          %get3A_1090 = arith.index_cast %get3A_1089 : i32 to index
          %get3A_1091 = arith.index_cast %add3A_1064 : i32 to index
          %get3A_1092 = arith.constant 32 : index
          %get3A_1093 = tpu.vector_load %arg10[%get3A_1090, %get3A_1091, %get3A_1092] {strides = array<i32>} : memref<4x64x128xf32, #tpu.memory_space<vmem>>, vector<16xf32>,
          %mul3A_1094 = arith.mulf %get3A_1093, %gather3A_1066 : vector<16xf32>
          %swap3A_1095 = arith.constant 1 : i32
          %swap3A_1096 = arith.index_cast %swap3A_1095 : i32 to index
          %swap3A_1097 = arith.index_cast %add3A_1064 : i32 to index
          %swap3A_1098 = arith.constant 32 : index
          %swap3A_1099 = tpu.vector_load %arg10[%swap3A_1096, %swap3A_1097, %swap3A_1098] {strides = array<i32>} : memref<4x64x128xf32, #tpu.memory_space<vmem>>, vector<16xf32>,
          tpu.vector_store %arg10[%swap3A_1096, %swap3A_1097, %swap3A_1098], %mul3A_1094 {strides = array<i32>} : memref<4x64x128xf32, #tpu.memory_space<vmem>>, vector<16xf32>,
          %get3A_1100 = arith.constant 1 : i32
          %get3A_1101 = arith.index_cast %get3A_1100 : i32 to index
          %get3A_1102 = arith.index_cast %add3A_1064 : i32 to index
          %get3A_1103 = arith.constant 48 : index
          %get3A_1104 = tpu.vector_load %arg10[%get3A_1101, %get3A_1102, %get3A_1103] {strides = array<i32>} : memref<4x64x128xf32, #tpu.memory_space<vmem>>, vector<16xf32>,
          %mul3A_1105 = arith.mulf %get3A_1104, %gather3A_1066 : vector<16xf32>
          %swap3A_1106 = arith.constant 1 : i32
          %swap3A_1107 = arith.index_cast %swap3A_1106 : i32 to index
          %swap3A_1108 = arith.index_cast %add3A_1064 : i32 to index
          %swap3A_1109 = arith.constant 48 : index
          %swap3A_1110 = tpu.vector_load %arg10[%swap3A_1107, %swap3A_1108, %swap3A_1109] {strides = array<i32>} : memref<4x64x128xf32, #tpu.memory_space<vmem>>, vector<16xf32>,
          tpu.vector_store %arg10[%swap3A_1107, %swap3A_1108, %swap3A_1109], %mul3A_1105 {strides = array<i32>} : memref<4x64x128xf32, #tpu.memory_space<vmem>>, vector<16xf32>,
          %get3A_1111 = arith.constant 1 : i32
          %get3A_1112 = arith.index_cast %get3A_1111 : i32 to index
          %get3A_1113 = arith.index_cast %add3A_1064 : i32 to index
          %get3A_1114 = arith.constant 64 : index
          %get3A_1115 = tpu.vector_load %arg10[%get3A_1112, %get3A_1113, %get3A_1114] {strides = array<i32>} : memref<4x64x128xf32, #tpu.memory_space<vmem>>, vector<16xf32>,
          %mul3A_1116 = arith.mulf %get3A_1115, %gather3A_1066 : vector<16xf32>
          %swap3A_1117 = arith.constant 1 : i32
          %swap3A_1118 = arith.index_cast %swap3A_1117 : i32 to index
          %swap3A_1119 = arith.index_cast %add3A_1064 : i32 to index
          %swap3A_1120 = arith.constant 64 : index
          %swap3A_1121 = tpu.vector_load %arg10[%swap3A_1118, %swap3A_1119, %swap3A_1120] {strides = array<i32>} : memref<4x64x128xf32, #tpu.memory_space<vmem>>, vector<16xf32>,
          tpu.vector_store %arg10[%swap3A_1118, %swap3A_1119, %swap3A_1120], %mul3A_1116 {strides = array<i32>} : memref<4x64x128xf32, #tpu.memory_space<vmem>>, vector<16xf32>,
          %get3A_1122 = arith.constant 1 : i32
          %get3A_1123 = arith.index_cast %get3A_1122 : i32 to index
          %get3A_1124 = arith.index_cast %add3A_1064 : i32 to index
          %get3A_1125 = arith.constant 80 : index
          %get3A_1126 = tpu.vector_load %arg10[%get3A_1123, %get3A_1124, %get3A_1125] {strides = array<i32>} : memref<4x64x128xf32, #tpu.memory_space<vmem>>, vector<16xf32>,
          %mul3A_1127 = arith.mulf %get3A_1126, %gather3A_1066 : vector<16xf32>
          %swap3A_1128 = arith.constant 1 : i32
          %swap3A_1129 = arith.index_cast %swap3A_1128 : i32 to index
          %swap3A_1130 = arith.index_cast %add3A_1064 : i32 to index
          %swap3A_1131 = arith.constant 80 : index
          %swap3A_1132 = tpu.vector_load %arg10[%swap3A_1129, %swap3A_1130, %swap3A_1131] {strides = array<i32>} : memref<4x64x128xf32, #tpu.memory_space<vmem>>, vector<16xf32>,
          tpu.vector_store %arg10[%swap3A_1129, %swap3A_1130, %swap3A_1131], %mul3A_1127 {strides = array<i32>} : memref<4x64x128xf32, #tpu.memory_space<vmem>>, vector<16xf32>,
          %get3A_1133 = arith.constant 1 : i32
          %get3A_1134 = arith.index_cast %get3A_1133 : i32 to index
          %get3A_1135 = arith.index_cast %add3A_1064 : i32 to index
          %get3A_1136 = arith.constant 96 : index
          %get3A_1137 = tpu.vector_load %arg10[%get3A_1134, %get3A_1135, %get3A_1136] {strides = array<i32>} : memref<4x64x128xf32, #tpu.memory_space<vmem>>, vector<16xf32>,
          %mul3A_1138 = arith.mulf %get3A_1137, %gather3A_1066 : vector<16xf32>
          %swap3A_1139 = arith.constant 1 : i32
          %swap3A_1140 = arith.index_cast %swap3A_1139 : i32 to index
          %swap3A_1141 = arith.index_cast %add3A_1064 : i32 to index
          %swap3A_1142 = arith.constant 96 : index
          %swap3A_1143 = tpu.vector_load %arg10[%swap3A_1140, %swap3A_1141, %swap3A_1142] {strides = array<i32>} : memref<4x64x128xf32, #tpu.memory_space<vmem>>, vector<16xf32>,
          tpu.vector_store %arg10[%swap3A_1140, %swap3A_1141, %swap3A_1142], %mul3A_1138 {strides = array<i32>} : memref<4x64x128xf32, #tpu.memory_space<vmem>>, vector<16xf32>,
          %get3A_1144 = arith.constant 1 : i32
          %get3A_1145 = arith.index_cast %get3A_1144 : i32 to index
          %get3A_1146 = arith.index_cast %add3A_1064 : i32 to index
          %get3A_1147 = arith.constant 112 : index
          %get3A_1148 = tpu.vector_load %arg10[%get3A_1145, %get3A_1146, %get3A_1147] {strides = array<i32>} : memref<4x64x128xf32, #tpu.memory_space<vmem>>, vector<16xf32>,
          %mul3A_1149 = arith.mulf %get3A_1148, %gather3A_1066 : vector<16xf32>
          %swap3A_1150 = arith.constant 1 : i32
          %swap3A_1151 = arith.index_cast %swap3A_1150 : i32 to index
          %swap3A_1152 = arith.index_cast %add3A_1064 : i32 to index
          %swap3A_1153 = arith.constant 112 : index
          %swap3A_1154 = tpu.vector_load %arg10[%swap3A_1151, %swap3A_1152, %swap3A_1153] {strides = array<i32>} : memref<4x64x128xf32, #tpu.memory_space<vmem>>, vector<16xf32>,
          tpu.vector_store %arg10[%swap3A_1151, %swap3A_1152, %swap3A_1153], %mul3A_1149 {strides = array<i32>} : memref<4x64x128xf32, #tpu.memory_space<vmem>>, vector<16xf32>,
        }
        %scan3A_1043 = arith.constant 64 : i32
        %dma_start3A_1044 = arith.constant 1 : i32
        %dma_start3A_1045 = arith.constant 1 : i32
        %dma_start3A_1046 = arith.constant 1 : i32
        %dma_start3A_1047 = arith.constant 1 : i32
        %dma_start3A_1048 = arith.constant 0 : i32
        %dma_start3A_1049 = arith.constant 0 : i32
        %dma_start3A_1050 = tpu.memref_slice %arg10[%dma_start3A_1044, %dma_start3A_1048, %dma_start3A_1049] : memref<4x64x128xf32, #tpu.memory_space<vmem>> -> memref<1x64x128xf32, #tpu.memory_space<vmem>>
        %dma_start3A_1051 = tpu.memref_squeeze %dma_start3A_1050 : memref<1x64x128xf32, #tpu.memory_space<vmem>> -> memref<64x128xf32, #tpu.memory_space<vmem>>
        %dma_start3A_1052 = arith.constant 0 : i32
        %dma_start3A_1053 = tpu.memref_slice %arg7[%dma_start3A_1045, %dma_start3A_1046, %dma_start3A_1052] : memref<4x2x64xi32, #tpu.memory_space<vmem>> -> memref<1x1x64xi32, #tpu.memory_space<vmem>>
        %dma_start3A_1054 = tpu.memref_squeeze %dma_start3A_1053 : memref<1x1x64xi32, #tpu.memory_space<vmem>> -> memref<64xi32, #tpu.memory_space<vmem>>
        %dma_start3A_1055 = arith.constant 0 : i32
        %dma_start3A_1056 = arith.constant 0 : i32
        %dma_start3A_1057 = tpu.memref_slice %arg13[%dma_start3A_1055, %dma_start3A_1056] : memref<10240x128xf32, #tpu.memory_space<vmem_shared>> -> memref<10240x128xf32, #tpu.memory_space<vmem_shared>>
        %dma_start3A_1058 = tpu.memref_slice %arg18[%dma_start3A_1047] : memref<4x!tpu.dma_semaphore, #tpu.memory_space<semaphore_mem>> -> memref<1x!tpu.dma_semaphore, #tpu.memory_space<semaphore_mem>>
        %dma_start3A_1059 = tpu.memref_squeeze %dma_start3A_1058 : memref<1x!tpu.dma_semaphore, #tpu.memory_space<semaphore_mem>> -> memref<!tpu.dma_semaphore, #tpu.memory_space<semaphore_mem>>
        tpu.enqueue_indirect_dma source(%dma_start3A_1051 : memref<64x128xf32, #tpu.memory_space<vmem>>) target(%dma_start3A_1057 : memref<10240x128xf32, #tpu.memory_space<vmem_shared>>) offsets(%dma_start3A_1054 : memref<64xi32, #tpu.memory_space<vmem>>) semaphore(%dma_start3A_1059 : memref<!tpu.dma_semaphore, #tpu.memory_space<semaphore_mem>>) {add = true}
      } else {
      }
      %ge3A_903 = arith.constant 2 : i32
      %ge3A_904 = arith.cmpi sge, %add3A_889, %ge3A_903 : i32
      %add3A_905 = arith.constant 2 : i32
      %add3A_906 = arith.addi %add3A_889, %add3A_905 : i32
      %lt3A_907 = arith.cmpi slt, %add3A_906, %select_n3A : i32
      %and3A_908 = arith.andi %ge3A_904, %lt3A_907 : i1
      %convert_element_type3A_909 = arith.extui %and3A_908 : i1 to i32
      %cond3A_910 = arith.constant 0 : i32
      %cond3A_911 = arith.cmpi ne, %convert_element_type3A_909, %cond3A_910 : i32
      scf.if %cond3A_911 {
        %dma_wait3A_938 = arith.constant 0 : i32
        %dma_wait3A_939 = arith.constant 0 : i32
        %dma_wait3A_940 = arith.constant 1 : i32
        %dma_wait3A_941 = arith.constant 0 : i32
        %dma_wait3A_942 = arith.constant 0 : i32
        %dma_wait3A_943 = arith.constant 0 : i32
        %dma_wait3A_944 = tpu.memref_slice %arg10[%dma_wait3A_938, %dma_wait3A_942, %dma_wait3A_943] : memref<4x64x128xf32, #tpu.memory_space<vmem>> -> memref<1x64x128xf32, #tpu.memory_space<vmem>>
        %dma_wait3A_945 = tpu.memref_squeeze %dma_wait3A_944 : memref<1x64x128xf32, #tpu.memory_space<vmem>> -> memref<64x128xf32, #tpu.memory_space<vmem>>
        %dma_wait3A_946 = arith.constant 0 : i32
        %dma_wait3A_947 = tpu.memref_slice %arg7[%dma_wait3A_939, %dma_wait3A_940, %dma_wait3A_946] : memref<4x2x64xi32, #tpu.memory_space<vmem>> -> memref<1x1x64xi32, #tpu.memory_space<vmem>>
        %dma_wait3A_948 = tpu.memref_squeeze %dma_wait3A_947 : memref<1x1x64xi32, #tpu.memory_space<vmem>> -> memref<64xi32, #tpu.memory_space<vmem>>
        %dma_wait3A_949 = arith.constant 0 : i32
        %dma_wait3A_950 = arith.constant 0 : i32
        %dma_wait3A_951 = tpu.memref_slice %arg13[%dma_wait3A_949, %dma_wait3A_950] : memref<10240x128xf32, #tpu.memory_space<vmem_shared>> -> memref<10240x128xf32, #tpu.memory_space<vmem_shared>>
        %dma_wait3A_952 = tpu.memref_slice %arg18[%dma_wait3A_941] : memref<4x!tpu.dma_semaphore, #tpu.memory_space<semaphore_mem>> -> memref<1x!tpu.dma_semaphore, #tpu.memory_space<semaphore_mem>>
        %dma_wait3A_953 = tpu.memref_squeeze %dma_wait3A_952 : memref<1x!tpu.dma_semaphore, #tpu.memory_space<semaphore_mem>> -> memref<!tpu.dma_semaphore, #tpu.memory_space<semaphore_mem>>
        tpu.wait_indirect_dma semaphore(%dma_wait3A_953 : memref<!tpu.dma_semaphore, #tpu.memory_space<semaphore_mem>>) src(%dma_wait3A_945 : memref<64x128xf32, #tpu.memory_space<vmem>>) dst(%dma_wait3A_951 : memref<10240x128xf32, #tpu.memory_space<vmem_shared>>)
        %add3A_954 = arith.addi %add3A_616, %add3A_889 : i32
        %add3A_955 = arith.constant 2 : i32
        %add3A_956 = arith.addi %add3A_954, %add3A_955 : i32
        %dma_start3A_957 = arith.constant 0 : i32
        %dma_start3A_958 = arith.constant 0 : i32
        %dma_start3A_959 = arith.constant 0 : i32
        %dma_start3A_960 = arith.constant 0 : i32
        %dma_start3A_961 = tpu.memref_slice %arg7[%dma_start3A_957, %dma_start3A_959, %dma_start3A_960] : memref<4x2x64xi32, #tpu.memory_space<vmem>> -> memref<1x2x64xi32, #tpu.memory_space<vmem>>
        %dma_start3A_962 = tpu.memref_squeeze %dma_start3A_961 : memref<1x2x64xi32, #tpu.memory_space<vmem>> -> memref<2x64xi32, #tpu.memory_space<vmem>>
        %dma_start3A_963 = arith.constant 0 : i32
        %dma_start3A_964 = arith.constant 0 : i32
        %dma_start3A_965 = tpu.memref_slice %arg2[%add3A_956, %dma_start3A_963, %dma_start3A_964] : memref<5024x2x64xi32, #tpu.memory_space<hbm>> -> memref<1x2x64xi32, #tpu.memory_space<hbm>>
        %dma_start3A_966 = tpu.memref_squeeze %dma_start3A_965 : memref<1x2x64xi32, #tpu.memory_space<hbm>> -> memref<2x64xi32, #tpu.memory_space<hbm>>
        %dma_start3A_967 = tpu.memref_slice %arg16[%dma_start3A_958] : memref<4x!tpu.dma_semaphore, #tpu.memory_space<semaphore_mem>> -> memref<1x!tpu.dma_semaphore, #tpu.memory_space<semaphore_mem>>
        %dma_start3A_968 = tpu.memref_squeeze %dma_start3A_967 : memref<1x!tpu.dma_semaphore, #tpu.memory_space<semaphore_mem>> -> memref<!tpu.dma_semaphore, #tpu.memory_space<semaphore_mem>>
        %dma_start3A_969 = arith.constant 0 : i32
        %dma_start3A_970 = arith.constant 0 : i32
        %dma_start3A_971 = tpu.memref_slice %arg7[%dma_start3A_957, %dma_start3A_969, %dma_start3A_970] : memref<4x2x64xi32, #tpu.memory_space<vmem>> -> memref<1x2x64xi32, #tpu.memory_space<vmem>>
        %dma_start3A_972 = tpu.memref_squeeze %dma_start3A_971 : memref<1x2x64xi32, #tpu.memory_space<vmem>> -> memref<2x64xi32, #tpu.memory_space<vmem>>
        %dma_start3A_973 = arith.constant 0 : i32
        %dma_start3A_974 = arith.constant 0 : i32
        %dma_start3A_975 = tpu.memref_slice %arg2[%add3A_956, %dma_start3A_973, %dma_start3A_974] : memref<5024x2x64xi32, #tpu.memory_space<hbm>> -> memref<1x2x64xi32, #tpu.memory_space<hbm>>
        %dma_start3A_976 = tpu.memref_squeeze %dma_start3A_975 : memref<1x2x64xi32, #tpu.memory_space<hbm>> -> memref<2x64xi32, #tpu.memory_space<hbm>>
        tpu.enqueue_dma source(%dma_start3A_976 : memref<2x64xi32, #tpu.memory_space<hbm>>) target(%dma_start3A_972 : memref<2x64xi32, #tpu.memory_space<vmem>>) target_semaphore(%dma_start3A_968 : memref<!tpu.dma_semaphore, #tpu.memory_space<semaphore_mem>>)
        %mul3A_977 = arith.constant 64 : i32
        %mul3A_978 = arith.muli %add3A_956, %mul3A_977 : i32
        %dma_start3A_979 = arith.constant 0 : i32
        %dma_start3A_980 = arith.constant 0 : i32
        %dma_start3A_981 = arith.constant 0 : i32
        %dma_start3A_982 = tpu.memref_slice %arg8[%dma_start3A_979, %dma_start3A_981] : memref<4x64xf32, #tpu.memory_space<vmem>> -> memref<1x64xf32, #tpu.memory_space<vmem>>
        %dma_start3A_983 = tpu.memref_squeeze %dma_start3A_982 : memref<1x64xf32, #tpu.memory_space<vmem>> -> memref<64xf32, #tpu.memory_space<vmem>>
        %dma_start3A_984 = tpu.memref_slice %arg3[%mul3A_978] : memref<321536xf32, #tpu.memory_space<hbm>> -> memref<64xf32, #tpu.memory_space<hbm>>
        %dma_start3A_985 = tpu.memref_slice %arg16[%dma_start3A_980] : memref<4x!tpu.dma_semaphore, #tpu.memory_space<semaphore_mem>> -> memref<1x!tpu.dma_semaphore, #tpu.memory_space<semaphore_mem>>
        %dma_start3A_986 = tpu.memref_squeeze %dma_start3A_985 : memref<1x!tpu.dma_semaphore, #tpu.memory_space<semaphore_mem>> -> memref<!tpu.dma_semaphore, #tpu.memory_space<semaphore_mem>>
        %dma_start3A_987 = arith.constant 0 : i32
        %dma_start3A_988 = tpu.memref_slice %arg8[%dma_start3A_979, %dma_start3A_987] : memref<4x64xf32, #tpu.memory_space<vmem>> -> memref<1x64xf32, #tpu.memory_space<vmem>>
        %dma_start3A_989 = tpu.memref_squeeze %dma_start3A_988 : memref<1x64xf32, #tpu.memory_space<vmem>> -> memref<64xf32, #tpu.memory_space<vmem>>
        %dma_start3A_990 = tpu.memref_slice %arg3[%mul3A_978] : memref<321536xf32, #tpu.memory_space<hbm>> -> memref<64xf32, #tpu.memory_space<hbm>>
        tpu.enqueue_dma source(%dma_start3A_990 : memref<64xf32, #tpu.memory_space<hbm>>) target(%dma_start3A_989 : memref<64xf32, #tpu.memory_space<vmem>>) target_semaphore(%dma_start3A_986 : memref<!tpu.dma_semaphore, #tpu.memory_space<semaphore_mem>>)
      } else {
      }
      %mul3A_912 = arith.constant 4 : i32
      %mul3A_913 = arith.muli %add3A_837, %mul3A_912 : i32
      %add3A_914 = arith.constant 3 : i32
      %add3A_915 = arith.addi %mul3A_913, %add3A_914 : i32
      %lt3A_916 = arith.cmpi slt, %add3A_915, %select_n3A : i32
      %convert_element_type3A_917 = arith.extui %lt3A_916 : i1 to i32
      %cond3A_918 = arith.constant 0 : i32
      %cond3A_919 = arith.cmpi ne, %convert_element_type3A_917, %cond3A_918 : i32
      scf.if %cond3A_919 {
        %add3A_938 = arith.addi %add3A_616, %add3A_915 : i32
        %dma_wait3A_939 = arith.constant 3 : i32
        %dma_wait3A_940 = arith.constant 3 : i32
        %dma_wait3A_941 = arith.constant 0 : i32
        %dma_wait3A_942 = arith.constant 0 : i32
        %dma_wait3A_943 = tpu.memref_slice %arg7[%dma_wait3A_939, %dma_wait3A_941, %dma_wait3A_942] : memref<4x2x64xi32, #tpu.memory_space<vmem>> -> memref<1x2x64xi32, #tpu.memory_space<vmem>>
        %dma_wait3A_944 = tpu.memref_squeeze %dma_wait3A_943 : memref<1x2x64xi32, #tpu.memory_space<vmem>> -> memref<2x64xi32, #tpu.memory_space<vmem>>
        %dma_wait3A_945 = arith.constant 0 : i32
        %dma_wait3A_946 = arith.constant 0 : i32
        %dma_wait3A_947 = tpu.memref_slice %arg2[%add3A_938, %dma_wait3A_945, %dma_wait3A_946] : memref<5024x2x64xi32, #tpu.memory_space<hbm>> -> memref<1x2x64xi32, #tpu.memory_space<hbm>>
        %dma_wait3A_948 = tpu.memref_squeeze %dma_wait3A_947 : memref<1x2x64xi32, #tpu.memory_space<hbm>> -> memref<2x64xi32, #tpu.memory_space<hbm>>
        %dma_wait3A_949 = tpu.memref_slice %arg16[%dma_wait3A_940] : memref<4x!tpu.dma_semaphore, #tpu.memory_space<semaphore_mem>> -> memref<1x!tpu.dma_semaphore, #tpu.memory_space<semaphore_mem>>
        %dma_wait3A_950 = tpu.memref_squeeze %dma_wait3A_949 : memref<1x!tpu.dma_semaphore, #tpu.memory_space<semaphore_mem>> -> memref<!tpu.dma_semaphore, #tpu.memory_space<semaphore_mem>>
        %dma_wait3A_951 = arith.constant 0 : i32
        %dma_wait3A_952 = arith.constant 0 : i32
        %dma_wait3A_953 = tpu.memref_slice %arg7[%dma_wait3A_939, %dma_wait3A_951, %dma_wait3A_952] : memref<4x2x64xi32, #tpu.memory_space<vmem>> -> memref<1x2x64xi32, #tpu.memory_space<vmem>>
        %dma_wait3A_954 = tpu.memref_squeeze %dma_wait3A_953 : memref<1x2x64xi32, #tpu.memory_space<vmem>> -> memref<2x64xi32, #tpu.memory_space<vmem>>
        %dma_wait3A_955 = arith.constant 0 : i32
        %dma_wait3A_956 = arith.constant 0 : i32
        %dma_wait3A_957 = tpu.memref_slice %arg2[%add3A_938, %dma_wait3A_955, %dma_wait3A_956] : memref<5024x2x64xi32, #tpu.memory_space<hbm>> -> memref<1x2x64xi32, #tpu.memory_space<hbm>>
        %dma_wait3A_958 = tpu.memref_squeeze %dma_wait3A_957 : memref<1x2x64xi32, #tpu.memory_space<hbm>> -> memref<2x64xi32, #tpu.memory_space<hbm>>
        tpu.wait_dma2 semaphore(%dma_wait3A_950 : memref<!tpu.dma_semaphore, #tpu.memory_space<semaphore_mem>>) src(%dma_wait3A_958 : memref<2x64xi32, #tpu.memory_space<hbm>>) dst(%dma_wait3A_954 : memref<2x64xi32, #tpu.memory_space<vmem>>)
        %mul3A_959 = arith.constant 64 : i32
        %mul3A_960 = arith.muli %add3A_938, %mul3A_959 : i32
        %dma_wait3A_961 = arith.constant 3 : i32
        %dma_wait3A_962 = arith.constant 3 : i32
        %dma_wait3A_963 = arith.constant 0 : i32
        %dma_wait3A_964 = tpu.memref_slice %arg8[%dma_wait3A_961, %dma_wait3A_963] : memref<4x64xf32, #tpu.memory_space<vmem>> -> memref<1x64xf32, #tpu.memory_space<vmem>>
        %dma_wait3A_965 = tpu.memref_squeeze %dma_wait3A_964 : memref<1x64xf32, #tpu.memory_space<vmem>> -> memref<64xf32, #tpu.memory_space<vmem>>
        %dma_wait3A_966 = tpu.memref_slice %arg3[%mul3A_960] : memref<321536xf32, #tpu.memory_space<hbm>> -> memref<64xf32, #tpu.memory_space<hbm>>
        %dma_wait3A_967 = tpu.memref_slice %arg16[%dma_wait3A_962] : memref<4x!tpu.dma_semaphore, #tpu.memory_space<semaphore_mem>> -> memref<1x!tpu.dma_semaphore, #tpu.memory_space<semaphore_mem>>
        %dma_wait3A_968 = tpu.memref_squeeze %dma_wait3A_967 : memref<1x!tpu.dma_semaphore, #tpu.memory_space<semaphore_mem>> -> memref<!tpu.dma_semaphore, #tpu.memory_space<semaphore_mem>>
        %dma_wait3A_969 = arith.constant 0 : i32
        %dma_wait3A_970 = tpu.memref_slice %arg8[%dma_wait3A_961, %dma_wait3A_969] : memref<4x64xf32, #tpu.memory_space<vmem>> -> memref<1x64xf32, #tpu.memory_space<vmem>>
        %dma_wait3A_971 = tpu.memref_squeeze %dma_wait3A_970 : memref<1x64xf32, #tpu.memory_space<vmem>> -> memref<64xf32, #tpu.memory_space<vmem>>
        %dma_wait3A_972 = tpu.memref_slice %arg3[%mul3A_960] : memref<321536xf32, #tpu.memory_space<hbm>> -> memref<64xf32, #tpu.memory_space<hbm>>
        tpu.wait_dma2 semaphore(%dma_wait3A_968 : memref<!tpu.dma_semaphore, #tpu.memory_space<semaphore_mem>>) src(%dma_wait3A_972 : memref<64xf32, #tpu.memory_space<hbm>>) dst(%dma_wait3A_971 : memref<64xf32, #tpu.memory_space<vmem>>)
        %dma_start3A_973 = arith.constant 3 : i32
        %dma_start3A_974 = arith.constant 0 : i32
        %dma_start3A_975 = arith.constant 3 : i32
        %dma_start3A_976 = arith.constant 3 : i32
        %dma_start3A_977 = arith.constant 0 : i32
        %dma_start3A_978 = arith.constant 0 : i32
        %dma_start3A_979 = tpu.memref_slice %arg10[%dma_start3A_975, %dma_start3A_977, %dma_start3A_978] : memref<4x64x128xf32, #tpu.memory_space<vmem>> -> memref<1x64x128xf32, #tpu.memory_space<vmem>>
        %dma_start3A_980 = tpu.memref_squeeze %dma_start3A_979 : memref<1x64x128xf32, #tpu.memory_space<vmem>> -> memref<64x128xf32, #tpu.memory_space<vmem>>
        %dma_start3A_981 = arith.constant 0 : i32
        %dma_start3A_982 = tpu.memref_slice %arg7[%dma_start3A_973, %dma_start3A_974, %dma_start3A_981] : memref<4x2x64xi32, #tpu.memory_space<vmem>> -> memref<1x1x64xi32, #tpu.memory_space<vmem>>
        %dma_start3A_983 = tpu.memref_squeeze %dma_start3A_982 : memref<1x1x64xi32, #tpu.memory_space<vmem>> -> memref<64xi32, #tpu.memory_space<vmem>>
        %dma_start3A_984 = arith.constant 0 : i32
        %dma_start3A_985 = arith.constant 0 : i32
        %dma_start3A_986 = tpu.memref_slice %arg4[%dma_start3A_984, %dma_start3A_985] : memref<10000x128xf32, #tpu.memory_space<hbm>> -> memref<10000x128xf32, #tpu.memory_space<hbm>>
        %dma_start3A_987 = tpu.memref_slice %arg17[%dma_start3A_976] : memref<4x!tpu.dma_semaphore, #tpu.memory_space<semaphore_mem>> -> memref<1x!tpu.dma_semaphore, #tpu.memory_space<semaphore_mem>>
        %dma_start3A_988 = tpu.memref_squeeze %dma_start3A_987 : memref<1x!tpu.dma_semaphore, #tpu.memory_space<semaphore_mem>> -> memref<!tpu.dma_semaphore, #tpu.memory_space<semaphore_mem>>
        tpu.enqueue_indirect_dma source(%dma_start3A_986 : memref<10000x128xf32, #tpu.memory_space<hbm>>) target(%dma_start3A_980 : memref<64x128xf32, #tpu.memory_space<vmem>>) offsets(%dma_start3A_983 : memref<64xi32, #tpu.memory_space<vmem>>) semaphore(%dma_start3A_988 : memref<!tpu.dma_semaphore, #tpu.memory_space<semaphore_mem>>)
      } else {
      }
      %ge3A_920 = arith.constant 1 : i32
      %ge3A_921 = arith.cmpi sge, %add3A_915, %ge3A_920 : i32
      %sub3A_922 = arith.constant 1 : i32
      %sub3A_923 = arith.subi %add3A_915, %sub3A_922 : i32
      %lt3A_924 = arith.cmpi slt, %sub3A_923, %select_n3A : i32
      %and3A_925 = arith.andi %ge3A_921, %lt3A_924 : i1
      %convert_element_type3A_926 = arith.extui %and3A_925 : i1 to i32
      %cond3A_927 = arith.constant 0 : i32
      %cond3A_928 = arith.cmpi ne, %convert_element_type3A_926, %cond3A_927 : i32
      scf.if %cond3A_928 {
        %dma_wait3A_938 = arith.constant 2 : i32
        %dma_wait3A_939 = arith.constant 0 : i32
        %dma_wait3A_940 = arith.constant 2 : i32
        %dma_wait3A_941 = arith.constant 2 : i32
        %dma_wait3A_942 = arith.constant 0 : i32
        %dma_wait3A_943 = arith.constant 0 : i32
        %dma_wait3A_944 = tpu.memref_slice %arg10[%dma_wait3A_940, %dma_wait3A_942, %dma_wait3A_943] : memref<4x64x128xf32, #tpu.memory_space<vmem>> -> memref<1x64x128xf32, #tpu.memory_space<vmem>>
        %dma_wait3A_945 = tpu.memref_squeeze %dma_wait3A_944 : memref<1x64x128xf32, #tpu.memory_space<vmem>> -> memref<64x128xf32, #tpu.memory_space<vmem>>
        %dma_wait3A_946 = arith.constant 0 : i32
        %dma_wait3A_947 = tpu.memref_slice %arg7[%dma_wait3A_938, %dma_wait3A_939, %dma_wait3A_946] : memref<4x2x64xi32, #tpu.memory_space<vmem>> -> memref<1x1x64xi32, #tpu.memory_space<vmem>>
        %dma_wait3A_948 = tpu.memref_squeeze %dma_wait3A_947 : memref<1x1x64xi32, #tpu.memory_space<vmem>> -> memref<64xi32, #tpu.memory_space<vmem>>
        %dma_wait3A_949 = arith.constant 0 : i32
        %dma_wait3A_950 = arith.constant 0 : i32
        %dma_wait3A_951 = tpu.memref_slice %arg4[%dma_wait3A_949, %dma_wait3A_950] : memref<10000x128xf32, #tpu.memory_space<hbm>> -> memref<10000x128xf32, #tpu.memory_space<hbm>>
        %dma_wait3A_952 = tpu.memref_slice %arg17[%dma_wait3A_941] : memref<4x!tpu.dma_semaphore, #tpu.memory_space<semaphore_mem>> -> memref<1x!tpu.dma_semaphore, #tpu.memory_space<semaphore_mem>>
        %dma_wait3A_953 = tpu.memref_squeeze %dma_wait3A_952 : memref<1x!tpu.dma_semaphore, #tpu.memory_space<semaphore_mem>> -> memref<!tpu.dma_semaphore, #tpu.memory_space<semaphore_mem>>
        tpu.wait_indirect_dma semaphore(%dma_wait3A_953 : memref<!tpu.dma_semaphore, #tpu.memory_space<semaphore_mem>>) src(%dma_wait3A_951 : memref<10000x128xf32, #tpu.memory_space<hbm>>) dst(%dma_wait3A_945 : memref<64x128xf32, #tpu.memory_space<vmem>>)
        %get3A = arith.constant 2 : i32
        %get3A_954 = arith.constant 0 : i32
        %get3A_955 = arith.index_cast %get3A : i32 to index
        %get3A_956 = arith.index_cast %get3A_954 : i32 to index
        %get3A_957 = arith.constant 0 : index
        %get3A_958 = tpu.vector_load %arg7[%get3A_955, %get3A_956, %get3A_957] {strides = array<i32>} : memref<4x2x64xi32, #tpu.memory_space<vmem>>, vector<16xi32>,
        %get3A_959 = arith.constant 2 : i32
        %get3A_960 = arith.constant 1 : i32
        %get3A_961 = arith.index_cast %get3A_959 : i32 to index
        %get3A_962 = arith.index_cast %get3A_960 : i32 to index
        %get3A_963 = arith.constant 0 : index
        %get3A_964 = tpu.vector_load %arg7[%get3A_961, %get3A_962, %get3A_963] {strides = array<i32>} : memref<4x2x64xi32, #tpu.memory_space<vmem>>, vector<16xi32>,
        %gather3A = tpu.vector_load_idx %arg11[%get3A_958] : memref<10240xf32, #tpu.memory_space<vmem>>[vector<16xi32>], vector<16xf32>,
        %gather3A_965 = tpu.vector_load_idx %arg11[%get3A_964] : memref<10240xf32, #tpu.memory_space<vmem>>[vector<16xi32>], vector<16xf32>,
        %get3A_966 = arith.constant 2 : i32
        %get3A_967 = arith.index_cast %get3A_966 : i32 to index
        %get3A_968 = arith.constant 0 : index
        %get3A_969 = tpu.vector_load %arg8[%get3A_967, %get3A_968] {strides = array<i32>} : memref<4x64xf32, #tpu.memory_space<vmem>>, vector<16xf32>,
        %mul3A_970 = arith.mulf %gather3A, %get3A_969 : vector<16xf32>
        %mul3A_971 = arith.mulf %mul3A_970, %gather3A_965 : vector<16xf32>
        %swap3A = arith.constant 0 : index
        %swap3A_972 = tpu.vector_load %arg9[%swap3A] {strides = array<i32>} : memref<64xf32, #tpu.memory_space<vmem>>, vector<16xf32>,
        tpu.vector_store %arg9[%swap3A], %mul3A_971 {strides = array<i32>} : memref<64xf32, #tpu.memory_space<vmem>>, vector<16xf32>,
        %get3A_973 = arith.constant 2 : i32
        %get3A_974 = arith.constant 0 : i32
        %get3A_975 = arith.index_cast %get3A_973 : i32 to index
        %get3A_976 = arith.index_cast %get3A_974 : i32 to index
        %get3A_977 = arith.constant 16 : index
        %get3A_978 = tpu.vector_load %arg7[%get3A_975, %get3A_976, %get3A_977] {strides = array<i32>} : memref<4x2x64xi32, #tpu.memory_space<vmem>>, vector<16xi32>,
        %get3A_979 = arith.constant 2 : i32
        %get3A_980 = arith.constant 1 : i32
        %get3A_981 = arith.index_cast %get3A_979 : i32 to index
        %get3A_982 = arith.index_cast %get3A_980 : i32 to index
        %get3A_983 = arith.constant 16 : index
        %get3A_984 = tpu.vector_load %arg7[%get3A_981, %get3A_982, %get3A_983] {strides = array<i32>} : memref<4x2x64xi32, #tpu.memory_space<vmem>>, vector<16xi32>,
        %gather3A_985 = tpu.vector_load_idx %arg11[%get3A_978] : memref<10240xf32, #tpu.memory_space<vmem>>[vector<16xi32>], vector<16xf32>,
        %gather3A_986 = tpu.vector_load_idx %arg11[%get3A_984] : memref<10240xf32, #tpu.memory_space<vmem>>[vector<16xi32>], vector<16xf32>,
        %get3A_987 = arith.constant 2 : i32
        %get3A_988 = arith.index_cast %get3A_987 : i32 to index
        %get3A_989 = arith.constant 16 : index
        %get3A_990 = tpu.vector_load %arg8[%get3A_988, %get3A_989] {strides = array<i32>} : memref<4x64xf32, #tpu.memory_space<vmem>>, vector<16xf32>,
        %mul3A_991 = arith.mulf %gather3A_985, %get3A_990 : vector<16xf32>
        %mul3A_992 = arith.mulf %mul3A_991, %gather3A_986 : vector<16xf32>
        %swap3A_993 = arith.constant 16 : index
        %swap3A_994 = tpu.vector_load %arg9[%swap3A_993] {strides = array<i32>} : memref<64xf32, #tpu.memory_space<vmem>>, vector<16xf32>,
        tpu.vector_store %arg9[%swap3A_993], %mul3A_992 {strides = array<i32>} : memref<64xf32, #tpu.memory_space<vmem>>, vector<16xf32>,
        %get3A_995 = arith.constant 2 : i32
        %get3A_996 = arith.constant 0 : i32
        %get3A_997 = arith.index_cast %get3A_995 : i32 to index
        %get3A_998 = arith.index_cast %get3A_996 : i32 to index
        %get3A_999 = arith.constant 32 : index
        %get3A_1000 = tpu.vector_load %arg7[%get3A_997, %get3A_998, %get3A_999] {strides = array<i32>} : memref<4x2x64xi32, #tpu.memory_space<vmem>>, vector<16xi32>,
        %get3A_1001 = arith.constant 2 : i32
        %get3A_1002 = arith.constant 1 : i32
        %get3A_1003 = arith.index_cast %get3A_1001 : i32 to index
        %get3A_1004 = arith.index_cast %get3A_1002 : i32 to index
        %get3A_1005 = arith.constant 32 : index
        %get3A_1006 = tpu.vector_load %arg7[%get3A_1003, %get3A_1004, %get3A_1005] {strides = array<i32>} : memref<4x2x64xi32, #tpu.memory_space<vmem>>, vector<16xi32>,
        %gather3A_1007 = tpu.vector_load_idx %arg11[%get3A_1000] : memref<10240xf32, #tpu.memory_space<vmem>>[vector<16xi32>], vector<16xf32>,
        %gather3A_1008 = tpu.vector_load_idx %arg11[%get3A_1006] : memref<10240xf32, #tpu.memory_space<vmem>>[vector<16xi32>], vector<16xf32>,
        %get3A_1009 = arith.constant 2 : i32
        %get3A_1010 = arith.index_cast %get3A_1009 : i32 to index
        %get3A_1011 = arith.constant 32 : index
        %get3A_1012 = tpu.vector_load %arg8[%get3A_1010, %get3A_1011] {strides = array<i32>} : memref<4x64xf32, #tpu.memory_space<vmem>>, vector<16xf32>,
        %mul3A_1013 = arith.mulf %gather3A_1007, %get3A_1012 : vector<16xf32>
        %mul3A_1014 = arith.mulf %mul3A_1013, %gather3A_1008 : vector<16xf32>
        %swap3A_1015 = arith.constant 32 : index
        %swap3A_1016 = tpu.vector_load %arg9[%swap3A_1015] {strides = array<i32>} : memref<64xf32, #tpu.memory_space<vmem>>, vector<16xf32>,
        tpu.vector_store %arg9[%swap3A_1015], %mul3A_1014 {strides = array<i32>} : memref<64xf32, #tpu.memory_space<vmem>>, vector<16xf32>,
        %get3A_1017 = arith.constant 2 : i32
        %get3A_1018 = arith.constant 0 : i32
        %get3A_1019 = arith.index_cast %get3A_1017 : i32 to index
        %get3A_1020 = arith.index_cast %get3A_1018 : i32 to index
        %get3A_1021 = arith.constant 48 : index
        %get3A_1022 = tpu.vector_load %arg7[%get3A_1019, %get3A_1020, %get3A_1021] {strides = array<i32>} : memref<4x2x64xi32, #tpu.memory_space<vmem>>, vector<16xi32>,
        %get3A_1023 = arith.constant 2 : i32
        %get3A_1024 = arith.constant 1 : i32
        %get3A_1025 = arith.index_cast %get3A_1023 : i32 to index
        %get3A_1026 = arith.index_cast %get3A_1024 : i32 to index
        %get3A_1027 = arith.constant 48 : index
        %get3A_1028 = tpu.vector_load %arg7[%get3A_1025, %get3A_1026, %get3A_1027] {strides = array<i32>} : memref<4x2x64xi32, #tpu.memory_space<vmem>>, vector<16xi32>,
        %gather3A_1029 = tpu.vector_load_idx %arg11[%get3A_1022] : memref<10240xf32, #tpu.memory_space<vmem>>[vector<16xi32>], vector<16xf32>,
        %gather3A_1030 = tpu.vector_load_idx %arg11[%get3A_1028] : memref<10240xf32, #tpu.memory_space<vmem>>[vector<16xi32>], vector<16xf32>,
        %get3A_1031 = arith.constant 2 : i32
        %get3A_1032 = arith.index_cast %get3A_1031 : i32 to index
        %get3A_1033 = arith.constant 48 : index
        %get3A_1034 = tpu.vector_load %arg8[%get3A_1032, %get3A_1033] {strides = array<i32>} : memref<4x64xf32, #tpu.memory_space<vmem>>, vector<16xf32>,
        %mul3A_1035 = arith.mulf %gather3A_1029, %get3A_1034 : vector<16xf32>
        %mul3A_1036 = arith.mulf %mul3A_1035, %gather3A_1030 : vector<16xf32>
        %swap3A_1037 = arith.constant 48 : index
        %swap3A_1038 = tpu.vector_load %arg9[%swap3A_1037] {strides = array<i32>} : memref<64xf32, #tpu.memory_space<vmem>>, vector<16xf32>,
        tpu.vector_store %arg9[%swap3A_1037], %mul3A_1036 {strides = array<i32>} : memref<64xf32, #tpu.memory_space<vmem>>, vector<16xf32>,
        %scan3A_1039 = arith.constant 0 : i32
        %scan3A_1040 = arith.constant 64 : i32
        %scan3A_1041 = arith.addi %scan3A_1039, %scan3A_1040 : i32
        %scan3A_1042 = arith.constant 1 : i32
        scf.for %scan3A_1060 = %scan3A_1039 to %scan3A_1041 step %scan3A_1042  : i32 {
          %mul3A_1061 = arith.constant 1 : i32
          %mul3A_1062 = arith.muli %scan3A_1060, %mul3A_1061 : i32
          %add3A_1063 = arith.constant 0 : i32
          %add3A_1064 = arith.addi %add3A_1063, %mul3A_1062 : i32
          %broadcast_in_dim3A_1065 = vector.broadcast %add3A_1064 : i32 to vector<16xi32>
          %gather3A_1066 = tpu.vector_load_idx %arg9[%broadcast_in_dim3A_1065] : memref<64xf32, #tpu.memory_space<vmem>>[vector<16xi32>], vector<16xf32>,
          %get3A_1067 = arith.constant 2 : i32
          %get3A_1068 = arith.index_cast %get3A_1067 : i32 to index
          %get3A_1069 = arith.index_cast %add3A_1064 : i32 to index
          %get3A_1070 = arith.constant 0 : index
          %get3A_1071 = tpu.vector_load %arg10[%get3A_1068, %get3A_1069, %get3A_1070] {strides = array<i32>} : memref<4x64x128xf32, #tpu.memory_space<vmem>>, vector<16xf32>,
          %mul3A_1072 = arith.mulf %get3A_1071, %gather3A_1066 : vector<16xf32>
          %swap3A_1073 = arith.constant 2 : i32
          %swap3A_1074 = arith.index_cast %swap3A_1073 : i32 to index
          %swap3A_1075 = arith.index_cast %add3A_1064 : i32 to index
          %swap3A_1076 = arith.constant 0 : index
          %swap3A_1077 = tpu.vector_load %arg10[%swap3A_1074, %swap3A_1075, %swap3A_1076] {strides = array<i32>} : memref<4x64x128xf32, #tpu.memory_space<vmem>>, vector<16xf32>,
          tpu.vector_store %arg10[%swap3A_1074, %swap3A_1075, %swap3A_1076], %mul3A_1072 {strides = array<i32>} : memref<4x64x128xf32, #tpu.memory_space<vmem>>, vector<16xf32>,
          %get3A_1078 = arith.constant 2 : i32
          %get3A_1079 = arith.index_cast %get3A_1078 : i32 to index
          %get3A_1080 = arith.index_cast %add3A_1064 : i32 to index
          %get3A_1081 = arith.constant 16 : index
          %get3A_1082 = tpu.vector_load %arg10[%get3A_1079, %get3A_1080, %get3A_1081] {strides = array<i32>} : memref<4x64x128xf32, #tpu.memory_space<vmem>>, vector<16xf32>,
          %mul3A_1083 = arith.mulf %get3A_1082, %gather3A_1066 : vector<16xf32>
          %swap3A_1084 = arith.constant 2 : i32
          %swap3A_1085 = arith.index_cast %swap3A_1084 : i32 to index
          %swap3A_1086 = arith.index_cast %add3A_1064 : i32 to index
          %swap3A_1087 = arith.constant 16 : index
          %swap3A_1088 = tpu.vector_load %arg10[%swap3A_1085, %swap3A_1086, %swap3A_1087] {strides = array<i32>} : memref<4x64x128xf32, #tpu.memory_space<vmem>>, vector<16xf32>,
          tpu.vector_store %arg10[%swap3A_1085, %swap3A_1086, %swap3A_1087], %mul3A_1083 {strides = array<i32>} : memref<4x64x128xf32, #tpu.memory_space<vmem>>, vector<16xf32>,
          %get3A_1089 = arith.constant 2 : i32
          %get3A_1090 = arith.index_cast %get3A_1089 : i32 to index
          %get3A_1091 = arith.index_cast %add3A_1064 : i32 to index
          %get3A_1092 = arith.constant 32 : index
          %get3A_1093 = tpu.vector_load %arg10[%get3A_1090, %get3A_1091, %get3A_1092] {strides = array<i32>} : memref<4x64x128xf32, #tpu.memory_space<vmem>>, vector<16xf32>,
          %mul3A_1094 = arith.mulf %get3A_1093, %gather3A_1066 : vector<16xf32>
          %swap3A_1095 = arith.constant 2 : i32
          %swap3A_1096 = arith.index_cast %swap3A_1095 : i32 to index
          %swap3A_1097 = arith.index_cast %add3A_1064 : i32 to index
          %swap3A_1098 = arith.constant 32 : index
          %swap3A_1099 = tpu.vector_load %arg10[%swap3A_1096, %swap3A_1097, %swap3A_1098] {strides = array<i32>} : memref<4x64x128xf32, #tpu.memory_space<vmem>>, vector<16xf32>,
          tpu.vector_store %arg10[%swap3A_1096, %swap3A_1097, %swap3A_1098], %mul3A_1094 {strides = array<i32>} : memref<4x64x128xf32, #tpu.memory_space<vmem>>, vector<16xf32>,
          %get3A_1100 = arith.constant 2 : i32
          %get3A_1101 = arith.index_cast %get3A_1100 : i32 to index
          %get3A_1102 = arith.index_cast %add3A_1064 : i32 to index
          %get3A_1103 = arith.constant 48 : index
          %get3A_1104 = tpu.vector_load %arg10[%get3A_1101, %get3A_1102, %get3A_1103] {strides = array<i32>} : memref<4x64x128xf32, #tpu.memory_space<vmem>>, vector<16xf32>,
          %mul3A_1105 = arith.mulf %get3A_1104, %gather3A_1066 : vector<16xf32>
          %swap3A_1106 = arith.constant 2 : i32
          %swap3A_1107 = arith.index_cast %swap3A_1106 : i32 to index
          %swap3A_1108 = arith.index_cast %add3A_1064 : i32 to index
          %swap3A_1109 = arith.constant 48 : index
          %swap3A_1110 = tpu.vector_load %arg10[%swap3A_1107, %swap3A_1108, %swap3A_1109] {strides = array<i32>} : memref<4x64x128xf32, #tpu.memory_space<vmem>>, vector<16xf32>,
          tpu.vector_store %arg10[%swap3A_1107, %swap3A_1108, %swap3A_1109], %mul3A_1105 {strides = array<i32>} : memref<4x64x128xf32, #tpu.memory_space<vmem>>, vector<16xf32>,
          %get3A_1111 = arith.constant 2 : i32
          %get3A_1112 = arith.index_cast %get3A_1111 : i32 to index
          %get3A_1113 = arith.index_cast %add3A_1064 : i32 to index
          %get3A_1114 = arith.constant 64 : index
          %get3A_1115 = tpu.vector_load %arg10[%get3A_1112, %get3A_1113, %get3A_1114] {strides = array<i32>} : memref<4x64x128xf32, #tpu.memory_space<vmem>>, vector<16xf32>,
          %mul3A_1116 = arith.mulf %get3A_1115, %gather3A_1066 : vector<16xf32>
          %swap3A_1117 = arith.constant 2 : i32
          %swap3A_1118 = arith.index_cast %swap3A_1117 : i32 to index
          %swap3A_1119 = arith.index_cast %add3A_1064 : i32 to index
          %swap3A_1120 = arith.constant 64 : index
          %swap3A_1121 = tpu.vector_load %arg10[%swap3A_1118, %swap3A_1119, %swap3A_1120] {strides = array<i32>} : memref<4x64x128xf32, #tpu.memory_space<vmem>>, vector<16xf32>,
          tpu.vector_store %arg10[%swap3A_1118, %swap3A_1119, %swap3A_1120], %mul3A_1116 {strides = array<i32>} : memref<4x64x128xf32, #tpu.memory_space<vmem>>, vector<16xf32>,
          %get3A_1122 = arith.constant 2 : i32
          %get3A_1123 = arith.index_cast %get3A_1122 : i32 to index
          %get3A_1124 = arith.index_cast %add3A_1064 : i32 to index
          %get3A_1125 = arith.constant 80 : index
          %get3A_1126 = tpu.vector_load %arg10[%get3A_1123, %get3A_1124, %get3A_1125] {strides = array<i32>} : memref<4x64x128xf32, #tpu.memory_space<vmem>>, vector<16xf32>,
          %mul3A_1127 = arith.mulf %get3A_1126, %gather3A_1066 : vector<16xf32>
          %swap3A_1128 = arith.constant 2 : i32
          %swap3A_1129 = arith.index_cast %swap3A_1128 : i32 to index
          %swap3A_1130 = arith.index_cast %add3A_1064 : i32 to index
          %swap3A_1131 = arith.constant 80 : index
          %swap3A_1132 = tpu.vector_load %arg10[%swap3A_1129, %swap3A_1130, %swap3A_1131] {strides = array<i32>} : memref<4x64x128xf32, #tpu.memory_space<vmem>>, vector<16xf32>,
          tpu.vector_store %arg10[%swap3A_1129, %swap3A_1130, %swap3A_1131], %mul3A_1127 {strides = array<i32>} : memref<4x64x128xf32, #tpu.memory_space<vmem>>, vector<16xf32>,
          %get3A_1133 = arith.constant 2 : i32
          %get3A_1134 = arith.index_cast %get3A_1133 : i32 to index
          %get3A_1135 = arith.index_cast %add3A_1064 : i32 to index
          %get3A_1136 = arith.constant 96 : index
          %get3A_1137 = tpu.vector_load %arg10[%get3A_1134, %get3A_1135, %get3A_1136] {strides = array<i32>} : memref<4x64x128xf32, #tpu.memory_space<vmem>>, vector<16xf32>,
          %mul3A_1138 = arith.mulf %get3A_1137, %gather3A_1066 : vector<16xf32>
          %swap3A_1139 = arith.constant 2 : i32
          %swap3A_1140 = arith.index_cast %swap3A_1139 : i32 to index
          %swap3A_1141 = arith.index_cast %add3A_1064 : i32 to index
          %swap3A_1142 = arith.constant 96 : index
          %swap3A_1143 = tpu.vector_load %arg10[%swap3A_1140, %swap3A_1141, %swap3A_1142] {strides = array<i32>} : memref<4x64x128xf32, #tpu.memory_space<vmem>>, vector<16xf32>,
          tpu.vector_store %arg10[%swap3A_1140, %swap3A_1141, %swap3A_1142], %mul3A_1138 {strides = array<i32>} : memref<4x64x128xf32, #tpu.memory_space<vmem>>, vector<16xf32>,
          %get3A_1144 = arith.constant 2 : i32
          %get3A_1145 = arith.index_cast %get3A_1144 : i32 to index
          %get3A_1146 = arith.index_cast %add3A_1064 : i32 to index
          %get3A_1147 = arith.constant 112 : index
          %get3A_1148 = tpu.vector_load %arg10[%get3A_1145, %get3A_1146, %get3A_1147] {strides = array<i32>} : memref<4x64x128xf32, #tpu.memory_space<vmem>>, vector<16xf32>,
          %mul3A_1149 = arith.mulf %get3A_1148, %gather3A_1066 : vector<16xf32>
          %swap3A_1150 = arith.constant 2 : i32
          %swap3A_1151 = arith.index_cast %swap3A_1150 : i32 to index
          %swap3A_1152 = arith.index_cast %add3A_1064 : i32 to index
          %swap3A_1153 = arith.constant 112 : index
          %swap3A_1154 = tpu.vector_load %arg10[%swap3A_1151, %swap3A_1152, %swap3A_1153] {strides = array<i32>} : memref<4x64x128xf32, #tpu.memory_space<vmem>>, vector<16xf32>,
          tpu.vector_store %arg10[%swap3A_1151, %swap3A_1152, %swap3A_1153], %mul3A_1149 {strides = array<i32>} : memref<4x64x128xf32, #tpu.memory_space<vmem>>, vector<16xf32>,
        }
        %scan3A_1043 = arith.constant 64 : i32
        %dma_start3A_1044 = arith.constant 2 : i32
        %dma_start3A_1045 = arith.constant 2 : i32
        %dma_start3A_1046 = arith.constant 1 : i32
        %dma_start3A_1047 = arith.constant 2 : i32
        %dma_start3A_1048 = arith.constant 0 : i32
        %dma_start3A_1049 = arith.constant 0 : i32
        %dma_start3A_1050 = tpu.memref_slice %arg10[%dma_start3A_1044, %dma_start3A_1048, %dma_start3A_1049] : memref<4x64x128xf32, #tpu.memory_space<vmem>> -> memref<1x64x128xf32, #tpu.memory_space<vmem>>
        %dma_start3A_1051 = tpu.memref_squeeze %dma_start3A_1050 : memref<1x64x128xf32, #tpu.memory_space<vmem>> -> memref<64x128xf32, #tpu.memory_space<vmem>>
        %dma_start3A_1052 = arith.constant 0 : i32
        %dma_start3A_1053 = tpu.memref_slice %arg7[%dma_start3A_1045, %dma_start3A_1046, %dma_start3A_1052] : memref<4x2x64xi32, #tpu.memory_space<vmem>> -> memref<1x1x64xi32, #tpu.memory_space<vmem>>
        %dma_start3A_1054 = tpu.memref_squeeze %dma_start3A_1053 : memref<1x1x64xi32, #tpu.memory_space<vmem>> -> memref<64xi32, #tpu.memory_space<vmem>>
        %dma_start3A_1055 = arith.constant 0 : i32
        %dma_start3A_1056 = arith.constant 0 : i32
        %dma_start3A_1057 = tpu.memref_slice %arg13[%dma_start3A_1055, %dma_start3A_1056] : memref<10240x128xf32, #tpu.memory_space<vmem_shared>> -> memref<10240x128xf32, #tpu.memory_space<vmem_shared>>
        %dma_start3A_1058 = tpu.memref_slice %arg18[%dma_start3A_1047] : memref<4x!tpu.dma_semaphore, #tpu.memory_space<semaphore_mem>> -> memref<1x!tpu.dma_semaphore, #tpu.memory_space<semaphore_mem>>
        %dma_start3A_1059 = tpu.memref_squeeze %dma_start3A_1058 : memref<1x!tpu.dma_semaphore, #tpu.memory_space<semaphore_mem>> -> memref<!tpu.dma_semaphore, #tpu.memory_space<semaphore_mem>>
        tpu.enqueue_indirect_dma source(%dma_start3A_1051 : memref<64x128xf32, #tpu.memory_space<vmem>>) target(%dma_start3A_1057 : memref<10240x128xf32, #tpu.memory_space<vmem_shared>>) offsets(%dma_start3A_1054 : memref<64xi32, #tpu.memory_space<vmem>>) semaphore(%dma_start3A_1059 : memref<!tpu.dma_semaphore, #tpu.memory_space<semaphore_mem>>) {add = true}
      } else {
      }
      %ge3A_929 = arith.constant 2 : i32
      %ge3A_930 = arith.cmpi sge, %add3A_915, %ge3A_929 : i32
      %add3A_931 = arith.constant 2 : i32
      %add3A_932 = arith.addi %add3A_915, %add3A_931 : i32
      %lt3A_933 = arith.cmpi slt, %add3A_932, %select_n3A : i32
      %and3A_934 = arith.andi %ge3A_930, %lt3A_933 : i1
      %convert_element_type3A_935 = arith.extui %and3A_934 : i1 to i32
      %cond3A_936 = arith.constant 0 : i32
      %cond3A_937 = arith.cmpi ne, %convert_element_type3A_935, %cond3A_936 : i32
      scf.if %cond3A_937 {
        %dma_wait3A_938 = arith.constant 1 : i32
        %dma_wait3A_939 = arith.constant 1 : i32
        %dma_wait3A_940 = arith.constant 1 : i32
        %dma_wait3A_941 = arith.constant 1 : i32
        %dma_wait3A_942 = arith.constant 0 : i32
        %dma_wait3A_943 = arith.constant 0 : i32
        %dma_wait3A_944 = tpu.memref_slice %arg10[%dma_wait3A_938, %dma_wait3A_942, %dma_wait3A_943] : memref<4x64x128xf32, #tpu.memory_space<vmem>> -> memref<1x64x128xf32, #tpu.memory_space<vmem>>
        %dma_wait3A_945 = tpu.memref_squeeze %dma_wait3A_944 : memref<1x64x128xf32, #tpu.memory_space<vmem>> -> memref<64x128xf32, #tpu.memory_space<vmem>>
        %dma_wait3A_946 = arith.constant 0 : i32
        %dma_wait3A_947 = tpu.memref_slice %arg7[%dma_wait3A_939, %dma_wait3A_940, %dma_wait3A_946] : memref<4x2x64xi32, #tpu.memory_space<vmem>> -> memref<1x1x64xi32, #tpu.memory_space<vmem>>
        %dma_wait3A_948 = tpu.memref_squeeze %dma_wait3A_947 : memref<1x1x64xi32, #tpu.memory_space<vmem>> -> memref<64xi32, #tpu.memory_space<vmem>>
        %dma_wait3A_949 = arith.constant 0 : i32
        %dma_wait3A_950 = arith.constant 0 : i32
        %dma_wait3A_951 = tpu.memref_slice %arg13[%dma_wait3A_949, %dma_wait3A_950] : memref<10240x128xf32, #tpu.memory_space<vmem_shared>> -> memref<10240x128xf32, #tpu.memory_space<vmem_shared>>
        %dma_wait3A_952 = tpu.memref_slice %arg18[%dma_wait3A_941] : memref<4x!tpu.dma_semaphore, #tpu.memory_space<semaphore_mem>> -> memref<1x!tpu.dma_semaphore, #tpu.memory_space<semaphore_mem>>
        %dma_wait3A_953 = tpu.memref_squeeze %dma_wait3A_952 : memref<1x!tpu.dma_semaphore, #tpu.memory_space<semaphore_mem>> -> memref<!tpu.dma_semaphore, #tpu.memory_space<semaphore_mem>>
        tpu.wait_indirect_dma semaphore(%dma_wait3A_953 : memref<!tpu.dma_semaphore, #tpu.memory_space<semaphore_mem>>) src(%dma_wait3A_945 : memref<64x128xf32, #tpu.memory_space<vmem>>) dst(%dma_wait3A_951 : memref<10240x128xf32, #tpu.memory_space<vmem_shared>>)
        %add3A_954 = arith.addi %add3A_616, %add3A_915 : i32
        %add3A_955 = arith.constant 2 : i32
        %add3A_956 = arith.addi %add3A_954, %add3A_955 : i32
        %dma_start3A_957 = arith.constant 1 : i32
        %dma_start3A_958 = arith.constant 1 : i32
        %dma_start3A_959 = arith.constant 0 : i32
        %dma_start3A_960 = arith.constant 0 : i32
        %dma_start3A_961 = tpu.memref_slice %arg7[%dma_start3A_957, %dma_start3A_959, %dma_start3A_960] : memref<4x2x64xi32, #tpu.memory_space<vmem>> -> memref<1x2x64xi32, #tpu.memory_space<vmem>>
        %dma_start3A_962 = tpu.memref_squeeze %dma_start3A_961 : memref<1x2x64xi32, #tpu.memory_space<vmem>> -> memref<2x64xi32, #tpu.memory_space<vmem>>
        %dma_start3A_963 = arith.constant 0 : i32
        %dma_start3A_964 = arith.constant 0 : i32
        %dma_start3A_965 = tpu.memref_slice %arg2[%add3A_956, %dma_start3A_963, %dma_start3A_964] : memref<5024x2x64xi32, #tpu.memory_space<hbm>> -> memref<1x2x64xi32, #tpu.memory_space<hbm>>
        %dma_start3A_966 = tpu.memref_squeeze %dma_start3A_965 : memref<1x2x64xi32, #tpu.memory_space<hbm>> -> memref<2x64xi32, #tpu.memory_space<hbm>>
        %dma_start3A_967 = tpu.memref_slice %arg16[%dma_start3A_958] : memref<4x!tpu.dma_semaphore, #tpu.memory_space<semaphore_mem>> -> memref<1x!tpu.dma_semaphore, #tpu.memory_space<semaphore_mem>>
        %dma_start3A_968 = tpu.memref_squeeze %dma_start3A_967 : memref<1x!tpu.dma_semaphore, #tpu.memory_space<semaphore_mem>> -> memref<!tpu.dma_semaphore, #tpu.memory_space<semaphore_mem>>
        %dma_start3A_969 = arith.constant 0 : i32
        %dma_start3A_970 = arith.constant 0 : i32
        %dma_start3A_971 = tpu.memref_slice %arg7[%dma_start3A_957, %dma_start3A_969, %dma_start3A_970] : memref<4x2x64xi32, #tpu.memory_space<vmem>> -> memref<1x2x64xi32, #tpu.memory_space<vmem>>
        %dma_start3A_972 = tpu.memref_squeeze %dma_start3A_971 : memref<1x2x64xi32, #tpu.memory_space<vmem>> -> memref<2x64xi32, #tpu.memory_space<vmem>>
        %dma_start3A_973 = arith.constant 0 : i32
        %dma_start3A_974 = arith.constant 0 : i32
        %dma_start3A_975 = tpu.memref_slice %arg2[%add3A_956, %dma_start3A_973, %dma_start3A_974] : memref<5024x2x64xi32, #tpu.memory_space<hbm>> -> memref<1x2x64xi32, #tpu.memory_space<hbm>>
        %dma_start3A_976 = tpu.memref_squeeze %dma_start3A_975 : memref<1x2x64xi32, #tpu.memory_space<hbm>> -> memref<2x64xi32, #tpu.memory_space<hbm>>
        tpu.enqueue_dma source(%dma_start3A_976 : memref<2x64xi32, #tpu.memory_space<hbm>>) target(%dma_start3A_972 : memref<2x64xi32, #tpu.memory_space<vmem>>) target_semaphore(%dma_start3A_968 : memref<!tpu.dma_semaphore, #tpu.memory_space<semaphore_mem>>)
        %mul3A_977 = arith.constant 64 : i32
        %mul3A_978 = arith.muli %add3A_956, %mul3A_977 : i32
        %dma_start3A_979 = arith.constant 1 : i32
        %dma_start3A_980 = arith.constant 1 : i32
        %dma_start3A_981 = arith.constant 0 : i32
        %dma_start3A_982 = tpu.memref_slice %arg8[%dma_start3A_979, %dma_start3A_981] : memref<4x64xf32, #tpu.memory_space<vmem>> -> memref<1x64xf32, #tpu.memory_space<vmem>>
        %dma_start3A_983 = tpu.memref_squeeze %dma_start3A_982 : memref<1x64xf32, #tpu.memory_space<vmem>> -> memref<64xf32, #tpu.memory_space<vmem>>
        %dma_start3A_984 = tpu.memref_slice %arg3[%mul3A_978] : memref<321536xf32, #tpu.memory_space<hbm>> -> memref<64xf32, #tpu.memory_space<hbm>>
        %dma_start3A_985 = tpu.memref_slice %arg16[%dma_start3A_980] : memref<4x!tpu.dma_semaphore, #tpu.memory_space<semaphore_mem>> -> memref<1x!tpu.dma_semaphore, #tpu.memory_space<semaphore_mem>>
        %dma_start3A_986 = tpu.memref_squeeze %dma_start3A_985 : memref<1x!tpu.dma_semaphore, #tpu.memory_space<semaphore_mem>> -> memref<!tpu.dma_semaphore, #tpu.memory_space<semaphore_mem>>
        %dma_start3A_987 = arith.constant 0 : i32
        %dma_start3A_988 = tpu.memref_slice %arg8[%dma_start3A_979, %dma_start3A_987] : memref<4x64xf32, #tpu.memory_space<vmem>> -> memref<1x64xf32, #tpu.memory_space<vmem>>
        %dma_start3A_989 = tpu.memref_squeeze %dma_start3A_988 : memref<1x64xf32, #tpu.memory_space<vmem>> -> memref<64xf32, #tpu.memory_space<vmem>>
        %dma_start3A_990 = tpu.memref_slice %arg3[%mul3A_978] : memref<321536xf32, #tpu.memory_space<hbm>> -> memref<64xf32, #tpu.memory_space<hbm>>
        tpu.enqueue_dma source(%dma_start3A_990 : memref<64xf32, #tpu.memory_space<hbm>>) target(%dma_start3A_989 : memref<64xf32, #tpu.memory_space<vmem>>) target_semaphore(%dma_start3A_986 : memref<!tpu.dma_semaphore, #tpu.memory_space<semaphore_mem>>)
      } else {
      }
    }
    %scan3A_765 = arith.constant 41 : i32
    %dma_wait3A_766 = arith.constant 0 : i32
    %dma_wait3A_767 = arith.constant 0 : i32
    %dma_wait3A_768 = arith.constant 1 : i32
    %dma_wait3A_769 = arith.constant 0 : i32
    %dma_wait3A_770 = arith.constant 0 : i32
    %dma_wait3A_771 = arith.constant 0 : i32
    %dma_wait3A_772 = tpu.memref_slice %arg10[%dma_wait3A_766, %dma_wait3A_770, %dma_wait3A_771] : memref<4x64x128xf32, #tpu.memory_space<vmem>> -> memref<1x64x128xf32, #tpu.memory_space<vmem>>
    %dma_wait3A_773 = tpu.memref_squeeze %dma_wait3A_772 : memref<1x64x128xf32, #tpu.memory_space<vmem>> -> memref<64x128xf32, #tpu.memory_space<vmem>>
    %dma_wait3A_774 = arith.constant 0 : i32
    %dma_wait3A_775 = tpu.memref_slice %arg7[%dma_wait3A_767, %dma_wait3A_768, %dma_wait3A_774] : memref<4x2x64xi32, #tpu.memory_space<vmem>> -> memref<1x1x64xi32, #tpu.memory_space<vmem>>
    %dma_wait3A_776 = tpu.memref_squeeze %dma_wait3A_775 : memref<1x1x64xi32, #tpu.memory_space<vmem>> -> memref<64xi32, #tpu.memory_space<vmem>>
    %dma_wait3A_777 = arith.constant 0 : i32
    %dma_wait3A_778 = arith.constant 0 : i32
    %dma_wait3A_779 = tpu.memref_slice %arg13[%dma_wait3A_777, %dma_wait3A_778] : memref<10240x128xf32, #tpu.memory_space<vmem_shared>> -> memref<10240x128xf32, #tpu.memory_space<vmem_shared>>
    %dma_wait3A_780 = tpu.memref_slice %arg18[%dma_wait3A_769] : memref<4x!tpu.dma_semaphore, #tpu.memory_space<semaphore_mem>> -> memref<1x!tpu.dma_semaphore, #tpu.memory_space<semaphore_mem>>
    %dma_wait3A_781 = tpu.memref_squeeze %dma_wait3A_780 : memref<1x!tpu.dma_semaphore, #tpu.memory_space<semaphore_mem>> -> memref<!tpu.dma_semaphore, #tpu.memory_space<semaphore_mem>>
    tpu.wait_indirect_dma semaphore(%dma_wait3A_781 : memref<!tpu.dma_semaphore, #tpu.memory_space<semaphore_mem>>) src(%dma_wait3A_773 : memref<64x128xf32, #tpu.memory_space<vmem>>) dst(%dma_wait3A_779 : memref<10240x128xf32, #tpu.memory_space<vmem_shared>>)
    %dma_wait3A_782 = arith.constant 1 : i32
    %dma_wait3A_783 = arith.constant 1 : i32
    %dma_wait3A_784 = arith.constant 1 : i32
    %dma_wait3A_785 = arith.constant 1 : i32
    %dma_wait3A_786 = arith.constant 0 : i32
    %dma_wait3A_787 = arith.constant 0 : i32
    %dma_wait3A_788 = tpu.memref_slice %arg10[%dma_wait3A_782, %dma_wait3A_786, %dma_wait3A_787] : memref<4x64x128xf32, #tpu.memory_space<vmem>> -> memref<1x64x128xf32, #tpu.memory_space<vmem>>
    %dma_wait3A_789 = tpu.memref_squeeze %dma_wait3A_788 : memref<1x64x128xf32, #tpu.memory_space<vmem>> -> memref<64x128xf32, #tpu.memory_space<vmem>>
    %dma_wait3A_790 = arith.constant 0 : i32
    %dma_wait3A_791 = tpu.memref_slice %arg7[%dma_wait3A_783, %dma_wait3A_784, %dma_wait3A_790] : memref<4x2x64xi32, #tpu.memory_space<vmem>> -> memref<1x1x64xi32, #tpu.memory_space<vmem>>
    %dma_wait3A_792 = tpu.memref_squeeze %dma_wait3A_791 : memref<1x1x64xi32, #tpu.memory_space<vmem>> -> memref<64xi32, #tpu.memory_space<vmem>>
    %dma_wait3A_793 = arith.constant 0 : i32
    %dma_wait3A_794 = arith.constant 0 : i32
    %dma_wait3A_795 = tpu.memref_slice %arg13[%dma_wait3A_793, %dma_wait3A_794] : memref<10240x128xf32, #tpu.memory_space<vmem_shared>> -> memref<10240x128xf32, #tpu.memory_space<vmem_shared>>
    %dma_wait3A_796 = tpu.memref_slice %arg18[%dma_wait3A_785] : memref<4x!tpu.dma_semaphore, #tpu.memory_space<semaphore_mem>> -> memref<1x!tpu.dma_semaphore, #tpu.memory_space<semaphore_mem>>
    %dma_wait3A_797 = tpu.memref_squeeze %dma_wait3A_796 : memref<1x!tpu.dma_semaphore, #tpu.memory_space<semaphore_mem>> -> memref<!tpu.dma_semaphore, #tpu.memory_space<semaphore_mem>>
    tpu.wait_indirect_dma semaphore(%dma_wait3A_797 : memref<!tpu.dma_semaphore, #tpu.memory_space<semaphore_mem>>) src(%dma_wait3A_789 : memref<64x128xf32, #tpu.memory_space<vmem>>) dst(%dma_wait3A_795 : memref<10240x128xf32, #tpu.memory_space<vmem_shared>>)
    %dma_wait3A_798 = arith.constant 2 : i32
    %dma_wait3A_799 = arith.constant 2 : i32
    %dma_wait3A_800 = arith.constant 1 : i32
    %dma_wait3A_801 = arith.constant 2 : i32
    %dma_wait3A_802 = arith.constant 0 : i32
    %dma_wait3A_803 = arith.constant 0 : i32
    %dma_wait3A_804 = tpu.memref_slice %arg10[%dma_wait3A_798, %dma_wait3A_802, %dma_wait3A_803] : memref<4x64x128xf32, #tpu.memory_space<vmem>> -> memref<1x64x128xf32, #tpu.memory_space<vmem>>
    %dma_wait3A_805 = tpu.memref_squeeze %dma_wait3A_804 : memref<1x64x128xf32, #tpu.memory_space<vmem>> -> memref<64x128xf32, #tpu.memory_space<vmem>>
    %dma_wait3A_806 = arith.constant 0 : i32
    %dma_wait3A_807 = tpu.memref_slice %arg7[%dma_wait3A_799, %dma_wait3A_800, %dma_wait3A_806] : memref<4x2x64xi32, #tpu.memory_space<vmem>> -> memref<1x1x64xi32, #tpu.memory_space<vmem>>
    %dma_wait3A_808 = tpu.memref_squeeze %dma_wait3A_807 : memref<1x1x64xi32, #tpu.memory_space<vmem>> -> memref<64xi32, #tpu.memory_space<vmem>>
    %dma_wait3A_809 = arith.constant 0 : i32
    %dma_wait3A_810 = arith.constant 0 : i32
    %dma_wait3A_811 = tpu.memref_slice %arg13[%dma_wait3A_809, %dma_wait3A_810] : memref<10240x128xf32, #tpu.memory_space<vmem_shared>> -> memref<10240x128xf32, #tpu.memory_space<vmem_shared>>
    %dma_wait3A_812 = tpu.memref_slice %arg18[%dma_wait3A_801] : memref<4x!tpu.dma_semaphore, #tpu.memory_space<semaphore_mem>> -> memref<1x!tpu.dma_semaphore, #tpu.memory_space<semaphore_mem>>
    %dma_wait3A_813 = tpu.memref_squeeze %dma_wait3A_812 : memref<1x!tpu.dma_semaphore, #tpu.memory_space<semaphore_mem>> -> memref<!tpu.dma_semaphore, #tpu.memory_space<semaphore_mem>>
    tpu.wait_indirect_dma semaphore(%dma_wait3A_813 : memref<!tpu.dma_semaphore, #tpu.memory_space<semaphore_mem>>) src(%dma_wait3A_805 : memref<64x128xf32, #tpu.memory_space<vmem>>) dst(%dma_wait3A_811 : memref<10240x128xf32, #tpu.memory_space<vmem_shared>>)
    %dma_wait3A_814 = arith.constant 3 : i32
    %dma_wait3A_815 = arith.constant 3 : i32
    %dma_wait3A_816 = arith.constant 1 : i32
    %dma_wait3A_817 = arith.constant 3 : i32
    %dma_wait3A_818 = arith.constant 0 : i32
    %dma_wait3A_819 = arith.constant 0 : i32
    %dma_wait3A_820 = tpu.memref_slice %arg10[%dma_wait3A_814, %dma_wait3A_818, %dma_wait3A_819] : memref<4x64x128xf32, #tpu.memory_space<vmem>> -> memref<1x64x128xf32, #tpu.memory_space<vmem>>
    %dma_wait3A_821 = tpu.memref_squeeze %dma_wait3A_820 : memref<1x64x128xf32, #tpu.memory_space<vmem>> -> memref<64x128xf32, #tpu.memory_space<vmem>>
    %dma_wait3A_822 = arith.constant 0 : i32
    %dma_wait3A_823 = tpu.memref_slice %arg7[%dma_wait3A_815, %dma_wait3A_816, %dma_wait3A_822] : memref<4x2x64xi32, #tpu.memory_space<vmem>> -> memref<1x1x64xi32, #tpu.memory_space<vmem>>
    %dma_wait3A_824 = tpu.memref_squeeze %dma_wait3A_823 : memref<1x1x64xi32, #tpu.memory_space<vmem>> -> memref<64xi32, #tpu.memory_space<vmem>>
    %dma_wait3A_825 = arith.constant 0 : i32
    %dma_wait3A_826 = arith.constant 0 : i32
    %dma_wait3A_827 = tpu.memref_slice %arg13[%dma_wait3A_825, %dma_wait3A_826] : memref<10240x128xf32, #tpu.memory_space<vmem_shared>> -> memref<10240x128xf32, #tpu.memory_space<vmem_shared>>
    %dma_wait3A_828 = tpu.memref_slice %arg18[%dma_wait3A_817] : memref<4x!tpu.dma_semaphore, #tpu.memory_space<semaphore_mem>> -> memref<1x!tpu.dma_semaphore, #tpu.memory_space<semaphore_mem>>
    %dma_wait3A_829 = tpu.memref_squeeze %dma_wait3A_828 : memref<1x!tpu.dma_semaphore, #tpu.memory_space<semaphore_mem>> -> memref<!tpu.dma_semaphore, #tpu.memory_space<semaphore_mem>>
    tpu.wait_indirect_dma semaphore(%dma_wait3A_829 : memref<!tpu.dma_semaphore, #tpu.memory_space<semaphore_mem>>) src(%dma_wait3A_821 : memref<64x128xf32, #tpu.memory_space<vmem>>) dst(%dma_wait3A_827 : memref<10240x128xf32, #tpu.memory_space<vmem_shared>>)
    %barrier3A_830 = arith.constant 0 : index
    tpu.barrier barrier_id(%barrier3A_830)
    %mul3A_831 = arith.constant 640 : i32
    %mul3A_832 = arith.muli %arg1, %mul3A_831 : i32
    "tpu.region"() ({
      %run_scoped3A = tpu.sem_alloc : memref<!tpu.dma_semaphore, #tpu.memory_space<semaphore_mem>>
      %dma_start3A_833 = arith.constant 0 : i32
      %dma_start3A_834 = tpu.memref_slice %arg5[%arg0, %mul3A_832, %dma_start3A_833] : memref<2x10240x128xf32, #tpu.memory_space<hbm>> -> memref<1x640x128xf32, #tpu.memory_space<hbm>>
      %dma_start3A_835 = tpu.memref_squeeze %dma_start3A_834 : memref<1x640x128xf32, #tpu.memory_space<hbm>> -> memref<640x128xf32, #tpu.memory_space<hbm>>
      %dma_start3A_836 = arith.constant 0 : i32
      %dma_start3A_837 = tpu.memref_slice %arg13[%mul3A_832, %dma_start3A_836] : memref<10240x128xf32, #tpu.memory_space<vmem_shared>> -> memref<640x128xf32, #tpu.memory_space<vmem_shared>>
      tpu.enqueue_dma source(%dma_start3A_837 : memref<640x128xf32, #tpu.memory_space<vmem_shared>>) target(%dma_start3A_835 : memref<640x128xf32, #tpu.memory_space<hbm>>) target_semaphore(%run_scoped3A : memref<!tpu.dma_semaphore, #tpu.memory_space<semaphore_mem>>)
      %dma_wait3A_838 = arith.constant 0 : i32
      %dma_wait3A_839 = tpu.memref_slice %arg5[%arg0, %mul3A_832, %dma_wait3A_838] : memref<2x10240x128xf32, #tpu.memory_space<hbm>> -> memref<1x640x128xf32, #tpu.memory_space<hbm>>
      %dma_wait3A_840 = tpu.memref_squeeze %dma_wait3A_839 : memref<1x640x128xf32, #tpu.memory_space<hbm>> -> memref<640x128xf32, #tpu.memory_space<hbm>>
      %dma_wait3A_841 = arith.constant 0 : i32
      %dma_wait3A_842 = tpu.memref_slice %arg13[%mul3A_832, %dma_wait3A_841] : memref<10240x128xf32, #tpu.memory_space<vmem_shared>> -> memref<640x128xf32, #tpu.memory_space<vmem_shared>>
      tpu.wait_dma2 semaphore(%run_scoped3A : memref<!tpu.dma_semaphore, #tpu.memory_space<semaphore_mem>>) src(%dma_wait3A_842 : memref<640x128xf32, #tpu.memory_space<vmem_shared>>) dst(%dma_wait3A_840 : memref<640x128xf32, #tpu.memory_space<hbm>>)
      tpu.yield
    }) : () -> ()
    return
  }
}

module attributes {stable_mosaic.version = 14 : i64} {
  func.func @_matmul_body(%arg0: memref<10000x128xf32, #tpu.memory_space<vmem>>, %arg1: memref<128x128xf32, #tpu.memory_space<vmem>>, %arg2: memref<10000x128xf32, #tpu.memory_space<vmem>>) attributes {dimension_semantics = [], scalar_prefetch = 0 : i64, scratch_operands = 0 : i64, tpu.core_type = #tpu.core_type<tc>} {
    %get3A = arith.constant 0 : index
    %get3A_0 = arith.constant 0 : index
    %get3A_1 = vector.load %arg0[%get3A, %get3A_0] : memref<10000x128xf32, #tpu.memory_space<vmem>>, vector<10000x128xf32>
    %get3A_2 = arith.constant 0 : index
    %get3A_3 = arith.constant 0 : index
    %get3A_4 = vector.load %arg1[%get3A_2, %get3A_3] : memref<128x128xf32, #tpu.memory_space<vmem>>, vector<128x128xf32>
    %dot_general3A = arith.constant dense<0.000000e+00> : vector<10000x128xf32>
    %dot_general3A_5 = tpu.matmul %get3A_1, %get3A_4, %dot_general3A {dimension_numbers = #tpu.dot_dimension_numbers<[1], [0], [0], [1], [0, 0, 1, 1], [], []>, transpose_lhs_hint = false} : vector<10000x128xf32>, vector<128x128xf32>, vector<10000x128xf32> -> vector<10000x128xf32>
    %swap3A = arith.constant 0 : index
    %swap3A_6 = arith.constant 0 : index
    %swap3A_7 = vector.load %arg2[%swap3A, %swap3A_6] : memref<10000x128xf32, #tpu.memory_space<vmem>>, vector<10000x128xf32>
    tpu.vector_store %arg2[%swap3A, %swap3A_6], %dot_general3A_5 {strides = array<i32>} : memref<10000x128xf32, #tpu.memory_space<vmem>>, vector<10000x128xf32>,
    return
  }
}

module attributes {stable_mosaic.version = 14 : i64} {
  func.func @_combine_body(%arg0: i32, %arg1: memref<1x2000x128xf32, #tpu.memory_space<vmem>>, %arg2: memref<1x2000x128xf32, #tpu.memory_space<vmem>>, %arg3: memref<2000x1xf32, #tpu.memory_space<vmem>>, %arg4: memref<2000x128xf32, #tpu.memory_space<vmem>>, %arg5: memref<1x128xf32, #tpu.memory_space<vmem>>, %arg6: memref<2000x128xf32, #tpu.memory_space<vmem>>) attributes {dimension_semantics = [#tpu.dimension_semantics<arbitrary>], iteration_bounds = array<i64: 5>, scalar_prefetch = 0 : i64, scratch_operands = 0 : i64, tpu.core_type = #tpu.core_type<tc>, window_params = [{transform_indices = @transform_0, window_bounds = array<i64: 1, 2000, 128>}, {transform_indices = @transform_1, window_bounds = array<i64: 1, 2000, 128>}, {transform_indices = @transform_2, window_bounds = array<i64: 2000, 1>}, {transform_indices = @transform_3, window_bounds = array<i64: 2000, 128>}, {pipeline_mode = #tpu.pipeline_mode<synchronous>, transform_indices = @transform_4, window_bounds = array<i64: 1, 128>}, {transform_indices = @transform_5, window_bounds = array<i64: 2000, 128>}]} {
    %get3A = arith.constant 0 : index
    %get3A_0 = arith.constant 0 : index
    %get3A_1 = vector.load %arg3[%get3A, %get3A_0] : memref<2000x1xf32, #tpu.memory_space<vmem>>, vector<2000x1xf32>
    %get3A_2 = arith.constant 0 : index
    %get3A_3 = arith.constant 0 : index
    %get3A_4 = arith.constant 0 : index
    %get3A_5 = vector.load %arg1[%get3A_2, %get3A_3, %get3A_4] : memref<1x2000x128xf32, #tpu.memory_space<vmem>>, vector<1x2000x128xf32>
    %get3A_6 = vector.shape_cast %get3A_5 : vector<1x2000x128xf32> to vector<2000x128xf32>
    %get3A_7 = arith.constant 0 : index
    %get3A_8 = arith.constant 0 : index
    %get3A_9 = arith.constant 0 : index
    %get3A_10 = vector.load %arg2[%get3A_7, %get3A_8, %get3A_9] : memref<1x2000x128xf32, #tpu.memory_space<vmem>>, vector<1x2000x128xf32>
    %get3A_11 = vector.shape_cast %get3A_10 : vector<1x2000x128xf32> to vector<2000x128xf32>
    %add3A = arith.addf %get3A_6, %get3A_11 : vector<2000x128xf32>
    %mul3A = arith.constant 2.000000e+00 : f32
    %mul3A_12 = vector.broadcast %mul3A : f32 to vector<2000x1xf32>
    %mul3A_13 = arith.mulf %mul3A_12, %get3A_1 : vector<2000x1xf32>
    %mul3A_14 = arith.mulf %mul3A_13, %get3A_1 : vector<2000x1xf32>
    %get3A_15 = arith.constant 0 : index
    %get3A_16 = arith.constant 0 : index
    %get3A_17 = vector.load %arg4[%get3A_15, %get3A_16] : memref<2000x128xf32, #tpu.memory_space<vmem>>, vector<2000x128xf32>
    %mul3A_18 = vector.broadcast %mul3A_14 : vector<2000x1xf32> to vector<2000x128xf32>
    %mul3A_19 = arith.mulf %mul3A_18, %get3A_17 : vector<2000x128xf32>
    %add3A_20 = arith.addf %add3A, %mul3A_19 : vector<2000x128xf32>
    %get3A_21 = arith.constant 0 : index
    %get3A_22 = arith.constant 0 : index
    %get3A_23 = vector.load %arg5[%get3A_21, %get3A_22] : memref<1x128xf32, #tpu.memory_space<vmem>>, vector<1x128xf32>
    %add3A_24 = vector.broadcast %get3A_23 : vector<1x128xf32> to vector<2000x128xf32>
    %add3A_25 = arith.addf %add3A_20, %add3A_24 : vector<2000x128xf32>
    %max3A = arith.constant 0.000000e+00 : f32
    %max3A_26 = vector.broadcast %max3A : f32 to vector<2000x128xf32>
    %max3A_27 = arith.maximumf %add3A_25, %max3A_26 : vector<2000x128xf32>
    %swap3A = arith.constant 0 : index
    %swap3A_28 = arith.constant 0 : index
    %swap3A_29 = vector.load %arg6[%swap3A, %swap3A_28] : memref<2000x128xf32, #tpu.memory_space<vmem>>, vector<2000x128xf32>
    tpu.vector_store %arg6[%swap3A, %swap3A_28], %max3A_27 {strides = array<i32>} : memref<2000x128xf32, #tpu.memory_space<vmem>>, vector<2000x128xf32>,
    return
  }
  func.func @transform_0(%arg0: i32) -> (i32, i32, i32) {
    %c0_i32 = arith.constant 0 : i32
    %c0_i32_0 = arith.constant 0 : i32
    %c0_i32_1 = arith.constant 0 : i32
    return %c0_i32, %arg0, %c0_i32_0 : i32, i32, i32
  }
  func.func @transform_1(%arg0: i32) -> (i32, i32, i32) {
    %c1_i32 = arith.constant 1 : i32
    %c0_i32 = arith.constant 0 : i32
    %c0_i32_0 = arith.constant 0 : i32
    return %c1_i32, %arg0, %c0_i32 : i32, i32, i32
  }
  func.func @transform_2(%arg0: i32) -> (i32, i32) {
    %c0_i32 = arith.constant 0 : i32
    %c0_i32_0 = arith.constant 0 : i32
    return %arg0, %c0_i32 : i32, i32
  }
  func.func @transform_3(%arg0: i32) -> (i32, i32) {
    %c0_i32 = arith.constant 0 : i32
    %c0_i32_0 = arith.constant 0 : i32
    return %arg0, %c0_i32 : i32, i32
  }
  func.func @transform_4(%arg0: i32) -> (i32, i32) {
    %c0_i32 = arith.constant 0 : i32
    %c0_i32_0 = arith.constant 0 : i32
    %c0_i32_1 = arith.constant 0 : i32
    return %c0_i32, %c0_i32_0 : i32, i32
  }
  func.func @transform_5(%arg0: i32) -> (i32, i32) {
    %c0_i32 = arith.constant 0 : i32
    %c0_i32_0 = arith.constant 0 : i32
    return %arg0, %c0_i32 : i32, i32
  }
}

</mosaic_0001>

<sc_bundles>
// kernel: kernel.5.cloned.1.call-start
scs
__scs_entry_jumppad:
0x0: {  	(pc) =	sbr.rel $0x88, $3  }
0x1: {  	(tag) =	ssettag $0x0;
	lr =	simm.s32 $0x1  }
0x2: {  	[smem:$0x3F9C] =	sst lr;
	_ =	strace $0xD0000000  }
0x3: {  	_ = 	snop  }
0x4: {  	_ = 	snop  }
0x5: {  	_ = 	snop  }
0x6: {  	_ = 	snop  }
0x7: {  	_ = 	snop  }
__scs_overlays_trampoline_lowered:
0x8: {  	[smem:$0x3FAB] =	sst s0  }
0x9: {  	[smem:$0x3FAC] =	sst s1  }
0xa: {  	[smem:$0x3FAD] =	sst s2  }
0xb: {  	[smem:$0x3FAE] =	sst s3  }
0xc: {  	[smem:$0x3FAF] =	sst s4  }
0xd: {  	[smem:$0x3FB0] =	sst s5  }
0xe: {  	[smem:$0x3FB1] =	sst s6  }
0xf: {  	[smem:$0x3FB2] =	sst s7  }
0x10: {  	[smem:$0x3FB3] =	sst s8  }
0x11: {  	[smem:$0x3FB4] =	sst s9;
	s0 =	simm.s32 @!p0 $0x0  }
0x12: {  	s1 =	sld [smem:$0x3F9A];
	s0 =	simm.s32 @p0 $0x1  }
0x13: {  	[smem:$0x3FB5] =	sst s0;
	s0 =	simm.s32 @!p1 $0x0  }
0x14: {  	s2 =	sld [smem:$0x3F99];
	s0 =	simm.s32 @p1 $0x1  }
0x15: {  	[smem:$0x3FB6] =	sst s0;
	s0 =	simm.s32 @!p2 $0x0  }
0x16: {  	s3 =	sld [smem:$0x3FDB];
	s0 =	simm.s32 @p2 $0x1  }
0x17: {  	s4 =	simm.s32 $0x1BF5;
	[smem:$0x3FB8] =	sst s0  }
0x18: {  	s0 =	sld [smem:$0x3F9B];
	_ =	swait.ge [sflag:s4], $0x0  }
0x19: {  	s7 =	sld [smem:$0x3F9C]  }
0x1a: {  	s8 =	sadd.s32 $0xFFFFE003, lr  }
0x1b: {  	s9 =	sadd.s32 $0xFFFFFEF7, lr;
	s5 =	simm.s32 $0xFFFFFFFF;
	p2 =	slt.u32 s8, $0xFFFFF086  }
0x1c: {  	p1 =	slt.u32 s9, $0xF7A;
	s5 =	simm.s32 @!p2 $0x0  }
0x1d: {  	s5 =	simm.s32 @p1 $0x1;
	p0 =	seq.s32 s7, s2  }
0x1e: {  	s7 =	smul.u32 @!p0 $0xF7A, s2;
	p2 =	seq.s32 @!p0 s5, $0x0  }
0x1f: {  	s9 =	smul.u32 $0xF7A, s1;
	s8 =	simm.s32 @!p0 $0x1BF5;
	p2 =	por !p2, p0  }
0x20: {  	[sflag:s8] =	ssyncset.s32 @!p0 $0xFFFFF086;
	s6 =	sadd.s32 @!p0 s3, s7;
	s7 =	simm.s32 @!p0 $0x108  }
0x21: {  	s3 =	sadd.s32 s3, s9;
	s6 =	sadd.s32 @!p0 $0x88, s6;
	s7 =	simm.s32 @p2 $0x1082  }
0x22: {  	[simem:s7], [sflag:s8] =	dma.local @!p0 [hbm:s6], $0xF7A  }
0x23: {  	s9 =	sor.u32 $0xD0000000, s2;
	s6 =	simm.s32 $0x108;
	_ =	swait.ge @!p0 [sflag:s8], $0x0  }
0x24: {  	s3 =	sadd.s32 $0x88, s3;
	s6 =	simm.s32 @!p1 $0x1082;
	[sflag:s4] =	ssyncset.s32 $0xFFFFF086  }
0x25: {  	[simem:s6], [sflag:s4] =	dma.local [hbm:s3], $0xF7A  }
0x26: {  	[smem:$0x3F9C] =	sst s1;
	(tag) =	ssettag s2;
	_ =	strace s9  }
0x27: {  	s1 =	sld [smem:$0x3FAC]  }
0x28: {  	s2 =	sld [smem:$0x3FAD]  }
0x29: {  	s4 =	sld [smem:$0x3FAF]  }
0x2a: {  	p0 =	seq.s32 s5, $0x0;
	s5 =	sld [smem:$0x3FB0]  }
0x2b: {  	s6 =	sld [smem:$0x3FB1]  }
0x2c: {  	s7 =	sld [smem:$0x3FB2]  }
0x2d: {  	s3 =	simm.s32 $0x108;
	s8 =	sld [smem:$0x3FB3]  }
0x2e: {  	s3 =	simm.s32 @!p0 $0x1082;
	s9 =	sld [smem:$0x3FB4]  }
0x2f: {  	lr =	sadd.s32 s0, s3;
	s0 =	sld [smem:$0x3FAB]  }
0x30: {  	s3 =	sld [smem:$0x3FAE]  }
0x31: {  	[smem:$0x3FB7] =	sst s10  }
0x32: {  	s10 =	sld [smem:$0x3FB5];
	_ =	sdelay $0x3  }
0x33: {  	p0 =	seq.s32 s10, $0x1;
	s10 =	sld [smem:$0x3FB7];
	_ =	sdelay $0x3  }
0x34: {  	[smem:$0x3FB7] =	sst s10  }
0x35: {  	s10 =	sld [smem:$0x3FB6];
	_ =	sdelay $0x3  }
0x36: {  	p1 =	seq.s32 s10, $0x1;
	s10 =	sld [smem:$0x3FB7];
	_ =	sdelay $0x3  }
0x37: {  	[smem:$0x3FB7] =	sst s10  }
0x38: {  	s10 =	sld [smem:$0x3FB8]  }
0x39: {  	_ = 	snop;
	(pc) =	sbr.ind lr, $3  }
0x3a: {  	_ = 	snop  }
0x3b: {  	_ = 	snop  }
0x3c: {  	p2 =	seq.s32 s10, $0x1;
	s10 =	sld [smem:$0x3FB7]  }
0x3d: {  	_ =	shalt  }
0x3e: {  	_ =	shalt  }
0x3f: {  	_ =	shalt  }
0x40: {  	_ =	shalt  }
0x41: {  	_ =	shalt  }
0x42: {  	_ =	shalt  }
0x43: {  	_ =	shalt  }
0x44: {  	_ =	shalt  }
0x45: {  	_ =	shalt  }
0x46: {  	_ =	shalt  }
0x47: {  	_ =	shalt  }
0x48: {  	_ =	shalt  }
0x49: {  	_ =	shalt  }
0x4a: {  	_ =	shalt  }
0x4b: {  	_ =	shalt  }
0x4c: {  	_ =	shalt  }
0x4d: {  	_ =	shalt  }
0x4e: {  	_ =	shalt  }
0x4f: {  	_ =	shalt  }
0x50: {  	_ =	shalt  }
0x51: {  	_ =	shalt  }
0x52: {  	_ =	shalt  }
0x53: {  	_ =	shalt  }
0x54: {  	_ =	shalt  }
0x55: {  	_ =	shalt  }
0x56: {  	_ =	shalt  }
0x57: {  	_ =	shalt  }
0x58: {  	_ =	shalt  }
0x59: {  	_ =	shalt  }
0x5a: {  	_ =	shalt  }
0x5b: {  	_ =	shalt  }
0x5c: {  	_ =	shalt  }
0x5d: {  	_ =	shalt  }
0x5e: {  	_ =	shalt  }
0x5f: {  	_ =	shalt  }
0x60: {  	_ =	shalt  }
0x61: {  	_ =	shalt  }
0x62: {  	_ =	shalt  }
0x63: {  	_ =	shalt  }
0x64: {  	_ =	shalt  }
0x65: {  	_ =	shalt  }
0x66: {  	_ =	shalt  }
0x67: {  	_ =	shalt  }
0x68: {  	_ =	shalt  }
0x69: {  	_ =	shalt  }
0x6a: {  	_ =	shalt  }
0x6b: {  	_ =	shalt  }
0x6c: {  	_ =	shalt  }
0x6d: {  	_ =	shalt  }
0x6e: {  	_ =	shalt  }
0x6f: {  	_ =	shalt  }
0x70: {  	_ =	shalt  }
0x71: {  	_ =	shalt  }
0x72: {  	_ =	shalt  }
0x73: {  	_ =	shalt  }
0x74: {  	_ =	shalt  }
0x75: {  	_ =	shalt  }
0x76: {  	_ =	shalt  }
0x77: {  	_ =	shalt  }
0x78: {  	_ =	shalt  }
0x79: {  	_ =	shalt  }
0x7a: {  	_ =	shalt  }
0x7b: {  	_ =	shalt  }
0x7c: {  	_ =	shalt  }
0x7d: {  	_ =	shalt  }
0x7e: {  	_ =	shalt  }
0x7f: {  	_ =	shalt  }
0x80: {  	_ =	shalt  }
0x81: {  	_ =	shalt  }
0x82: {  	_ =	shalt  }
0x83: {  	_ =	shalt  }
0x84: {  	_ =	shalt  }
0x85: {  	_ =	shalt  }
0x86: {  	_ =	shalt  }
0x87: {  	_ =	shalt  }
.Lfunc_end0:
.L_simem_size_0:
called_computation_lowered:
.L_overlay_start_0:
0x88: {  	s2 =	sld [smem:$0x3FD9]  }
0x89: {  	s3 =	sld [smem:$0x3FFE];
	_ =	sdelay $0x1  }
0x8a: {  	s1 =	srdreg.scid  }
0x8b: {  	s0 =	sand.u32 $0x1, s1  }
0x8c: {  	s17 =	sshll.u32 s0, $0xA;
	s2 =	sadd.s32 s3, s2  }
0x8d: {  	s2 =	sadd.s32 s2, s17  }
0x8e: {  	[smem:$0x3FC3] =	sst s2  }
0x8f: {  	_ = 	snop  }
0x90: {  	s2 =	sld [smem:$0x3FD0];
	(tm) =	ssettm $0x1  }
0x91: {  	s18 =	sld [smem:$0x3FFB];
	_ =	sdelay $0x3  }
0x92: {  	_ =	strace s18  }
0x93: {  	s3 =	sld [smem:$0x3FFC];
	_ =	sdelay $0x3  }
0x94: {  	_ =	strace s3  }
0x95: {  	s3 =	sld [smem:$0x3FFD];
	_ =	sdelay $0x3  }
0x96: {  	_ =	strace s3  }
0x97: {  	_ =	strace $0x8FFFFFFF  }
0x98: {  	s19 =	sld [smem:$0x3FDB];
	_ =	sdelay $0x1  }
0x99: {  	s4 =	simm.s32 $_scs_section_size  }
0x9a: {  	s5 =	simm.s32 $_size__tile_overlayer_lowered;
	s6 =	simm.s32 $_tile_overlayer_lowered  }
0x9b: {  	s22 =	simm.s32 $0x1BFF;
	s21 =	sshll.u32 s6, $0x1;
	s3 =	sadd.s32 s4, s19  }
0x9c: {  	s7 =	simm.s32 $0x0;
	s20 =	sshll.u32 s5, $0x1;
	s5 =	sadd.s32 s21, s3  }
0x9d: {  	[timem:s7], [sflag:s22] =	dma.local [hbm:s5], s20  }
0x9e: {  	_ =	swait.ge [sflag:s22], s20  }
0x9f: {  	s4 =	ssub.s32 $0x0, s20;
	[sflag:s22] =	ssyncset.done $0x0  }
0xa0: {  	[sflag:s22] =	ssyncadd.s32 s4;
	_ =	sdelay $0x1  }
0xa1: {  	s23 =	simm.s32 $0x1B8B  }
0xa2: {  	_ =	swait.ge [sflag:s23], $0x1  }
0xa3: {  	[sflag:s23] =	ssyncset.done $0x0  }
0xa4: {  	s25 =	simm.s32 $0x1B8E;
	s24 =	sld [smem:$0x3FFE];
	[sflag:s23] =	ssyncadd.s32 $0xFFFFFFFF  }
0xa5: {  	s26 =	simm.s32 $execute0_lowered;
	[smem:$0x3FD2] =	sst s25  }
0xa6: {  	s5 =	sshll.u32 s26, $0x1;
	_ =	strace $0x80000046;
	[dreg:$0x1] =	wrdreg $0xFFFFFFFF  }
0xa7: {  	s28 =	simm.s32 $_size_execute0_lowered;
	s3 =	sadd.s32 s3, s5;
	[dreg:$0x0] =	wrdreg $0x0  }
0xa8: {  	s5 =	sshll.u32 s28, $0x1;
	[dreg:$0x2] =	wrdreg s3  }
0xa9: {  	[dreg:$0x3] =	wrdreg s5  }
0xaa: {  	[dreg:$0x4] =	wrdreg $0xC0  }
0xab: {  	_ =	task [dreg:s7], $0x5FFFF  }
0xac: {  	[dreg:$0x1] =	wrdreg $0xFFFFFFFF  }
0xad: {  	[dreg:$0x0] =	wrdreg $0x60  }
0xae: {  	[dreg:$0x2] =	wrdreg s24  }
0xaf: {  	[dreg:$0x3] =	wrdreg s2  }
0xb0: {  	[dreg:$0x4] =	wrdreg $0xB1000  }
0xb1: {  	[dreg:$0x5] =	wrdreg $0x1F1000  }
0xb2: {  	[dreg:$0x6] =	wrdreg $0x1F3800  }
0xb3: {  	[dreg:$0x7] =	wrdreg $0x9  }
0xb4: {  	_ =	task.clear_ibuf [dreg:s7], $0x8FFFF;
	_ =	strace $0x90000046  }
0xb5: {  	s29 =	simm.s32 $0x9;
	_ =	strace $0x80000048  }
0xb6: {  	_ =	swait.ge [sflag:s29], $0x1  }
0xb7: {  	[sflag:s29] =	ssyncadd.s32 $0xFFFFFFFF  }
0xb8: {  	_ =	strace $0x90000048  }
0xb9: {  	_ =	sfence  }
0xba: {  	s30 =	sld [smem:$0x0];
	_ =	sdelay $0x2  }
0xbb: {  	s31 =	sshll.u32 s1, $0xD;
	s1 =	sshrl.u32 s1, $0x2  }
0xbc: {  	s3 =	sand.u32 $0x4000, s31;
	s1 =	sadd.s32 s1, s30  }
0xbd: {  	s0 =	sor.u32 s3, s0;
	s1 =	sshll.u32 s1, $0x11  }
0xbe: {  	s0 =	sor.u32 s1, s0  }
0xbf: {  	s0 =	sadd.s32 $0x8F2B, s0  }
0xc0: {  	[sflag:s0] =	ssyncadd.remote.s32 $0x1  }
0xc1: {  	_ =	sfence.sel $0xFFFF  }
0xc2: {  	[dreg:$0x0] =	wrdreg $0xFFFFFFFF;
	(pc) =	sbr.abs _section_cstart, $3  }
0xc3: {  	[dreg:$0x1] =	wrdreg $0xFFFFFFFF  }
0xc4: {  	_ =	task.clear_ibuf [dreg:s7], $0x2FFFF;
	_ =	strace $0x9FFFFFFF  }
0xc5: {  	(tm) =	ssettm $0x7FFFFFFF  }
tec
execute0_lowered:
.L_overlay_start_1:
0x0: {  	(tag) =	ssettag $0x1  }
0x1: {  	s1 =	rddreg [dreg:$0x0]  }
0x2: {  	s0 =	rddreg [dreg:$0x1];
	s16 =	stileid.u32  }
0x3: {  	s2 =	rddreg [dreg:$0x2];
	s7 =	smul.u32 $0x14000, s16  }
0x4: {  	s3 =	srdreg.scid;
	s9 =	smul.u32 $0x280, s16  }
0x5: {  	s4 =	rddreg [dreg:$0x3];
	s12 =	smul.u32 $0x50000, s16  }
0x6: {  	s17 =	rddreg [dreg:$0x4];
	s13 =	smul.u32 $0x13A, s16  }
0x7: {  	s6 =	simm.s32 $0x0;
	s31 =	simm.s32 $0x300;
	s24 =	smul.u32 $0x2740, s16  }
0x8: {  	s29 =	simm.s32 $0x4;
	s3 =	sand.u32 $0x1, s3;
	s14 =	smul.u32 $0x9D0, s16  }
0x9: {  	[smem:$0x7FF] =	sst s6;
	s8 =	sadd.s32 $0x1400, s1;
	s16 =	smul.u32 $0x9D, s16  }
0xa: {  	s5 =	smul.u32 $0x140000, s3;
	_ =	strace $0x80000047;
	s11 =	ssub.s32 $0x2, s3  }
0xb: {  	s30 =	smul.u32 $0x9D0, s3;
	p0 =	sne.s32 s3, $0x0;
	s10 =	sshrl.u32 s9, $0x3  }
0xc: {  	s22 =	sshrl.u32 s11, $0x1;
	s23 =	sadd.s32 s9, s4;
	s12 =	sshrl.u32 s12, $0x2  }
0xd: {  	s15 =	sor.u32 $0x1, s13;
	s28 =	sadd.s32 $0x2, s13;
	s21 =	sadd.s32 $0x3, s13  }
0xe: {  	s9 =	sadd.s32 s9, s17;
	s5 =	sadd.s32 s7, s5;
	s7 =	sadd.s32 $0xB200, s1  }
0xf: {  	[dreg:$0x6] =	wrdreg s23;
	s18 =	sadd.s32 s12, s2;
	s25 =	sshll.u32 s15, $0x5  }
0x10: {  	s12 =	sadd.s32 s8, s14;
	s26 =	sshll.u32 s15, $0x3;
	s20 =	sshll.u32 s28, $0x5  }
0x11: {  	s13 =	sshll.u32 s21, $0x5;
	s14 =	sadd.s32 s16, s30;
	[dreg:$0xf] =	wrdreg s9  }
0x12: {  	s5 =	sshrl.u32 s5, $0x3;
	s19 =	sadd.s32 s7, s24;
	s15 =	sadd.s32 s7, s20  }
0x13: {  	s13 =	sadd.s32 s7, s13;
	s24 =	sshll.u32 s14, $0x3;
	[dreg:$0x7] =	wrdreg s18  }
0x14: {  	s9 =	sadd.s32 $0x3, s14;
	s16 =	sadd.s32 $0x2000, s18;
	[dreg:$0xb] =	wrdreg s15  }
0x15: {  	s17 =	sadd.s32 $0x4000, s18;
	s20 =	sadd.s32 $0x6000, s18;
	[dreg:$0xd] =	wrdreg s13  }
0x16: {  	s5 =	sadd.s32 s5, s1;
	s1 =	sadd.s32 s10, s1;
	[dreg:$0x1b] =	wrdreg s16  }
0x17: {  	s10 =	ssub.s32 s11, s22;
	s11 =	sadd.s32 s7, s25;
	[dreg:$0x1c] =	wrdreg s17  }
0x18: {  	s22 =	sshll.u32 s14, $0x5;
	s25 =	sadd.s32 $0x1, s14;
	[dreg:$0x1d] =	wrdreg s20  }
0x19: {  	[dreg:$0x8] =	wrdreg s19;
	s16 =	simm.s32 $0x1;
	s17 =	simm.s32 $0x40  }
0x1a: {  	s20 =	simm.s32 $0x2;
	[dreg:$0x9] =	wrdreg s11;
	s11 =	sadd.s32 s8, s26  }
0x1b: {  	s1 =	sadd.s32 $0x32600, s1;
	s23 =	sadd.s32 s7, s22;
	[dreg:$0xa] =	wrdreg s11  }
0x1c: {  	s26 =	sshll.u32 s25, $0x5;
	s15 =	smax.u32 s10, $0x1;
	[dreg:$0x10] =	wrdreg s1  }
0x1d: {  	s22 =	sadd.s32 $0xA000, s18;
	s10 =	simm.s32 $0x3;
	[dreg:$0x11] =	wrdreg s23  }
0x1e: {  	s11 =	sshll.u32 s28, $0x3;
	s1 =	sadd.s32 s8, s24;
	[dreg:$0x1a] =	wrdreg s15  }
0x1f: {  	s23 =	sadd.s32 $0x2, s14;
	s28 =	sshll.u32 s25, $0x3;
	[dreg:$0x1f] =	wrdreg s22  }
0x20: {  	s14 =	sadd.s32 $0x32C00, s5;
	s24 =	sadd.s32 $0xC000, s18;
	[dreg:$0x12] =	wrdreg s1  }
0x21: {  	s25 =	sadd.s32 $0xE000, s18;
	s5 =	simm.s32 $0x9;
	[dreg:$0x19] =	wrdreg s14  }
0x22: {  	s15 =	simm.s32 $0x8680;
	s11 =	sadd.s32 s8, s11;
	[smem:$0x7F9] =	sst s24  }
0x23: {  	s1 =	sadd.s32 s7, s26;
	s30 =	sshll.u32 s23, $0x5;
	[smem:$0x7FA] =	sst s25  }
0x24: {  	s13 =	sshll.u32 s23, $0x3;
	s26 =	sadd.s32 $0x10000, s18;
	[dreg:$0xc] =	wrdreg s11  }
0x25: {  	s24 =	simm.s32 $0x680;
	s25 =	simm.s32 $0x5;
	[dreg:$0x13] =	wrdreg s1  }
0x26: {  	s14 =	simm.s32 $0xC;
	s1 =	sadd.s32 s8, s28;
	[smem:$0x7FB] =	sst s26  }
0x27: {  	s11 =	sshll.u32 s21, $0x3;
	s3 =	sadd.s32 s7, s30;
	[dreg:$0x14] =	wrdreg s1  }
0x28: {  	s21 =	sadd.s32 $0x8000, s18;
	s28 =	sadd.s32 $0x12000, s18;
	[dreg:$0x15] =	wrdreg s3  }
0x29: {  	s30 =	sadd.s32 $0x60, s19;
	s26 =	simm.s32 $0x400;
	[dreg:$0x1e] =	wrdreg s21  }
0x2a: {  	s19 =	simm.s32 $0x600;
	s11 =	sadd.s32 s8, s11;
	[smem:$0x7FC] =	sst s28  }
.Ltmp0:
0x2b: {  	s1 =	sshll.u32 s9, $0x3;
	[smem:$0x7FD] =	sst s30;
	(pc) =	sbr.rel .LBB2_1-.Ltmp0, $4  }
0x2c: {  	[dreg:$0xe] =	wrdreg s11;
	s11 =	sshll.u32 s9, $0x5;
	s9 =	sadd.s32 s8, s13  }
0x2d: {  	s21 =	simm.s32 $0xD;
	s1 =	sadd.s32 s8, s1;
	[dreg:$0x16] =	wrdreg s9  }
0x2e: {  	s3 =	sadd.s32 s7, s11;
	[dreg:$0x18] =	wrdreg s1;
	s9 =	simm.s32 $0x80  }
0x2f: {  	v0 =	vimm.f32 $0.0e+00;
	v1 =	vimm.f32 $2.000000000e+00;
	s11 =	simm.s32 $0x0;
	[dreg:$0x17] =	wrdreg s3;
	s3 =	simm.s32 $0x580  }
.LBB2_44:
0x30: {  	_ =	swait.ge [sflag:s5], $0x2000  }
0x31: {  	[sflag:s5] =	ssyncset.done $0x0  }
0x32: {  	s1 =	simm.s32 $0xA;
	[sflag:s5] =	ssyncadd.s32 $0xFFFFE000  }
0x33: {  	_ =	swait.ge [sflag:s1], $0x2000  }
0x34: {  	[sflag:s1] =	ssyncset.done $0x0  }
0x35: {  	s21 =	simm.s32 $0xB;
	[sflag:s1] =	ssyncadd.s32 $0xFFFFE000  }
0x36: {  	_ =	swait.ge [sflag:s21], $0x2000  }
0x37: {  	[sflag:s21] =	ssyncset.done $0x0  }
0x38: {  	[sflag:s21] =	ssyncadd.s32 $0xFFFFE000  }
0x39: {  	_ =	swait.ge [sflag:s14], $0x2000  }
0x3a: {  	[sflag:s14] =	ssyncset.done $0x0  }
0x3b: {  	s22 =	stileid.u32;
	[sflag:s14] =	ssyncadd.s32 $0xFFFFE000  }
0x3c: {  	s1 =	sshll.u32 s22, $0x6;
	[bflag:$0x0] =	sbarrier.arrive $0xFFFF  }
0x3d: {  	s1 =	sor.u32 $0x1C0D, s1;
	s18 =	rddreg [dreg:$0x7]  }
0x3e: {  	s21 =	simm.s32 $0xD;
	s13 =	rddreg [dreg:$0x19];
	s11 =	sshrl.u32 s18, $0x3  }
0x3f: {  	[hbm:s13], [sflag:s1] =	dma.local [spmem:s11], $0x2800  }
0x40: {  	_ =	swait.ge [sflag:s21], $0x2800  }
0x41: {  	s28 =	sld [smem:$0x7F8];
	_ =	sdelay $0x2  }
0x42: {  	s30 =	rddreg [dreg:$0x1a];
	s11 =	sadd.s32 $0x1, s28  }
0x43: {  	p1 =	sne.s32 s11, s30  }
.Ltmp1:
0x44: {  	_ = 	snop;
	(pc) =	sbr.rel @!p1 .LBB2_45-.Ltmp1, $3  }
0x45: {  	_ =	sdelay $0x1  }
0x46: {  	[sflag:s21] =	ssyncset.done $0x0  }
0x47: {  	[sflag:s21] =	ssyncadd.s32 $0xFFFFD800  }
.LBB2_1:
0x48: {  	[smem:$0x7F8] =	sst s11;
	s11 =	simm.s32 $0x0;
	s13 =	simm.s32 $0x200  }
.LBB2_2:
0x49: {  	p1 =	sne.s32 s13, $0x7E00;
	[tilespmem:s11+$0x6F0] =	vst v0  }
0x4a: {  	[tilespmem:s11+$0x680] =	vst v0  }
0x4b: {  	[tilespmem:s11+$0x690] =	vst v0  }
.Ltmp2:
0x4c: {  	[tilespmem:s11+$0x6A0] =	vst v0;
	(pc) =	sbr.rel @p1 .LBB2_2-.Ltmp2, $4  }
0x4d: {  	[tilespmem:s11+$0x6B0] =	vst v0  }
0x4e: {  	[tilespmem:s11+$0x6C0] =	vst v0  }
0x4f: {  	[tilespmem:s11+$0x6D0] =	vst v0  }
0x50: {  	[tilespmem:s11+$0x6E0] =	vst v0;
	s11 =	sshra.s32 s13, $0x2;
	s13 =	sadd.s32 $0x200, s13  }
0x51: {  	[tilespmem:s11+$0x6F0] =	vst v0  }
0x52: {  	[tilespmem:s11+$0x680] =	vst v0  }
0x53: {  	[tilespmem:s11+$0x690] =	vst v0  }
0x54: {  	[tilespmem:s11+$0x6A0] =	vst v0  }
0x55: {  	[tilespmem:s11+$0x6B0] =	vst v0  }
0x56: {  	[tilespmem:s11+$0x6C0] =	vst v0  }
0x57: {  	[tilespmem:s11+$0x6D0] =	vst v0  }
0x58: {  	[tilespmem:s11+$0x6E0] =	vst v0  }
0x59: {  	[tilespmem:$0xAE80] =	vst v1  }
0x5a: {  	[tilespmem:$0xAE90] =	vst v1  }
0x5b: {  	[tilespmem:$0xAEA0] =	vst v1  }
0x5c: {  	[tilespmem:$0xAEB0] =	vst v1  }
0x5d: {  	[tilespmem:$0xAEC0] =	vst v1  }
0x5e: {  	[tilespmem:$0xAED0] =	vst v1  }
0x5f: {  	[tilespmem:$0xAEE0] =	vst v1  }
0x60: {  	[tilespmem:$0xAEF0] =	vst v1  }
0x61: {  	[tilespmem:$0xAF00] =	vst v1  }
0x62: {  	[tilespmem:$0xAF10] =	vst v1  }
0x63: {  	[tilespmem:$0xAF20] =	vst v1  }
0x64: {  	[tilespmem:$0xAF30] =	vst v1  }
0x65: {  	[tilespmem:$0xAF40] =	vst v1  }
0x66: {  	[tilespmem:$0xAF50] =	vst v1  }
0x67: {  	[tilespmem:$0xAF60] =	vst v1  }
0x68: {  	[tilespmem:$0xAF70] =	vst v1  }
0x69: {  	[tilespmem:$0xAF80] =	vst v1  }
0x6a: {  	[tilespmem:$0xAF90] =	vst v1  }
0x6b: {  	[tilespmem:$0xAFA0] =	vst v1  }
0x6c: {  	[tilespmem:$0xAFB0] =	vst v1  }
0x6d: {  	[tilespmem:$0xAFC0] =	vst v1  }
0x6e: {  	[tilespmem:$0xAFD0] =	vst v1  }
0x6f: {  	[tilespmem:$0xAFE0] =	vst v1  }
0x70: {  	[tilespmem:$0xAFF0] =	vst v1  }
0x71: {  	[tilespmem:$0xB000] =	vst v1  }
0x72: {  	[tilespmem:$0xB010] =	vst v1  }
0x73: {  	[tilespmem:$0xB020] =	vst v1  }
0x74: {  	[tilespmem:$0xB030] =	vst v1  }
0x75: {  	[tilespmem:$0xB040] =	vst v1  }
0x76: {  	[tilespmem:$0xB050] =	vst v1  }
0x77: {  	[tilespmem:$0xB060] =	vst v1  }
0x78: {  	[tilespmem:$0xB070] =	vst v1  }
0x79: {  	[tilespmem:$0xB080] =	vst v1  }
0x7a: {  	[tilespmem:$0xB090] =	vst v1  }
0x7b: {  	[tilespmem:$0xB0A0] =	vst v1  }
0x7c: {  	[tilespmem:$0xB0B0] =	vst v1  }
0x7d: {  	[tilespmem:$0xB0C0] =	vst v1  }
0x7e: {  	[tilespmem:$0xB0D0] =	vst v1  }
0x7f: {  	[tilespmem:$0xB0E0] =	vst v1  }
0x80: {  	s1 =	rddreg [dreg:$0x6];
	s28 =	simm.s32 $0xAE80;
	[tilespmem:$0xB0F0] =	vst v1  }
0x81: {  	[spmem:s1] =	stream.linear.scatter [tilespmem:s28], [sflag:$0xD], $0x280, $0x38;
	[tilespmem:$0x1F600] =	vst v63  }
0x82: {  	_ =	swait.ge [sflag:s21], $0x280  }
0x83: {  	[sflag:s21] =	ssyncset.done $0x0  }
0x84: {  	s11 =	rddreg [dreg:$0x1b];
	[sflag:s21] =	ssyncadd.s32 $0xFFFFFD80  }
0x85: {  	[spmem:s18] =	stream.linear.scatter [tilespmem:s24], [sflag:$0x5], $0x2000, $0x38;
	[tilespmem:$0x1F600] =	vst v63  }
0x86: {  	s13 =	rddreg [dreg:$0x1c]  }
0x87: {  	[spmem:s11] =	stream.linear.scatter [tilespmem:s24], [sflag:$0x5], $0x2000, $0x38;
	[tilespmem:$0x1F600] =	vst v63  }
0x88: {  	s22 =	rddreg [dreg:$0x1f]  }
0x89: {  	[spmem:s13] =	stream.linear.scatter [tilespmem:s24], [sflag:$0x5], $0x2000, $0x38;
	[tilespmem:$0x1F600] =	vst v63  }
0x8a: {  	s18 =	rddreg [dreg:$0x1d]  }
0x8b: {  	[spmem:s18] =	stream.linear.scatter [tilespmem:s24], [sflag:$0x5], $0x2000, $0x38;
	[tilespmem:$0x1F600] =	vst v63  }
0x8c: {  	s21 =	rddreg [dreg:$0x1e]  }
0x8d: {  	[spmem:s21] =	stream.linear.scatter [tilespmem:s24], [sflag:$0x5], $0x2000, $0x38;
	[tilespmem:$0x1F600] =	vst v63  }
0x8e: {  	s28 =	sld [smem:$0x7F9]  }
0x8f: {  	[spmem:s22] =	stream.linear.scatter [tilespmem:s24], [sflag:$0x5], $0x2000, $0x38;
	[tilespmem:$0x1F600] =	vst v63  }
0x90: {  	s11 =	sld [smem:$0x7FA]  }
0x91: {  	[spmem:s28] =	stream.linear.scatter [tilespmem:s24], [sflag:$0x5], $0x2000, $0x38;
	[tilespmem:$0x1F600] =	vst v63  }
0x92: {  	s13 =	sld [smem:$0x7FB]  }
0x93: {  	[spmem:s11] =	stream.linear.scatter [tilespmem:s24], [sflag:$0x5], $0x2000, $0x38;
	[tilespmem:$0x1F600] =	vst v63  }
0x94: {  	s18 =	sld [smem:$0x7FC]  }
0x95: {  	[spmem:s13] =	stream.linear.scatter [tilespmem:s24], [sflag:$0x5], $0x2000, $0x38;
	[tilespmem:$0x1F600] =	vst v63  }
0x96: {  	_ = 	snop  }
0x97: {  	[spmem:s18] =	stream.linear.scatter [tilespmem:s24], [sflag:$0x5], $0x2000, $0x38;
	[tilespmem:$0x1F600] =	vst v63  }
0x98: {  	_ =	swait.ge [sflag:s25], $0x2000  }
0x99: {  	[sflag:s25] =	ssyncset.done $0x0  }
0x9a: {  	[sflag:s25] =	ssyncadd.s32 $0xFFFFE000  }
0x9b: {  	_ =	swait.ge [sflag:s25], $0x2000  }
0x9c: {  	[sflag:s25] =	ssyncset.done $0x0  }
0x9d: {  	[sflag:s25] =	ssyncadd.s32 $0xFFFFE000  }
0x9e: {  	_ =	swait.ge [sflag:s25], $0x2000  }
0x9f: {  	[sflag:s25] =	ssyncset.done $0x0  }
0xa0: {  	[sflag:s25] =	ssyncadd.s32 $0xFFFFE000  }
0xa1: {  	_ =	swait.ge [sflag:s25], $0x2000  }
0xa2: {  	[sflag:s25] =	ssyncset.done $0x0  }
0xa3: {  	[sflag:s25] =	ssyncadd.s32 $0xFFFFE000  }
0xa4: {  	_ =	swait.ge [sflag:s25], $0x2000  }
0xa5: {  	[sflag:s25] =	ssyncset.done $0x0  }
0xa6: {  	[sflag:s25] =	ssyncadd.s32 $0xFFFFE000  }
0xa7: {  	_ =	swait.ge [sflag:s25], $0x2000  }
0xa8: {  	[sflag:s25] =	ssyncset.done $0x0  }
0xa9: {  	[sflag:s25] =	ssyncadd.s32 $0xFFFFE000  }
0xaa: {  	_ =	swait.ge [sflag:s25], $0x2000  }
0xab: {  	[sflag:s25] =	ssyncset.done $0x0  }
0xac: {  	[sflag:s25] =	ssyncadd.s32 $0xFFFFE000  }
0xad: {  	_ =	swait.ge [sflag:s25], $0x2000  }
0xae: {  	[sflag:s25] =	ssyncset.done $0x0  }
0xaf: {  	[sflag:s25] =	ssyncadd.s32 $0xFFFFE000  }
0xb0: {  	_ =	swait.ge [sflag:s25], $0x2000  }
0xb1: {  	[sflag:s25] =	ssyncset.done $0x0  }
0xb2: {  	[sflag:s25] =	ssyncadd.s32 $0xFFFFE000  }
0xb3: {  	_ =	swait.ge [sflag:s25], $0x2000  }
0xb4: {  	[sflag:s25] =	ssyncset.done $0x0  }
0xb5: {  	[sflag:s25] =	ssyncadd.s32 $0xFFFFE000  }
0xb6: {  	[bflag:$0x0] =	sbarrier.arrive $0xFFFF  }
0xb7: {  	s13 =	simm.s32 $0x0;
	s21 =	rddreg [dreg:$0x8]  }
0xb8: {  	[tilespmem:s13], [sflag:$0x1] =	stream.linear.gather [hbm4b:s21+s13], $0x100, $0x38;
	[tilespmem:$0x1F600] =	vst v63  }
0xb9: {  	_ = 	snop  }
0xba: {  	[tilespmem:s26], [sflag:$0x1] =	stream.linear.gather [hbm4b:s12+s13], $0x40, $0x38;
	[tilespmem:$0x1F600] =	vst v63  }
0xbb: {  	s28 =	simm.s32 $0x100;
	s22 =	rddreg [dreg:$0x9]  }
0xbc: {  	[tilespmem:s28], [sflag:$0x2] =	stream.linear.gather [hbm4b:s22+s13], $0x100, $0x38;
	[tilespmem:$0x1F600] =	vst v63  }
0xbd: {  	s18 =	rddreg [dreg:$0xa];
	s21 =	simm.s32 $0x480  }
0xbe: {  	[tilespmem:s21], [sflag:$0x2] =	stream.linear.gather [hbm4b:s18+s13], $0x40, $0x38;
	[tilespmem:$0x1F600] =	vst v63  }
0xbf: {  	s22 =	rddreg [dreg:$0xb];
	s28 =	simm.s32 $0x200  }
0xc0: {  	[tilespmem:s28], [sflag:$0x3] =	stream.linear.gather [hbm4b:s22+s13], $0x100, $0x38;
	[tilespmem:$0x1F600] =	vst v63  }
0xc1: {  	s18 =	rddreg [dreg:$0xc];
	s21 =	simm.s32 $0x500  }
0xc2: {  	[tilespmem:s21], [sflag:$0x3] =	stream.linear.gather [hbm4b:s18+s13], $0x40, $0x38;
	[tilespmem:$0x1F600] =	vst v63  }
.Ltmp3:
0xc3: {  	s22 =	rddreg [dreg:$0xd];
	(pc) =	sbr.rel .LBB2_4-.Ltmp3, $4  }
0xc4: {  	s28 =	rddreg [dreg:$0xe]  }
0xc5: {  	[tilespmem:s31], [sflag:$0x4] =	stream.linear.gather [hbm4b:s22+s13], $0x100, $0x38;
	[tilespmem:$0x1F600] =	vst v63  }
0xc6: {  	s30 =	simm.s32 $0x0;
	s18 =	simm.s32 $0x3;
	s21 =	sld [smem:$0x7FD]  }
0xc7: {  	[tilespmem:s3], [sflag:$0x4] =	stream.linear.gather [hbm4b:s28+s13], $0x40, $0x38;
	[tilespmem:$0x1F600] =	vst v63  }
.LBB2_13:
0xc8: {  	s1 =	simm.s32 $0xA  }
0xc9: {  	_ =	swait.ge [sflag:s1], $0x40  }
0xca: {  	s11 =	simm.s32 $0x100;
	[sflag:s1] =	ssyncset.done $0x0  }
0xcb: {  	s22 =	sadd.s32 s13, s12;
	s28 =	sadd.s32 $0x40, s21;
	[sflag:s1] =	ssyncadd.s32 $0xFFFFFFC0  }
0xcc: {  	[tilespmem:s11], [sflag:$0x2] =	stream.linear.gather [hbm4b:s28+s6], $0x100, $0x38;
	[tilespmem:$0x1F600] =	vst v63  }
0xcd: {  	s1 =	sadd.s32 $0x28, s22;
	s28 =	simm.s32 $0x480  }
0xce: {  	[tilespmem:s28], [sflag:$0x2] =	stream.linear.gather [hbm4b:s1+s6], $0x40, $0x38;
	[tilespmem:$0x1F600] =	vst v63  }
.LBB2_14:
0xcf: {  	s13 =	sadd.s32 $0x20, s13  }
0xd0: {  	p1 =	sne.s32 s13, $0xA00  }
.Ltmp4:
0xd1: {  	_ = 	snop;
	(pc) =	sbr.rel @!p1 .LBB2_15-.Ltmp4, $2  }
0xd2: {  	_ =	sdelay $0x2  }
0xd3: {  	s30 =	sadd.s32 $0x1, s30;
	s21 =	sadd.s32 $0x80, s21;
	s18 =	sadd.s32 $0x4, s18  }
.LBB2_4:
0xd4: {  	p1 =	seq.s32 s13, $0x9E0  }
.Ltmp5:
0xd5: {  	_ = 	snop;
	(pc) =	sbr.rel @p1 .LBB2_15-.Ltmp5, $1  }
0xd6: {  	_ =	sdelay $0x3  }
0xd7: {  	_ =	swait.ge [sflag:s16], $0x100  }
0xd8: {  	[sflag:s16] =	ssyncset.done $0x0  }
0xd9: {  	p1 =	seq.s32 s13, $0x0;
	s11 =	sadd.s32 $0xFFFFFFFF, s18;
	[sflag:s16] =	ssyncadd.s32 $0xFFFFFF00  }
0xda: {  	p2 =	sgt.u32 @!p1 s11, $0x139;
	_ =	swait.ge [sflag:s16], $0x40  }
0xdb: {  	p2 =	por p2, p1;
	[sflag:s16] =	ssyncset.done $0x0  }
0xdc: {  	s22 =	simm.s32 @!p2 $0xB;
	[sflag:s16] =	ssyncadd.s32 $0xFFFFFFC0  }
0xdd: {  	[spmem:s4] =	stream.indirect.scatter.add.f32 [tilespmem:s26], [sflag:$0x9], $0x1, s9, s17, $0xb8;
	[tilespmem:$0x1F600] =	vst v63  }
0xde: {  	_ =	swait.ge @!p2 [sflag:s22], $0x40  }
0xdf: {  	s28 =	simm.s32 @!p2 $0x0;
	[sflag:s22] =	ssyncset.done @!p2 $0x0  }
0xe0: {  	s1 =	simm.s32 @!p2 $0x200;
	[sflag:s22] =	ssyncadd.s32 @!p2 $0xFFFFFFC0;
	s22 =	sadd.s32 @!p2 $0xFFFFFFE0, s21  }
0xe1: {  	[tilespmem:s1], [sflag:$0x3] =	stream.linear.gather @!p2 [hbm4b:s22+s28], $0x100, $0x38;
	[tilespmem:$0x1F600] =	vst v63  }
0xe2: {  	s1 =	sadd.s32 @!p2 s13, s12  }
0xe3: {  	s22 =	simm.s32 @!p2 $0x500;
	s1 =	sadd.s32 @!p2 $0x10, s1  }
0xe4: {  	[tilespmem:s22], [sflag:$0x3] =	stream.linear.gather @!p2 [hbm4b:s1+s28], $0x40, $0x38;
	[tilespmem:$0x1F600] =	vst v63  }
0xe5: {  	p2 =	sgt.u32 @!p1 s18, $0x139;
	_ =	swait.ge [sflag:s20], $0x100  }
0xe6: {  	p1 =	por p1, p2;
	[sflag:s20] =	ssyncset.done $0x0  }
.Ltmp6:
0xe7: {  	[sflag:s20] =	ssyncadd.s32 $0xFFFFFF00;
	(pc) =	sbr.rel @p1 .LBB2_7-.Ltmp6, $4  }
0xe8: {  	_ =	swait.ge [sflag:s20], $0x40  }
0xe9: {  	[sflag:s20] =	ssyncset.done $0x0  }
0xea: {  	s22 =	simm.s32 $0x480;
	s28 =	simm.s32 $0x180;
	[sflag:s20] =	ssyncadd.s32 $0xFFFFFFC0  }
0xeb: {  	[spmem:s4] =	stream.indirect.scatter.add.f32 [tilespmem:s22], [sflag:$0xA], $0x1, s28, s17, $0xb8;
	[tilespmem:$0x1F600] =	vst v63  }
0xec: {  	_ =	swait.ge [sflag:s14], $0x40  }
0xed: {  	[sflag:s14] =	ssyncset.done $0x0  }
0xee: {  	s1 =	sadd.s32 s13, s12;
	[sflag:s14] =	ssyncadd.s32 $0xFFFFFFC0  }
0xef: {  	[tilespmem:s31], [sflag:$0x4] =	stream.linear.gather [hbm4b:s21+s6], $0x100, $0x38;
	[tilespmem:$0x1F600] =	vst v63  }
0xf0: {  	s1 =	sadd.s32 $0x18, s1  }
0xf1: {  	[tilespmem:s3], [sflag:$0x4] =	stream.linear.gather [hbm4b:s1+s6], $0x40, $0x38;
	[tilespmem:$0x1F600] =	vst v63  }
.LBB2_8:
0xf2: {  	_ =	swait.ge [sflag:s10], $0x100  }
0xf3: {  	[sflag:s10] =	ssyncset.done $0x0  }
0xf4: {  	[sflag:s10] =	ssyncadd.s32 $0xFFFFFF00  }
0xf5: {  	_ =	swait.ge [sflag:s10], $0x40  }
0xf6: {  	[sflag:s10] =	ssyncset.done $0x0  }
0xf7: {  	s1 =	simm.s32 $0x500;
	s11 =	simm.s32 $0x280;
	[sflag:s10] =	ssyncadd.s32 $0xFFFFFFC0  }
0xf8: {  	[spmem:s4] =	stream.indirect.scatter.add.f32 [tilespmem:s1], [sflag:$0xB], $0x1, s11, s17, $0xb8;
	[tilespmem:$0x1F600] =	vst v63  }
.LBB2_9:
0xf9: {  	p1 =	sgt.u32 s30, $0x4D  }
.Ltmp7:
0xfa: {  	_ = 	snop;
	(pc) =	sbr.rel @p1 .LBB2_11-.Ltmp7, $1  }
0xfb: {  	_ =	sdelay $0x3  }
0xfc: {  	_ =	swait.ge [sflag:s5], $0x40;
	p2 =	slt.u32 s18, $0x13A  }
.Ltmp8:
0xfd: {  	s1 =	sadd.s32 $0x20, s21;
	[sflag:s5] =	ssyncset.done $0x0;
	(pc) =	sbr.rel @p2 .LBB2_12-.Ltmp8, $4  }
.Ltmp9:
0xfe: {  	s28 =	sadd.s32 s13, s12;
	[sflag:s5] =	ssyncadd.s32 $0xFFFFFFC0;
	(pc) =	sbr.rel @!p2 .LBB2_13-.Ltmp9, $4  }
0xff: {  	[tilespmem:s6], [sflag:$0x1] =	stream.linear.gather [hbm4b:s1+s6], $0x100, $0x38;
	[tilespmem:$0x1F600] =	vst v63  }
0x100: {  	s1 =	sadd.s32 $0x20, s28  }
0x101: {  	[tilespmem:s26], [sflag:$0x1] =	stream.linear.gather [hbm4b:s1+s6], $0x40, $0x38;
	[tilespmem:$0x1F600] =	vst v63  }
0x102: {  	_ = 	snop  }
.LBB2_11:
0x103: {  	p2 =	sgt.u32 s18, $0x139  }
.Ltmp10:
0x104: {  	_ = 	snop;
	(pc) =	sbr.rel @p2 .LBB2_14-.Ltmp10, $1  }
0x105: {  	_ =	sdelay $0x3  }
.LBB2_12:
0x106: {  	_ =	swait.ge [sflag:s29], $0x100  }
0x107: {  	[sflag:s29] =	ssyncset.done $0x0  }
.Ltmp11:
0x108: {  	[sflag:s29] =	ssyncadd.s32 $0xFFFFFF00;
	(pc) =	sbr.rel @p1 .LBB2_14-.Ltmp11, $4  }
.Ltmp12:
0x109: {  	_ =	swait.ge [sflag:s29], $0x40;
	(pc) =	sbr.rel @!p1 .LBB2_13-.Ltmp12, $4  }
0x10a: {  	[sflag:s29] =	ssyncset.done $0x0  }
0x10b: {  	s1 =	simm.s32 $0x380;
	[sflag:s29] =	ssyncadd.s32 $0xFFFFFFC0  }
0x10c: {  	[spmem:s4] =	stream.indirect.scatter.add.f32 [tilespmem:s3], [sflag:$0xC], $0x1, s1, s17, $0xb8;
	[tilespmem:$0x1F600] =	vst v63  }
0x10d: {  	_ = 	snop  }
.LBB2_7:
0x10e: {  	p1 =	sgt.u32 s11, $0x139  }
.Ltmp13:
0x10f: {  	_ = 	snop;
	(pc) =	sbr.rel @p1 .LBB2_9-.Ltmp13, $4  }
.Ltmp14:
0x110: {  	_ = 	snop;
	(pc) =	sbr.rel @!p1 .LBB2_8-.Ltmp14, $4  }
0x111: {  	_ = 	snop  }
0x112: {  	_ = 	snop  }
0x113: {  	_ = 	snop  }
0x114: {  	_ = 	snop  }
.LBB2_15:
0x115: {  	_ =	swait.ge [sflag:s5], $0x40  }
0x116: {  	[sflag:s5] =	ssyncset.done $0x0  }
0x117: {  	s1 =	simm.s32 $0xA;
	[sflag:s5] =	ssyncadd.s32 $0xFFFFFFC0  }
0x118: {  	_ =	swait.ge [sflag:s1], $0x40  }
0x119: {  	[sflag:s1] =	ssyncset.done $0x0  }
0x11a: {  	s28 =	simm.s32 $0xB;
	[sflag:s1] =	ssyncadd.s32 $0xFFFFFFC0  }
0x11b: {  	_ =	swait.ge [sflag:s28], $0x40  }
0x11c: {  	[sflag:s28] =	ssyncset.done $0x0  }
0x11d: {  	[sflag:s28] =	ssyncadd.s32 $0xFFFFFFC0  }
0x11e: {  	_ =	swait.ge [sflag:s14], $0x40  }
0x11f: {  	[sflag:s14] =	ssyncset.done $0x0  }
0x120: {  	[sflag:s14] =	ssyncadd.s32 $0xFFFFFFC0  }
0x121: {  	[bflag:$0x0] =	sbarrier.arrive $0xFFFF  }
0x122: {  	s11 =	simm.s32 $0xAE80;
	s18 =	simm.s32 $0xD;
	s30 =	rddreg [dreg:$0x6]  }
0x123: {  	[tilespmem:s11], [sflag:$0xD] =	stream.linear.gather [spmem:s30], $0x280, $0x38;
	[tilespmem:$0x1F600] =	vst v63  }
0x124: {  	_ =	swait.ge [sflag:s18], $0x280  }
0x125: {  	[sflag:s18] =	ssyncset.done $0x0  }
0x126: {  	s13 =	simm.s32 $0x40;
	s11 =	simm.s32 $0x0;
	[sflag:s18] =	ssyncadd.s32 $0xFFFFFD80  }
.LBB2_16:
0x127: {  	p1 =	sne.s32 s13, $0x9C0;
	v2 =	vld [tilespmem:s11+$0xAE80];
	_ =	sdelay $0x4  }
0x128: {  	v3 =	vshrl.u32 v2, $0x1;
	v2 =	vmul.f32 $5.000000000e-01, v2  }
0x129: {  	v3 =	vsub.s32 $0x5F3759DF, v3  }
0x12a: {  	v4 =	vmul.f32 v3, v2;
	_ =	sdelay $0x1  }
0x12b: {  	v4 =	vmul.f32 v3, v4;
	_ =	sdelay $0x1  }
0x12c: {  	v4 =	vsub.f32 $1.500000000e+00, v4;
	_ =	sdelay $0x1  }
0x12d: {  	v3 =	vmul.f32 v3, v4;
	_ =	sdelay $0x1  }
0x12e: {  	v4 =	vmul.f32 v3, v2;
	_ =	sdelay $0x1  }
0x12f: {  	v4 =	vmul.f32 v4, v3;
	_ =	sdelay $0x1  }
0x130: {  	v4 =	vsub.f32 $1.500000000e+00, v4;
	_ =	sdelay $0x1  }
0x131: {  	v3 =	vmul.f32 v4, v3;
	_ =	sdelay $0x1  }
0x132: {  	v2 =	vmul.f32 v3, v2;
	_ =	sdelay $0x1  }
0x133: {  	v2 =	vmul.f32 v2, v3;
	_ =	sdelay $0x1  }
.Ltmp15:
0x134: {  	v2 =	vsub.f32 $1.500000000e+00, v2;
	(pc) =	sbr.rel @p1 .LBB2_16-.Ltmp15, $3  }
0x135: {  	_ = 	snop  }
0x136: {  	v2 =	vmul.f32 v2, v3;
	_ =	sdelay $0x1  }
0x137: {  	[tilespmem:s11+$0xAE80] =	vst v2;
	s11 =	sshra.s32 s13, $0x2;
	s13 =	sadd.s32 $0x40, s13  }
0x138: {  	v2 =	vld [tilespmem:s11+$0xAE80];
	_ =	sdelay $0x4  }
0x139: {  	v3 =	vshrl.u32 v2, $0x1;
	v2 =	vmul.f32 $5.000000000e-01, v2  }
0x13a: {  	v3 =	vsub.s32 $0x5F3759DF, v3  }
0x13b: {  	v4 =	vmul.f32 v3, v2;
	_ =	sdelay $0x1  }
0x13c: {  	v4 =	vmul.f32 v3, v4;
	_ =	sdelay $0x1  }
0x13d: {  	v4 =	vsub.f32 $1.500000000e+00, v4;
	_ =	sdelay $0x1  }
0x13e: {  	v3 =	vmul.f32 v3, v4;
	_ =	sdelay $0x1  }
0x13f: {  	v4 =	vmul.f32 v3, v2;
	_ =	sdelay $0x1  }
0x140: {  	v4 =	vmul.f32 v4, v3;
	_ =	sdelay $0x1  }
0x141: {  	v4 =	vsub.f32 $1.500000000e+00, v4;
	_ =	sdelay $0x1  }
0x142: {  	v3 =	vmul.f32 v4, v3;
	_ =	sdelay $0x1  }
0x143: {  	v2 =	vmul.f32 v3, v2;
	_ =	sdelay $0x1  }
0x144: {  	v2 =	vmul.f32 v2, v3;
	_ =	sdelay $0x1  }
0x145: {  	v2 =	vsub.f32 $1.500000000e+00, v2;
	_ =	sdelay $0x1  }
0x146: {  	v2 =	vmul.f32 v2, v3;
	_ =	sdelay $0x1  }
0x147: {  	s1 =	rddreg [dreg:$0xf];
	s28 =	simm.s32 $0xAE80;
	[tilespmem:s11+$0xAE80] =	vst v2  }
0x148: {  	[spmem:s1] =	stream.linear.scatter [tilespmem:s28], [sflag:$0xD], $0x280, $0x38;
	[tilespmem:$0x1F600] =	vst v63  }
0x149: {  	_ =	swait.ge [sflag:s18], $0x280  }
0x14a: {  	s11 =	simm.s32 @!p0 $0xAE80;
	[sflag:s18] =	ssyncset.done $0x0  }
0x14b: {  	s1 =	simm.s32 @!p0 $0x0;
	s13 =	rddreg [dreg:$0x10];
	[sflag:s18] =	ssyncadd.s32 $0xFFFFFD80  }
0x14c: {  	[hbm4b:s13+s1] =	stream.linear.scatter @!p0 [tilespmem:s11], [sflag:$0xD], $0x280, $0x38;
	[tilespmem:$0x1F600] =	vst v63  }
0x14d: {  	s1 =	simm.s32 @!p0 $0xD  }
0x14e: {  	_ =	swait.ge @!p0 [sflag:s1], $0x280  }
0x14f: {  	[sflag:s1] =	ssyncset.done @!p0 $0x0  }
0x150: {  	[sflag:s1] =	ssyncadd.s32 @!p0 $0xFFFFFD80  }
0x151: {  	[bflag:$0x0] =	sbarrier.arrive $0xFFFF  }
0x152: {  	s30 =	rddreg [dreg:$0x4]  }
0x153: {  	[tilespmem:s15], [sflag:$0xD] =	stream.linear.gather [spmem:s30], $0x2800, $0x38;
	[tilespmem:$0x1F600] =	vst v63  }
0x154: {  	_ =	swait.ge [sflag:s18], $0x2800  }
0x155: {  	[sflag:s18] =	ssyncset.done $0x0  }
0x156: {  	s13 =	simm.s32 $0x0;
	s11 =	rddreg [dreg:$0x11];
	[sflag:s18] =	ssyncadd.s32 $0xFFFFD800  }
0x157: {  	[tilespmem:s13], [sflag:$0x1] =	stream.linear.gather [hbm4b:s11+s13], $0x100, $0x38;
	[tilespmem:$0x1F600] =	vst v63  }
0x158: {  	s18 =	rddreg [dreg:$0x12]  }
0x159: {  	[tilespmem:s26], [sflag:$0x1] =	stream.linear.gather [hbm4b:s18+s13], $0x40, $0x38;
	[tilespmem:$0x1F600] =	vst v63  }
0x15a: {  	s22 =	simm.s32 $0x100;
	s21 =	rddreg [dreg:$0x13]  }
0x15b: {  	[tilespmem:s22], [sflag:$0x2] =	stream.linear.gather [hbm4b:s21+s13], $0x100, $0x38;
	[tilespmem:$0x1F600] =	vst v63  }
0x15c: {  	s30 =	simm.s32 $0x480;
	s28 =	rddreg [dreg:$0x14]  }
0x15d: {  	[tilespmem:s30], [sflag:$0x2] =	stream.linear.gather [hbm4b:s28+s13], $0x40, $0x38;
	[tilespmem:$0x1F600] =	vst v63  }
0x15e: {  	s11 =	rddreg [dreg:$0x15];
	s18 =	simm.s32 $0x200  }
0x15f: {  	[tilespmem:s18], [sflag:$0x3] =	stream.linear.gather [hbm4b:s11+s13], $0x100, $0x38;
	[tilespmem:$0x1F600] =	vst v63  }
0x160: {  	s21 =	rddreg [dreg:$0x16];
	s22 =	simm.s32 $0x500  }
0x161: {  	[tilespmem:s22], [sflag:$0x3] =	stream.linear.gather [hbm4b:s21+s13], $0x40, $0x38;
	[tilespmem:$0x1F600] =	vst v63  }
0x162: {  	s28 =	rddreg [dreg:$0x17]  }
0x163: {  	[tilespmem:s31], [sflag:$0x4] =	stream.linear.gather [hbm4b:s28+s13], $0x100, $0x38;
	[tilespmem:$0x1F600] =	vst v63  }
0x164: {  	s30 =	rddreg [dreg:$0x18]  }
0x165: {  	[tilespmem:s3], [sflag:$0x4] =	stream.linear.gather [hbm4b:s30+s13], $0x40, $0x38;
	[tilespmem:$0x1F600] =	vst v63  }
.LBB2_18:
0x166: {  	p1 =	seq.s32 s13, $0x28  }
.Ltmp16:
0x167: {  	_ = 	snop;
	(pc) =	sbr.rel @p1 .LBB2_44-.Ltmp16, $1  }
0x168: {  	_ =	sdelay $0x3  }
0x169: {  	s21 =	sshll.u32 s13, $0x2  }
0x16a: {  	_ =	swait.ge [sflag:s16], $0x100;
	s1 =	sadd.s32 $0xFFFFFFFF, s21  }
0x16b: {  	[sflag:s16] =	ssyncset.done $0x0;
	p1 =	sgt.u32 s1, $0x9C  }
.Ltmp17:
0x16c: {  	[sflag:s16] =	ssyncadd.s32 $0xFFFFFF00;
	(pc) =	sbr.rel @p1 .LBB2_23-.Ltmp17, $4  }
0x16d: {  	_ =	swait.ge [sflag:s16], $0x40  }
0x16e: {  	[sflag:s16] =	ssyncset.done $0x0  }
0x16f: {  	[sflag:s16] =	ssyncadd.s32 $0xFFFFFFC0  }
0x170: {  	[tilespmem:s24], [sflag:$0x5] =	stream.indirect.gather [hbm4b:s0+s17], $0x80, s6, s17, $0xb8;
	[tilespmem:$0x1F600] =	vst v63  }
0x171: {  	s1 =	simm.s32 $0x8  }
0x172: {  	_ =	swait.ge [sflag:s1], $0x2000  }
0x173: {  	[sflag:s1] =	ssyncset.done $0x0  }
0x174: {  	[sflag:s1] =	ssyncadd.s32 $0xFFFFE000  }
0x175: {  	v2 =	vld [tilespmem:$0x300];
	_ =	sdelay $0x1  }
0x176: {  	v3 =	vld [tilespmem:$0x380];
	_ =	sdelay $0x4  }
0x177: {  	v4 =	vld [tilespmem:$0x580]  }
0x178: {  	v2 =	vld.idx.msk [tilespmem:v2+s15+$0x0], $0xffff  }
0x179: {  	v5 =	vld [tilespmem:$0x310]  }
0x17a: {  	v3 =	vld.idx.msk [tilespmem:v3+s15+$0x0], $0xffff  }
0x17b: {  	v6 =	vld [tilespmem:$0x390];
	_ =	sdelay $0x1  }
0x17c: {  	v2 =	vmul.f32 v4, v2;
	_ =	sdelay $0x1  }
0x17d: {  	v2 =	vmul.f32 v2, v3;
	_ =	sdelay $0x1  }
0x17e: {  	v3 =	vld [tilespmem:$0x590];
	[tilespmem:$0x600] =	vst v2  }
0x17f: {  	v2 =	vld.idx.msk [tilespmem:v5+s15+$0x0], $0xffff  }
0x180: {  	v4 =	vld.idx.msk [tilespmem:v6+s15+$0x0], $0xffff  }
0x181: {  	v5 =	vld [tilespmem:$0x320];
	_ =	sdelay $0x1  }
0x182: {  	v6 =	vld [tilespmem:$0x3A0]  }
0x183: {  	v2 =	vmul.f32 v3, v2;
	_ =	sdelay $0x1  }
0x184: {  	v2 =	vmul.f32 v2, v4;
	_ =	sdelay $0x1  }
0x185: {  	v3 =	vld [tilespmem:$0x5A0];
	[tilespmem:$0x610] =	vst v2  }
0x186: {  	v2 =	vld.idx.msk [tilespmem:v5+s15+$0x0], $0xffff;
	_ =	sdelay $0x1  }
0x187: {  	v4 =	vld.idx.msk [tilespmem:v6+s15+$0x0], $0xffff  }
0x188: {  	v5 =	vld [tilespmem:$0x330];
	_ =	sdelay $0x1  }
0x189: {  	v2 =	vmul.f32 v3, v2;
	v3 =	vld [tilespmem:$0x3B0];
	_ =	sdelay $0x2  }
0x18a: {  	v2 =	vmul.f32 v2, v4;
	_ =	sdelay $0x1  }
0x18b: {  	v4 =	vld [tilespmem:$0x5B0];
	[tilespmem:$0x620] =	vst v2  }
0x18c: {  	v2 =	vld.idx.msk [tilespmem:v5+s15+$0x0], $0xffff;
	_ =	sdelay $0x1  }
0x18d: {  	v3 =	vld.idx.msk [tilespmem:v3+s15+$0x0], $0xffff;
	_ =	sdelay $0x2  }
0x18e: {  	v2 =	vmul.f32 v4, v2;
	_ =	sdelay $0x1  }
0x18f: {  	s11 =	simm.s32 $0x0;
	v2 =	vmul.f32 v2, v3  }
0x190: {  	v3 =	vmov s11  }
0x191: {  	s18 =	simm.s32 $0x0;
	[tilespmem:$0x630] =	vst v2  }
0x192: {  	v10 =	vld [tilespmem:s18+$0x66A0]  }
0x193: {  	v9 =	vld [tilespmem:s18+$0x6680]  }
0x194: {  	v5 =	vld [tilespmem:s18+$0x66D0]  }
0x195: {  	v2 =	vld.idx.msk [tilespmem:v3+s19+$0x0], $0xffff  }
0x196: {  	v6 =	vld [tilespmem:s18+$0x66B0]  }
0x197: {  	v4 =	vld [tilespmem:s18+$0x66E0]  }
0x198: {  	v7 =	vld [tilespmem:s18+$0x66C0]  }
0x199: {  	v8 =	vld [tilespmem:s18+$0x66F0]  }
0x19a: {  	s30 =	simm.s32 $0x200;
	v3 =	vld [tilespmem:s18+$0x6690];
	v9 =	vmul.f32 v9, v2;
	v10 =	vmul.f32 v10, v2  }
.LBB2_21:
0x19b: {  	p1 =	sne.s32 s30, $0x7E00  }
0x19c: {  	v6 =	vmul.f32 v6, v2;
	v5 =	vmul.f32 v5, v2;
	s11 =	sadd.s32 $0x1, s11;
	s1 =	smov.u32 s30;
	s30 =	sadd.s32 $0x200, s30  }
0x19d: {  	v4 =	vmul.f32 v4, v2;
	[tilespmem:s18+$0x66A0] =	vst v10;
	v7 =	vmul.f32 v7, v2  }
0x19e: {  	[tilespmem:s18+$0x6680] =	vst v9;
	v8 =	vmul.f32 v8, v2  }
0x19f: {  	v9 =	vmov s11;
	[tilespmem:s18+$0x66D0] =	vst v5  }
0x1a0: {  	s1 =	sshra.s32 s1, $0x2;
	[tilespmem:s18+$0x66F0] =	vst v8  }
0x1a1: {  	v2 =	vmul.f32 v3, v2;
	v10 =	vld [tilespmem:s1+$0x66A0];
	[tilespmem:s18+$0x66B0] =	vst v6  }
0x1a2: {  	v11 =	vld [tilespmem:s1+$0x6680];
	[tilespmem:s18+$0x66C0] =	vst v7  }
0x1a3: {  	v5 =	vld [tilespmem:s1+$0x66D0];
	[tilespmem:s18+$0x66E0] =	vst v4  }
0x1a4: {  	v6 =	vld [tilespmem:s1+$0x66B0];
	[tilespmem:s18+$0x6690] =	vst v2;
	s18 =	smov.u32 s1  }
0x1a5: {  	v2 =	vld.idx.msk [tilespmem:v9+s19+$0x0], $0xffff  }
0x1a6: {  	v4 =	vld [tilespmem:s18+$0x66E0]  }
.Ltmp18:
0x1a7: {  	v3 =	vld [tilespmem:s18+$0x6690];
	(pc) =	sbr.rel @p1 .LBB2_21-.Ltmp18, $3  }
0x1a8: {  	v7 =	vld [tilespmem:s18+$0x66C0]  }
0x1a9: {  	v8 =	vld [tilespmem:s18+$0x66F0];
	_ =	sdelay $0x1  }
0x1aa: {  	v9 =	vmul.f32 v11, v2;
	v10 =	vmul.f32 v10, v2  }
0x1ab: {  	_ = 	snop  }
0x1ac: {  	v5 =	vmul.f32 v5, v2;
	[tilespmem:s18+$0x66A0] =	vst v10  }
0x1ad: {  	v6 =	vmul.f32 v6, v2;
	[tilespmem:s18+$0x6680] =	vst v9  }
0x1ae: {  	v4 =	vmul.f32 v4, v2;
	[tilespmem:s18+$0x66D0] =	vst v5  }
0x1af: {  	v63 =	vmul.f32 v7, v2;
	[tilespmem:s18+$0x66B0] =	vst v6  }
0x1b0: {  	v8 =	vmul.f32 v8, v2;
	[tilespmem:s18+$0x66E0] =	vst v4  }
0x1b1: {  	v2 =	vmul.f32 v3, v2;
	[tilespmem:s18+$0x66C0] =	vst v63  }
0x1b2: {  	[tilespmem:s18+$0x66F0] =	vst v8  }
0x1b3: {  	s1 =	simm.s32 $0x380;
	s11 =	simm.s32 $0x6680;
	[tilespmem:s18+$0x6690] =	vst v2  }
0x1b4: {  	[spmem:s2] =	stream.indirect.scatter.add.f32 [tilespmem:s11], [sflag:$0xC], $0x80, s1, s17, $0xb8;
	[tilespmem:$0x1F600] =	vst v63  }
.LBB2_23:
0x1b5: {  	p1 =	seq.s32 s13, $0x0;
	s30 =	sor.u32 $0x2, s21  }
0x1b6: {  	p2 =	sgt.u32 @!p1 s30, $0x9C  }
0x1b7: {  	p2 =	por p2, p1  }
0x1b8: {  	s1 =	simm.s32 @!p2 $0xB  }
0x1b9: {  	s11 =	sadd.s32 @!p2 s21, s23;
	_ =	swait.ge @!p2 [sflag:s1], $0x2000  }
0x1ba: {  	s18 =	sshll.u32 @!p2 s11, $0x5;
	[sflag:s1] =	ssyncset.done @!p2 $0x0  }
0x1bb: {  	[sflag:s1] =	ssyncadd.s32 @!p2 $0xFFFFE000;
	s1 =	sand.u32 @!p2 $0x1FFFFFE0, s18  }
0x1bc: {  	s22 =	simm.s32 @!p2 $0x200;
	s18 =	simm.s32 @!p2 $0x0;
	s1 =	sadd.s32 @!p2 s7, s1  }
0x1bd: {  	[tilespmem:s22], [sflag:$0x3] =	stream.linear.gather @!p2 [hbm4b:s1+s18], $0x100, $0x38;
	[tilespmem:$0x1F600] =	vst v63  }
0x1be: {  	s1 =	sshll.u32 @!p2 s11, $0x3  }
0x1bf: {  	s1 =	sand.u32 @!p2 $0x1FFFFFF8, s1  }
0x1c0: {  	s11 =	simm.s32 @!p2 $0x500;
	s1 =	sadd.s32 @!p2 s8, s1  }
0x1c1: {  	[tilespmem:s11], [sflag:$0x3] =	stream.linear.gather @!p2 [hbm4b:s1+s18], $0x40, $0x38;
	[tilespmem:$0x1F600] =	vst v63  }
0x1c2: {  	s18 =	sor.u32 $0x1, s21  }
0x1c3: {  	p3 =	sgt.u32 s18, $0x9C  }
0x1c4: {  	s1 =	simm.s32 @!p3 $0x2  }
0x1c5: {  	_ =	swait.ge @!p3 [sflag:s1], $0x100  }
0x1c6: {  	[sflag:s1] =	ssyncset.done @!p3 $0x0  }
0x1c7: {  	[sflag:s1] =	ssyncadd.s32 @!p3 $0xFFFFFF00  }
0x1c8: {  	_ =	swait.ge @!p3 [sflag:s1], $0x40  }
0x1c9: {  	s11 =	simm.s32 @!p3 $0x100;
	[sflag:s1] =	ssyncset.done @!p3 $0x0  }
0x1ca: {  	s22 =	simm.s32 @!p3 $0x2680;
	[sflag:s1] =	ssyncadd.s32 @!p3 $0xFFFFFFC0;
	s1 =	simm.s32 @!p3 $0x40  }
0x1cb: {  	[tilespmem:s22], [sflag:$0x6] =	stream.indirect.gather @!p3 [hbm4b:s0+s1], $0x80, s11, s1, $0xb8;
	[tilespmem:$0x1F600] =	vst v63  }
0x1cc: {  	_ =	swait.ge [sflag:s25], $0x2000  }
0x1cd: {  	[sflag:s25] =	ssyncset.done $0x0  }
0x1ce: {  	[sflag:s25] =	ssyncadd.s32 $0xFFFFE000  }
0x1cf: {  	v2 =	vld [tilespmem:$0x0];
	_ =	sdelay $0x1  }
0x1d0: {  	v3 =	vld [tilespmem:$0x80];
	_ =	sdelay $0x4  }
0x1d1: {  	v4 =	vld [tilespmem:$0x400]  }
0x1d2: {  	v2 =	vld.idx.msk [tilespmem:v2+s15+$0x0], $0xffff  }
0x1d3: {  	v5 =	vld [tilespmem:$0x10]  }
0x1d4: {  	v3 =	vld.idx.msk [tilespmem:v3+s15+$0x0], $0xffff  }
0x1d5: {  	v6 =	vld [tilespmem:$0x90];
	_ =	sdelay $0x1  }
0x1d6: {  	v2 =	vmul.f32 v4, v2;
	_ =	sdelay $0x1  }
0x1d7: {  	v2 =	vmul.f32 v2, v3;
	_ =	sdelay $0x1  }
0x1d8: {  	v3 =	vld [tilespmem:$0x410];
	[tilespmem:$0x600] =	vst v2  }
0x1d9: {  	v2 =	vld.idx.msk [tilespmem:v5+s15+$0x0], $0xffff  }
0x1da: {  	v4 =	vld.idx.msk [tilespmem:v6+s15+$0x0], $0xffff  }
0x1db: {  	v5 =	vld [tilespmem:$0x20];
	_ =	sdelay $0x1  }
0x1dc: {  	v6 =	vld [tilespmem:$0xA0]  }
0x1dd: {  	v2 =	vmul.f32 v3, v2;
	_ =	sdelay $0x1  }
0x1de: {  	v2 =	vmul.f32 v2, v4;
	_ =	sdelay $0x1  }
0x1df: {  	v3 =	vld [tilespmem:$0x420];
	[tilespmem:$0x610] =	vst v2  }
0x1e0: {  	v2 =	vld.idx.msk [tilespmem:v5+s15+$0x0], $0xffff;
	_ =	sdelay $0x1  }
0x1e1: {  	v4 =	vld.idx.msk [tilespmem:v6+s15+$0x0], $0xffff  }
0x1e2: {  	v5 =	vld [tilespmem:$0x30];
	_ =	sdelay $0x1  }
0x1e3: {  	v2 =	vmul.f32 v3, v2;
	v3 =	vld [tilespmem:$0xB0];
	_ =	sdelay $0x2  }
0x1e4: {  	v2 =	vmul.f32 v2, v4;
	_ =	sdelay $0x1  }
0x1e5: {  	v4 =	vld [tilespmem:$0x430];
	[tilespmem:$0x620] =	vst v2  }
0x1e6: {  	v2 =	vld.idx.msk [tilespmem:v5+s15+$0x0], $0xffff;
	_ =	sdelay $0x1  }
0x1e7: {  	v3 =	vld.idx.msk [tilespmem:v3+s15+$0x0], $0xffff;
	_ =	sdelay $0x2  }
0x1e8: {  	v2 =	vmul.f32 v4, v2;
	_ =	sdelay $0x1  }
0x1e9: {  	s22 =	simm.s32 $0x0;
	v2 =	vmul.f32 v2, v3  }
0x1ea: {  	v3 =	vmov s22  }
0x1eb: {  	s11 =	simm.s32 $0x6C0;
	[tilespmem:$0x630] =	vst v2  }
0x1ec: {  	v6 =	vld [tilespmem:s11+$0x30]  }
0x1ed: {  	v9 =	vld [tilespmem:s11+$0x10]  }
0x1ee: {  	v7 =	vld [tilespmem:s11+$0xFFFFFFC0]  }
0x1ef: {  	v3 =	vld.idx.msk [tilespmem:v3+s19+$0x0], $0xffff  }
0x1f0: {  	v11 =	vld [tilespmem:s11+$0xFFFFFFE0]  }
0x1f1: {  	v2 =	vld [tilespmem:s11+$0xFFFFFFF0]  }
0x1f2: {  	v4 =	vld [tilespmem:s11+$0x20]  }
0x1f3: {  	v5 =	vld [tilespmem:s11+$0xFFFFFFD0]  }
0x1f4: {  	v10 =	vmul.f32 v6, v3;
	v6 =	vld [tilespmem:s11+$0x0]  }
0x1f5: {  	v8 =	vmul.f32 v7, v3  }
0x1f6: {  	s28 =	simm.s32 $0x6C0;
	s22 =	simm.s32 $0x1;
	v7 =	vmul.f32 v11, v3;
	v9 =	vmul.f32 v9, v3  }
.LBB2_24:
0x1f7: {  	p2 =	sne.s32 s22, $0x3F  }
0x1f8: {  	v5 =	vmul.f32 v5, v3;
	v4 =	vmul.f32 v4, v3;
	[tilespmem:s11+$0x30] =	vst v10;
	s28 =	sadd.s32 $0x80, s28;
	s1 =	smov.u32 s22;
	s22 =	sadd.s32 $0x1, s22  }
0x1f9: {  	[tilespmem:s11+$0xFFFFFFC0] =	vst v8;
	v8 =	vmul.f32 v2, v3;
	v3 =	vmul.f32 v6, v3  }
0x1fa: {  	[tilespmem:s11+$0x10] =	vst v9  }
0x1fb: {  	v6 =	vmov s1;
	[tilespmem:s11+$0xFFFFFFE0] =	vst v7  }
0x1fc: {  	v2 =	vld [tilespmem:s28+$0xFFFFFFF0];
	[tilespmem:s11+$0xFFFFFFF0] =	vst v8  }
0x1fd: {  	v7 =	vld [tilespmem:s28+$0x30];
	[tilespmem:s11+$0x0] =	vst v3  }
0x1fe: {  	v9 =	vld [tilespmem:s28+$0x10];
	[tilespmem:s11+$0x20] =	vst v4  }
0x1ff: {  	v8 =	vld [tilespmem:s28+$0xFFFFFFC0];
	[tilespmem:s11+$0xFFFFFFD0] =	vst v5;
	s11 =	smov.u32 s28  }
0x200: {  	v3 =	vld.idx.msk [tilespmem:v6+s19+$0x0], $0xffff  }
0x201: {  	v11 =	vld [tilespmem:s28+$0xFFFFFFE0]  }
0x202: {  	v4 =	vld [tilespmem:s28+$0x20]  }
.Ltmp19:
0x203: {  	v5 =	vld [tilespmem:s28+$0xFFFFFFD0];
	(pc) =	sbr.rel @p2 .LBB2_24-.Ltmp19, $3  }
0x204: {  	v6 =	vld [tilespmem:s28+$0x0];
	_ =	sdelay $0x1  }
0x205: {  	v8 =	vmul.f32 v8, v3;
	v10 =	vmul.f32 v7, v3  }
0x206: {  	v9 =	vmul.f32 v9, v3;
	v7 =	vmul.f32 v11, v3  }
0x207: {  	[tilespmem:s11+$0x30] =	vst v10  }
0x208: {  	[tilespmem:s11+$0xFFFFFFC0] =	vst v8;
	s21 =	sor.u32 $0x3, s21  }
0x209: {  	v2 =	vmul.f32 v2, v3;
	[tilespmem:s11+$0x10] =	vst v9;
	p2 =	sgt.u32 @!p1 s21, $0x9C  }
0x20a: {  	v4 =	vmul.f32 v4, v3;
	[tilespmem:s11+$0xFFFFFFE0] =	vst v7;
	p1 =	por p1, p2  }
.Ltmp20:
0x20b: {  	v6 =	vmul.f32 v6, v3;
	[tilespmem:s11+$0xFFFFFFF0] =	vst v2;
	(pc) =	sbr.rel @p1 .LBB2_27-.Ltmp20, $4  }
0x20c: {  	v2 =	vmul.f32 v5, v3;
	[tilespmem:s11+$0x20] =	vst v4  }
0x20d: {  	[tilespmem:s11+$0x0] =	vst v6  }
0x20e: {  	[tilespmem:s11+$0xFFFFFFD0] =	vst v2  }
0x20f: {  	[spmem:s2] =	stream.indirect.scatter.add.f32 [tilespmem:s24], [sflag:$0x9], $0x80, s9, s17, $0xb8;
	[tilespmem:$0x1F600] =	vst v63  }
0x210: {  	s1 =	sadd.s32 s18, s23  }
0x211: {  	_ =	swait.ge [sflag:s14], $0x2000;
	s11 =	sshll.u32 s1, $0x5  }
0x212: {  	[sflag:s14] =	ssyncset.done $0x0;
	s1 =	sshll.u32 s1, $0x3;
	s11 =	sand.u32 $0x1FFFFFE0, s11  }
0x213: {  	[sflag:s14] =	ssyncadd.s32 $0xFFFFE000;
	s1 =	sand.u32 $0x1FFFFFF8, s1;
	s11 =	sadd.s32 s7, s11  }
0x214: {  	[tilespmem:s31], [sflag:$0x4] =	stream.linear.gather [hbm4b:s11+s6], $0x100, $0x38;
	[tilespmem:$0x1F600] =	vst v63  }
0x215: {  	s1 =	sadd.s32 s8, s1  }
0x216: {  	[tilespmem:s3], [sflag:$0x4] =	stream.linear.gather [hbm4b:s1+s6], $0x40, $0x38;
	[tilespmem:$0x1F600] =	vst v63  }
.LBB2_28:
0x217: {  	_ =	swait.ge [sflag:s10], $0x100  }
0x218: {  	p3 =	slt.u32 s18, $0x9D;
	[sflag:s10] =	ssyncset.done $0x0  }
.Ltmp21:
0x219: {  	[sflag:s10] =	ssyncadd.s32 $0xFFFFFF00;
	(pc) =	sbr.rel @!p3 .LBB2_33-.Ltmp21, $4  }
0x21a: {  	_ =	swait.ge [sflag:s10], $0x40  }
0x21b: {  	s1 =	simm.s32 $0x200;
	s11 =	simm.s32 $0x4680;
	[sflag:s10] =	ssyncset.done $0x0  }
0x21c: {  	p2 =	slt.u32 s21, $0x9D;
	p1 =	por $0x1, $0x1;
	[sflag:s10] =	ssyncadd.s32 $0xFFFFFFC0  }
0x21d: {  	[tilespmem:s11], [sflag:$0x7] =	stream.indirect.gather [hbm4b:s0+s17], $0x80, s1, s17, $0xb8;
	[tilespmem:$0x1F600] =	vst v63  }
.LBB2_30:
0x21e: {  	s1 =	simm.s32 $0x6  }
0x21f: {  	_ =	swait.ge [sflag:s1], $0x2000  }
0x220: {  	[sflag:s1] =	ssyncset.done $0x0  }
0x221: {  	[sflag:s1] =	ssyncadd.s32 $0xFFFFE000  }
0x222: {  	v2 =	vld [tilespmem:$0x100];
	_ =	sdelay $0x1  }
0x223: {  	v3 =	vld [tilespmem:$0x180];
	_ =	sdelay $0x4  }
0x224: {  	v4 =	vld [tilespmem:$0x480]  }
0x225: {  	v2 =	vld.idx.msk [tilespmem:v2+s15+$0x0], $0xffff  }
0x226: {  	v5 =	vld [tilespmem:$0x110]  }
0x227: {  	v3 =	vld.idx.msk [tilespmem:v3+s15+$0x0], $0xffff  }
0x228: {  	v6 =	vld [tilespmem:$0x190];
	_ =	sdelay $0x1  }
0x229: {  	v2 =	vmul.f32 v4, v2;
	_ =	sdelay $0x1  }
0x22a: {  	v2 =	vmul.f32 v2, v3;
	_ =	sdelay $0x1  }
0x22b: {  	v3 =	vld [tilespmem:$0x490];
	[tilespmem:$0x600] =	vst v2  }
0x22c: {  	v2 =	vld.idx.msk [tilespmem:v5+s15+$0x0], $0xffff  }
0x22d: {  	v4 =	vld.idx.msk [tilespmem:v6+s15+$0x0], $0xffff  }
0x22e: {  	v5 =	vld [tilespmem:$0x120];
	_ =	sdelay $0x1  }
0x22f: {  	v6 =	vld [tilespmem:$0x1A0]  }
0x230: {  	v2 =	vmul.f32 v3, v2;
	_ =	sdelay $0x1  }
0x231: {  	v2 =	vmul.f32 v2, v4;
	_ =	sdelay $0x1  }
0x232: {  	v3 =	vld [tilespmem:$0x4A0];
	[tilespmem:$0x610] =	vst v2  }
0x233: {  	v2 =	vld.idx.msk [tilespmem:v5+s15+$0x0], $0xffff;
	_ =	sdelay $0x1  }
0x234: {  	v4 =	vld.idx.msk [tilespmem:v6+s15+$0x0], $0xffff  }
0x235: {  	v5 =	vld [tilespmem:$0x130];
	_ =	sdelay $0x1  }
0x236: {  	v2 =	vmul.f32 v3, v2;
	v3 =	vld [tilespmem:$0x1B0];
	_ =	sdelay $0x2  }
0x237: {  	v2 =	vmul.f32 v2, v4;
	_ =	sdelay $0x1  }
0x238: {  	v4 =	vld [tilespmem:$0x4B0];
	[tilespmem:$0x620] =	vst v2  }
0x239: {  	v2 =	vld.idx.msk [tilespmem:v5+s15+$0x0], $0xffff;
	_ =	sdelay $0x1  }
0x23a: {  	v3 =	vld.idx.msk [tilespmem:v3+s15+$0x0], $0xffff;
	_ =	sdelay $0x2  }
0x23b: {  	v2 =	vmul.f32 v4, v2;
	_ =	sdelay $0x1  }
0x23c: {  	s28 =	simm.s32 $0x0;
	v2 =	vmul.f32 v2, v3  }
0x23d: {  	v3 =	vmov s28  }
0x23e: {  	s11 =	simm.s32 $0x26F0;
	[tilespmem:$0x630] =	vst v2  }
0x23f: {  	v6 =	vld [tilespmem:s11+$0x0]  }
0x240: {  	v9 =	vld [tilespmem:s11+$0xFFFFFFE0]  }
0x241: {  	v7 =	vld [tilespmem:s11+$0xFFFFFF90]  }
0x242: {  	v2 =	vld.idx.msk [tilespmem:v3+s19+$0x0], $0xffff  }
0x243: {  	v11 =	vld [tilespmem:s11+$0xFFFFFFB0]  }
0x244: {  	v4 =	vld [tilespmem:s11+$0xFFFFFFC0]  }
0x245: {  	v5 =	vld [tilespmem:s11+$0xFFFFFFA0]  }
0x246: {  	v3 =	vld [tilespmem:s11+$0xFFFFFFF0]  }
0x247: {  	v10 =	vmul.f32 v6, v2;
	v6 =	vld [tilespmem:s11+$0xFFFFFFD0]  }
0x248: {  	v8 =	vmul.f32 v7, v2  }
0x249: {  	s18 =	simm.s32 $0x1;
	s22 =	simm.s32 $0x26F0;
	v7 =	vmul.f32 v11, v2;
	v9 =	vmul.f32 v9, v2  }
.LBB2_31:
0x24a: {  	p3 =	sne.s32 s18, $0x3F  }
0x24b: {  	v5 =	vmul.f32 v5, v2;
	v11 =	vmul.f32 v3, v2;
	[tilespmem:s11+$0x0] =	vst v10;
	s22 =	sadd.s32 $0x80, s22;
	s1 =	smov.u32 s18;
	s18 =	sadd.s32 $0x1, s18  }
0x24c: {  	v4 =	vmul.f32 v4, v2;
	[tilespmem:s11+$0xFFFFFF90] =	vst v8;
	v2 =	vmul.f32 v6, v2  }
0x24d: {  	[tilespmem:s11+$0xFFFFFFE0] =	vst v9  }
0x24e: {  	v6 =	vmov s1;
	[tilespmem:s11+$0xFFFFFFB0] =	vst v7  }
0x24f: {  	v3 =	vld [tilespmem:s22+$0xFFFFFFF0];
	[tilespmem:s11+$0xFFFFFFC0] =	vst v4  }
0x250: {  	v7 =	vld [tilespmem:s22+$0x0];
	[tilespmem:s11+$0xFFFFFFD0] =	vst v2  }
0x251: {  	v4 =	vld [tilespmem:s22+$0xFFFFFFC0];
	[tilespmem:s11+$0xFFFFFFF0] =	vst v11  }
0x252: {  	v9 =	vld [tilespmem:s22+$0xFFFFFFE0];
	[tilespmem:s11+$0xFFFFFFA0] =	vst v5;
	s11 =	smov.u32 s22  }
0x253: {  	v2 =	vld.idx.msk [tilespmem:v6+s19+$0x0], $0xffff  }
0x254: {  	v8 =	vld [tilespmem:s22+$0xFFFFFF90]  }
0x255: {  	v11 =	vld [tilespmem:s22+$0xFFFFFFB0]  }
.Ltmp22:
0x256: {  	v5 =	vld [tilespmem:s22+$0xFFFFFFA0];
	(pc) =	sbr.rel @p3 .LBB2_31-.Ltmp22, $3  }
0x257: {  	v6 =	vld [tilespmem:s22+$0xFFFFFFD0];
	_ =	sdelay $0x1  }
0x258: {  	v10 =	vmul.f32 v7, v2;
	v8 =	vmul.f32 v8, v2  }
0x259: {  	v9 =	vmul.f32 v9, v2;
	v7 =	vmul.f32 v11, v2  }
0x25a: {  	[tilespmem:s11+$0x0] =	vst v10  }
0x25b: {  	[tilespmem:s11+$0xFFFFFF90] =	vst v8  }
0x25c: {  	v4 =	vmul.f32 v4, v2;
	[tilespmem:s11+$0xFFFFFFE0] =	vst v9  }
0x25d: {  	v3 =	vmul.f32 v3, v2;
	[tilespmem:s11+$0xFFFFFFB0] =	vst v7  }
0x25e: {  	v6 =	vmul.f32 v6, v2;
	[tilespmem:s11+$0xFFFFFFC0] =	vst v4  }
0x25f: {  	v2 =	vmul.f32 v5, v2;
	[tilespmem:s11+$0xFFFFFFF0] =	vst v3  }
0x260: {  	[tilespmem:s11+$0xFFFFFFD0] =	vst v6  }
0x261: {  	s1 =	simm.s32 $0x180;
	s28 =	simm.s32 $0x2680;
	[tilespmem:s11+$0xFFFFFFA0] =	vst v2  }
0x262: {  	[spmem:s2] =	stream.indirect.scatter.add.f32 [tilespmem:s28], [sflag:$0xA], $0x80, s1, s17, $0xb8;
	[tilespmem:$0x1F600] =	vst v63  }
.LBB2_33:
0x263: {  	p3 =	slt.u32 s13, $0x27  }
.Ltmp23:
0x264: {  	_ = 	snop;
	(pc) =	sbr.rel @!p3 .LBB2_34-.Ltmp23, $1  }
0x265: {  	_ =	sdelay $0x3  }
.LBB2_37:
0x266: {  	s1 =	sadd.s32 s30, s23;
	_ =	swait.ge [sflag:s5], $0x2000  }
0x267: {  	s11 =	sshll.u32 s1, $0x5;
	[sflag:s5] =	ssyncset.done $0x0  }
.Ltmp24:
0x268: {  	s1 =	sshll.u32 s1, $0x3;
	s11 =	sand.u32 $0x1FFFFFE0, s11;
	(pc) =	sbr.rel @!p2 .LBB2_35-.Ltmp24, $4  }
0x269: {  	[sflag:s5] =	ssyncadd.s32 $0xFFFFE000;
	s1 =	sand.u32 $0x1FFFFFF8, s1;
	s11 =	sadd.s32 s7, s11  }
0x26a: {  	[tilespmem:s6], [sflag:$0x1] =	stream.linear.gather [hbm4b:s11+s6], $0x100, $0x38;
	[tilespmem:$0x1F600] =	vst v63  }
0x26b: {  	s1 =	sadd.s32 s8, s1  }
0x26c: {  	[tilespmem:s26], [sflag:$0x1] =	stream.linear.gather [hbm4b:s1+s6], $0x40, $0x38;
	[tilespmem:$0x1F600] =	vst v63  }
.LBB2_38:
0x26d: {  	_ =	swait.ge [sflag:s29], $0x100  }
0x26e: {  	[sflag:s29] =	ssyncset.done $0x0  }
.Ltmp25:
0x26f: {  	[sflag:s29] =	ssyncadd.s32 $0xFFFFFF00;
	(pc) =	sbr.rel @!p1 .LBB2_42-.Ltmp25, $4  }
.Ltmp26:
0x270: {  	_ =	swait.ge [sflag:s29], $0x40;
	(pc) =	sbr.rel @p1 .LBB2_39-.Ltmp26, $4  }
0x271: {  	[sflag:s29] =	ssyncset.done $0x0  }
0x272: {  	s1 =	simm.s32 $0x6680;
	[sflag:s29] =	ssyncadd.s32 $0xFFFFFFC0  }
0x273: {  	[tilespmem:s1], [sflag:$0x8] =	stream.indirect.gather [hbm4b:s0+s17], $0x80, s31, s17, $0xb8;
	[tilespmem:$0x1F600] =	vst v63  }
0x274: {  	_ = 	snop  }
.LBB2_34:
.Ltmp27:
0x275: {  	(pc) =	sbr.rel @p2 .LBB2_38-.Ltmp27, $1  }
0x276: {  	_ =	sdelay $0x3  }
.LBB2_35:
.Ltmp28:
0x277: {  	(pc) =	sbr.rel @!p1 .LBB2_42-.Ltmp28, $1  }
0x278: {  	_ =	sdelay $0x3  }
.LBB2_39:
0x279: {  	s1 =	simm.s32 $0x7  }
0x27a: {  	_ =	swait.ge [sflag:s1], $0x2000  }
0x27b: {  	[sflag:s1] =	ssyncset.done $0x0  }
0x27c: {  	[sflag:s1] =	ssyncadd.s32 $0xFFFFE000  }
0x27d: {  	v2 =	vld [tilespmem:$0x200];
	_ =	sdelay $0x1  }
0x27e: {  	v3 =	vld [tilespmem:$0x280];
	_ =	sdelay $0x4  }
0x27f: {  	v4 =	vld [tilespmem:$0x500]  }
0x280: {  	v2 =	vld.idx.msk [tilespmem:v2+s15+$0x0], $0xffff  }
0x281: {  	v5 =	vld [tilespmem:$0x210]  }
0x282: {  	v3 =	vld.idx.msk [tilespmem:v3+s15+$0x0], $0xffff  }
0x283: {  	v6 =	vld [tilespmem:$0x290];
	_ =	sdelay $0x1  }
0x284: {  	v2 =	vmul.f32 v4, v2;
	_ =	sdelay $0x1  }
0x285: {  	v2 =	vmul.f32 v2, v3;
	_ =	sdelay $0x1  }
0x286: {  	v3 =	vld [tilespmem:$0x510];
	[tilespmem:$0x600] =	vst v2  }
0x287: {  	v2 =	vld.idx.msk [tilespmem:v5+s15+$0x0], $0xffff  }
0x288: {  	v4 =	vld.idx.msk [tilespmem:v6+s15+$0x0], $0xffff  }
0x289: {  	v5 =	vld [tilespmem:$0x220];
	_ =	sdelay $0x1  }
0x28a: {  	v6 =	vld [tilespmem:$0x2A0]  }
0x28b: {  	v2 =	vmul.f32 v3, v2;
	_ =	sdelay $0x1  }
0x28c: {  	v2 =	vmul.f32 v2, v4;
	_ =	sdelay $0x1  }
0x28d: {  	v3 =	vld [tilespmem:$0x520];
	[tilespmem:$0x610] =	vst v2  }
0x28e: {  	v2 =	vld.idx.msk [tilespmem:v5+s15+$0x0], $0xffff;
	_ =	sdelay $0x1  }
0x28f: {  	v4 =	vld.idx.msk [tilespmem:v6+s15+$0x0], $0xffff  }
0x290: {  	v5 =	vld [tilespmem:$0x230];
	_ =	sdelay $0x1  }
0x291: {  	v2 =	vmul.f32 v3, v2;
	v3 =	vld [tilespmem:$0x2B0];
	_ =	sdelay $0x2  }
0x292: {  	v2 =	vmul.f32 v2, v4;
	_ =	sdelay $0x1  }
0x293: {  	v4 =	vld [tilespmem:$0x530];
	[tilespmem:$0x620] =	vst v2  }
0x294: {  	v2 =	vld.idx.msk [tilespmem:v5+s15+$0x0], $0xffff;
	_ =	sdelay $0x1  }
0x295: {  	v3 =	vld.idx.msk [tilespmem:v3+s15+$0x0], $0xffff;
	_ =	sdelay $0x2  }
0x296: {  	v2 =	vmul.f32 v4, v2;
	_ =	sdelay $0x1  }
0x297: {  	s18 =	simm.s32 $0x0;
	v2 =	vmul.f32 v2, v3  }
0x298: {  	v3 =	vmov s18  }
0x299: {  	s11 =	simm.s32 $0x0;
	[tilespmem:$0x630] =	vst v2  }
0x29a: {  	v10 =	vld [tilespmem:s11+$0x46A0]  }
0x29b: {  	v9 =	vld [tilespmem:s11+$0x4680]  }
0x29c: {  	v5 =	vld [tilespmem:s11+$0x46D0]  }
0x29d: {  	v2 =	vld.idx.msk [tilespmem:v3+s19+$0x0], $0xffff  }
0x29e: {  	v6 =	vld [tilespmem:s11+$0x46B0]  }
0x29f: {  	v4 =	vld [tilespmem:s11+$0x46E0]  }
0x2a0: {  	v7 =	vld [tilespmem:s11+$0x46C0]  }
0x2a1: {  	v8 =	vld [tilespmem:s11+$0x46F0]  }
0x2a2: {  	s22 =	simm.s32 $0x200;
	v3 =	vld [tilespmem:s11+$0x4690];
	v9 =	vmul.f32 v9, v2;
	v10 =	vmul.f32 v10, v2  }
.LBB2_40:
0x2a3: {  	p1 =	sne.s32 s22, $0x7E00  }
0x2a4: {  	v6 =	vmul.f32 v6, v2;
	v5 =	vmul.f32 v5, v2;
	s18 =	sadd.s32 $0x1, s18;
	s1 =	smov.u32 s22;
	s22 =	sadd.s32 $0x200, s22  }
0x2a5: {  	v4 =	vmul.f32 v4, v2;
	[tilespmem:s11+$0x46A0] =	vst v10;
	v7 =	vmul.f32 v7, v2  }
0x2a6: {  	[tilespmem:s11+$0x4680] =	vst v9;
	v8 =	vmul.f32 v8, v2  }
0x2a7: {  	v9 =	vmov s18;
	[tilespmem:s11+$0x46D0] =	vst v5  }
0x2a8: {  	s1 =	sshra.s32 s1, $0x2;
	[tilespmem:s11+$0x46F0] =	vst v8  }
0x2a9: {  	v2 =	vmul.f32 v3, v2;
	v10 =	vld [tilespmem:s1+$0x46A0];
	[tilespmem:s11+$0x46B0] =	vst v6  }
0x2aa: {  	v11 =	vld [tilespmem:s1+$0x4680];
	[tilespmem:s11+$0x46C0] =	vst v7  }
0x2ab: {  	v5 =	vld [tilespmem:s1+$0x46D0];
	[tilespmem:s11+$0x46E0] =	vst v4  }
0x2ac: {  	v6 =	vld [tilespmem:s1+$0x46B0];
	[tilespmem:s11+$0x4690] =	vst v2;
	s11 =	smov.u32 s1  }
0x2ad: {  	v2 =	vld.idx.msk [tilespmem:v9+s19+$0x0], $0xffff  }
0x2ae: {  	v4 =	vld [tilespmem:s11+$0x46E0]  }
.Ltmp29:
0x2af: {  	v3 =	vld [tilespmem:s11+$0x4690];
	(pc) =	sbr.rel @p1 .LBB2_40-.Ltmp29, $3  }
0x2b0: {  	v7 =	vld [tilespmem:s11+$0x46C0]  }
0x2b1: {  	v8 =	vld [tilespmem:s11+$0x46F0];
	_ =	sdelay $0x1  }
0x2b2: {  	v9 =	vmul.f32 v11, v2;
	v10 =	vmul.f32 v10, v2  }
0x2b3: {  	_ = 	snop  }
0x2b4: {  	v5 =	vmul.f32 v5, v2;
	[tilespmem:s11+$0x46A0] =	vst v10  }
0x2b5: {  	v6 =	vmul.f32 v6, v2;
	[tilespmem:s11+$0x4680] =	vst v9  }
0x2b6: {  	v4 =	vmul.f32 v4, v2;
	[tilespmem:s11+$0x46D0] =	vst v5  }
0x2b7: {  	v63 =	vmul.f32 v7, v2;
	[tilespmem:s11+$0x46B0] =	vst v6  }
0x2b8: {  	v8 =	vmul.f32 v8, v2;
	[tilespmem:s11+$0x46E0] =	vst v4  }
0x2b9: {  	v2 =	vmul.f32 v3, v2;
	[tilespmem:s11+$0x46C0] =	vst v63  }
0x2ba: {  	[tilespmem:s11+$0x46F0] =	vst v8  }
0x2bb: {  	s1 =	simm.s32 $0x4680;
	s30 =	simm.s32 $0x280;
	[tilespmem:s11+$0x4690] =	vst v2  }
0x2bc: {  	[spmem:s2] =	stream.indirect.scatter.add.f32 [tilespmem:s1], [sflag:$0xB], $0x80, s30, s17, $0xb8;
	[tilespmem:$0x1F600] =	vst v63  }
.LBB2_42:
0x2bd: {  	p1 =	sgt.u32 s13, $0x25  }
0x2be: {  	s1 =	simm.s32 @!p1 $0xA  }
0x2bf: {  	s11 =	sadd.s32 @!p1 s21, s23;
	_ =	swait.ge @!p1 [sflag:s1], $0x2000  }
0x2c0: {  	s18 =	sshll.u32 @!p1 s11, $0x5;
	[sflag:s1] =	ssyncset.done @!p1 $0x0  }
0x2c1: {  	[sflag:s1] =	ssyncadd.s32 @!p1 $0xFFFFE000;
	s1 =	sand.u32 @!p1 $0x1FFFFFE0, s18  }
0x2c2: {  	s21 =	simm.s32 @!p1 $0x100;
	s18 =	simm.s32 @!p1 $0x0;
	s1 =	sadd.s32 @!p1 s7, s1  }
0x2c3: {  	[tilespmem:s21], [sflag:$0x2] =	stream.linear.gather @!p1 [hbm4b:s1+s18], $0x100, $0x38;
	[tilespmem:$0x1F600] =	vst v63  }
0x2c4: {  	s1 =	sshll.u32 @!p1 s11, $0x3  }
0x2c5: {  	s1 =	sand.u32 @!p1 $0x1FFFFFF8, s1  }
0x2c6: {  	s11 =	simm.s32 @!p1 $0x480;
	s1 =	sadd.s32 @!p1 s8, s1  }
0x2c7: {  	[tilespmem:s11], [sflag:$0x2] =	stream.linear.gather @!p1 [hbm4b:s1+s18], $0x40, $0x38;
	[tilespmem:$0x1F600] =	vst v63  }
.LBB2_43:
0x2c8: {  	s13 =	sadd.s32 $0x1, s13  }
0x2c9: {  	p1 =	sne.s32 s13, $0x29  }
.Ltmp30:
0x2ca: {  	_ = 	snop;
	(pc) =	sbr.rel @p1 .LBB2_18-.Ltmp30, $4  }
.Ltmp31:
0x2cb: {  	_ = 	snop;
	(pc) =	sbr.rel @!p1 .LBB2_44-.Ltmp31, $4  }
0x2cc: {  	_ = 	snop  }
0x2cd: {  	_ = 	snop  }
0x2ce: {  	_ = 	snop  }
0x2cf: {  	_ = 	snop  }
.LBB2_27:
0x2d0: {  	p1 =	sgt.u32 s30, $0x9C  }
.Ltmp32:
0x2d1: {  	_ = 	snop;
	(pc) =	sbr.rel @!p1 .LBB2_28-.Ltmp32, $1  }
0x2d2: {  	_ =	sdelay $0x3  }
.Ltmp33:
0x2d3: {  	(pc) =	sbr.rel @!p3 .LBB2_30-.Ltmp33, $2  }
0x2d4: {  	_ =	sdelay $0x2  }
0x2d5: {  	p2 =	por $0x0, $0x0;
	p1 =	por $0x0, $0x0  }
0x2d6: {  	p3 =	sgt.u32 s13, $0x26  }
.Ltmp34:
0x2d7: {  	_ = 	snop;
	(pc) =	sbr.rel @p3 .LBB2_43-.Ltmp34, $4  }
.Ltmp35:
0x2d8: {  	_ = 	snop;
	(pc) =	sbr.rel @!p3 .LBB2_37-.Ltmp35, $4  }
0x2d9: {  	_ = 	snop  }
0x2da: {  	_ = 	snop  }
0x2db: {  	p1 =	por $0x0, $0x0;
	p2 =	por $0x0, $0x0  }
0x2dc: {  	_ = 	snop  }
.LBB2_45:
0x2dd: {  	_ =	sfence.sel $0x180000  }
0x2de: {  	[bflag:$0x0] =	sbarrier.arrive $0xFFFF  }
0x2df: {  	_ =	strace $0x90000047  }
0x2e0: {  	s0 =	stileid.u32;
	[bflag:$0x2] =	sbarrier.arrive $0xFFFF  }
0x2e1: {  	p0 =	sne.s32 s0, $0x0;
	s0 =	rddreg [dreg:$0x5]  }
0x2e2: {  	s0 =	sadd.s32 @!p0 $0x100000, s0  }
0x2e3: {  	[sflag:s0] =	ssyncadd.tile.s32 @!p0 $0x1;
	_ =	shalt  }
.Lfunc_end2:
_tile_overlayer_lowered:
.L_overlay_start_2:
0x2e4: {  	(tag) =	ssettag $0x2  }
0x2e5: {  	s0 =	rddreg [dreg:$0x0];
	s2 =	stileid.u32  }
0x2e6: {  	s1 =	rddreg [dreg:$0x1];
	p0 =	sne.s32 s2, $0x0  }
0x2e7: {  	s3 =	rddreg [dreg:$0x2];
	[bflag:$0x3] =	sbarrier.arrive $0xFFFF;
	s2 =	simm.s32 @!p0 $0x1C0D  }
0x2e8: {  	[timem:s3], [sflag:s2] =	dma.local @!p0 [hbm:s0], s1  }
0x2e9: {  	s0 =	simm.s32 @!p0 $0xD  }
0x2ea: {  	_ =	swait.ge @!p0 [sflag:s0], s1  }
0x2eb: {  	s1 =	ssub.s32 @!p0 $0x0, s1;
	[sflag:s0] =	ssyncset.done @!p0 $0x0  }
0x2ec: {  	[sflag:s0] =	ssyncadd.s32 @!p0 s1  }
0x2ed: {  	[bflag:$0x3] =	sbarrier.arrive $0xFFFF  }
0x2ee: {  	_ =	shalt  }

</sc_bundles>
